<compile_context>
chip_gen: v7x
topology: tpu7x:2x2x1
jax: 0.10.2.dev20260603
libtpu: 0.0.44.dev20260713+nightly
codegen_flags: <defaults>
</compile_context>

<pallas_src>
import functools
import jax
import jax.numpy as jnp
from jax import lax
from jax.experimental import pallas as pl
from jax.experimental.pallas import tpu as pltpu
from jax.experimental.pallas import tpu_sc as plsc

DIM = 32
B = 4096
T = 200
NC, NS = 2, 16
NW = NC * NS
PB = B // NW
TB = 8
NCHUNK = T // TB

_mesh = plsc.VectorSubcoreMesh(core_axis_name="c", subcore_axis_name="s")


@functools.partial(
    pl.kernel,
    mesh=_mesh,
    compiler_params=pltpu.CompilerParams(
        use_tc_tiling_on_sc=False, needs_layout_passes=False
    ),
    out_type=jax.ShapeDtypeStruct((T, NW * 4, 8, 128), jnp.float32),
    scratch_types=[
        pltpu.VMEM((PB, TB), jnp.int32),
        pltpu.VMEM((TB, PB), jnp.int32),
        pltpu.VMEM((TB, PB), jnp.int32),
        pltpu.VMEM((TB * PB, DIM), jnp.float32),
        pltpu.VMEM((TB * PB, DIM), jnp.float32),
        pltpu.VMEM((TB * 4, 8, 128), jnp.float32),
        pltpu.SemaphoreType.DMA,
        pltpu.SemaphoreType.DMA,
        pltpu.SemaphoreType.DMA,
    ],
)
def _embed(ids_hbm, table_hbm, out_hbm, ist, ix0, ix1, g0, g1, tr,
           sg0, sg1, sw):
    wid = lax.axis_index("s") * NC + lax.axis_index("c")
    rbase = wid * PB
    ixs = (ix0, ix1)
    gs = (g0, g1)
    sg = (sg0, sg1)
    iota = lax.iota(jnp.int32, 16)

    def load_ids(g):
        pltpu.sync_copy(
            ids_hbm.at[pl.ds(rbase, PB), pl.ds(g * TB, TB)], ist
        )

    def transpose_ids(b):

        @plsc.parallel_loop(0, TB * 8, unroll=4)
        def _(i):
            tt = i >> 3
            g16 = i & 7
            rows = iota + (g16 * 16)
            cols = jnp.zeros((16,), jnp.int32) + tt
            v = plsc.load_gather(ist, [rows, cols])
            ixs[b][tt, pl.ds(g16 * 16, 16)] = v

    def fire(b):
        for tt in range(TB):
            pltpu.async_copy(
                table_hbm.at[ixs[b].at[tt]],
                gs[b].at[pl.ds(tt * PB, PB)],
                sg[b],
            )

    def wait_gather(b):
        pltpu.make_async_copy(
            table_hbm.at[pl.ds(0, TB * PB)], gs[b], sg[b]
        ).wait()

    def transpose_rows(b):

        @plsc.parallel_loop(0, TB * 32, unroll=8)
        def _(i):
            tt = i >> 5
            d = i & 31
            base = tt * PB
            cols = jnp.zeros((16,), jnp.int32) + d
            for g16 in range(8):
                rows = iota + (base + g16 * 16)
                v = plsc.load_gather(gs[b], [rows, cols])
                tr[tt * 4 + (d >> 3), d & 7, pl.ds(g16 * 16, 16)] = v

    def fire_write(g):
        for tt in range(TB):
            for dt in range(4):
                pltpu.async_copy(
                    tr.at[tt * 4 + dt],
                    out_hbm.at[g * TB + tt, dt * NW + wid],
                    sw,
                )

    def wait_write():
        pltpu.make_async_copy(
            out_hbm.at[0, pl.ds(0, TB * 4)], tr, sw
        ).wait()

    load_ids(0)
    transpose_ids(0)
    fire(0)
    load_ids(1)
    transpose_ids(1)
    fire(1)

    def body(i, _):
        for par in range(2):
            g = 2 * i + par

            @pl.when(g < NCHUNK)
            def _():
                wait_gather(par)

                @pl.when(g >= 1)
                def _():
                    wait_write()

                transpose_rows(par)
                fire_write(g)

                @pl.when(g + 2 < NCHUNK)
                def _():
                    load_ids(g + 2)
                    transpose_ids(par)
                    fire(par)

        return 0

    lax.fori_loop(0, (NCHUNK + 2) // 2, body, 0)
    wait_write()


def kernel(ids, table):
    p = _embed(ids, table)
    return (
        p.reshape(T, 4, NW, 8, 128)
        .transpose(2, 4, 0, 1, 3)
        .reshape(B, T, DIM)
    )

# --- scband reference (transcript-rebuilt; emitter-appended) ---
"""Pipeline reference for scband-token-embedder-16149077033082 (READ-ONLY COPY).

The authoritative reference and input builder live on the scoring server;
editing this copy changes nothing except your own understanding.
"""

import jax, jax.numpy as jnp
import numpy as np

VOCAB = 1000000
DIM = 32
PAD = 0


def setup_inputs(seed: int = 0) -> dict:
    key = jax.random.key(seed)
    k_ids, k_tab = jax.random.split(key)
    ids = jax.random.randint(k_ids, (4096, 200), 0, VOCAB, dtype=jnp.int32)
    table = jax.random.normal(k_tab, (VOCAB, DIM), dtype=jnp.float32)
    # nn.Embedding with padding_idx zeros that row at init
    table = table.at[PAD].set(0.0)
    return {"ids": ids, "table": table}


def reference(ids, table):
    # Faithful translation of nn.Embedding forward: row gather
    return jnp.take(table, ids, axis=0)

if __name__ == "__main__":
    import jax
    _d = setup_inputs()
    print(jax.jit(kernel)(*tuple(_d.values())))

</pallas_src>

<mosaic_0001>
#map = affine_map<(d0, d1) -> (0, 0)>
#map1 = affine_map<(d0, d1) -> (0, 0, 0, 0)>
module attributes {stable_mosaic.version = 14 : i64} {
  func.func @_embed(%arg0: i32, %arg1: i32, %arg2: memref<4096x200xi32, #tpu.memory_space<hbm>>, %arg3: memref<1000000x32xf32, #tpu.memory_space<hbm>>, %arg4: memref<200x128x8x128xf32, #tpu.memory_space<hbm>>, %arg5: memref<128x8xi32, #tpu.memory_space<vmem>>, %arg6: memref<8x128xi32, #tpu.memory_space<vmem>>, %arg7: memref<8x128xi32, #tpu.memory_space<vmem>>, %arg8: memref<1024x32xf32, #tpu.memory_space<vmem>>, %arg9: memref<1024x32xf32, #tpu.memory_space<vmem>>, %arg10: memref<32x8x128xf32, #tpu.memory_space<vmem>>, %arg11: memref<!tpu.dma_semaphore, #tpu.memory_space<semaphore_mem>>, %arg12: memref<!tpu.dma_semaphore, #tpu.memory_space<semaphore_mem>>, %arg13: memref<!tpu.dma_semaphore, #tpu.memory_space<semaphore_mem>>) attributes {dimension_semantics = [#tpu.dimension_semantics<core_parallel>, #tpu.dimension_semantics<subcore_parallel>], iteration_bounds = array<i64: 2, 16>, scalar_prefetch = 0 : i64, scratch_operands = 9 : i64, tpu.core_type = #tpu.core_type<sc_vector_subcore>, window_params = [{transform_indices = #map}, {transform_indices = #map}, {transform_indices = #map1}]} {
    %mul3A = arith.constant 2 : i32
    %mul3A_0 = arith.muli %arg1, %mul3A : i32
    %add3A = arith.addi %mul3A_0, %arg0 : i32
    %mul3A_1 = arith.constant 128 : i32
    %mul3A_2 = arith.muli %add3A, %mul3A_1 : i32
    %iota3A = tpu.iota {dimensions = array<i32: 0>} : vector<16xi32>
    "tpu.region"() ({
      %run_scoped3A = tpu.sem_alloc : memref<!tpu.dma_semaphore, #tpu.memory_space<semaphore_mem>>
      %dma_start3A_183 = arith.constant 0 : i32
      %dma_start3A_184 = tpu.memref_slice %arg2[%mul3A_2, %dma_start3A_183] : memref<4096x200xi32, #tpu.memory_space<hbm>> -> memref<128x8xi32, #tpu.memory_space<hbm>>
      %dma_start3A_185 = arith.constant 0 : i32
      %dma_start3A_186 = tpu.memref_slice %arg2[%mul3A_2, %dma_start3A_185] : memref<4096x200xi32, #tpu.memory_space<hbm>> -> memref<128x8xi32, #tpu.memory_space<hbm>>
      tpu.enqueue_dma source(%dma_start3A_186 : memref<128x8xi32, #tpu.memory_space<hbm>>) target(%arg5 : memref<128x8xi32, #tpu.memory_space<vmem>>) target_semaphore(%run_scoped3A : memref<!tpu.dma_semaphore, #tpu.memory_space<semaphore_mem>>)
      %dma_wait3A_187 = arith.constant 0 : i32
      %dma_wait3A_188 = tpu.memref_slice %arg2[%mul3A_2, %dma_wait3A_187] : memref<4096x200xi32, #tpu.memory_space<hbm>> -> memref<128x8xi32, #tpu.memory_space<hbm>>
      %dma_wait3A_189 = arith.constant 0 : i32
      %dma_wait3A_190 = tpu.memref_slice %arg2[%mul3A_2, %dma_wait3A_189] : memref<4096x200xi32, #tpu.memory_space<hbm>> -> memref<128x8xi32, #tpu.memory_space<hbm>>
      tpu.wait_dma2 semaphore(%run_scoped3A : memref<!tpu.dma_semaphore, #tpu.memory_space<semaphore_mem>>) src(%dma_wait3A_190 : memref<128x8xi32, #tpu.memory_space<hbm>>) dst(%arg5 : memref<128x8xi32, #tpu.memory_space<vmem>>)
      tpu.yield
    }) : () -> ()
    %parallel_loop3A = arith.constant 0 : i32
    %parallel_loop3A_3 = arith.constant 64 : i32
    %parallel_loop3A_4 = arith.constant 1 : i32
    scf.for %parallel_loop3A_183 = %parallel_loop3A to %parallel_loop3A_3 step %parallel_loop3A_4  : i32 {
      %parallel_loop3A_184 = arith.constant 3 : i32
      %parallel_loop3A_185 = arith.shrsi %parallel_loop3A_183, %parallel_loop3A_184 : i32
      %parallel_loop3A_186 = arith.constant 7 : i32
      %parallel_loop3A_187 = arith.andi %parallel_loop3A_183, %parallel_loop3A_186 : i32
      %parallel_loop3A_188 = arith.constant 16 : i32
      %parallel_loop3A_189 = arith.muli %parallel_loop3A_187, %parallel_loop3A_188 : i32
      %parallel_loop3A_190 = vector.broadcast %parallel_loop3A_189 : i32 to vector<16xi32>
      %parallel_loop3A_191 = arith.addi %iota3A, %parallel_loop3A_190 : vector<16xi32>
      %parallel_loop3A_192 = arith.constant 0 : i32
      %parallel_loop3A_193 = vector.broadcast %parallel_loop3A_192 : i32 to vector<16xi32>
      %parallel_loop3A_194 = vector.broadcast %parallel_loop3A_185 : i32 to vector<16xi32>
      %parallel_loop3A_195 = arith.addi %parallel_loop3A_193, %parallel_loop3A_194 : vector<16xi32>
      %parallel_loop3A_196 = tpu.vector_load_idx %arg5[%parallel_loop3A_191, %parallel_loop3A_195] : memref<128x8xi32, #tpu.memory_space<vmem>>[vector<16xi32>, vector<16xi32>], vector<16xi32>,
      %parallel_loop3A_197 = arith.constant 16 : i32
      %parallel_loop3A_198 = arith.muli %parallel_loop3A_187, %parallel_loop3A_197 : i32
      %parallel_loop3A_199 = arith.index_cast %parallel_loop3A_185 : i32 to index
      %parallel_loop3A_200 = arith.index_cast %parallel_loop3A_198 : i32 to index
      %parallel_loop3A_201 = tpu.vector_load %arg6[%parallel_loop3A_199, %parallel_loop3A_200] {strides = array<i32>} : memref<8x128xi32, #tpu.memory_space<vmem>>, vector<16xi32>,
      tpu.vector_store %arg6[%parallel_loop3A_199, %parallel_loop3A_200], %parallel_loop3A_196 {strides = array<i32>} : memref<8x128xi32, #tpu.memory_space<vmem>>, vector<16xi32>,
    } {sc.loop_unroll_factor = 4 : i64, sc.parallel_access}
    %dma_start3A = arith.constant 0 : i32
    %dma_start3A_5 = arith.constant 0 : i32
    %dma_start3A_6 = arith.constant 0 : i32
    %dma_start3A_7 = tpu.memref_slice %arg8[%dma_start3A_5, %dma_start3A_6] : memref<1024x32xf32, #tpu.memory_space<vmem>> -> memref<128x32xf32, #tpu.memory_space<vmem>>
    %dma_start3A_8 = arith.constant 0 : i32
    %dma_start3A_9 = tpu.memref_slice %arg6[%dma_start3A, %dma_start3A_8] : memref<8x128xi32, #tpu.memory_space<vmem>> -> memref<1x128xi32, #tpu.memory_space<vmem>>
    %dma_start3A_10 = tpu.memref_squeeze %dma_start3A_9 : memref<1x128xi32, #tpu.memory_space<vmem>> -> memref<128xi32, #tpu.memory_space<vmem>>
    %dma_start3A_11 = arith.constant 0 : i32
    %dma_start3A_12 = arith.constant 0 : i32
    %dma_start3A_13 = tpu.memref_slice %arg3[%dma_start3A_11, %dma_start3A_12] : memref<1000000x32xf32, #tpu.memory_space<hbm>> -> memref<1000000x32xf32, #tpu.memory_space<hbm>>
    tpu.enqueue_indirect_dma source(%dma_start3A_13 : memref<1000000x32xf32, #tpu.memory_space<hbm>>) target(%dma_start3A_7 : memref<128x32xf32, #tpu.memory_space<vmem>>) offsets(%dma_start3A_10 : memref<128xi32, #tpu.memory_space<vmem>>) semaphore(%arg11 : memref<!tpu.dma_semaphore, #tpu.memory_space<semaphore_mem>>)
    %dma_start3A_14 = arith.constant 1 : i32
    %dma_start3A_15 = arith.constant 128 : i32
    %dma_start3A_16 = arith.constant 0 : i32
    %dma_start3A_17 = tpu.memref_slice %arg8[%dma_start3A_15, %dma_start3A_16] : memref<1024x32xf32, #tpu.memory_space<vmem>> -> memref<128x32xf32, #tpu.memory_space<vmem>>
    %dma_start3A_18 = arith.constant 0 : i32
    %dma_start3A_19 = tpu.memref_slice %arg6[%dma_start3A_14, %dma_start3A_18] : memref<8x128xi32, #tpu.memory_space<vmem>> -> memref<1x128xi32, #tpu.memory_space<vmem>>
    %dma_start3A_20 = tpu.memref_squeeze %dma_start3A_19 : memref<1x128xi32, #tpu.memory_space<vmem>> -> memref<128xi32, #tpu.memory_space<vmem>>
    %dma_start3A_21 = arith.constant 0 : i32
    %dma_start3A_22 = arith.constant 0 : i32
    %dma_start3A_23 = tpu.memref_slice %arg3[%dma_start3A_21, %dma_start3A_22] : memref<1000000x32xf32, #tpu.memory_space<hbm>> -> memref<1000000x32xf32, #tpu.memory_space<hbm>>
    tpu.enqueue_indirect_dma source(%dma_start3A_23 : memref<1000000x32xf32, #tpu.memory_space<hbm>>) target(%dma_start3A_17 : memref<128x32xf32, #tpu.memory_space<vmem>>) offsets(%dma_start3A_20 : memref<128xi32, #tpu.memory_space<vmem>>) semaphore(%arg11 : memref<!tpu.dma_semaphore, #tpu.memory_space<semaphore_mem>>)
    %dma_start3A_24 = arith.constant 2 : i32
    %dma_start3A_25 = arith.constant 256 : i32
    %dma_start3A_26 = arith.constant 0 : i32
    %dma_start3A_27 = tpu.memref_slice %arg8[%dma_start3A_25, %dma_start3A_26] : memref<1024x32xf32, #tpu.memory_space<vmem>> -> memref<128x32xf32, #tpu.memory_space<vmem>>
    %dma_start3A_28 = arith.constant 0 : i32
    %dma_start3A_29 = tpu.memref_slice %arg6[%dma_start3A_24, %dma_start3A_28] : memref<8x128xi32, #tpu.memory_space<vmem>> -> memref<1x128xi32, #tpu.memory_space<vmem>>
    %dma_start3A_30 = tpu.memref_squeeze %dma_start3A_29 : memref<1x128xi32, #tpu.memory_space<vmem>> -> memref<128xi32, #tpu.memory_space<vmem>>
    %dma_start3A_31 = arith.constant 0 : i32
    %dma_start3A_32 = arith.constant 0 : i32
    %dma_start3A_33 = tpu.memref_slice %arg3[%dma_start3A_31, %dma_start3A_32] : memref<1000000x32xf32, #tpu.memory_space<hbm>> -> memref<1000000x32xf32, #tpu.memory_space<hbm>>
    tpu.enqueue_indirect_dma source(%dma_start3A_33 : memref<1000000x32xf32, #tpu.memory_space<hbm>>) target(%dma_start3A_27 : memref<128x32xf32, #tpu.memory_space<vmem>>) offsets(%dma_start3A_30 : memref<128xi32, #tpu.memory_space<vmem>>) semaphore(%arg11 : memref<!tpu.dma_semaphore, #tpu.memory_space<semaphore_mem>>)
    %dma_start3A_34 = arith.constant 3 : i32
    %dma_start3A_35 = arith.constant 384 : i32
    %dma_start3A_36 = arith.constant 0 : i32
    %dma_start3A_37 = tpu.memref_slice %arg8[%dma_start3A_35, %dma_start3A_36] : memref<1024x32xf32, #tpu.memory_space<vmem>> -> memref<128x32xf32, #tpu.memory_space<vmem>>
    %dma_start3A_38 = arith.constant 0 : i32
    %dma_start3A_39 = tpu.memref_slice %arg6[%dma_start3A_34, %dma_start3A_38] : memref<8x128xi32, #tpu.memory_space<vmem>> -> memref<1x128xi32, #tpu.memory_space<vmem>>
    %dma_start3A_40 = tpu.memref_squeeze %dma_start3A_39 : memref<1x128xi32, #tpu.memory_space<vmem>> -> memref<128xi32, #tpu.memory_space<vmem>>
    %dma_start3A_41 = arith.constant 0 : i32
    %dma_start3A_42 = arith.constant 0 : i32
    %dma_start3A_43 = tpu.memref_slice %arg3[%dma_start3A_41, %dma_start3A_42] : memref<1000000x32xf32, #tpu.memory_space<hbm>> -> memref<1000000x32xf32, #tpu.memory_space<hbm>>
    tpu.enqueue_indirect_dma source(%dma_start3A_43 : memref<1000000x32xf32, #tpu.memory_space<hbm>>) target(%dma_start3A_37 : memref<128x32xf32, #tpu.memory_space<vmem>>) offsets(%dma_start3A_40 : memref<128xi32, #tpu.memory_space<vmem>>) semaphore(%arg11 : memref<!tpu.dma_semaphore, #tpu.memory_space<semaphore_mem>>)
    %dma_start3A_44 = arith.constant 4 : i32
    %dma_start3A_45 = arith.constant 512 : i32
    %dma_start3A_46 = arith.constant 0 : i32
    %dma_start3A_47 = tpu.memref_slice %arg8[%dma_start3A_45, %dma_start3A_46] : memref<1024x32xf32, #tpu.memory_space<vmem>> -> memref<128x32xf32, #tpu.memory_space<vmem>>
    %dma_start3A_48 = arith.constant 0 : i32
    %dma_start3A_49 = tpu.memref_slice %arg6[%dma_start3A_44, %dma_start3A_48] : memref<8x128xi32, #tpu.memory_space<vmem>> -> memref<1x128xi32, #tpu.memory_space<vmem>>
    %dma_start3A_50 = tpu.memref_squeeze %dma_start3A_49 : memref<1x128xi32, #tpu.memory_space<vmem>> -> memref<128xi32, #tpu.memory_space<vmem>>
    %dma_start3A_51 = arith.constant 0 : i32
    %dma_start3A_52 = arith.constant 0 : i32
    %dma_start3A_53 = tpu.memref_slice %arg3[%dma_start3A_51, %dma_start3A_52] : memref<1000000x32xf32, #tpu.memory_space<hbm>> -> memref<1000000x32xf32, #tpu.memory_space<hbm>>
    tpu.enqueue_indirect_dma source(%dma_start3A_53 : memref<1000000x32xf32, #tpu.memory_space<hbm>>) target(%dma_start3A_47 : memref<128x32xf32, #tpu.memory_space<vmem>>) offsets(%dma_start3A_50 : memref<128xi32, #tpu.memory_space<vmem>>) semaphore(%arg11 : memref<!tpu.dma_semaphore, #tpu.memory_space<semaphore_mem>>)
    %dma_start3A_54 = arith.constant 5 : i32
    %dma_start3A_55 = arith.constant 640 : i32
    %dma_start3A_56 = arith.constant 0 : i32
    %dma_start3A_57 = tpu.memref_slice %arg8[%dma_start3A_55, %dma_start3A_56] : memref<1024x32xf32, #tpu.memory_space<vmem>> -> memref<128x32xf32, #tpu.memory_space<vmem>>
    %dma_start3A_58 = arith.constant 0 : i32
    %dma_start3A_59 = tpu.memref_slice %arg6[%dma_start3A_54, %dma_start3A_58] : memref<8x128xi32, #tpu.memory_space<vmem>> -> memref<1x128xi32, #tpu.memory_space<vmem>>
    %dma_start3A_60 = tpu.memref_squeeze %dma_start3A_59 : memref<1x128xi32, #tpu.memory_space<vmem>> -> memref<128xi32, #tpu.memory_space<vmem>>
    %dma_start3A_61 = arith.constant 0 : i32
    %dma_start3A_62 = arith.constant 0 : i32
    %dma_start3A_63 = tpu.memref_slice %arg3[%dma_start3A_61, %dma_start3A_62] : memref<1000000x32xf32, #tpu.memory_space<hbm>> -> memref<1000000x32xf32, #tpu.memory_space<hbm>>
    tpu.enqueue_indirect_dma source(%dma_start3A_63 : memref<1000000x32xf32, #tpu.memory_space<hbm>>) target(%dma_start3A_57 : memref<128x32xf32, #tpu.memory_space<vmem>>) offsets(%dma_start3A_60 : memref<128xi32, #tpu.memory_space<vmem>>) semaphore(%arg11 : memref<!tpu.dma_semaphore, #tpu.memory_space<semaphore_mem>>)
    %dma_start3A_64 = arith.constant 6 : i32
    %dma_start3A_65 = arith.constant 768 : i32
    %dma_start3A_66 = arith.constant 0 : i32
    %dma_start3A_67 = tpu.memref_slice %arg8[%dma_start3A_65, %dma_start3A_66] : memref<1024x32xf32, #tpu.memory_space<vmem>> -> memref<128x32xf32, #tpu.memory_space<vmem>>
    %dma_start3A_68 = arith.constant 0 : i32
    %dma_start3A_69 = tpu.memref_slice %arg6[%dma_start3A_64, %dma_start3A_68] : memref<8x128xi32, #tpu.memory_space<vmem>> -> memref<1x128xi32, #tpu.memory_space<vmem>>
    %dma_start3A_70 = tpu.memref_squeeze %dma_start3A_69 : memref<1x128xi32, #tpu.memory_space<vmem>> -> memref<128xi32, #tpu.memory_space<vmem>>
    %dma_start3A_71 = arith.constant 0 : i32
    %dma_start3A_72 = arith.constant 0 : i32
    %dma_start3A_73 = tpu.memref_slice %arg3[%dma_start3A_71, %dma_start3A_72] : memref<1000000x32xf32, #tpu.memory_space<hbm>> -> memref<1000000x32xf32, #tpu.memory_space<hbm>>
    tpu.enqueue_indirect_dma source(%dma_start3A_73 : memref<1000000x32xf32, #tpu.memory_space<hbm>>) target(%dma_start3A_67 : memref<128x32xf32, #tpu.memory_space<vmem>>) offsets(%dma_start3A_70 : memref<128xi32, #tpu.memory_space<vmem>>) semaphore(%arg11 : memref<!tpu.dma_semaphore, #tpu.memory_space<semaphore_mem>>)
    %dma_start3A_74 = arith.constant 7 : i32
    %dma_start3A_75 = arith.constant 896 : i32
    %dma_start3A_76 = arith.constant 0 : i32
    %dma_start3A_77 = tpu.memref_slice %arg8[%dma_start3A_75, %dma_start3A_76] : memref<1024x32xf32, #tpu.memory_space<vmem>> -> memref<128x32xf32, #tpu.memory_space<vmem>>
    %dma_start3A_78 = arith.constant 0 : i32
    %dma_start3A_79 = tpu.memref_slice %arg6[%dma_start3A_74, %dma_start3A_78] : memref<8x128xi32, #tpu.memory_space<vmem>> -> memref<1x128xi32, #tpu.memory_space<vmem>>
    %dma_start3A_80 = tpu.memref_squeeze %dma_start3A_79 : memref<1x128xi32, #tpu.memory_space<vmem>> -> memref<128xi32, #tpu.memory_space<vmem>>
    %dma_start3A_81 = arith.constant 0 : i32
    %dma_start3A_82 = arith.constant 0 : i32
    %dma_start3A_83 = tpu.memref_slice %arg3[%dma_start3A_81, %dma_start3A_82] : memref<1000000x32xf32, #tpu.memory_space<hbm>> -> memref<1000000x32xf32, #tpu.memory_space<hbm>>
    tpu.enqueue_indirect_dma source(%dma_start3A_83 : memref<1000000x32xf32, #tpu.memory_space<hbm>>) target(%dma_start3A_77 : memref<128x32xf32, #tpu.memory_space<vmem>>) offsets(%dma_start3A_80 : memref<128xi32, #tpu.memory_space<vmem>>) semaphore(%arg11 : memref<!tpu.dma_semaphore, #tpu.memory_space<semaphore_mem>>)
    "tpu.region"() ({
      %run_scoped3A = tpu.sem_alloc : memref<!tpu.dma_semaphore, #tpu.memory_space<semaphore_mem>>
      %dma_start3A_183 = arith.constant 8 : i32
      %dma_start3A_184 = tpu.memref_slice %arg2[%mul3A_2, %dma_start3A_183] : memref<4096x200xi32, #tpu.memory_space<hbm>> -> memref<128x8xi32, #tpu.memory_space<hbm>>
      %dma_start3A_185 = arith.constant 8 : i32
      %dma_start3A_186 = tpu.memref_slice %arg2[%mul3A_2, %dma_start3A_185] : memref<4096x200xi32, #tpu.memory_space<hbm>> -> memref<128x8xi32, #tpu.memory_space<hbm>>
      tpu.enqueue_dma source(%dma_start3A_186 : memref<128x8xi32, #tpu.memory_space<hbm>>) target(%arg5 : memref<128x8xi32, #tpu.memory_space<vmem>>) target_semaphore(%run_scoped3A : memref<!tpu.dma_semaphore, #tpu.memory_space<semaphore_mem>>)
      %dma_wait3A_187 = arith.constant 8 : i32
      %dma_wait3A_188 = tpu.memref_slice %arg2[%mul3A_2, %dma_wait3A_187] : memref<4096x200xi32, #tpu.memory_space<hbm>> -> memref<128x8xi32, #tpu.memory_space<hbm>>
      %dma_wait3A_189 = arith.constant 8 : i32
      %dma_wait3A_190 = tpu.memref_slice %arg2[%mul3A_2, %dma_wait3A_189] : memref<4096x200xi32, #tpu.memory_space<hbm>> -> memref<128x8xi32, #tpu.memory_space<hbm>>
      tpu.wait_dma2 semaphore(%run_scoped3A : memref<!tpu.dma_semaphore, #tpu.memory_space<semaphore_mem>>) src(%dma_wait3A_190 : memref<128x8xi32, #tpu.memory_space<hbm>>) dst(%arg5 : memref<128x8xi32, #tpu.memory_space<vmem>>)
      tpu.yield
    }) : () -> ()
    %parallel_loop3A_84 = arith.constant 0 : i32
    %parallel_loop3A_85 = arith.constant 64 : i32
    %parallel_loop3A_86 = arith.constant 1 : i32
    scf.for %parallel_loop3A_183 = %parallel_loop3A_84 to %parallel_loop3A_85 step %parallel_loop3A_86  : i32 {
      %parallel_loop3A_184 = arith.constant 3 : i32
      %parallel_loop3A_185 = arith.shrsi %parallel_loop3A_183, %parallel_loop3A_184 : i32
      %parallel_loop3A_186 = arith.constant 7 : i32
      %parallel_loop3A_187 = arith.andi %parallel_loop3A_183, %parallel_loop3A_186 : i32
      %parallel_loop3A_188 = arith.constant 16 : i32
      %parallel_loop3A_189 = arith.muli %parallel_loop3A_187, %parallel_loop3A_188 : i32
      %parallel_loop3A_190 = vector.broadcast %parallel_loop3A_189 : i32 to vector<16xi32>
      %parallel_loop3A_191 = arith.addi %iota3A, %parallel_loop3A_190 : vector<16xi32>
      %parallel_loop3A_192 = arith.constant 0 : i32
      %parallel_loop3A_193 = vector.broadcast %parallel_loop3A_192 : i32 to vector<16xi32>
      %parallel_loop3A_194 = vector.broadcast %parallel_loop3A_185 : i32 to vector<16xi32>
      %parallel_loop3A_195 = arith.addi %parallel_loop3A_193, %parallel_loop3A_194 : vector<16xi32>
      %parallel_loop3A_196 = tpu.vector_load_idx %arg5[%parallel_loop3A_191, %parallel_loop3A_195] : memref<128x8xi32, #tpu.memory_space<vmem>>[vector<16xi32>, vector<16xi32>], vector<16xi32>,
      %parallel_loop3A_197 = arith.constant 16 : i32
      %parallel_loop3A_198 = arith.muli %parallel_loop3A_187, %parallel_loop3A_197 : i32
      %parallel_loop3A_199 = arith.index_cast %parallel_loop3A_185 : i32 to index
      %parallel_loop3A_200 = arith.index_cast %parallel_loop3A_198 : i32 to index
      %parallel_loop3A_201 = tpu.vector_load %arg7[%parallel_loop3A_199, %parallel_loop3A_200] {strides = array<i32>} : memref<8x128xi32, #tpu.memory_space<vmem>>, vector<16xi32>,
      tpu.vector_store %arg7[%parallel_loop3A_199, %parallel_loop3A_200], %parallel_loop3A_196 {strides = array<i32>} : memref<8x128xi32, #tpu.memory_space<vmem>>, vector<16xi32>,
    } {sc.loop_unroll_factor = 4 : i64, sc.parallel_access}
    %dma_start3A_87 = arith.constant 0 : i32
    %dma_start3A_88 = arith.constant 0 : i32
    %dma_start3A_89 = arith.constant 0 : i32
    %dma_start3A_90 = tpu.memref_slice %arg9[%dma_start3A_88, %dma_start3A_89] : memref<1024x32xf32, #tpu.memory_space<vmem>> -> memref<128x32xf32, #tpu.memory_space<vmem>>
    %dma_start3A_91 = arith.constant 0 : i32
    %dma_start3A_92 = tpu.memref_slice %arg7[%dma_start3A_87, %dma_start3A_91] : memref<8x128xi32, #tpu.memory_space<vmem>> -> memref<1x128xi32, #tpu.memory_space<vmem>>
    %dma_start3A_93 = tpu.memref_squeeze %dma_start3A_92 : memref<1x128xi32, #tpu.memory_space<vmem>> -> memref<128xi32, #tpu.memory_space<vmem>>
    %dma_start3A_94 = arith.constant 0 : i32
    %dma_start3A_95 = arith.constant 0 : i32
    %dma_start3A_96 = tpu.memref_slice %arg3[%dma_start3A_94, %dma_start3A_95] : memref<1000000x32xf32, #tpu.memory_space<hbm>> -> memref<1000000x32xf32, #tpu.memory_space<hbm>>
    tpu.enqueue_indirect_dma source(%dma_start3A_96 : memref<1000000x32xf32, #tpu.memory_space<hbm>>) target(%dma_start3A_90 : memref<128x32xf32, #tpu.memory_space<vmem>>) offsets(%dma_start3A_93 : memref<128xi32, #tpu.memory_space<vmem>>) semaphore(%arg12 : memref<!tpu.dma_semaphore, #tpu.memory_space<semaphore_mem>>)
    %dma_start3A_97 = arith.constant 1 : i32
    %dma_start3A_98 = arith.constant 128 : i32
    %dma_start3A_99 = arith.constant 0 : i32
    %dma_start3A_100 = tpu.memref_slice %arg9[%dma_start3A_98, %dma_start3A_99] : memref<1024x32xf32, #tpu.memory_space<vmem>> -> memref<128x32xf32, #tpu.memory_space<vmem>>
    %dma_start3A_101 = arith.constant 0 : i32
    %dma_start3A_102 = tpu.memref_slice %arg7[%dma_start3A_97, %dma_start3A_101] : memref<8x128xi32, #tpu.memory_space<vmem>> -> memref<1x128xi32, #tpu.memory_space<vmem>>
    %dma_start3A_103 = tpu.memref_squeeze %dma_start3A_102 : memref<1x128xi32, #tpu.memory_space<vmem>> -> memref<128xi32, #tpu.memory_space<vmem>>
    %dma_start3A_104 = arith.constant 0 : i32
    %dma_start3A_105 = arith.constant 0 : i32
    %dma_start3A_106 = tpu.memref_slice %arg3[%dma_start3A_104, %dma_start3A_105] : memref<1000000x32xf32, #tpu.memory_space<hbm>> -> memref<1000000x32xf32, #tpu.memory_space<hbm>>
    tpu.enqueue_indirect_dma source(%dma_start3A_106 : memref<1000000x32xf32, #tpu.memory_space<hbm>>) target(%dma_start3A_100 : memref<128x32xf32, #tpu.memory_space<vmem>>) offsets(%dma_start3A_103 : memref<128xi32, #tpu.memory_space<vmem>>) semaphore(%arg12 : memref<!tpu.dma_semaphore, #tpu.memory_space<semaphore_mem>>)
    %dma_start3A_107 = arith.constant 2 : i32
    %dma_start3A_108 = arith.constant 256 : i32
    %dma_start3A_109 = arith.constant 0 : i32
    %dma_start3A_110 = tpu.memref_slice %arg9[%dma_start3A_108, %dma_start3A_109] : memref<1024x32xf32, #tpu.memory_space<vmem>> -> memref<128x32xf32, #tpu.memory_space<vmem>>
    %dma_start3A_111 = arith.constant 0 : i32
    %dma_start3A_112 = tpu.memref_slice %arg7[%dma_start3A_107, %dma_start3A_111] : memref<8x128xi32, #tpu.memory_space<vmem>> -> memref<1x128xi32, #tpu.memory_space<vmem>>
    %dma_start3A_113 = tpu.memref_squeeze %dma_start3A_112 : memref<1x128xi32, #tpu.memory_space<vmem>> -> memref<128xi32, #tpu.memory_space<vmem>>
    %dma_start3A_114 = arith.constant 0 : i32
    %dma_start3A_115 = arith.constant 0 : i32
    %dma_start3A_116 = tpu.memref_slice %arg3[%dma_start3A_114, %dma_start3A_115] : memref<1000000x32xf32, #tpu.memory_space<hbm>> -> memref<1000000x32xf32, #tpu.memory_space<hbm>>
    tpu.enqueue_indirect_dma source(%dma_start3A_116 : memref<1000000x32xf32, #tpu.memory_space<hbm>>) target(%dma_start3A_110 : memref<128x32xf32, #tpu.memory_space<vmem>>) offsets(%dma_start3A_113 : memref<128xi32, #tpu.memory_space<vmem>>) semaphore(%arg12 : memref<!tpu.dma_semaphore, #tpu.memory_space<semaphore_mem>>)
    %dma_start3A_117 = arith.constant 3 : i32
    %dma_start3A_118 = arith.constant 384 : i32
    %dma_start3A_119 = arith.constant 0 : i32
    %dma_start3A_120 = tpu.memref_slice %arg9[%dma_start3A_118, %dma_start3A_119] : memref<1024x32xf32, #tpu.memory_space<vmem>> -> memref<128x32xf32, #tpu.memory_space<vmem>>
    %dma_start3A_121 = arith.constant 0 : i32
    %dma_start3A_122 = tpu.memref_slice %arg7[%dma_start3A_117, %dma_start3A_121] : memref<8x128xi32, #tpu.memory_space<vmem>> -> memref<1x128xi32, #tpu.memory_space<vmem>>
    %dma_start3A_123 = tpu.memref_squeeze %dma_start3A_122 : memref<1x128xi32, #tpu.memory_space<vmem>> -> memref<128xi32, #tpu.memory_space<vmem>>
    %dma_start3A_124 = arith.constant 0 : i32
    %dma_start3A_125 = arith.constant 0 : i32
    %dma_start3A_126 = tpu.memref_slice %arg3[%dma_start3A_124, %dma_start3A_125] : memref<1000000x32xf32, #tpu.memory_space<hbm>> -> memref<1000000x32xf32, #tpu.memory_space<hbm>>
    tpu.enqueue_indirect_dma source(%dma_start3A_126 : memref<1000000x32xf32, #tpu.memory_space<hbm>>) target(%dma_start3A_120 : memref<128x32xf32, #tpu.memory_space<vmem>>) offsets(%dma_start3A_123 : memref<128xi32, #tpu.memory_space<vmem>>) semaphore(%arg12 : memref<!tpu.dma_semaphore, #tpu.memory_space<semaphore_mem>>)
    %dma_start3A_127 = arith.constant 4 : i32
    %dma_start3A_128 = arith.constant 512 : i32
    %dma_start3A_129 = arith.constant 0 : i32
    %dma_start3A_130 = tpu.memref_slice %arg9[%dma_start3A_128, %dma_start3A_129] : memref<1024x32xf32, #tpu.memory_space<vmem>> -> memref<128x32xf32, #tpu.memory_space<vmem>>
    %dma_start3A_131 = arith.constant 0 : i32
    %dma_start3A_132 = tpu.memref_slice %arg7[%dma_start3A_127, %dma_start3A_131] : memref<8x128xi32, #tpu.memory_space<vmem>> -> memref<1x128xi32, #tpu.memory_space<vmem>>
    %dma_start3A_133 = tpu.memref_squeeze %dma_start3A_132 : memref<1x128xi32, #tpu.memory_space<vmem>> -> memref<128xi32, #tpu.memory_space<vmem>>
    %dma_start3A_134 = arith.constant 0 : i32
    %dma_start3A_135 = arith.constant 0 : i32
    %dma_start3A_136 = tpu.memref_slice %arg3[%dma_start3A_134, %dma_start3A_135] : memref<1000000x32xf32, #tpu.memory_space<hbm>> -> memref<1000000x32xf32, #tpu.memory_space<hbm>>
    tpu.enqueue_indirect_dma source(%dma_start3A_136 : memref<1000000x32xf32, #tpu.memory_space<hbm>>) target(%dma_start3A_130 : memref<128x32xf32, #tpu.memory_space<vmem>>) offsets(%dma_start3A_133 : memref<128xi32, #tpu.memory_space<vmem>>) semaphore(%arg12 : memref<!tpu.dma_semaphore, #tpu.memory_space<semaphore_mem>>)
    %dma_start3A_137 = arith.constant 5 : i32
    %dma_start3A_138 = arith.constant 640 : i32
    %dma_start3A_139 = arith.constant 0 : i32
    %dma_start3A_140 = tpu.memref_slice %arg9[%dma_start3A_138, %dma_start3A_139] : memref<1024x32xf32, #tpu.memory_space<vmem>> -> memref<128x32xf32, #tpu.memory_space<vmem>>
    %dma_start3A_141 = arith.constant 0 : i32
    %dma_start3A_142 = tpu.memref_slice %arg7[%dma_start3A_137, %dma_start3A_141] : memref<8x128xi32, #tpu.memory_space<vmem>> -> memref<1x128xi32, #tpu.memory_space<vmem>>
    %dma_start3A_143 = tpu.memref_squeeze %dma_start3A_142 : memref<1x128xi32, #tpu.memory_space<vmem>> -> memref<128xi32, #tpu.memory_space<vmem>>
    %dma_start3A_144 = arith.constant 0 : i32
    %dma_start3A_145 = arith.constant 0 : i32
    %dma_start3A_146 = tpu.memref_slice %arg3[%dma_start3A_144, %dma_start3A_145] : memref<1000000x32xf32, #tpu.memory_space<hbm>> -> memref<1000000x32xf32, #tpu.memory_space<hbm>>
    tpu.enqueue_indirect_dma source(%dma_start3A_146 : memref<1000000x32xf32, #tpu.memory_space<hbm>>) target(%dma_start3A_140 : memref<128x32xf32, #tpu.memory_space<vmem>>) offsets(%dma_start3A_143 : memref<128xi32, #tpu.memory_space<vmem>>) semaphore(%arg12 : memref<!tpu.dma_semaphore, #tpu.memory_space<semaphore_mem>>)
    %dma_start3A_147 = arith.constant 6 : i32
    %dma_start3A_148 = arith.constant 768 : i32
    %dma_start3A_149 = arith.constant 0 : i32
    %dma_start3A_150 = tpu.memref_slice %arg9[%dma_start3A_148, %dma_start3A_149] : memref<1024x32xf32, #tpu.memory_space<vmem>> -> memref<128x32xf32, #tpu.memory_space<vmem>>
    %dma_start3A_151 = arith.constant 0 : i32
    %dma_start3A_152 = tpu.memref_slice %arg7[%dma_start3A_147, %dma_start3A_151] : memref<8x128xi32, #tpu.memory_space<vmem>> -> memref<1x128xi32, #tpu.memory_space<vmem>>
    %dma_start3A_153 = tpu.memref_squeeze %dma_start3A_152 : memref<1x128xi32, #tpu.memory_space<vmem>> -> memref<128xi32, #tpu.memory_space<vmem>>
    %dma_start3A_154 = arith.constant 0 : i32
    %dma_start3A_155 = arith.constant 0 : i32
    %dma_start3A_156 = tpu.memref_slice %arg3[%dma_start3A_154, %dma_start3A_155] : memref<1000000x32xf32, #tpu.memory_space<hbm>> -> memref<1000000x32xf32, #tpu.memory_space<hbm>>
    tpu.enqueue_indirect_dma source(%dma_start3A_156 : memref<1000000x32xf32, #tpu.memory_space<hbm>>) target(%dma_start3A_150 : memref<128x32xf32, #tpu.memory_space<vmem>>) offsets(%dma_start3A_153 : memref<128xi32, #tpu.memory_space<vmem>>) semaphore(%arg12 : memref<!tpu.dma_semaphore, #tpu.memory_space<semaphore_mem>>)
    %dma_start3A_157 = arith.constant 7 : i32
    %dma_start3A_158 = arith.constant 896 : i32
    %dma_start3A_159 = arith.constant 0 : i32
    %dma_start3A_160 = tpu.memref_slice %arg9[%dma_start3A_158, %dma_start3A_159] : memref<1024x32xf32, #tpu.memory_space<vmem>> -> memref<128x32xf32, #tpu.memory_space<vmem>>
    %dma_start3A_161 = arith.constant 0 : i32
    %dma_start3A_162 = tpu.memref_slice %arg7[%dma_start3A_157, %dma_start3A_161] : memref<8x128xi32, #tpu.memory_space<vmem>> -> memref<1x128xi32, #tpu.memory_space<vmem>>
    %dma_start3A_163 = tpu.memref_squeeze %dma_start3A_162 : memref<1x128xi32, #tpu.memory_space<vmem>> -> memref<128xi32, #tpu.memory_space<vmem>>
    %dma_start3A_164 = arith.constant 0 : i32
    %dma_start3A_165 = arith.constant 0 : i32
    %dma_start3A_166 = tpu.memref_slice %arg3[%dma_start3A_164, %dma_start3A_165] : memref<1000000x32xf32, #tpu.memory_space<hbm>> -> memref<1000000x32xf32, #tpu.memory_space<hbm>>
    tpu.enqueue_indirect_dma source(%dma_start3A_166 : memref<1000000x32xf32, #tpu.memory_space<hbm>>) target(%dma_start3A_160 : memref<128x32xf32, #tpu.memory_space<vmem>>) offsets(%dma_start3A_163 : memref<128xi32, #tpu.memory_space<vmem>>) semaphore(%arg12 : memref<!tpu.dma_semaphore, #tpu.memory_space<semaphore_mem>>)
    %scan3A = arith.constant 0 : i32
    %scan3A_167 = arith.constant 0 : i32
    %scan3A_168 = arith.constant 13 : i32
    %scan3A_169 = arith.addi %scan3A_167, %scan3A_168 : i32
    %scan3A_170 = arith.constant 1 : i32
    %scan3A_171 = scf.for %scan3A_183 = %scan3A_167 to %scan3A_169 step %scan3A_170 iter_args(%scan3A_184 = %scan3A) -> (i32)  : i32 {
      %mul3A_185 = arith.constant 2 : i32
      %mul3A_186 = arith.muli %mul3A_185, %scan3A_183 : i32
      %add3A_187 = arith.constant 0 : i32
      %add3A_188 = arith.addi %mul3A_186, %add3A_187 : i32
      %lt3A = arith.constant 25 : i32
      %lt3A_189 = arith.cmpi slt, %add3A_188, %lt3A : i32
      %convert_element_type3A = arith.extui %lt3A_189 : i1 to i32
      %cond3A = arith.constant 0 : i32
      %cond3A_190 = arith.cmpi ne, %convert_element_type3A, %cond3A : i32
      scf.if %cond3A_190 {
        %dma_wait3A_201 = arith.constant 0 : i32
        %dma_wait3A_202 = arith.constant 0 : i32
        %dma_wait3A_203 = tpu.memref_slice %arg3[%dma_wait3A_201, %dma_wait3A_202] : memref<1000000x32xf32, #tpu.memory_space<hbm>> -> memref<1024x32xf32, #tpu.memory_space<hbm>>
        %dma_wait3A_204 = arith.constant 0 : i32
        %dma_wait3A_205 = arith.constant 0 : i32
        %dma_wait3A_206 = tpu.memref_slice %arg3[%dma_wait3A_204, %dma_wait3A_205] : memref<1000000x32xf32, #tpu.memory_space<hbm>> -> memref<1024x32xf32, #tpu.memory_space<hbm>>
        tpu.wait_dma2 semaphore(%arg11 : memref<!tpu.dma_semaphore, #tpu.memory_space<semaphore_mem>>) src(%dma_wait3A_206 : memref<1024x32xf32, #tpu.memory_space<hbm>>) dst(%arg8 : memref<1024x32xf32, #tpu.memory_space<vmem>>)
        %ge3A = arith.constant 1 : i32
        %ge3A_207 = arith.cmpi sge, %add3A_188, %ge3A : i32
        %convert_element_type3A_208 = arith.extui %ge3A_207 : i1 to i32
        %cond3A_209 = arith.constant 0 : i32
        %cond3A_210 = arith.cmpi ne, %convert_element_type3A_208, %cond3A_209 : i32
        scf.if %cond3A_210 {
          %dma_wait3A_957 = arith.constant 0 : i32
          %dma_wait3A_958 = arith.constant 0 : i32
          %dma_wait3A_959 = arith.constant 0 : i32
          %dma_wait3A_960 = arith.constant 0 : i32
          %dma_wait3A_961 = tpu.memref_slice %arg4[%dma_wait3A_957, %dma_wait3A_958, %dma_wait3A_959, %dma_wait3A_960] : memref<200x128x8x128xf32, #tpu.memory_space<hbm>> -> memref<1x32x8x128xf32, #tpu.memory_space<hbm>>
          %dma_wait3A_962 = tpu.memref_squeeze %dma_wait3A_961 : memref<1x32x8x128xf32, #tpu.memory_space<hbm>> -> memref<32x8x128xf32, #tpu.memory_space<hbm>>
          %dma_wait3A_963 = arith.constant 0 : i32
          %dma_wait3A_964 = arith.constant 0 : i32
          %dma_wait3A_965 = arith.constant 0 : i32
          %dma_wait3A_966 = tpu.memref_slice %arg4[%dma_wait3A_957, %dma_wait3A_963, %dma_wait3A_964, %dma_wait3A_965] : memref<200x128x8x128xf32, #tpu.memory_space<hbm>> -> memref<1x32x8x128xf32, #tpu.memory_space<hbm>>
          %dma_wait3A_967 = tpu.memref_squeeze %dma_wait3A_966 : memref<1x32x8x128xf32, #tpu.memory_space<hbm>> -> memref<32x8x128xf32, #tpu.memory_space<hbm>>
          tpu.wait_dma2 semaphore(%arg13 : memref<!tpu.dma_semaphore, #tpu.memory_space<semaphore_mem>>) src(%dma_wait3A_967 : memref<32x8x128xf32, #tpu.memory_space<hbm>>) dst(%arg10 : memref<32x8x128xf32, #tpu.memory_space<vmem>>)
        } else {
        }
        %parallel_loop3A_211 = arith.constant 0 : i32
        %parallel_loop3A_212 = arith.constant 256 : i32
        %parallel_loop3A_213 = arith.constant 1 : i32
        scf.for %parallel_loop3A_957 = %parallel_loop3A_211 to %parallel_loop3A_212 step %parallel_loop3A_213  : i32 {
          %parallel_loop3A_958 = arith.constant 5 : i32
          %parallel_loop3A_959 = arith.shrsi %parallel_loop3A_957, %parallel_loop3A_958 : i32
          %parallel_loop3A_960 = arith.constant 31 : i32
          %parallel_loop3A_961 = arith.andi %parallel_loop3A_957, %parallel_loop3A_960 : i32
          %parallel_loop3A_962 = arith.constant 128 : i32
          %parallel_loop3A_963 = arith.muli %parallel_loop3A_959, %parallel_loop3A_962 : i32
          %parallel_loop3A_964 = arith.constant 0 : i32
          %parallel_loop3A_965 = vector.broadcast %parallel_loop3A_964 : i32 to vector<16xi32>
          %parallel_loop3A_966 = vector.broadcast %parallel_loop3A_961 : i32 to vector<16xi32>
          %parallel_loop3A_967 = arith.addi %parallel_loop3A_965, %parallel_loop3A_966 : vector<16xi32>
          %parallel_loop3A_968 = arith.constant 0 : i32
          %parallel_loop3A_969 = arith.addi %parallel_loop3A_963, %parallel_loop3A_968 : i32
          %parallel_loop3A_970 = vector.broadcast %parallel_loop3A_969 : i32 to vector<16xi32>
          %parallel_loop3A_971 = arith.addi %iota3A, %parallel_loop3A_970 : vector<16xi32>
          %parallel_loop3A_972 = tpu.vector_load_idx %arg8[%parallel_loop3A_971, %parallel_loop3A_967] : memref<1024x32xf32, #tpu.memory_space<vmem>>[vector<16xi32>, vector<16xi32>], vector<16xf32>,
          %parallel_loop3A_973 = arith.constant 4 : i32
          %parallel_loop3A_974 = arith.muli %parallel_loop3A_959, %parallel_loop3A_973 : i32
          %parallel_loop3A_975 = arith.constant 3 : i32
          %parallel_loop3A_976 = arith.shrsi %parallel_loop3A_961, %parallel_loop3A_975 : i32
          %parallel_loop3A_977 = arith.addi %parallel_loop3A_974, %parallel_loop3A_976 : i32
          %parallel_loop3A_978 = arith.constant 7 : i32
          %parallel_loop3A_979 = arith.andi %parallel_loop3A_961, %parallel_loop3A_978 : i32
          %parallel_loop3A_980 = arith.index_cast %parallel_loop3A_977 : i32 to index
          %parallel_loop3A_981 = arith.index_cast %parallel_loop3A_979 : i32 to index
          %parallel_loop3A_982 = arith.constant 0 : index
          %parallel_loop3A_983 = tpu.vector_load %arg10[%parallel_loop3A_980, %parallel_loop3A_981, %parallel_loop3A_982] {strides = array<i32>} : memref<32x8x128xf32, #tpu.memory_space<vmem>>, vector<16xf32>,
          tpu.vector_store %arg10[%parallel_loop3A_980, %parallel_loop3A_981, %parallel_loop3A_982], %parallel_loop3A_972 {strides = array<i32>} : memref<32x8x128xf32, #tpu.memory_space<vmem>>, vector<16xf32>,
          %parallel_loop3A_984 = arith.constant 16 : i32
          %parallel_loop3A_985 = arith.addi %parallel_loop3A_963, %parallel_loop3A_984 : i32
          %parallel_loop3A_986 = vector.broadcast %parallel_loop3A_985 : i32 to vector<16xi32>
          %parallel_loop3A_987 = arith.addi %iota3A, %parallel_loop3A_986 : vector<16xi32>
          %parallel_loop3A_988 = tpu.vector_load_idx %arg8[%parallel_loop3A_987, %parallel_loop3A_967] : memref<1024x32xf32, #tpu.memory_space<vmem>>[vector<16xi32>, vector<16xi32>], vector<16xf32>,
          %parallel_loop3A_989 = arith.constant 4 : i32
          %parallel_loop3A_990 = arith.muli %parallel_loop3A_959, %parallel_loop3A_989 : i32
          %parallel_loop3A_991 = arith.constant 3 : i32
          %parallel_loop3A_992 = arith.shrsi %parallel_loop3A_961, %parallel_loop3A_991 : i32
          %parallel_loop3A_993 = arith.addi %parallel_loop3A_990, %parallel_loop3A_992 : i32
          %parallel_loop3A_994 = arith.constant 7 : i32
          %parallel_loop3A_995 = arith.andi %parallel_loop3A_961, %parallel_loop3A_994 : i32
          %parallel_loop3A_996 = arith.index_cast %parallel_loop3A_993 : i32 to index
          %parallel_loop3A_997 = arith.index_cast %parallel_loop3A_995 : i32 to index
          %parallel_loop3A_998 = arith.constant 16 : index
          %parallel_loop3A_999 = tpu.vector_load %arg10[%parallel_loop3A_996, %parallel_loop3A_997, %parallel_loop3A_998] {strides = array<i32>} : memref<32x8x128xf32, #tpu.memory_space<vmem>>, vector<16xf32>,
          tpu.vector_store %arg10[%parallel_loop3A_996, %parallel_loop3A_997, %parallel_loop3A_998], %parallel_loop3A_988 {strides = array<i32>} : memref<32x8x128xf32, #tpu.memory_space<vmem>>, vector<16xf32>,
          %parallel_loop3A_1000 = arith.constant 32 : i32
          %parallel_loop3A_1001 = arith.addi %parallel_loop3A_963, %parallel_loop3A_1000 : i32
          %parallel_loop3A_1002 = vector.broadcast %parallel_loop3A_1001 : i32 to vector<16xi32>
          %parallel_loop3A_1003 = arith.addi %iota3A, %parallel_loop3A_1002 : vector<16xi32>
          %parallel_loop3A_1004 = tpu.vector_load_idx %arg8[%parallel_loop3A_1003, %parallel_loop3A_967] : memref<1024x32xf32, #tpu.memory_space<vmem>>[vector<16xi32>, vector<16xi32>], vector<16xf32>,
          %parallel_loop3A_1005 = arith.constant 4 : i32
          %parallel_loop3A_1006 = arith.muli %parallel_loop3A_959, %parallel_loop3A_1005 : i32
          %parallel_loop3A_1007 = arith.constant 3 : i32
          %parallel_loop3A_1008 = arith.shrsi %parallel_loop3A_961, %parallel_loop3A_1007 : i32
          %parallel_loop3A_1009 = arith.addi %parallel_loop3A_1006, %parallel_loop3A_1008 : i32
          %parallel_loop3A_1010 = arith.constant 7 : i32
          %parallel_loop3A_1011 = arith.andi %parallel_loop3A_961, %parallel_loop3A_1010 : i32
          %parallel_loop3A_1012 = arith.index_cast %parallel_loop3A_1009 : i32 to index
          %parallel_loop3A_1013 = arith.index_cast %parallel_loop3A_1011 : i32 to index
          %parallel_loop3A_1014 = arith.constant 32 : index
          %parallel_loop3A_1015 = tpu.vector_load %arg10[%parallel_loop3A_1012, %parallel_loop3A_1013, %parallel_loop3A_1014] {strides = array<i32>} : memref<32x8x128xf32, #tpu.memory_space<vmem>>, vector<16xf32>,
          tpu.vector_store %arg10[%parallel_loop3A_1012, %parallel_loop3A_1013, %parallel_loop3A_1014], %parallel_loop3A_1004 {strides = array<i32>} : memref<32x8x128xf32, #tpu.memory_space<vmem>>, vector<16xf32>,
          %parallel_loop3A_1016 = arith.constant 48 : i32
          %parallel_loop3A_1017 = arith.addi %parallel_loop3A_963, %parallel_loop3A_1016 : i32
          %parallel_loop3A_1018 = vector.broadcast %parallel_loop3A_1017 : i32 to vector<16xi32>
          %parallel_loop3A_1019 = arith.addi %iota3A, %parallel_loop3A_1018 : vector<16xi32>
          %parallel_loop3A_1020 = tpu.vector_load_idx %arg8[%parallel_loop3A_1019, %parallel_loop3A_967] : memref<1024x32xf32, #tpu.memory_space<vmem>>[vector<16xi32>, vector<16xi32>], vector<16xf32>,
          %parallel_loop3A_1021 = arith.constant 4 : i32
          %parallel_loop3A_1022 = arith.muli %parallel_loop3A_959, %parallel_loop3A_1021 : i32
          %parallel_loop3A_1023 = arith.constant 3 : i32
          %parallel_loop3A_1024 = arith.shrsi %parallel_loop3A_961, %parallel_loop3A_1023 : i32
          %parallel_loop3A_1025 = arith.addi %parallel_loop3A_1022, %parallel_loop3A_1024 : i32
          %parallel_loop3A_1026 = arith.constant 7 : i32
          %parallel_loop3A_1027 = arith.andi %parallel_loop3A_961, %parallel_loop3A_1026 : i32
          %parallel_loop3A_1028 = arith.index_cast %parallel_loop3A_1025 : i32 to index
          %parallel_loop3A_1029 = arith.index_cast %parallel_loop3A_1027 : i32 to index
          %parallel_loop3A_1030 = arith.constant 48 : index
          %parallel_loop3A_1031 = tpu.vector_load %arg10[%parallel_loop3A_1028, %parallel_loop3A_1029, %parallel_loop3A_1030] {strides = array<i32>} : memref<32x8x128xf32, #tpu.memory_space<vmem>>, vector<16xf32>,
          tpu.vector_store %arg10[%parallel_loop3A_1028, %parallel_loop3A_1029, %parallel_loop3A_1030], %parallel_loop3A_1020 {strides = array<i32>} : memref<32x8x128xf32, #tpu.memory_space<vmem>>, vector<16xf32>,
          %parallel_loop3A_1032 = arith.constant 64 : i32
          %parallel_loop3A_1033 = arith.addi %parallel_loop3A_963, %parallel_loop3A_1032 : i32
          %parallel_loop3A_1034 = vector.broadcast %parallel_loop3A_1033 : i32 to vector<16xi32>
          %parallel_loop3A_1035 = arith.addi %iota3A, %parallel_loop3A_1034 : vector<16xi32>
          %parallel_loop3A_1036 = tpu.vector_load_idx %arg8[%parallel_loop3A_1035, %parallel_loop3A_967] : memref<1024x32xf32, #tpu.memory_space<vmem>>[vector<16xi32>, vector<16xi32>], vector<16xf32>,
          %parallel_loop3A_1037 = arith.constant 4 : i32
          %parallel_loop3A_1038 = arith.muli %parallel_loop3A_959, %parallel_loop3A_1037 : i32
          %parallel_loop3A_1039 = arith.constant 3 : i32
          %parallel_loop3A_1040 = arith.shrsi %parallel_loop3A_961, %parallel_loop3A_1039 : i32
          %parallel_loop3A_1041 = arith.addi %parallel_loop3A_1038, %parallel_loop3A_1040 : i32
          %parallel_loop3A_1042 = arith.constant 7 : i32
          %parallel_loop3A_1043 = arith.andi %parallel_loop3A_961, %parallel_loop3A_1042 : i32
          %parallel_loop3A_1044 = arith.index_cast %parallel_loop3A_1041 : i32 to index
          %parallel_loop3A_1045 = arith.index_cast %parallel_loop3A_1043 : i32 to index
          %parallel_loop3A_1046 = arith.constant 64 : index
          %parallel_loop3A_1047 = tpu.vector_load %arg10[%parallel_loop3A_1044, %parallel_loop3A_1045, %parallel_loop3A_1046] {strides = array<i32>} : memref<32x8x128xf32, #tpu.memory_space<vmem>>, vector<16xf32>,
          tpu.vector_store %arg10[%parallel_loop3A_1044, %parallel_loop3A_1045, %parallel_loop3A_1046], %parallel_loop3A_1036 {strides = array<i32>} : memref<32x8x128xf32, #tpu.memory_space<vmem>>, vector<16xf32>,
          %parallel_loop3A_1048 = arith.constant 80 : i32
          %parallel_loop3A_1049 = arith.addi %parallel_loop3A_963, %parallel_loop3A_1048 : i32
          %parallel_loop3A_1050 = vector.broadcast %parallel_loop3A_1049 : i32 to vector<16xi32>
          %parallel_loop3A_1051 = arith.addi %iota3A, %parallel_loop3A_1050 : vector<16xi32>
          %parallel_loop3A_1052 = tpu.vector_load_idx %arg8[%parallel_loop3A_1051, %parallel_loop3A_967] : memref<1024x32xf32, #tpu.memory_space<vmem>>[vector<16xi32>, vector<16xi32>], vector<16xf32>,
          %parallel_loop3A_1053 = arith.constant 4 : i32
          %parallel_loop3A_1054 = arith.muli %parallel_loop3A_959, %parallel_loop3A_1053 : i32
          %parallel_loop3A_1055 = arith.constant 3 : i32
          %parallel_loop3A_1056 = arith.shrsi %parallel_loop3A_961, %parallel_loop3A_1055 : i32
          %parallel_loop3A_1057 = arith.addi %parallel_loop3A_1054, %parallel_loop3A_1056 : i32
          %parallel_loop3A_1058 = arith.constant 7 : i32
          %parallel_loop3A_1059 = arith.andi %parallel_loop3A_961, %parallel_loop3A_1058 : i32
          %parallel_loop3A_1060 = arith.index_cast %parallel_loop3A_1057 : i32 to index
          %parallel_loop3A_1061 = arith.index_cast %parallel_loop3A_1059 : i32 to index
          %parallel_loop3A_1062 = arith.constant 80 : index
          %parallel_loop3A_1063 = tpu.vector_load %arg10[%parallel_loop3A_1060, %parallel_loop3A_1061, %parallel_loop3A_1062] {strides = array<i32>} : memref<32x8x128xf32, #tpu.memory_space<vmem>>, vector<16xf32>,
          tpu.vector_store %arg10[%parallel_loop3A_1060, %parallel_loop3A_1061, %parallel_loop3A_1062], %parallel_loop3A_1052 {strides = array<i32>} : memref<32x8x128xf32, #tpu.memory_space<vmem>>, vector<16xf32>,
          %parallel_loop3A_1064 = arith.constant 96 : i32
          %parallel_loop3A_1065 = arith.addi %parallel_loop3A_963, %parallel_loop3A_1064 : i32
          %parallel_loop3A_1066 = vector.broadcast %parallel_loop3A_1065 : i32 to vector<16xi32>
          %parallel_loop3A_1067 = arith.addi %iota3A, %parallel_loop3A_1066 : vector<16xi32>
          %parallel_loop3A_1068 = tpu.vector_load_idx %arg8[%parallel_loop3A_1067, %parallel_loop3A_967] : memref<1024x32xf32, #tpu.memory_space<vmem>>[vector<16xi32>, vector<16xi32>], vector<16xf32>,
          %parallel_loop3A_1069 = arith.constant 4 : i32
          %parallel_loop3A_1070 = arith.muli %parallel_loop3A_959, %parallel_loop3A_1069 : i32
          %parallel_loop3A_1071 = arith.constant 3 : i32
          %parallel_loop3A_1072 = arith.shrsi %parallel_loop3A_961, %parallel_loop3A_1071 : i32
          %parallel_loop3A_1073 = arith.addi %parallel_loop3A_1070, %parallel_loop3A_1072 : i32
          %parallel_loop3A_1074 = arith.constant 7 : i32
          %parallel_loop3A_1075 = arith.andi %parallel_loop3A_961, %parallel_loop3A_1074 : i32
          %parallel_loop3A_1076 = arith.index_cast %parallel_loop3A_1073 : i32 to index
          %parallel_loop3A_1077 = arith.index_cast %parallel_loop3A_1075 : i32 to index
          %parallel_loop3A_1078 = arith.constant 96 : index
          %parallel_loop3A_1079 = tpu.vector_load %arg10[%parallel_loop3A_1076, %parallel_loop3A_1077, %parallel_loop3A_1078] {strides = array<i32>} : memref<32x8x128xf32, #tpu.memory_space<vmem>>, vector<16xf32>,
          tpu.vector_store %arg10[%parallel_loop3A_1076, %parallel_loop3A_1077, %parallel_loop3A_1078], %parallel_loop3A_1068 {strides = array<i32>} : memref<32x8x128xf32, #tpu.memory_space<vmem>>, vector<16xf32>,
          %parallel_loop3A_1080 = arith.constant 112 : i32
          %parallel_loop3A_1081 = arith.addi %parallel_loop3A_963, %parallel_loop3A_1080 : i32
          %parallel_loop3A_1082 = vector.broadcast %parallel_loop3A_1081 : i32 to vector<16xi32>
          %parallel_loop3A_1083 = arith.addi %iota3A, %parallel_loop3A_1082 : vector<16xi32>
          %parallel_loop3A_1084 = tpu.vector_load_idx %arg8[%parallel_loop3A_1083, %parallel_loop3A_967] : memref<1024x32xf32, #tpu.memory_space<vmem>>[vector<16xi32>, vector<16xi32>], vector<16xf32>,
          %parallel_loop3A_1085 = arith.constant 4 : i32
          %parallel_loop3A_1086 = arith.muli %parallel_loop3A_959, %parallel_loop3A_1085 : i32
          %parallel_loop3A_1087 = arith.constant 3 : i32
          %parallel_loop3A_1088 = arith.shrsi %parallel_loop3A_961, %parallel_loop3A_1087 : i32
          %parallel_loop3A_1089 = arith.addi %parallel_loop3A_1086, %parallel_loop3A_1088 : i32
          %parallel_loop3A_1090 = arith.constant 7 : i32
          %parallel_loop3A_1091 = arith.andi %parallel_loop3A_961, %parallel_loop3A_1090 : i32
          %parallel_loop3A_1092 = arith.index_cast %parallel_loop3A_1089 : i32 to index
          %parallel_loop3A_1093 = arith.index_cast %parallel_loop3A_1091 : i32 to index
          %parallel_loop3A_1094 = arith.constant 112 : index
          %parallel_loop3A_1095 = tpu.vector_load %arg10[%parallel_loop3A_1092, %parallel_loop3A_1093, %parallel_loop3A_1094] {strides = array<i32>} : memref<32x8x128xf32, #tpu.memory_space<vmem>>, vector<16xf32>,
          tpu.vector_store %arg10[%parallel_loop3A_1092, %parallel_loop3A_1093, %parallel_loop3A_1094], %parallel_loop3A_1084 {strides = array<i32>} : memref<32x8x128xf32, #tpu.memory_space<vmem>>, vector<16xf32>,
        } {sc.loop_unroll_factor = 8 : i64, sc.parallel_access}
        %mul3A_214 = arith.constant 8 : i32
        %mul3A_215 = arith.muli %add3A_188, %mul3A_214 : i32
        %add3A_216 = arith.constant 0 : i32
        %add3A_217 = arith.addi %mul3A_215, %add3A_216 : i32
        %add3A_218 = arith.constant 0 : i32
        %add3A_219 = arith.addi %add3A_218, %add3A : i32
        %dma_start3A_220 = arith.constant 0 : i32
        %dma_start3A_221 = arith.constant 0 : i32
        %dma_start3A_222 = arith.constant 0 : i32
        %dma_start3A_223 = tpu.memref_slice %arg10[%dma_start3A_220, %dma_start3A_221, %dma_start3A_222] : memref<32x8x128xf32, #tpu.memory_space<vmem>> -> memref<1x8x128xf32, #tpu.memory_space<vmem>>
        %dma_start3A_224 = tpu.memref_squeeze %dma_start3A_223 : memref<1x8x128xf32, #tpu.memory_space<vmem>> -> memref<8x128xf32, #tpu.memory_space<vmem>>
        %dma_start3A_225 = arith.constant 0 : i32
        %dma_start3A_226 = arith.constant 0 : i32
        %dma_start3A_227 = tpu.memref_slice %arg4[%add3A_217, %add3A_219, %dma_start3A_225, %dma_start3A_226] : memref<200x128x8x128xf32, #tpu.memory_space<hbm>> -> memref<1x1x8x128xf32, #tpu.memory_space<hbm>>
        %dma_start3A_228 = tpu.memref_squeeze %dma_start3A_227 : memref<1x1x8x128xf32, #tpu.memory_space<hbm>> -> memref<8x128xf32, #tpu.memory_space<hbm>>
        %dma_start3A_229 = arith.constant 0 : i32
        %dma_start3A_230 = arith.constant 0 : i32
        %dma_start3A_231 = tpu.memref_slice %arg4[%add3A_217, %add3A_219, %dma_start3A_229, %dma_start3A_230] : memref<200x128x8x128xf32, #tpu.memory_space<hbm>> -> memref<1x1x8x128xf32, #tpu.memory_space<hbm>>
        %dma_start3A_232 = tpu.memref_squeeze %dma_start3A_231 : memref<1x1x8x128xf32, #tpu.memory_space<hbm>> -> memref<8x128xf32, #tpu.memory_space<hbm>>
        %dma_start3A_233 = arith.constant 0 : i32
        %dma_start3A_234 = arith.constant 0 : i32
        %dma_start3A_235 = tpu.memref_slice %arg10[%dma_start3A_220, %dma_start3A_233, %dma_start3A_234] : memref<32x8x128xf32, #tpu.memory_space<vmem>> -> memref<1x8x128xf32, #tpu.memory_space<vmem>>
        %dma_start3A_236 = tpu.memref_squeeze %dma_start3A_235 : memref<1x8x128xf32, #tpu.memory_space<vmem>> -> memref<8x128xf32, #tpu.memory_space<vmem>>
        tpu.enqueue_dma source(%dma_start3A_236 : memref<8x128xf32, #tpu.memory_space<vmem>>) target(%dma_start3A_232 : memref<8x128xf32, #tpu.memory_space<hbm>>) target_semaphore(%arg13 : memref<!tpu.dma_semaphore, #tpu.memory_space<semaphore_mem>>)
        %mul3A_237 = arith.constant 8 : i32
        %mul3A_238 = arith.muli %add3A_188, %mul3A_237 : i32
        %add3A_239 = arith.constant 0 : i32
        %add3A_240 = arith.addi %mul3A_238, %add3A_239 : i32
        %add3A_241 = arith.constant 32 : i32
        %add3A_242 = arith.addi %add3A_241, %add3A : i32
        %dma_start3A_243 = arith.constant 1 : i32
        %dma_start3A_244 = arith.constant 0 : i32
        %dma_start3A_245 = arith.constant 0 : i32
        %dma_start3A_246 = tpu.memref_slice %arg10[%dma_start3A_243, %dma_start3A_244, %dma_start3A_245] : memref<32x8x128xf32, #tpu.memory_space<vmem>> -> memref<1x8x128xf32, #tpu.memory_space<vmem>>
        %dma_start3A_247 = tpu.memref_squeeze %dma_start3A_246 : memref<1x8x128xf32, #tpu.memory_space<vmem>> -> memref<8x128xf32, #tpu.memory_space<vmem>>
        %dma_start3A_248 = arith.constant 0 : i32
        %dma_start3A_249 = arith.constant 0 : i32
        %dma_start3A_250 = tpu.memref_slice %arg4[%add3A_240, %add3A_242, %dma_start3A_248, %dma_start3A_249] : memref<200x128x8x128xf32, #tpu.memory_space<hbm>> -> memref<1x1x8x128xf32, #tpu.memory_space<hbm>>
        %dma_start3A_251 = tpu.memref_squeeze %dma_start3A_250 : memref<1x1x8x128xf32, #tpu.memory_space<hbm>> -> memref<8x128xf32, #tpu.memory_space<hbm>>
        %dma_start3A_252 = arith.constant 0 : i32
        %dma_start3A_253 = arith.constant 0 : i32
        %dma_start3A_254 = tpu.memref_slice %arg4[%add3A_240, %add3A_242, %dma_start3A_252, %dma_start3A_253] : memref<200x128x8x128xf32, #tpu.memory_space<hbm>> -> memref<1x1x8x128xf32, #tpu.memory_space<hbm>>
        %dma_start3A_255 = tpu.memref_squeeze %dma_start3A_254 : memref<1x1x8x128xf32, #tpu.memory_space<hbm>> -> memref<8x128xf32, #tpu.memory_space<hbm>>
        %dma_start3A_256 = arith.constant 0 : i32
        %dma_start3A_257 = arith.constant 0 : i32
        %dma_start3A_258 = tpu.memref_slice %arg10[%dma_start3A_243, %dma_start3A_256, %dma_start3A_257] : memref<32x8x128xf32, #tpu.memory_space<vmem>> -> memref<1x8x128xf32, #tpu.memory_space<vmem>>
        %dma_start3A_259 = tpu.memref_squeeze %dma_start3A_258 : memref<1x8x128xf32, #tpu.memory_space<vmem>> -> memref<8x128xf32, #tpu.memory_space<vmem>>
        tpu.enqueue_dma source(%dma_start3A_259 : memref<8x128xf32, #tpu.memory_space<vmem>>) target(%dma_start3A_255 : memref<8x128xf32, #tpu.memory_space<hbm>>) target_semaphore(%arg13 : memref<!tpu.dma_semaphore, #tpu.memory_space<semaphore_mem>>)
        %mul3A_260 = arith.constant 8 : i32
        %mul3A_261 = arith.muli %add3A_188, %mul3A_260 : i32
        %add3A_262 = arith.constant 0 : i32
        %add3A_263 = arith.addi %mul3A_261, %add3A_262 : i32
        %add3A_264 = arith.constant 64 : i32
        %add3A_265 = arith.addi %add3A_264, %add3A : i32
        %dma_start3A_266 = arith.constant 2 : i32
        %dma_start3A_267 = arith.constant 0 : i32
        %dma_start3A_268 = arith.constant 0 : i32
        %dma_start3A_269 = tpu.memref_slice %arg10[%dma_start3A_266, %dma_start3A_267, %dma_start3A_268] : memref<32x8x128xf32, #tpu.memory_space<vmem>> -> memref<1x8x128xf32, #tpu.memory_space<vmem>>
        %dma_start3A_270 = tpu.memref_squeeze %dma_start3A_269 : memref<1x8x128xf32, #tpu.memory_space<vmem>> -> memref<8x128xf32, #tpu.memory_space<vmem>>
        %dma_start3A_271 = arith.constant 0 : i32
        %dma_start3A_272 = arith.constant 0 : i32
        %dma_start3A_273 = tpu.memref_slice %arg4[%add3A_263, %add3A_265, %dma_start3A_271, %dma_start3A_272] : memref<200x128x8x128xf32, #tpu.memory_space<hbm>> -> memref<1x1x8x128xf32, #tpu.memory_space<hbm>>
        %dma_start3A_274 = tpu.memref_squeeze %dma_start3A_273 : memref<1x1x8x128xf32, #tpu.memory_space<hbm>> -> memref<8x128xf32, #tpu.memory_space<hbm>>
        %dma_start3A_275 = arith.constant 0 : i32
        %dma_start3A_276 = arith.constant 0 : i32
        %dma_start3A_277 = tpu.memref_slice %arg4[%add3A_263, %add3A_265, %dma_start3A_275, %dma_start3A_276] : memref<200x128x8x128xf32, #tpu.memory_space<hbm>> -> memref<1x1x8x128xf32, #tpu.memory_space<hbm>>
        %dma_start3A_278 = tpu.memref_squeeze %dma_start3A_277 : memref<1x1x8x128xf32, #tpu.memory_space<hbm>> -> memref<8x128xf32, #tpu.memory_space<hbm>>
        %dma_start3A_279 = arith.constant 0 : i32
        %dma_start3A_280 = arith.constant 0 : i32
        %dma_start3A_281 = tpu.memref_slice %arg10[%dma_start3A_266, %dma_start3A_279, %dma_start3A_280] : memref<32x8x128xf32, #tpu.memory_space<vmem>> -> memref<1x8x128xf32, #tpu.memory_space<vmem>>
        %dma_start3A_282 = tpu.memref_squeeze %dma_start3A_281 : memref<1x8x128xf32, #tpu.memory_space<vmem>> -> memref<8x128xf32, #tpu.memory_space<vmem>>
        tpu.enqueue_dma source(%dma_start3A_282 : memref<8x128xf32, #tpu.memory_space<vmem>>) target(%dma_start3A_278 : memref<8x128xf32, #tpu.memory_space<hbm>>) target_semaphore(%arg13 : memref<!tpu.dma_semaphore, #tpu.memory_space<semaphore_mem>>)
        %mul3A_283 = arith.constant 8 : i32
        %mul3A_284 = arith.muli %add3A_188, %mul3A_283 : i32
        %add3A_285 = arith.constant 0 : i32
        %add3A_286 = arith.addi %mul3A_284, %add3A_285 : i32
        %add3A_287 = arith.constant 96 : i32
        %add3A_288 = arith.addi %add3A_287, %add3A : i32
        %dma_start3A_289 = arith.constant 3 : i32
        %dma_start3A_290 = arith.constant 0 : i32
        %dma_start3A_291 = arith.constant 0 : i32
        %dma_start3A_292 = tpu.memref_slice %arg10[%dma_start3A_289, %dma_start3A_290, %dma_start3A_291] : memref<32x8x128xf32, #tpu.memory_space<vmem>> -> memref<1x8x128xf32, #tpu.memory_space<vmem>>
        %dma_start3A_293 = tpu.memref_squeeze %dma_start3A_292 : memref<1x8x128xf32, #tpu.memory_space<vmem>> -> memref<8x128xf32, #tpu.memory_space<vmem>>
        %dma_start3A_294 = arith.constant 0 : i32
        %dma_start3A_295 = arith.constant 0 : i32
        %dma_start3A_296 = tpu.memref_slice %arg4[%add3A_286, %add3A_288, %dma_start3A_294, %dma_start3A_295] : memref<200x128x8x128xf32, #tpu.memory_space<hbm>> -> memref<1x1x8x128xf32, #tpu.memory_space<hbm>>
        %dma_start3A_297 = tpu.memref_squeeze %dma_start3A_296 : memref<1x1x8x128xf32, #tpu.memory_space<hbm>> -> memref<8x128xf32, #tpu.memory_space<hbm>>
        %dma_start3A_298 = arith.constant 0 : i32
        %dma_start3A_299 = arith.constant 0 : i32
        %dma_start3A_300 = tpu.memref_slice %arg4[%add3A_286, %add3A_288, %dma_start3A_298, %dma_start3A_299] : memref<200x128x8x128xf32, #tpu.memory_space<hbm>> -> memref<1x1x8x128xf32, #tpu.memory_space<hbm>>
        %dma_start3A_301 = tpu.memref_squeeze %dma_start3A_300 : memref<1x1x8x128xf32, #tpu.memory_space<hbm>> -> memref<8x128xf32, #tpu.memory_space<hbm>>
        %dma_start3A_302 = arith.constant 0 : i32
        %dma_start3A_303 = arith.constant 0 : i32
        %dma_start3A_304 = tpu.memref_slice %arg10[%dma_start3A_289, %dma_start3A_302, %dma_start3A_303] : memref<32x8x128xf32, #tpu.memory_space<vmem>> -> memref<1x8x128xf32, #tpu.memory_space<vmem>>
        %dma_start3A_305 = tpu.memref_squeeze %dma_start3A_304 : memref<1x8x128xf32, #tpu.memory_space<vmem>> -> memref<8x128xf32, #tpu.memory_space<vmem>>
        tpu.enqueue_dma source(%dma_start3A_305 : memref<8x128xf32, #tpu.memory_space<vmem>>) target(%dma_start3A_301 : memref<8x128xf32, #tpu.memory_space<hbm>>) target_semaphore(%arg13 : memref<!tpu.dma_semaphore, #tpu.memory_space<semaphore_mem>>)
        %mul3A_306 = arith.constant 8 : i32
        %mul3A_307 = arith.muli %add3A_188, %mul3A_306 : i32
        %add3A_308 = arith.constant 1 : i32
        %add3A_309 = arith.addi %mul3A_307, %add3A_308 : i32
        %add3A_310 = arith.constant 0 : i32
        %add3A_311 = arith.addi %add3A_310, %add3A : i32
        %dma_start3A_312 = arith.constant 4 : i32
        %dma_start3A_313 = arith.constant 0 : i32
        %dma_start3A_314 = arith.constant 0 : i32
        %dma_start3A_315 = tpu.memref_slice %arg10[%dma_start3A_312, %dma_start3A_313, %dma_start3A_314] : memref<32x8x128xf32, #tpu.memory_space<vmem>> -> memref<1x8x128xf32, #tpu.memory_space<vmem>>
        %dma_start3A_316 = tpu.memref_squeeze %dma_start3A_315 : memref<1x8x128xf32, #tpu.memory_space<vmem>> -> memref<8x128xf32, #tpu.memory_space<vmem>>
        %dma_start3A_317 = arith.constant 0 : i32
        %dma_start3A_318 = arith.constant 0 : i32
        %dma_start3A_319 = tpu.memref_slice %arg4[%add3A_309, %add3A_311, %dma_start3A_317, %dma_start3A_318] : memref<200x128x8x128xf32, #tpu.memory_space<hbm>> -> memref<1x1x8x128xf32, #tpu.memory_space<hbm>>
        %dma_start3A_320 = tpu.memref_squeeze %dma_start3A_319 : memref<1x1x8x128xf32, #tpu.memory_space<hbm>> -> memref<8x128xf32, #tpu.memory_space<hbm>>
        %dma_start3A_321 = arith.constant 0 : i32
        %dma_start3A_322 = arith.constant 0 : i32
        %dma_start3A_323 = tpu.memref_slice %arg4[%add3A_309, %add3A_311, %dma_start3A_321, %dma_start3A_322] : memref<200x128x8x128xf32, #tpu.memory_space<hbm>> -> memref<1x1x8x128xf32, #tpu.memory_space<hbm>>
        %dma_start3A_324 = tpu.memref_squeeze %dma_start3A_323 : memref<1x1x8x128xf32, #tpu.memory_space<hbm>> -> memref<8x128xf32, #tpu.memory_space<hbm>>
        %dma_start3A_325 = arith.constant 0 : i32
        %dma_start3A_326 = arith.constant 0 : i32
        %dma_start3A_327 = tpu.memref_slice %arg10[%dma_start3A_312, %dma_start3A_325, %dma_start3A_326] : memref<32x8x128xf32, #tpu.memory_space<vmem>> -> memref<1x8x128xf32, #tpu.memory_space<vmem>>
        %dma_start3A_328 = tpu.memref_squeeze %dma_start3A_327 : memref<1x8x128xf32, #tpu.memory_space<vmem>> -> memref<8x128xf32, #tpu.memory_space<vmem>>
        tpu.enqueue_dma source(%dma_start3A_328 : memref<8x128xf32, #tpu.memory_space<vmem>>) target(%dma_start3A_324 : memref<8x128xf32, #tpu.memory_space<hbm>>) target_semaphore(%arg13 : memref<!tpu.dma_semaphore, #tpu.memory_space<semaphore_mem>>)
        %mul3A_329 = arith.constant 8 : i32
        %mul3A_330 = arith.muli %add3A_188, %mul3A_329 : i32
        %add3A_331 = arith.constant 1 : i32
        %add3A_332 = arith.addi %mul3A_330, %add3A_331 : i32
        %add3A_333 = arith.constant 32 : i32
        %add3A_334 = arith.addi %add3A_333, %add3A : i32
        %dma_start3A_335 = arith.constant 5 : i32
        %dma_start3A_336 = arith.constant 0 : i32
        %dma_start3A_337 = arith.constant 0 : i32
        %dma_start3A_338 = tpu.memref_slice %arg10[%dma_start3A_335, %dma_start3A_336, %dma_start3A_337] : memref<32x8x128xf32, #tpu.memory_space<vmem>> -> memref<1x8x128xf32, #tpu.memory_space<vmem>>
        %dma_start3A_339 = tpu.memref_squeeze %dma_start3A_338 : memref<1x8x128xf32, #tpu.memory_space<vmem>> -> memref<8x128xf32, #tpu.memory_space<vmem>>
        %dma_start3A_340 = arith.constant 0 : i32
        %dma_start3A_341 = arith.constant 0 : i32
        %dma_start3A_342 = tpu.memref_slice %arg4[%add3A_332, %add3A_334, %dma_start3A_340, %dma_start3A_341] : memref<200x128x8x128xf32, #tpu.memory_space<hbm>> -> memref<1x1x8x128xf32, #tpu.memory_space<hbm>>
        %dma_start3A_343 = tpu.memref_squeeze %dma_start3A_342 : memref<1x1x8x128xf32, #tpu.memory_space<hbm>> -> memref<8x128xf32, #tpu.memory_space<hbm>>
        %dma_start3A_344 = arith.constant 0 : i32
        %dma_start3A_345 = arith.constant 0 : i32
        %dma_start3A_346 = tpu.memref_slice %arg4[%add3A_332, %add3A_334, %dma_start3A_344, %dma_start3A_345] : memref<200x128x8x128xf32, #tpu.memory_space<hbm>> -> memref<1x1x8x128xf32, #tpu.memory_space<hbm>>
        %dma_start3A_347 = tpu.memref_squeeze %dma_start3A_346 : memref<1x1x8x128xf32, #tpu.memory_space<hbm>> -> memref<8x128xf32, #tpu.memory_space<hbm>>
        %dma_start3A_348 = arith.constant 0 : i32
        %dma_start3A_349 = arith.constant 0 : i32
        %dma_start3A_350 = tpu.memref_slice %arg10[%dma_start3A_335, %dma_start3A_348, %dma_start3A_349] : memref<32x8x128xf32, #tpu.memory_space<vmem>> -> memref<1x8x128xf32, #tpu.memory_space<vmem>>
        %dma_start3A_351 = tpu.memref_squeeze %dma_start3A_350 : memref<1x8x128xf32, #tpu.memory_space<vmem>> -> memref<8x128xf32, #tpu.memory_space<vmem>>
        tpu.enqueue_dma source(%dma_start3A_351 : memref<8x128xf32, #tpu.memory_space<vmem>>) target(%dma_start3A_347 : memref<8x128xf32, #tpu.memory_space<hbm>>) target_semaphore(%arg13 : memref<!tpu.dma_semaphore, #tpu.memory_space<semaphore_mem>>)
        %mul3A_352 = arith.constant 8 : i32
        %mul3A_353 = arith.muli %add3A_188, %mul3A_352 : i32
        %add3A_354 = arith.constant 1 : i32
        %add3A_355 = arith.addi %mul3A_353, %add3A_354 : i32
        %add3A_356 = arith.constant 64 : i32
        %add3A_357 = arith.addi %add3A_356, %add3A : i32
        %dma_start3A_358 = arith.constant 6 : i32
        %dma_start3A_359 = arith.constant 0 : i32
        %dma_start3A_360 = arith.constant 0 : i32
        %dma_start3A_361 = tpu.memref_slice %arg10[%dma_start3A_358, %dma_start3A_359, %dma_start3A_360] : memref<32x8x128xf32, #tpu.memory_space<vmem>> -> memref<1x8x128xf32, #tpu.memory_space<vmem>>
        %dma_start3A_362 = tpu.memref_squeeze %dma_start3A_361 : memref<1x8x128xf32, #tpu.memory_space<vmem>> -> memref<8x128xf32, #tpu.memory_space<vmem>>
        %dma_start3A_363 = arith.constant 0 : i32
        %dma_start3A_364 = arith.constant 0 : i32
        %dma_start3A_365 = tpu.memref_slice %arg4[%add3A_355, %add3A_357, %dma_start3A_363, %dma_start3A_364] : memref<200x128x8x128xf32, #tpu.memory_space<hbm>> -> memref<1x1x8x128xf32, #tpu.memory_space<hbm>>
        %dma_start3A_366 = tpu.memref_squeeze %dma_start3A_365 : memref<1x1x8x128xf32, #tpu.memory_space<hbm>> -> memref<8x128xf32, #tpu.memory_space<hbm>>
        %dma_start3A_367 = arith.constant 0 : i32
        %dma_start3A_368 = arith.constant 0 : i32
        %dma_start3A_369 = tpu.memref_slice %arg4[%add3A_355, %add3A_357, %dma_start3A_367, %dma_start3A_368] : memref<200x128x8x128xf32, #tpu.memory_space<hbm>> -> memref<1x1x8x128xf32, #tpu.memory_space<hbm>>
        %dma_start3A_370 = tpu.memref_squeeze %dma_start3A_369 : memref<1x1x8x128xf32, #tpu.memory_space<hbm>> -> memref<8x128xf32, #tpu.memory_space<hbm>>
        %dma_start3A_371 = arith.constant 0 : i32
        %dma_start3A_372 = arith.constant 0 : i32
        %dma_start3A_373 = tpu.memref_slice %arg10[%dma_start3A_358, %dma_start3A_371, %dma_start3A_372] : memref<32x8x128xf32, #tpu.memory_space<vmem>> -> memref<1x8x128xf32, #tpu.memory_space<vmem>>
        %dma_start3A_374 = tpu.memref_squeeze %dma_start3A_373 : memref<1x8x128xf32, #tpu.memory_space<vmem>> -> memref<8x128xf32, #tpu.memory_space<vmem>>
        tpu.enqueue_dma source(%dma_start3A_374 : memref<8x128xf32, #tpu.memory_space<vmem>>) target(%dma_start3A_370 : memref<8x128xf32, #tpu.memory_space<hbm>>) target_semaphore(%arg13 : memref<!tpu.dma_semaphore, #tpu.memory_space<semaphore_mem>>)
        %mul3A_375 = arith.constant 8 : i32
        %mul3A_376 = arith.muli %add3A_188, %mul3A_375 : i32
        %add3A_377 = arith.constant 1 : i32
        %add3A_378 = arith.addi %mul3A_376, %add3A_377 : i32
        %add3A_379 = arith.constant 96 : i32
        %add3A_380 = arith.addi %add3A_379, %add3A : i32
        %dma_start3A_381 = arith.constant 7 : i32
        %dma_start3A_382 = arith.constant 0 : i32
        %dma_start3A_383 = arith.constant 0 : i32
        %dma_start3A_384 = tpu.memref_slice %arg10[%dma_start3A_381, %dma_start3A_382, %dma_start3A_383] : memref<32x8x128xf32, #tpu.memory_space<vmem>> -> memref<1x8x128xf32, #tpu.memory_space<vmem>>
        %dma_start3A_385 = tpu.memref_squeeze %dma_start3A_384 : memref<1x8x128xf32, #tpu.memory_space<vmem>> -> memref<8x128xf32, #tpu.memory_space<vmem>>
        %dma_start3A_386 = arith.constant 0 : i32
        %dma_start3A_387 = arith.constant 0 : i32
        %dma_start3A_388 = tpu.memref_slice %arg4[%add3A_378, %add3A_380, %dma_start3A_386, %dma_start3A_387] : memref<200x128x8x128xf32, #tpu.memory_space<hbm>> -> memref<1x1x8x128xf32, #tpu.memory_space<hbm>>
        %dma_start3A_389 = tpu.memref_squeeze %dma_start3A_388 : memref<1x1x8x128xf32, #tpu.memory_space<hbm>> -> memref<8x128xf32, #tpu.memory_space<hbm>>
        %dma_start3A_390 = arith.constant 0 : i32
        %dma_start3A_391 = arith.constant 0 : i32
        %dma_start3A_392 = tpu.memref_slice %arg4[%add3A_378, %add3A_380, %dma_start3A_390, %dma_start3A_391] : memref<200x128x8x128xf32, #tpu.memory_space<hbm>> -> memref<1x1x8x128xf32, #tpu.memory_space<hbm>>
        %dma_start3A_393 = tpu.memref_squeeze %dma_start3A_392 : memref<1x1x8x128xf32, #tpu.memory_space<hbm>> -> memref<8x128xf32, #tpu.memory_space<hbm>>
        %dma_start3A_394 = arith.constant 0 : i32
        %dma_start3A_395 = arith.constant 0 : i32
        %dma_start3A_396 = tpu.memref_slice %arg10[%dma_start3A_381, %dma_start3A_394, %dma_start3A_395] : memref<32x8x128xf32, #tpu.memory_space<vmem>> -> memref<1x8x128xf32, #tpu.memory_space<vmem>>
        %dma_start3A_397 = tpu.memref_squeeze %dma_start3A_396 : memref<1x8x128xf32, #tpu.memory_space<vmem>> -> memref<8x128xf32, #tpu.memory_space<vmem>>
        tpu.enqueue_dma source(%dma_start3A_397 : memref<8x128xf32, #tpu.memory_space<vmem>>) target(%dma_start3A_393 : memref<8x128xf32, #tpu.memory_space<hbm>>) target_semaphore(%arg13 : memref<!tpu.dma_semaphore, #tpu.memory_space<semaphore_mem>>)
        %mul3A_398 = arith.constant 8 : i32
        %mul3A_399 = arith.muli %add3A_188, %mul3A_398 : i32
        %add3A_400 = arith.constant 2 : i32
        %add3A_401 = arith.addi %mul3A_399, %add3A_400 : i32
        %add3A_402 = arith.constant 0 : i32
        %add3A_403 = arith.addi %add3A_402, %add3A : i32
        %dma_start3A_404 = arith.constant 8 : i32
        %dma_start3A_405 = arith.constant 0 : i32
        %dma_start3A_406 = arith.constant 0 : i32
        %dma_start3A_407 = tpu.memref_slice %arg10[%dma_start3A_404, %dma_start3A_405, %dma_start3A_406] : memref<32x8x128xf32, #tpu.memory_space<vmem>> -> memref<1x8x128xf32, #tpu.memory_space<vmem>>
        %dma_start3A_408 = tpu.memref_squeeze %dma_start3A_407 : memref<1x8x128xf32, #tpu.memory_space<vmem>> -> memref<8x128xf32, #tpu.memory_space<vmem>>
        %dma_start3A_409 = arith.constant 0 : i32
        %dma_start3A_410 = arith.constant 0 : i32
        %dma_start3A_411 = tpu.memref_slice %arg4[%add3A_401, %add3A_403, %dma_start3A_409, %dma_start3A_410] : memref<200x128x8x128xf32, #tpu.memory_space<hbm>> -> memref<1x1x8x128xf32, #tpu.memory_space<hbm>>
        %dma_start3A_412 = tpu.memref_squeeze %dma_start3A_411 : memref<1x1x8x128xf32, #tpu.memory_space<hbm>> -> memref<8x128xf32, #tpu.memory_space<hbm>>
        %dma_start3A_413 = arith.constant 0 : i32
        %dma_start3A_414 = arith.constant 0 : i32
        %dma_start3A_415 = tpu.memref_slice %arg4[%add3A_401, %add3A_403, %dma_start3A_413, %dma_start3A_414] : memref<200x128x8x128xf32, #tpu.memory_space<hbm>> -> memref<1x1x8x128xf32, #tpu.memory_space<hbm>>
        %dma_start3A_416 = tpu.memref_squeeze %dma_start3A_415 : memref<1x1x8x128xf32, #tpu.memory_space<hbm>> -> memref<8x128xf32, #tpu.memory_space<hbm>>
        %dma_start3A_417 = arith.constant 0 : i32
        %dma_start3A_418 = arith.constant 0 : i32
        %dma_start3A_419 = tpu.memref_slice %arg10[%dma_start3A_404, %dma_start3A_417, %dma_start3A_418] : memref<32x8x128xf32, #tpu.memory_space<vmem>> -> memref<1x8x128xf32, #tpu.memory_space<vmem>>
        %dma_start3A_420 = tpu.memref_squeeze %dma_start3A_419 : memref<1x8x128xf32, #tpu.memory_space<vmem>> -> memref<8x128xf32, #tpu.memory_space<vmem>>
        tpu.enqueue_dma source(%dma_start3A_420 : memref<8x128xf32, #tpu.memory_space<vmem>>) target(%dma_start3A_416 : memref<8x128xf32, #tpu.memory_space<hbm>>) target_semaphore(%arg13 : memref<!tpu.dma_semaphore, #tpu.memory_space<semaphore_mem>>)
        %mul3A_421 = arith.constant 8 : i32
        %mul3A_422 = arith.muli %add3A_188, %mul3A_421 : i32
        %add3A_423 = arith.constant 2 : i32
        %add3A_424 = arith.addi %mul3A_422, %add3A_423 : i32
        %add3A_425 = arith.constant 32 : i32
        %add3A_426 = arith.addi %add3A_425, %add3A : i32
        %dma_start3A_427 = arith.constant 9 : i32
        %dma_start3A_428 = arith.constant 0 : i32
        %dma_start3A_429 = arith.constant 0 : i32
        %dma_start3A_430 = tpu.memref_slice %arg10[%dma_start3A_427, %dma_start3A_428, %dma_start3A_429] : memref<32x8x128xf32, #tpu.memory_space<vmem>> -> memref<1x8x128xf32, #tpu.memory_space<vmem>>
        %dma_start3A_431 = tpu.memref_squeeze %dma_start3A_430 : memref<1x8x128xf32, #tpu.memory_space<vmem>> -> memref<8x128xf32, #tpu.memory_space<vmem>>
        %dma_start3A_432 = arith.constant 0 : i32
        %dma_start3A_433 = arith.constant 0 : i32
        %dma_start3A_434 = tpu.memref_slice %arg4[%add3A_424, %add3A_426, %dma_start3A_432, %dma_start3A_433] : memref<200x128x8x128xf32, #tpu.memory_space<hbm>> -> memref<1x1x8x128xf32, #tpu.memory_space<hbm>>
        %dma_start3A_435 = tpu.memref_squeeze %dma_start3A_434 : memref<1x1x8x128xf32, #tpu.memory_space<hbm>> -> memref<8x128xf32, #tpu.memory_space<hbm>>
        %dma_start3A_436 = arith.constant 0 : i32
        %dma_start3A_437 = arith.constant 0 : i32
        %dma_start3A_438 = tpu.memref_slice %arg4[%add3A_424, %add3A_426, %dma_start3A_436, %dma_start3A_437] : memref<200x128x8x128xf32, #tpu.memory_space<hbm>> -> memref<1x1x8x128xf32, #tpu.memory_space<hbm>>
        %dma_start3A_439 = tpu.memref_squeeze %dma_start3A_438 : memref<1x1x8x128xf32, #tpu.memory_space<hbm>> -> memref<8x128xf32, #tpu.memory_space<hbm>>
        %dma_start3A_440 = arith.constant 0 : i32
        %dma_start3A_441 = arith.constant 0 : i32
        %dma_start3A_442 = tpu.memref_slice %arg10[%dma_start3A_427, %dma_start3A_440, %dma_start3A_441] : memref<32x8x128xf32, #tpu.memory_space<vmem>> -> memref<1x8x128xf32, #tpu.memory_space<vmem>>
        %dma_start3A_443 = tpu.memref_squeeze %dma_start3A_442 : memref<1x8x128xf32, #tpu.memory_space<vmem>> -> memref<8x128xf32, #tpu.memory_space<vmem>>
        tpu.enqueue_dma source(%dma_start3A_443 : memref<8x128xf32, #tpu.memory_space<vmem>>) target(%dma_start3A_439 : memref<8x128xf32, #tpu.memory_space<hbm>>) target_semaphore(%arg13 : memref<!tpu.dma_semaphore, #tpu.memory_space<semaphore_mem>>)
        %mul3A_444 = arith.constant 8 : i32
        %mul3A_445 = arith.muli %add3A_188, %mul3A_444 : i32
        %add3A_446 = arith.constant 2 : i32
        %add3A_447 = arith.addi %mul3A_445, %add3A_446 : i32
        %add3A_448 = arith.constant 64 : i32
        %add3A_449 = arith.addi %add3A_448, %add3A : i32
        %dma_start3A_450 = arith.constant 10 : i32
        %dma_start3A_451 = arith.constant 0 : i32
        %dma_start3A_452 = arith.constant 0 : i32
        %dma_start3A_453 = tpu.memref_slice %arg10[%dma_start3A_450, %dma_start3A_451, %dma_start3A_452] : memref<32x8x128xf32, #tpu.memory_space<vmem>> -> memref<1x8x128xf32, #tpu.memory_space<vmem>>
        %dma_start3A_454 = tpu.memref_squeeze %dma_start3A_453 : memref<1x8x128xf32, #tpu.memory_space<vmem>> -> memref<8x128xf32, #tpu.memory_space<vmem>>
        %dma_start3A_455 = arith.constant 0 : i32
        %dma_start3A_456 = arith.constant 0 : i32
        %dma_start3A_457 = tpu.memref_slice %arg4[%add3A_447, %add3A_449, %dma_start3A_455, %dma_start3A_456] : memref<200x128x8x128xf32, #tpu.memory_space<hbm>> -> memref<1x1x8x128xf32, #tpu.memory_space<hbm>>
        %dma_start3A_458 = tpu.memref_squeeze %dma_start3A_457 : memref<1x1x8x128xf32, #tpu.memory_space<hbm>> -> memref<8x128xf32, #tpu.memory_space<hbm>>
        %dma_start3A_459 = arith.constant 0 : i32
        %dma_start3A_460 = arith.constant 0 : i32
        %dma_start3A_461 = tpu.memref_slice %arg4[%add3A_447, %add3A_449, %dma_start3A_459, %dma_start3A_460] : memref<200x128x8x128xf32, #tpu.memory_space<hbm>> -> memref<1x1x8x128xf32, #tpu.memory_space<hbm>>
        %dma_start3A_462 = tpu.memref_squeeze %dma_start3A_461 : memref<1x1x8x128xf32, #tpu.memory_space<hbm>> -> memref<8x128xf32, #tpu.memory_space<hbm>>
        %dma_start3A_463 = arith.constant 0 : i32
        %dma_start3A_464 = arith.constant 0 : i32
        %dma_start3A_465 = tpu.memref_slice %arg10[%dma_start3A_450, %dma_start3A_463, %dma_start3A_464] : memref<32x8x128xf32, #tpu.memory_space<vmem>> -> memref<1x8x128xf32, #tpu.memory_space<vmem>>
        %dma_start3A_466 = tpu.memref_squeeze %dma_start3A_465 : memref<1x8x128xf32, #tpu.memory_space<vmem>> -> memref<8x128xf32, #tpu.memory_space<vmem>>
        tpu.enqueue_dma source(%dma_start3A_466 : memref<8x128xf32, #tpu.memory_space<vmem>>) target(%dma_start3A_462 : memref<8x128xf32, #tpu.memory_space<hbm>>) target_semaphore(%arg13 : memref<!tpu.dma_semaphore, #tpu.memory_space<semaphore_mem>>)
        %mul3A_467 = arith.constant 8 : i32
        %mul3A_468 = arith.muli %add3A_188, %mul3A_467 : i32
        %add3A_469 = arith.constant 2 : i32
        %add3A_470 = arith.addi %mul3A_468, %add3A_469 : i32
        %add3A_471 = arith.constant 96 : i32
        %add3A_472 = arith.addi %add3A_471, %add3A : i32
        %dma_start3A_473 = arith.constant 11 : i32
        %dma_start3A_474 = arith.constant 0 : i32
        %dma_start3A_475 = arith.constant 0 : i32
        %dma_start3A_476 = tpu.memref_slice %arg10[%dma_start3A_473, %dma_start3A_474, %dma_start3A_475] : memref<32x8x128xf32, #tpu.memory_space<vmem>> -> memref<1x8x128xf32, #tpu.memory_space<vmem>>
        %dma_start3A_477 = tpu.memref_squeeze %dma_start3A_476 : memref<1x8x128xf32, #tpu.memory_space<vmem>> -> memref<8x128xf32, #tpu.memory_space<vmem>>
        %dma_start3A_478 = arith.constant 0 : i32
        %dma_start3A_479 = arith.constant 0 : i32
        %dma_start3A_480 = tpu.memref_slice %arg4[%add3A_470, %add3A_472, %dma_start3A_478, %dma_start3A_479] : memref<200x128x8x128xf32, #tpu.memory_space<hbm>> -> memref<1x1x8x128xf32, #tpu.memory_space<hbm>>
        %dma_start3A_481 = tpu.memref_squeeze %dma_start3A_480 : memref<1x1x8x128xf32, #tpu.memory_space<hbm>> -> memref<8x128xf32, #tpu.memory_space<hbm>>
        %dma_start3A_482 = arith.constant 0 : i32
        %dma_start3A_483 = arith.constant 0 : i32
        %dma_start3A_484 = tpu.memref_slice %arg4[%add3A_470, %add3A_472, %dma_start3A_482, %dma_start3A_483] : memref<200x128x8x128xf32, #tpu.memory_space<hbm>> -> memref<1x1x8x128xf32, #tpu.memory_space<hbm>>
        %dma_start3A_485 = tpu.memref_squeeze %dma_start3A_484 : memref<1x1x8x128xf32, #tpu.memory_space<hbm>> -> memref<8x128xf32, #tpu.memory_space<hbm>>
        %dma_start3A_486 = arith.constant 0 : i32
        %dma_start3A_487 = arith.constant 0 : i32
        %dma_start3A_488 = tpu.memref_slice %arg10[%dma_start3A_473, %dma_start3A_486, %dma_start3A_487] : memref<32x8x128xf32, #tpu.memory_space<vmem>> -> memref<1x8x128xf32, #tpu.memory_space<vmem>>
        %dma_start3A_489 = tpu.memref_squeeze %dma_start3A_488 : memref<1x8x128xf32, #tpu.memory_space<vmem>> -> memref<8x128xf32, #tpu.memory_space<vmem>>
        tpu.enqueue_dma source(%dma_start3A_489 : memref<8x128xf32, #tpu.memory_space<vmem>>) target(%dma_start3A_485 : memref<8x128xf32, #tpu.memory_space<hbm>>) target_semaphore(%arg13 : memref<!tpu.dma_semaphore, #tpu.memory_space<semaphore_mem>>)
        %mul3A_490 = arith.constant 8 : i32
        %mul3A_491 = arith.muli %add3A_188, %mul3A_490 : i32
        %add3A_492 = arith.constant 3 : i32
        %add3A_493 = arith.addi %mul3A_491, %add3A_492 : i32
        %add3A_494 = arith.constant 0 : i32
        %add3A_495 = arith.addi %add3A_494, %add3A : i32
        %dma_start3A_496 = arith.constant 12 : i32
        %dma_start3A_497 = arith.constant 0 : i32
        %dma_start3A_498 = arith.constant 0 : i32
        %dma_start3A_499 = tpu.memref_slice %arg10[%dma_start3A_496, %dma_start3A_497, %dma_start3A_498] : memref<32x8x128xf32, #tpu.memory_space<vmem>> -> memref<1x8x128xf32, #tpu.memory_space<vmem>>
        %dma_start3A_500 = tpu.memref_squeeze %dma_start3A_499 : memref<1x8x128xf32, #tpu.memory_space<vmem>> -> memref<8x128xf32, #tpu.memory_space<vmem>>
        %dma_start3A_501 = arith.constant 0 : i32
        %dma_start3A_502 = arith.constant 0 : i32
        %dma_start3A_503 = tpu.memref_slice %arg4[%add3A_493, %add3A_495, %dma_start3A_501, %dma_start3A_502] : memref<200x128x8x128xf32, #tpu.memory_space<hbm>> -> memref<1x1x8x128xf32, #tpu.memory_space<hbm>>
        %dma_start3A_504 = tpu.memref_squeeze %dma_start3A_503 : memref<1x1x8x128xf32, #tpu.memory_space<hbm>> -> memref<8x128xf32, #tpu.memory_space<hbm>>
        %dma_start3A_505 = arith.constant 0 : i32
        %dma_start3A_506 = arith.constant 0 : i32
        %dma_start3A_507 = tpu.memref_slice %arg4[%add3A_493, %add3A_495, %dma_start3A_505, %dma_start3A_506] : memref<200x128x8x128xf32, #tpu.memory_space<hbm>> -> memref<1x1x8x128xf32, #tpu.memory_space<hbm>>
        %dma_start3A_508 = tpu.memref_squeeze %dma_start3A_507 : memref<1x1x8x128xf32, #tpu.memory_space<hbm>> -> memref<8x128xf32, #tpu.memory_space<hbm>>
        %dma_start3A_509 = arith.constant 0 : i32
        %dma_start3A_510 = arith.constant 0 : i32
        %dma_start3A_511 = tpu.memref_slice %arg10[%dma_start3A_496, %dma_start3A_509, %dma_start3A_510] : memref<32x8x128xf32, #tpu.memory_space<vmem>> -> memref<1x8x128xf32, #tpu.memory_space<vmem>>
        %dma_start3A_512 = tpu.memref_squeeze %dma_start3A_511 : memref<1x8x128xf32, #tpu.memory_space<vmem>> -> memref<8x128xf32, #tpu.memory_space<vmem>>
        tpu.enqueue_dma source(%dma_start3A_512 : memref<8x128xf32, #tpu.memory_space<vmem>>) target(%dma_start3A_508 : memref<8x128xf32, #tpu.memory_space<hbm>>) target_semaphore(%arg13 : memref<!tpu.dma_semaphore, #tpu.memory_space<semaphore_mem>>)
        %mul3A_513 = arith.constant 8 : i32
        %mul3A_514 = arith.muli %add3A_188, %mul3A_513 : i32
        %add3A_515 = arith.constant 3 : i32
        %add3A_516 = arith.addi %mul3A_514, %add3A_515 : i32
        %add3A_517 = arith.constant 32 : i32
        %add3A_518 = arith.addi %add3A_517, %add3A : i32
        %dma_start3A_519 = arith.constant 13 : i32
        %dma_start3A_520 = arith.constant 0 : i32
        %dma_start3A_521 = arith.constant 0 : i32
        %dma_start3A_522 = tpu.memref_slice %arg10[%dma_start3A_519, %dma_start3A_520, %dma_start3A_521] : memref<32x8x128xf32, #tpu.memory_space<vmem>> -> memref<1x8x128xf32, #tpu.memory_space<vmem>>
        %dma_start3A_523 = tpu.memref_squeeze %dma_start3A_522 : memref<1x8x128xf32, #tpu.memory_space<vmem>> -> memref<8x128xf32, #tpu.memory_space<vmem>>
        %dma_start3A_524 = arith.constant 0 : i32
        %dma_start3A_525 = arith.constant 0 : i32
        %dma_start3A_526 = tpu.memref_slice %arg4[%add3A_516, %add3A_518, %dma_start3A_524, %dma_start3A_525] : memref<200x128x8x128xf32, #tpu.memory_space<hbm>> -> memref<1x1x8x128xf32, #tpu.memory_space<hbm>>
        %dma_start3A_527 = tpu.memref_squeeze %dma_start3A_526 : memref<1x1x8x128xf32, #tpu.memory_space<hbm>> -> memref<8x128xf32, #tpu.memory_space<hbm>>
        %dma_start3A_528 = arith.constant 0 : i32
        %dma_start3A_529 = arith.constant 0 : i32
        %dma_start3A_530 = tpu.memref_slice %arg4[%add3A_516, %add3A_518, %dma_start3A_528, %dma_start3A_529] : memref<200x128x8x128xf32, #tpu.memory_space<hbm>> -> memref<1x1x8x128xf32, #tpu.memory_space<hbm>>
        %dma_start3A_531 = tpu.memref_squeeze %dma_start3A_530 : memref<1x1x8x128xf32, #tpu.memory_space<hbm>> -> memref<8x128xf32, #tpu.memory_space<hbm>>
        %dma_start3A_532 = arith.constant 0 : i32
        %dma_start3A_533 = arith.constant 0 : i32
        %dma_start3A_534 = tpu.memref_slice %arg10[%dma_start3A_519, %dma_start3A_532, %dma_start3A_533] : memref<32x8x128xf32, #tpu.memory_space<vmem>> -> memref<1x8x128xf32, #tpu.memory_space<vmem>>
        %dma_start3A_535 = tpu.memref_squeeze %dma_start3A_534 : memref<1x8x128xf32, #tpu.memory_space<vmem>> -> memref<8x128xf32, #tpu.memory_space<vmem>>
        tpu.enqueue_dma source(%dma_start3A_535 : memref<8x128xf32, #tpu.memory_space<vmem>>) target(%dma_start3A_531 : memref<8x128xf32, #tpu.memory_space<hbm>>) target_semaphore(%arg13 : memref<!tpu.dma_semaphore, #tpu.memory_space<semaphore_mem>>)
        %mul3A_536 = arith.constant 8 : i32
        %mul3A_537 = arith.muli %add3A_188, %mul3A_536 : i32
        %add3A_538 = arith.constant 3 : i32
        %add3A_539 = arith.addi %mul3A_537, %add3A_538 : i32
        %add3A_540 = arith.constant 64 : i32
        %add3A_541 = arith.addi %add3A_540, %add3A : i32
        %dma_start3A_542 = arith.constant 14 : i32
        %dma_start3A_543 = arith.constant 0 : i32
        %dma_start3A_544 = arith.constant 0 : i32
        %dma_start3A_545 = tpu.memref_slice %arg10[%dma_start3A_542, %dma_start3A_543, %dma_start3A_544] : memref<32x8x128xf32, #tpu.memory_space<vmem>> -> memref<1x8x128xf32, #tpu.memory_space<vmem>>
        %dma_start3A_546 = tpu.memref_squeeze %dma_start3A_545 : memref<1x8x128xf32, #tpu.memory_space<vmem>> -> memref<8x128xf32, #tpu.memory_space<vmem>>
        %dma_start3A_547 = arith.constant 0 : i32
        %dma_start3A_548 = arith.constant 0 : i32
        %dma_start3A_549 = tpu.memref_slice %arg4[%add3A_539, %add3A_541, %dma_start3A_547, %dma_start3A_548] : memref<200x128x8x128xf32, #tpu.memory_space<hbm>> -> memref<1x1x8x128xf32, #tpu.memory_space<hbm>>
        %dma_start3A_550 = tpu.memref_squeeze %dma_start3A_549 : memref<1x1x8x128xf32, #tpu.memory_space<hbm>> -> memref<8x128xf32, #tpu.memory_space<hbm>>
        %dma_start3A_551 = arith.constant 0 : i32
        %dma_start3A_552 = arith.constant 0 : i32
        %dma_start3A_553 = tpu.memref_slice %arg4[%add3A_539, %add3A_541, %dma_start3A_551, %dma_start3A_552] : memref<200x128x8x128xf32, #tpu.memory_space<hbm>> -> memref<1x1x8x128xf32, #tpu.memory_space<hbm>>
        %dma_start3A_554 = tpu.memref_squeeze %dma_start3A_553 : memref<1x1x8x128xf32, #tpu.memory_space<hbm>> -> memref<8x128xf32, #tpu.memory_space<hbm>>
        %dma_start3A_555 = arith.constant 0 : i32
        %dma_start3A_556 = arith.constant 0 : i32
        %dma_start3A_557 = tpu.memref_slice %arg10[%dma_start3A_542, %dma_start3A_555, %dma_start3A_556] : memref<32x8x128xf32, #tpu.memory_space<vmem>> -> memref<1x8x128xf32, #tpu.memory_space<vmem>>
        %dma_start3A_558 = tpu.memref_squeeze %dma_start3A_557 : memref<1x8x128xf32, #tpu.memory_space<vmem>> -> memref<8x128xf32, #tpu.memory_space<vmem>>
        tpu.enqueue_dma source(%dma_start3A_558 : memref<8x128xf32, #tpu.memory_space<vmem>>) target(%dma_start3A_554 : memref<8x128xf32, #tpu.memory_space<hbm>>) target_semaphore(%arg13 : memref<!tpu.dma_semaphore, #tpu.memory_space<semaphore_mem>>)
        %mul3A_559 = arith.constant 8 : i32
        %mul3A_560 = arith.muli %add3A_188, %mul3A_559 : i32
        %add3A_561 = arith.constant 3 : i32
        %add3A_562 = arith.addi %mul3A_560, %add3A_561 : i32
        %add3A_563 = arith.constant 96 : i32
        %add3A_564 = arith.addi %add3A_563, %add3A : i32
        %dma_start3A_565 = arith.constant 15 : i32
        %dma_start3A_566 = arith.constant 0 : i32
        %dma_start3A_567 = arith.constant 0 : i32
        %dma_start3A_568 = tpu.memref_slice %arg10[%dma_start3A_565, %dma_start3A_566, %dma_start3A_567] : memref<32x8x128xf32, #tpu.memory_space<vmem>> -> memref<1x8x128xf32, #tpu.memory_space<vmem>>
        %dma_start3A_569 = tpu.memref_squeeze %dma_start3A_568 : memref<1x8x128xf32, #tpu.memory_space<vmem>> -> memref<8x128xf32, #tpu.memory_space<vmem>>
        %dma_start3A_570 = arith.constant 0 : i32
        %dma_start3A_571 = arith.constant 0 : i32
        %dma_start3A_572 = tpu.memref_slice %arg4[%add3A_562, %add3A_564, %dma_start3A_570, %dma_start3A_571] : memref<200x128x8x128xf32, #tpu.memory_space<hbm>> -> memref<1x1x8x128xf32, #tpu.memory_space<hbm>>
        %dma_start3A_573 = tpu.memref_squeeze %dma_start3A_572 : memref<1x1x8x128xf32, #tpu.memory_space<hbm>> -> memref<8x128xf32, #tpu.memory_space<hbm>>
        %dma_start3A_574 = arith.constant 0 : i32
        %dma_start3A_575 = arith.constant 0 : i32
        %dma_start3A_576 = tpu.memref_slice %arg4[%add3A_562, %add3A_564, %dma_start3A_574, %dma_start3A_575] : memref<200x128x8x128xf32, #tpu.memory_space<hbm>> -> memref<1x1x8x128xf32, #tpu.memory_space<hbm>>
        %dma_start3A_577 = tpu.memref_squeeze %dma_start3A_576 : memref<1x1x8x128xf32, #tpu.memory_space<hbm>> -> memref<8x128xf32, #tpu.memory_space<hbm>>
        %dma_start3A_578 = arith.constant 0 : i32
        %dma_start3A_579 = arith.constant 0 : i32
        %dma_start3A_580 = tpu.memref_slice %arg10[%dma_start3A_565, %dma_start3A_578, %dma_start3A_579] : memref<32x8x128xf32, #tpu.memory_space<vmem>> -> memref<1x8x128xf32, #tpu.memory_space<vmem>>
        %dma_start3A_581 = tpu.memref_squeeze %dma_start3A_580 : memref<1x8x128xf32, #tpu.memory_space<vmem>> -> memref<8x128xf32, #tpu.memory_space<vmem>>
        tpu.enqueue_dma source(%dma_start3A_581 : memref<8x128xf32, #tpu.memory_space<vmem>>) target(%dma_start3A_577 : memref<8x128xf32, #tpu.memory_space<hbm>>) target_semaphore(%arg13 : memref<!tpu.dma_semaphore, #tpu.memory_space<semaphore_mem>>)
        %mul3A_582 = arith.constant 8 : i32
        %mul3A_583 = arith.muli %add3A_188, %mul3A_582 : i32
        %add3A_584 = arith.constant 4 : i32
        %add3A_585 = arith.addi %mul3A_583, %add3A_584 : i32
        %add3A_586 = arith.constant 0 : i32
        %add3A_587 = arith.addi %add3A_586, %add3A : i32
        %dma_start3A_588 = arith.constant 16 : i32
        %dma_start3A_589 = arith.constant 0 : i32
        %dma_start3A_590 = arith.constant 0 : i32
        %dma_start3A_591 = tpu.memref_slice %arg10[%dma_start3A_588, %dma_start3A_589, %dma_start3A_590] : memref<32x8x128xf32, #tpu.memory_space<vmem>> -> memref<1x8x128xf32, #tpu.memory_space<vmem>>
        %dma_start3A_592 = tpu.memref_squeeze %dma_start3A_591 : memref<1x8x128xf32, #tpu.memory_space<vmem>> -> memref<8x128xf32, #tpu.memory_space<vmem>>
        %dma_start3A_593 = arith.constant 0 : i32
        %dma_start3A_594 = arith.constant 0 : i32
        %dma_start3A_595 = tpu.memref_slice %arg4[%add3A_585, %add3A_587, %dma_start3A_593, %dma_start3A_594] : memref<200x128x8x128xf32, #tpu.memory_space<hbm>> -> memref<1x1x8x128xf32, #tpu.memory_space<hbm>>
        %dma_start3A_596 = tpu.memref_squeeze %dma_start3A_595 : memref<1x1x8x128xf32, #tpu.memory_space<hbm>> -> memref<8x128xf32, #tpu.memory_space<hbm>>
        %dma_start3A_597 = arith.constant 0 : i32
        %dma_start3A_598 = arith.constant 0 : i32
        %dma_start3A_599 = tpu.memref_slice %arg4[%add3A_585, %add3A_587, %dma_start3A_597, %dma_start3A_598] : memref<200x128x8x128xf32, #tpu.memory_space<hbm>> -> memref<1x1x8x128xf32, #tpu.memory_space<hbm>>
        %dma_start3A_600 = tpu.memref_squeeze %dma_start3A_599 : memref<1x1x8x128xf32, #tpu.memory_space<hbm>> -> memref<8x128xf32, #tpu.memory_space<hbm>>
        %dma_start3A_601 = arith.constant 0 : i32
        %dma_start3A_602 = arith.constant 0 : i32
        %dma_start3A_603 = tpu.memref_slice %arg10[%dma_start3A_588, %dma_start3A_601, %dma_start3A_602] : memref<32x8x128xf32, #tpu.memory_space<vmem>> -> memref<1x8x128xf32, #tpu.memory_space<vmem>>
        %dma_start3A_604 = tpu.memref_squeeze %dma_start3A_603 : memref<1x8x128xf32, #tpu.memory_space<vmem>> -> memref<8x128xf32, #tpu.memory_space<vmem>>
        tpu.enqueue_dma source(%dma_start3A_604 : memref<8x128xf32, #tpu.memory_space<vmem>>) target(%dma_start3A_600 : memref<8x128xf32, #tpu.memory_space<hbm>>) target_semaphore(%arg13 : memref<!tpu.dma_semaphore, #tpu.memory_space<semaphore_mem>>)
        %mul3A_605 = arith.constant 8 : i32
        %mul3A_606 = arith.muli %add3A_188, %mul3A_605 : i32
        %add3A_607 = arith.constant 4 : i32
        %add3A_608 = arith.addi %mul3A_606, %add3A_607 : i32
        %add3A_609 = arith.constant 32 : i32
        %add3A_610 = arith.addi %add3A_609, %add3A : i32
        %dma_start3A_611 = arith.constant 17 : i32
        %dma_start3A_612 = arith.constant 0 : i32
        %dma_start3A_613 = arith.constant 0 : i32
        %dma_start3A_614 = tpu.memref_slice %arg10[%dma_start3A_611, %dma_start3A_612, %dma_start3A_613] : memref<32x8x128xf32, #tpu.memory_space<vmem>> -> memref<1x8x128xf32, #tpu.memory_space<vmem>>
        %dma_start3A_615 = tpu.memref_squeeze %dma_start3A_614 : memref<1x8x128xf32, #tpu.memory_space<vmem>> -> memref<8x128xf32, #tpu.memory_space<vmem>>
        %dma_start3A_616 = arith.constant 0 : i32
        %dma_start3A_617 = arith.constant 0 : i32
        %dma_start3A_618 = tpu.memref_slice %arg4[%add3A_608, %add3A_610, %dma_start3A_616, %dma_start3A_617] : memref<200x128x8x128xf32, #tpu.memory_space<hbm>> -> memref<1x1x8x128xf32, #tpu.memory_space<hbm>>
        %dma_start3A_619 = tpu.memref_squeeze %dma_start3A_618 : memref<1x1x8x128xf32, #tpu.memory_space<hbm>> -> memref<8x128xf32, #tpu.memory_space<hbm>>
        %dma_start3A_620 = arith.constant 0 : i32
        %dma_start3A_621 = arith.constant 0 : i32
        %dma_start3A_622 = tpu.memref_slice %arg4[%add3A_608, %add3A_610, %dma_start3A_620, %dma_start3A_621] : memref<200x128x8x128xf32, #tpu.memory_space<hbm>> -> memref<1x1x8x128xf32, #tpu.memory_space<hbm>>
        %dma_start3A_623 = tpu.memref_squeeze %dma_start3A_622 : memref<1x1x8x128xf32, #tpu.memory_space<hbm>> -> memref<8x128xf32, #tpu.memory_space<hbm>>
        %dma_start3A_624 = arith.constant 0 : i32
        %dma_start3A_625 = arith.constant 0 : i32
        %dma_start3A_626 = tpu.memref_slice %arg10[%dma_start3A_611, %dma_start3A_624, %dma_start3A_625] : memref<32x8x128xf32, #tpu.memory_space<vmem>> -> memref<1x8x128xf32, #tpu.memory_space<vmem>>
        %dma_start3A_627 = tpu.memref_squeeze %dma_start3A_626 : memref<1x8x128xf32, #tpu.memory_space<vmem>> -> memref<8x128xf32, #tpu.memory_space<vmem>>
        tpu.enqueue_dma source(%dma_start3A_627 : memref<8x128xf32, #tpu.memory_space<vmem>>) target(%dma_start3A_623 : memref<8x128xf32, #tpu.memory_space<hbm>>) target_semaphore(%arg13 : memref<!tpu.dma_semaphore, #tpu.memory_space<semaphore_mem>>)
        %mul3A_628 = arith.constant 8 : i32
        %mul3A_629 = arith.muli %add3A_188, %mul3A_628 : i32
        %add3A_630 = arith.constant 4 : i32
        %add3A_631 = arith.addi %mul3A_629, %add3A_630 : i32
        %add3A_632 = arith.constant 64 : i32
        %add3A_633 = arith.addi %add3A_632, %add3A : i32
        %dma_start3A_634 = arith.constant 18 : i32
        %dma_start3A_635 = arith.constant 0 : i32
        %dma_start3A_636 = arith.constant 0 : i32
        %dma_start3A_637 = tpu.memref_slice %arg10[%dma_start3A_634, %dma_start3A_635, %dma_start3A_636] : memref<32x8x128xf32, #tpu.memory_space<vmem>> -> memref<1x8x128xf32, #tpu.memory_space<vmem>>
        %dma_start3A_638 = tpu.memref_squeeze %dma_start3A_637 : memref<1x8x128xf32, #tpu.memory_space<vmem>> -> memref<8x128xf32, #tpu.memory_space<vmem>>
        %dma_start3A_639 = arith.constant 0 : i32
        %dma_start3A_640 = arith.constant 0 : i32
        %dma_start3A_641 = tpu.memref_slice %arg4[%add3A_631, %add3A_633, %dma_start3A_639, %dma_start3A_640] : memref<200x128x8x128xf32, #tpu.memory_space<hbm>> -> memref<1x1x8x128xf32, #tpu.memory_space<hbm>>
        %dma_start3A_642 = tpu.memref_squeeze %dma_start3A_641 : memref<1x1x8x128xf32, #tpu.memory_space<hbm>> -> memref<8x128xf32, #tpu.memory_space<hbm>>
        %dma_start3A_643 = arith.constant 0 : i32
        %dma_start3A_644 = arith.constant 0 : i32
        %dma_start3A_645 = tpu.memref_slice %arg4[%add3A_631, %add3A_633, %dma_start3A_643, %dma_start3A_644] : memref<200x128x8x128xf32, #tpu.memory_space<hbm>> -> memref<1x1x8x128xf32, #tpu.memory_space<hbm>>
        %dma_start3A_646 = tpu.memref_squeeze %dma_start3A_645 : memref<1x1x8x128xf32, #tpu.memory_space<hbm>> -> memref<8x128xf32, #tpu.memory_space<hbm>>
        %dma_start3A_647 = arith.constant 0 : i32
        %dma_start3A_648 = arith.constant 0 : i32
        %dma_start3A_649 = tpu.memref_slice %arg10[%dma_start3A_634, %dma_start3A_647, %dma_start3A_648] : memref<32x8x128xf32, #tpu.memory_space<vmem>> -> memref<1x8x128xf32, #tpu.memory_space<vmem>>
        %dma_start3A_650 = tpu.memref_squeeze %dma_start3A_649 : memref<1x8x128xf32, #tpu.memory_space<vmem>> -> memref<8x128xf32, #tpu.memory_space<vmem>>
        tpu.enqueue_dma source(%dma_start3A_650 : memref<8x128xf32, #tpu.memory_space<vmem>>) target(%dma_start3A_646 : memref<8x128xf32, #tpu.memory_space<hbm>>) target_semaphore(%arg13 : memref<!tpu.dma_semaphore, #tpu.memory_space<semaphore_mem>>)
        %mul3A_651 = arith.constant 8 : i32
        %mul3A_652 = arith.muli %add3A_188, %mul3A_651 : i32
        %add3A_653 = arith.constant 4 : i32
        %add3A_654 = arith.addi %mul3A_652, %add3A_653 : i32
        %add3A_655 = arith.constant 96 : i32
        %add3A_656 = arith.addi %add3A_655, %add3A : i32
        %dma_start3A_657 = arith.constant 19 : i32
        %dma_start3A_658 = arith.constant 0 : i32
        %dma_start3A_659 = arith.constant 0 : i32
        %dma_start3A_660 = tpu.memref_slice %arg10[%dma_start3A_657, %dma_start3A_658, %dma_start3A_659] : memref<32x8x128xf32, #tpu.memory_space<vmem>> -> memref<1x8x128xf32, #tpu.memory_space<vmem>>
        %dma_start3A_661 = tpu.memref_squeeze %dma_start3A_660 : memref<1x8x128xf32, #tpu.memory_space<vmem>> -> memref<8x128xf32, #tpu.memory_space<vmem>>
        %dma_start3A_662 = arith.constant 0 : i32
        %dma_start3A_663 = arith.constant 0 : i32
        %dma_start3A_664 = tpu.memref_slice %arg4[%add3A_654, %add3A_656, %dma_start3A_662, %dma_start3A_663] : memref<200x128x8x128xf32, #tpu.memory_space<hbm>> -> memref<1x1x8x128xf32, #tpu.memory_space<hbm>>
        %dma_start3A_665 = tpu.memref_squeeze %dma_start3A_664 : memref<1x1x8x128xf32, #tpu.memory_space<hbm>> -> memref<8x128xf32, #tpu.memory_space<hbm>>
        %dma_start3A_666 = arith.constant 0 : i32
        %dma_start3A_667 = arith.constant 0 : i32
        %dma_start3A_668 = tpu.memref_slice %arg4[%add3A_654, %add3A_656, %dma_start3A_666, %dma_start3A_667] : memref<200x128x8x128xf32, #tpu.memory_space<hbm>> -> memref<1x1x8x128xf32, #tpu.memory_space<hbm>>
        %dma_start3A_669 = tpu.memref_squeeze %dma_start3A_668 : memref<1x1x8x128xf32, #tpu.memory_space<hbm>> -> memref<8x128xf32, #tpu.memory_space<hbm>>
        %dma_start3A_670 = arith.constant 0 : i32
        %dma_start3A_671 = arith.constant 0 : i32
        %dma_start3A_672 = tpu.memref_slice %arg10[%dma_start3A_657, %dma_start3A_670, %dma_start3A_671] : memref<32x8x128xf32, #tpu.memory_space<vmem>> -> memref<1x8x128xf32, #tpu.memory_space<vmem>>
        %dma_start3A_673 = tpu.memref_squeeze %dma_start3A_672 : memref<1x8x128xf32, #tpu.memory_space<vmem>> -> memref<8x128xf32, #tpu.memory_space<vmem>>
        tpu.enqueue_dma source(%dma_start3A_673 : memref<8x128xf32, #tpu.memory_space<vmem>>) target(%dma_start3A_669 : memref<8x128xf32, #tpu.memory_space<hbm>>) target_semaphore(%arg13 : memref<!tpu.dma_semaphore, #tpu.memory_space<semaphore_mem>>)
        %mul3A_674 = arith.constant 8 : i32
        %mul3A_675 = arith.muli %add3A_188, %mul3A_674 : i32
        %add3A_676 = arith.constant 5 : i32
        %add3A_677 = arith.addi %mul3A_675, %add3A_676 : i32
        %add3A_678 = arith.constant 0 : i32
        %add3A_679 = arith.addi %add3A_678, %add3A : i32
        %dma_start3A_680 = arith.constant 20 : i32
        %dma_start3A_681 = arith.constant 0 : i32
        %dma_start3A_682 = arith.constant 0 : i32
        %dma_start3A_683 = tpu.memref_slice %arg10[%dma_start3A_680, %dma_start3A_681, %dma_start3A_682] : memref<32x8x128xf32, #tpu.memory_space<vmem>> -> memref<1x8x128xf32, #tpu.memory_space<vmem>>
        %dma_start3A_684 = tpu.memref_squeeze %dma_start3A_683 : memref<1x8x128xf32, #tpu.memory_space<vmem>> -> memref<8x128xf32, #tpu.memory_space<vmem>>
        %dma_start3A_685 = arith.constant 0 : i32
        %dma_start3A_686 = arith.constant 0 : i32
        %dma_start3A_687 = tpu.memref_slice %arg4[%add3A_677, %add3A_679, %dma_start3A_685, %dma_start3A_686] : memref<200x128x8x128xf32, #tpu.memory_space<hbm>> -> memref<1x1x8x128xf32, #tpu.memory_space<hbm>>
        %dma_start3A_688 = tpu.memref_squeeze %dma_start3A_687 : memref<1x1x8x128xf32, #tpu.memory_space<hbm>> -> memref<8x128xf32, #tpu.memory_space<hbm>>
        %dma_start3A_689 = arith.constant 0 : i32
        %dma_start3A_690 = arith.constant 0 : i32
        %dma_start3A_691 = tpu.memref_slice %arg4[%add3A_677, %add3A_679, %dma_start3A_689, %dma_start3A_690] : memref<200x128x8x128xf32, #tpu.memory_space<hbm>> -> memref<1x1x8x128xf32, #tpu.memory_space<hbm>>
        %dma_start3A_692 = tpu.memref_squeeze %dma_start3A_691 : memref<1x1x8x128xf32, #tpu.memory_space<hbm>> -> memref<8x128xf32, #tpu.memory_space<hbm>>
        %dma_start3A_693 = arith.constant 0 : i32
        %dma_start3A_694 = arith.constant 0 : i32
        %dma_start3A_695 = tpu.memref_slice %arg10[%dma_start3A_680, %dma_start3A_693, %dma_start3A_694] : memref<32x8x128xf32, #tpu.memory_space<vmem>> -> memref<1x8x128xf32, #tpu.memory_space<vmem>>
        %dma_start3A_696 = tpu.memref_squeeze %dma_start3A_695 : memref<1x8x128xf32, #tpu.memory_space<vmem>> -> memref<8x128xf32, #tpu.memory_space<vmem>>
        tpu.enqueue_dma source(%dma_start3A_696 : memref<8x128xf32, #tpu.memory_space<vmem>>) target(%dma_start3A_692 : memref<8x128xf32, #tpu.memory_space<hbm>>) target_semaphore(%arg13 : memref<!tpu.dma_semaphore, #tpu.memory_space<semaphore_mem>>)
        %mul3A_697 = arith.constant 8 : i32
        %mul3A_698 = arith.muli %add3A_188, %mul3A_697 : i32
        %add3A_699 = arith.constant 5 : i32
        %add3A_700 = arith.addi %mul3A_698, %add3A_699 : i32
        %add3A_701 = arith.constant 32 : i32
        %add3A_702 = arith.addi %add3A_701, %add3A : i32
        %dma_start3A_703 = arith.constant 21 : i32
        %dma_start3A_704 = arith.constant 0 : i32
        %dma_start3A_705 = arith.constant 0 : i32
        %dma_start3A_706 = tpu.memref_slice %arg10[%dma_start3A_703, %dma_start3A_704, %dma_start3A_705] : memref<32x8x128xf32, #tpu.memory_space<vmem>> -> memref<1x8x128xf32, #tpu.memory_space<vmem>>
        %dma_start3A_707 = tpu.memref_squeeze %dma_start3A_706 : memref<1x8x128xf32, #tpu.memory_space<vmem>> -> memref<8x128xf32, #tpu.memory_space<vmem>>
        %dma_start3A_708 = arith.constant 0 : i32
        %dma_start3A_709 = arith.constant 0 : i32
        %dma_start3A_710 = tpu.memref_slice %arg4[%add3A_700, %add3A_702, %dma_start3A_708, %dma_start3A_709] : memref<200x128x8x128xf32, #tpu.memory_space<hbm>> -> memref<1x1x8x128xf32, #tpu.memory_space<hbm>>
        %dma_start3A_711 = tpu.memref_squeeze %dma_start3A_710 : memref<1x1x8x128xf32, #tpu.memory_space<hbm>> -> memref<8x128xf32, #tpu.memory_space<hbm>>
        %dma_start3A_712 = arith.constant 0 : i32
        %dma_start3A_713 = arith.constant 0 : i32
        %dma_start3A_714 = tpu.memref_slice %arg4[%add3A_700, %add3A_702, %dma_start3A_712, %dma_start3A_713] : memref<200x128x8x128xf32, #tpu.memory_space<hbm>> -> memref<1x1x8x128xf32, #tpu.memory_space<hbm>>
        %dma_start3A_715 = tpu.memref_squeeze %dma_start3A_714 : memref<1x1x8x128xf32, #tpu.memory_space<hbm>> -> memref<8x128xf32, #tpu.memory_space<hbm>>
        %dma_start3A_716 = arith.constant 0 : i32
        %dma_start3A_717 = arith.constant 0 : i32
        %dma_start3A_718 = tpu.memref_slice %arg10[%dma_start3A_703, %dma_start3A_716, %dma_start3A_717] : memref<32x8x128xf32, #tpu.memory_space<vmem>> -> memref<1x8x128xf32, #tpu.memory_space<vmem>>
        %dma_start3A_719 = tpu.memref_squeeze %dma_start3A_718 : memref<1x8x128xf32, #tpu.memory_space<vmem>> -> memref<8x128xf32, #tpu.memory_space<vmem>>
        tpu.enqueue_dma source(%dma_start3A_719 : memref<8x128xf32, #tpu.memory_space<vmem>>) target(%dma_start3A_715 : memref<8x128xf32, #tpu.memory_space<hbm>>) target_semaphore(%arg13 : memref<!tpu.dma_semaphore, #tpu.memory_space<semaphore_mem>>)
        %mul3A_720 = arith.constant 8 : i32
        %mul3A_721 = arith.muli %add3A_188, %mul3A_720 : i32
        %add3A_722 = arith.constant 5 : i32
        %add3A_723 = arith.addi %mul3A_721, %add3A_722 : i32
        %add3A_724 = arith.constant 64 : i32
        %add3A_725 = arith.addi %add3A_724, %add3A : i32
        %dma_start3A_726 = arith.constant 22 : i32
        %dma_start3A_727 = arith.constant 0 : i32
        %dma_start3A_728 = arith.constant 0 : i32
        %dma_start3A_729 = tpu.memref_slice %arg10[%dma_start3A_726, %dma_start3A_727, %dma_start3A_728] : memref<32x8x128xf32, #tpu.memory_space<vmem>> -> memref<1x8x128xf32, #tpu.memory_space<vmem>>
        %dma_start3A_730 = tpu.memref_squeeze %dma_start3A_729 : memref<1x8x128xf32, #tpu.memory_space<vmem>> -> memref<8x128xf32, #tpu.memory_space<vmem>>
        %dma_start3A_731 = arith.constant 0 : i32
        %dma_start3A_732 = arith.constant 0 : i32
        %dma_start3A_733 = tpu.memref_slice %arg4[%add3A_723, %add3A_725, %dma_start3A_731, %dma_start3A_732] : memref<200x128x8x128xf32, #tpu.memory_space<hbm>> -> memref<1x1x8x128xf32, #tpu.memory_space<hbm>>
        %dma_start3A_734 = tpu.memref_squeeze %dma_start3A_733 : memref<1x1x8x128xf32, #tpu.memory_space<hbm>> -> memref<8x128xf32, #tpu.memory_space<hbm>>
        %dma_start3A_735 = arith.constant 0 : i32
        %dma_start3A_736 = arith.constant 0 : i32
        %dma_start3A_737 = tpu.memref_slice %arg4[%add3A_723, %add3A_725, %dma_start3A_735, %dma_start3A_736] : memref<200x128x8x128xf32, #tpu.memory_space<hbm>> -> memref<1x1x8x128xf32, #tpu.memory_space<hbm>>
        %dma_start3A_738 = tpu.memref_squeeze %dma_start3A_737 : memref<1x1x8x128xf32, #tpu.memory_space<hbm>> -> memref<8x128xf32, #tpu.memory_space<hbm>>
        %dma_start3A_739 = arith.constant 0 : i32
        %dma_start3A_740 = arith.constant 0 : i32
        %dma_start3A_741 = tpu.memref_slice %arg10[%dma_start3A_726, %dma_start3A_739, %dma_start3A_740] : memref<32x8x128xf32, #tpu.memory_space<vmem>> -> memref<1x8x128xf32, #tpu.memory_space<vmem>>
        %dma_start3A_742 = tpu.memref_squeeze %dma_start3A_741 : memref<1x8x128xf32, #tpu.memory_space<vmem>> -> memref<8x128xf32, #tpu.memory_space<vmem>>
        tpu.enqueue_dma source(%dma_start3A_742 : memref<8x128xf32, #tpu.memory_space<vmem>>) target(%dma_start3A_738 : memref<8x128xf32, #tpu.memory_space<hbm>>) target_semaphore(%arg13 : memref<!tpu.dma_semaphore, #tpu.memory_space<semaphore_mem>>)
        %mul3A_743 = arith.constant 8 : i32
        %mul3A_744 = arith.muli %add3A_188, %mul3A_743 : i32
        %add3A_745 = arith.constant 5 : i32
        %add3A_746 = arith.addi %mul3A_744, %add3A_745 : i32
        %add3A_747 = arith.constant 96 : i32
        %add3A_748 = arith.addi %add3A_747, %add3A : i32
        %dma_start3A_749 = arith.constant 23 : i32
        %dma_start3A_750 = arith.constant 0 : i32
        %dma_start3A_751 = arith.constant 0 : i32
        %dma_start3A_752 = tpu.memref_slice %arg10[%dma_start3A_749, %dma_start3A_750, %dma_start3A_751] : memref<32x8x128xf32, #tpu.memory_space<vmem>> -> memref<1x8x128xf32, #tpu.memory_space<vmem>>
        %dma_start3A_753 = tpu.memref_squeeze %dma_start3A_752 : memref<1x8x128xf32, #tpu.memory_space<vmem>> -> memref<8x128xf32, #tpu.memory_space<vmem>>
        %dma_start3A_754 = arith.constant 0 : i32
        %dma_start3A_755 = arith.constant 0 : i32
        %dma_start3A_756 = tpu.memref_slice %arg4[%add3A_746, %add3A_748, %dma_start3A_754, %dma_start3A_755] : memref<200x128x8x128xf32, #tpu.memory_space<hbm>> -> memref<1x1x8x128xf32, #tpu.memory_space<hbm>>
        %dma_start3A_757 = tpu.memref_squeeze %dma_start3A_756 : memref<1x1x8x128xf32, #tpu.memory_space<hbm>> -> memref<8x128xf32, #tpu.memory_space<hbm>>
        %dma_start3A_758 = arith.constant 0 : i32
        %dma_start3A_759 = arith.constant 0 : i32
        %dma_start3A_760 = tpu.memref_slice %arg4[%add3A_746, %add3A_748, %dma_start3A_758, %dma_start3A_759] : memref<200x128x8x128xf32, #tpu.memory_space<hbm>> -> memref<1x1x8x128xf32, #tpu.memory_space<hbm>>
        %dma_start3A_761 = tpu.memref_squeeze %dma_start3A_760 : memref<1x1x8x128xf32, #tpu.memory_space<hbm>> -> memref<8x128xf32, #tpu.memory_space<hbm>>
        %dma_start3A_762 = arith.constant 0 : i32
        %dma_start3A_763 = arith.constant 0 : i32
        %dma_start3A_764 = tpu.memref_slice %arg10[%dma_start3A_749, %dma_start3A_762, %dma_start3A_763] : memref<32x8x128xf32, #tpu.memory_space<vmem>> -> memref<1x8x128xf32, #tpu.memory_space<vmem>>
        %dma_start3A_765 = tpu.memref_squeeze %dma_start3A_764 : memref<1x8x128xf32, #tpu.memory_space<vmem>> -> memref<8x128xf32, #tpu.memory_space<vmem>>
        tpu.enqueue_dma source(%dma_start3A_765 : memref<8x128xf32, #tpu.memory_space<vmem>>) target(%dma_start3A_761 : memref<8x128xf32, #tpu.memory_space<hbm>>) target_semaphore(%arg13 : memref<!tpu.dma_semaphore, #tpu.memory_space<semaphore_mem>>)
        %mul3A_766 = arith.constant 8 : i32
        %mul3A_767 = arith.muli %add3A_188, %mul3A_766 : i32
        %add3A_768 = arith.constant 6 : i32
        %add3A_769 = arith.addi %mul3A_767, %add3A_768 : i32
        %add3A_770 = arith.constant 0 : i32
        %add3A_771 = arith.addi %add3A_770, %add3A : i32
        %dma_start3A_772 = arith.constant 24 : i32
        %dma_start3A_773 = arith.constant 0 : i32
        %dma_start3A_774 = arith.constant 0 : i32
        %dma_start3A_775 = tpu.memref_slice %arg10[%dma_start3A_772, %dma_start3A_773, %dma_start3A_774] : memref<32x8x128xf32, #tpu.memory_space<vmem>> -> memref<1x8x128xf32, #tpu.memory_space<vmem>>
        %dma_start3A_776 = tpu.memref_squeeze %dma_start3A_775 : memref<1x8x128xf32, #tpu.memory_space<vmem>> -> memref<8x128xf32, #tpu.memory_space<vmem>>
        %dma_start3A_777 = arith.constant 0 : i32
        %dma_start3A_778 = arith.constant 0 : i32
        %dma_start3A_779 = tpu.memref_slice %arg4[%add3A_769, %add3A_771, %dma_start3A_777, %dma_start3A_778] : memref<200x128x8x128xf32, #tpu.memory_space<hbm>> -> memref<1x1x8x128xf32, #tpu.memory_space<hbm>>
        %dma_start3A_780 = tpu.memref_squeeze %dma_start3A_779 : memref<1x1x8x128xf32, #tpu.memory_space<hbm>> -> memref<8x128xf32, #tpu.memory_space<hbm>>
        %dma_start3A_781 = arith.constant 0 : i32
        %dma_start3A_782 = arith.constant 0 : i32
        %dma_start3A_783 = tpu.memref_slice %arg4[%add3A_769, %add3A_771, %dma_start3A_781, %dma_start3A_782] : memref<200x128x8x128xf32, #tpu.memory_space<hbm>> -> memref<1x1x8x128xf32, #tpu.memory_space<hbm>>
        %dma_start3A_784 = tpu.memref_squeeze %dma_start3A_783 : memref<1x1x8x128xf32, #tpu.memory_space<hbm>> -> memref<8x128xf32, #tpu.memory_space<hbm>>
        %dma_start3A_785 = arith.constant 0 : i32
        %dma_start3A_786 = arith.constant 0 : i32
        %dma_start3A_787 = tpu.memref_slice %arg10[%dma_start3A_772, %dma_start3A_785, %dma_start3A_786] : memref<32x8x128xf32, #tpu.memory_space<vmem>> -> memref<1x8x128xf32, #tpu.memory_space<vmem>>
        %dma_start3A_788 = tpu.memref_squeeze %dma_start3A_787 : memref<1x8x128xf32, #tpu.memory_space<vmem>> -> memref<8x128xf32, #tpu.memory_space<vmem>>
        tpu.enqueue_dma source(%dma_start3A_788 : memref<8x128xf32, #tpu.memory_space<vmem>>) target(%dma_start3A_784 : memref<8x128xf32, #tpu.memory_space<hbm>>) target_semaphore(%arg13 : memref<!tpu.dma_semaphore, #tpu.memory_space<semaphore_mem>>)
        %mul3A_789 = arith.constant 8 : i32
        %mul3A_790 = arith.muli %add3A_188, %mul3A_789 : i32
        %add3A_791 = arith.constant 6 : i32
        %add3A_792 = arith.addi %mul3A_790, %add3A_791 : i32
        %add3A_793 = arith.constant 32 : i32
        %add3A_794 = arith.addi %add3A_793, %add3A : i32
        %dma_start3A_795 = arith.constant 25 : i32
        %dma_start3A_796 = arith.constant 0 : i32
        %dma_start3A_797 = arith.constant 0 : i32
        %dma_start3A_798 = tpu.memref_slice %arg10[%dma_start3A_795, %dma_start3A_796, %dma_start3A_797] : memref<32x8x128xf32, #tpu.memory_space<vmem>> -> memref<1x8x128xf32, #tpu.memory_space<vmem>>
        %dma_start3A_799 = tpu.memref_squeeze %dma_start3A_798 : memref<1x8x128xf32, #tpu.memory_space<vmem>> -> memref<8x128xf32, #tpu.memory_space<vmem>>
        %dma_start3A_800 = arith.constant 0 : i32
        %dma_start3A_801 = arith.constant 0 : i32
        %dma_start3A_802 = tpu.memref_slice %arg4[%add3A_792, %add3A_794, %dma_start3A_800, %dma_start3A_801] : memref<200x128x8x128xf32, #tpu.memory_space<hbm>> -> memref<1x1x8x128xf32, #tpu.memory_space<hbm>>
        %dma_start3A_803 = tpu.memref_squeeze %dma_start3A_802 : memref<1x1x8x128xf32, #tpu.memory_space<hbm>> -> memref<8x128xf32, #tpu.memory_space<hbm>>
        %dma_start3A_804 = arith.constant 0 : i32
        %dma_start3A_805 = arith.constant 0 : i32
        %dma_start3A_806 = tpu.memref_slice %arg4[%add3A_792, %add3A_794, %dma_start3A_804, %dma_start3A_805] : memref<200x128x8x128xf32, #tpu.memory_space<hbm>> -> memref<1x1x8x128xf32, #tpu.memory_space<hbm>>
        %dma_start3A_807 = tpu.memref_squeeze %dma_start3A_806 : memref<1x1x8x128xf32, #tpu.memory_space<hbm>> -> memref<8x128xf32, #tpu.memory_space<hbm>>
        %dma_start3A_808 = arith.constant 0 : i32
        %dma_start3A_809 = arith.constant 0 : i32
        %dma_start3A_810 = tpu.memref_slice %arg10[%dma_start3A_795, %dma_start3A_808, %dma_start3A_809] : memref<32x8x128xf32, #tpu.memory_space<vmem>> -> memref<1x8x128xf32, #tpu.memory_space<vmem>>
        %dma_start3A_811 = tpu.memref_squeeze %dma_start3A_810 : memref<1x8x128xf32, #tpu.memory_space<vmem>> -> memref<8x128xf32, #tpu.memory_space<vmem>>
        tpu.enqueue_dma source(%dma_start3A_811 : memref<8x128xf32, #tpu.memory_space<vmem>>) target(%dma_start3A_807 : memref<8x128xf32, #tpu.memory_space<hbm>>) target_semaphore(%arg13 : memref<!tpu.dma_semaphore, #tpu.memory_space<semaphore_mem>>)
        %mul3A_812 = arith.constant 8 : i32
        %mul3A_813 = arith.muli %add3A_188, %mul3A_812 : i32
        %add3A_814 = arith.constant 6 : i32
        %add3A_815 = arith.addi %mul3A_813, %add3A_814 : i32
        %add3A_816 = arith.constant 64 : i32
        %add3A_817 = arith.addi %add3A_816, %add3A : i32
        %dma_start3A_818 = arith.constant 26 : i32
        %dma_start3A_819 = arith.constant 0 : i32
        %dma_start3A_820 = arith.constant 0 : i32
        %dma_start3A_821 = tpu.memref_slice %arg10[%dma_start3A_818, %dma_start3A_819, %dma_start3A_820] : memref<32x8x128xf32, #tpu.memory_space<vmem>> -> memref<1x8x128xf32, #tpu.memory_space<vmem>>
        %dma_start3A_822 = tpu.memref_squeeze %dma_start3A_821 : memref<1x8x128xf32, #tpu.memory_space<vmem>> -> memref<8x128xf32, #tpu.memory_space<vmem>>
        %dma_start3A_823 = arith.constant 0 : i32
        %dma_start3A_824 = arith.constant 0 : i32
        %dma_start3A_825 = tpu.memref_slice %arg4[%add3A_815, %add3A_817, %dma_start3A_823, %dma_start3A_824] : memref<200x128x8x128xf32, #tpu.memory_space<hbm>> -> memref<1x1x8x128xf32, #tpu.memory_space<hbm>>
        %dma_start3A_826 = tpu.memref_squeeze %dma_start3A_825 : memref<1x1x8x128xf32, #tpu.memory_space<hbm>> -> memref<8x128xf32, #tpu.memory_space<hbm>>
        %dma_start3A_827 = arith.constant 0 : i32
        %dma_start3A_828 = arith.constant 0 : i32
        %dma_start3A_829 = tpu.memref_slice %arg4[%add3A_815, %add3A_817, %dma_start3A_827, %dma_start3A_828] : memref<200x128x8x128xf32, #tpu.memory_space<hbm>> -> memref<1x1x8x128xf32, #tpu.memory_space<hbm>>
        %dma_start3A_830 = tpu.memref_squeeze %dma_start3A_829 : memref<1x1x8x128xf32, #tpu.memory_space<hbm>> -> memref<8x128xf32, #tpu.memory_space<hbm>>
        %dma_start3A_831 = arith.constant 0 : i32
        %dma_start3A_832 = arith.constant 0 : i32
        %dma_start3A_833 = tpu.memref_slice %arg10[%dma_start3A_818, %dma_start3A_831, %dma_start3A_832] : memref<32x8x128xf32, #tpu.memory_space<vmem>> -> memref<1x8x128xf32, #tpu.memory_space<vmem>>
        %dma_start3A_834 = tpu.memref_squeeze %dma_start3A_833 : memref<1x8x128xf32, #tpu.memory_space<vmem>> -> memref<8x128xf32, #tpu.memory_space<vmem>>
        tpu.enqueue_dma source(%dma_start3A_834 : memref<8x128xf32, #tpu.memory_space<vmem>>) target(%dma_start3A_830 : memref<8x128xf32, #tpu.memory_space<hbm>>) target_semaphore(%arg13 : memref<!tpu.dma_semaphore, #tpu.memory_space<semaphore_mem>>)
        %mul3A_835 = arith.constant 8 : i32
        %mul3A_836 = arith.muli %add3A_188, %mul3A_835 : i32
        %add3A_837 = arith.constant 6 : i32
        %add3A_838 = arith.addi %mul3A_836, %add3A_837 : i32
        %add3A_839 = arith.constant 96 : i32
        %add3A_840 = arith.addi %add3A_839, %add3A : i32
        %dma_start3A_841 = arith.constant 27 : i32
        %dma_start3A_842 = arith.constant 0 : i32
        %dma_start3A_843 = arith.constant 0 : i32
        %dma_start3A_844 = tpu.memref_slice %arg10[%dma_start3A_841, %dma_start3A_842, %dma_start3A_843] : memref<32x8x128xf32, #tpu.memory_space<vmem>> -> memref<1x8x128xf32, #tpu.memory_space<vmem>>
        %dma_start3A_845 = tpu.memref_squeeze %dma_start3A_844 : memref<1x8x128xf32, #tpu.memory_space<vmem>> -> memref<8x128xf32, #tpu.memory_space<vmem>>
        %dma_start3A_846 = arith.constant 0 : i32
        %dma_start3A_847 = arith.constant 0 : i32
        %dma_start3A_848 = tpu.memref_slice %arg4[%add3A_838, %add3A_840, %dma_start3A_846, %dma_start3A_847] : memref<200x128x8x128xf32, #tpu.memory_space<hbm>> -> memref<1x1x8x128xf32, #tpu.memory_space<hbm>>
        %dma_start3A_849 = tpu.memref_squeeze %dma_start3A_848 : memref<1x1x8x128xf32, #tpu.memory_space<hbm>> -> memref<8x128xf32, #tpu.memory_space<hbm>>
        %dma_start3A_850 = arith.constant 0 : i32
        %dma_start3A_851 = arith.constant 0 : i32
        %dma_start3A_852 = tpu.memref_slice %arg4[%add3A_838, %add3A_840, %dma_start3A_850, %dma_start3A_851] : memref<200x128x8x128xf32, #tpu.memory_space<hbm>> -> memref<1x1x8x128xf32, #tpu.memory_space<hbm>>
        %dma_start3A_853 = tpu.memref_squeeze %dma_start3A_852 : memref<1x1x8x128xf32, #tpu.memory_space<hbm>> -> memref<8x128xf32, #tpu.memory_space<hbm>>
        %dma_start3A_854 = arith.constant 0 : i32
        %dma_start3A_855 = arith.constant 0 : i32
        %dma_start3A_856 = tpu.memref_slice %arg10[%dma_start3A_841, %dma_start3A_854, %dma_start3A_855] : memref<32x8x128xf32, #tpu.memory_space<vmem>> -> memref<1x8x128xf32, #tpu.memory_space<vmem>>
        %dma_start3A_857 = tpu.memref_squeeze %dma_start3A_856 : memref<1x8x128xf32, #tpu.memory_space<vmem>> -> memref<8x128xf32, #tpu.memory_space<vmem>>
        tpu.enqueue_dma source(%dma_start3A_857 : memref<8x128xf32, #tpu.memory_space<vmem>>) target(%dma_start3A_853 : memref<8x128xf32, #tpu.memory_space<hbm>>) target_semaphore(%arg13 : memref<!tpu.dma_semaphore, #tpu.memory_space<semaphore_mem>>)
        %mul3A_858 = arith.constant 8 : i32
        %mul3A_859 = arith.muli %add3A_188, %mul3A_858 : i32
        %add3A_860 = arith.constant 7 : i32
        %add3A_861 = arith.addi %mul3A_859, %add3A_860 : i32
        %add3A_862 = arith.constant 0 : i32
        %add3A_863 = arith.addi %add3A_862, %add3A : i32
        %dma_start3A_864 = arith.constant 28 : i32
        %dma_start3A_865 = arith.constant 0 : i32
        %dma_start3A_866 = arith.constant 0 : i32
        %dma_start3A_867 = tpu.memref_slice %arg10[%dma_start3A_864, %dma_start3A_865, %dma_start3A_866] : memref<32x8x128xf32, #tpu.memory_space<vmem>> -> memref<1x8x128xf32, #tpu.memory_space<vmem>>
        %dma_start3A_868 = tpu.memref_squeeze %dma_start3A_867 : memref<1x8x128xf32, #tpu.memory_space<vmem>> -> memref<8x128xf32, #tpu.memory_space<vmem>>
        %dma_start3A_869 = arith.constant 0 : i32
        %dma_start3A_870 = arith.constant 0 : i32
        %dma_start3A_871 = tpu.memref_slice %arg4[%add3A_861, %add3A_863, %dma_start3A_869, %dma_start3A_870] : memref<200x128x8x128xf32, #tpu.memory_space<hbm>> -> memref<1x1x8x128xf32, #tpu.memory_space<hbm>>
        %dma_start3A_872 = tpu.memref_squeeze %dma_start3A_871 : memref<1x1x8x128xf32, #tpu.memory_space<hbm>> -> memref<8x128xf32, #tpu.memory_space<hbm>>
        %dma_start3A_873 = arith.constant 0 : i32
        %dma_start3A_874 = arith.constant 0 : i32
        %dma_start3A_875 = tpu.memref_slice %arg4[%add3A_861, %add3A_863, %dma_start3A_873, %dma_start3A_874] : memref<200x128x8x128xf32, #tpu.memory_space<hbm>> -> memref<1x1x8x128xf32, #tpu.memory_space<hbm>>
        %dma_start3A_876 = tpu.memref_squeeze %dma_start3A_875 : memref<1x1x8x128xf32, #tpu.memory_space<hbm>> -> memref<8x128xf32, #tpu.memory_space<hbm>>
        %dma_start3A_877 = arith.constant 0 : i32
        %dma_start3A_878 = arith.constant 0 : i32
        %dma_start3A_879 = tpu.memref_slice %arg10[%dma_start3A_864, %dma_start3A_877, %dma_start3A_878] : memref<32x8x128xf32, #tpu.memory_space<vmem>> -> memref<1x8x128xf32, #tpu.memory_space<vmem>>
        %dma_start3A_880 = tpu.memref_squeeze %dma_start3A_879 : memref<1x8x128xf32, #tpu.memory_space<vmem>> -> memref<8x128xf32, #tpu.memory_space<vmem>>
        tpu.enqueue_dma source(%dma_start3A_880 : memref<8x128xf32, #tpu.memory_space<vmem>>) target(%dma_start3A_876 : memref<8x128xf32, #tpu.memory_space<hbm>>) target_semaphore(%arg13 : memref<!tpu.dma_semaphore, #tpu.memory_space<semaphore_mem>>)
        %mul3A_881 = arith.constant 8 : i32
        %mul3A_882 = arith.muli %add3A_188, %mul3A_881 : i32
        %add3A_883 = arith.constant 7 : i32
        %add3A_884 = arith.addi %mul3A_882, %add3A_883 : i32
        %add3A_885 = arith.constant 32 : i32
        %add3A_886 = arith.addi %add3A_885, %add3A : i32
        %dma_start3A_887 = arith.constant 29 : i32
        %dma_start3A_888 = arith.constant 0 : i32
        %dma_start3A_889 = arith.constant 0 : i32
        %dma_start3A_890 = tpu.memref_slice %arg10[%dma_start3A_887, %dma_start3A_888, %dma_start3A_889] : memref<32x8x128xf32, #tpu.memory_space<vmem>> -> memref<1x8x128xf32, #tpu.memory_space<vmem>>
        %dma_start3A_891 = tpu.memref_squeeze %dma_start3A_890 : memref<1x8x128xf32, #tpu.memory_space<vmem>> -> memref<8x128xf32, #tpu.memory_space<vmem>>
        %dma_start3A_892 = arith.constant 0 : i32
        %dma_start3A_893 = arith.constant 0 : i32
        %dma_start3A_894 = tpu.memref_slice %arg4[%add3A_884, %add3A_886, %dma_start3A_892, %dma_start3A_893] : memref<200x128x8x128xf32, #tpu.memory_space<hbm>> -> memref<1x1x8x128xf32, #tpu.memory_space<hbm>>
        %dma_start3A_895 = tpu.memref_squeeze %dma_start3A_894 : memref<1x1x8x128xf32, #tpu.memory_space<hbm>> -> memref<8x128xf32, #tpu.memory_space<hbm>>
        %dma_start3A_896 = arith.constant 0 : i32
        %dma_start3A_897 = arith.constant 0 : i32
        %dma_start3A_898 = tpu.memref_slice %arg4[%add3A_884, %add3A_886, %dma_start3A_896, %dma_start3A_897] : memref<200x128x8x128xf32, #tpu.memory_space<hbm>> -> memref<1x1x8x128xf32, #tpu.memory_space<hbm>>
        %dma_start3A_899 = tpu.memref_squeeze %dma_start3A_898 : memref<1x1x8x128xf32, #tpu.memory_space<hbm>> -> memref<8x128xf32, #tpu.memory_space<hbm>>
        %dma_start3A_900 = arith.constant 0 : i32
        %dma_start3A_901 = arith.constant 0 : i32
        %dma_start3A_902 = tpu.memref_slice %arg10[%dma_start3A_887, %dma_start3A_900, %dma_start3A_901] : memref<32x8x128xf32, #tpu.memory_space<vmem>> -> memref<1x8x128xf32, #tpu.memory_space<vmem>>
        %dma_start3A_903 = tpu.memref_squeeze %dma_start3A_902 : memref<1x8x128xf32, #tpu.memory_space<vmem>> -> memref<8x128xf32, #tpu.memory_space<vmem>>
        tpu.enqueue_dma source(%dma_start3A_903 : memref<8x128xf32, #tpu.memory_space<vmem>>) target(%dma_start3A_899 : memref<8x128xf32, #tpu.memory_space<hbm>>) target_semaphore(%arg13 : memref<!tpu.dma_semaphore, #tpu.memory_space<semaphore_mem>>)
        %mul3A_904 = arith.constant 8 : i32
        %mul3A_905 = arith.muli %add3A_188, %mul3A_904 : i32
        %add3A_906 = arith.constant 7 : i32
        %add3A_907 = arith.addi %mul3A_905, %add3A_906 : i32
        %add3A_908 = arith.constant 64 : i32
        %add3A_909 = arith.addi %add3A_908, %add3A : i32
        %dma_start3A_910 = arith.constant 30 : i32
        %dma_start3A_911 = arith.constant 0 : i32
        %dma_start3A_912 = arith.constant 0 : i32
        %dma_start3A_913 = tpu.memref_slice %arg10[%dma_start3A_910, %dma_start3A_911, %dma_start3A_912] : memref<32x8x128xf32, #tpu.memory_space<vmem>> -> memref<1x8x128xf32, #tpu.memory_space<vmem>>
        %dma_start3A_914 = tpu.memref_squeeze %dma_start3A_913 : memref<1x8x128xf32, #tpu.memory_space<vmem>> -> memref<8x128xf32, #tpu.memory_space<vmem>>
        %dma_start3A_915 = arith.constant 0 : i32
        %dma_start3A_916 = arith.constant 0 : i32
        %dma_start3A_917 = tpu.memref_slice %arg4[%add3A_907, %add3A_909, %dma_start3A_915, %dma_start3A_916] : memref<200x128x8x128xf32, #tpu.memory_space<hbm>> -> memref<1x1x8x128xf32, #tpu.memory_space<hbm>>
        %dma_start3A_918 = tpu.memref_squeeze %dma_start3A_917 : memref<1x1x8x128xf32, #tpu.memory_space<hbm>> -> memref<8x128xf32, #tpu.memory_space<hbm>>
        %dma_start3A_919 = arith.constant 0 : i32
        %dma_start3A_920 = arith.constant 0 : i32
        %dma_start3A_921 = tpu.memref_slice %arg4[%add3A_907, %add3A_909, %dma_start3A_919, %dma_start3A_920] : memref<200x128x8x128xf32, #tpu.memory_space<hbm>> -> memref<1x1x8x128xf32, #tpu.memory_space<hbm>>
        %dma_start3A_922 = tpu.memref_squeeze %dma_start3A_921 : memref<1x1x8x128xf32, #tpu.memory_space<hbm>> -> memref<8x128xf32, #tpu.memory_space<hbm>>
        %dma_start3A_923 = arith.constant 0 : i32
        %dma_start3A_924 = arith.constant 0 : i32
        %dma_start3A_925 = tpu.memref_slice %arg10[%dma_start3A_910, %dma_start3A_923, %dma_start3A_924] : memref<32x8x128xf32, #tpu.memory_space<vmem>> -> memref<1x8x128xf32, #tpu.memory_space<vmem>>
        %dma_start3A_926 = tpu.memref_squeeze %dma_start3A_925 : memref<1x8x128xf32, #tpu.memory_space<vmem>> -> memref<8x128xf32, #tpu.memory_space<vmem>>
        tpu.enqueue_dma source(%dma_start3A_926 : memref<8x128xf32, #tpu.memory_space<vmem>>) target(%dma_start3A_922 : memref<8x128xf32, #tpu.memory_space<hbm>>) target_semaphore(%arg13 : memref<!tpu.dma_semaphore, #tpu.memory_space<semaphore_mem>>)
        %mul3A_927 = arith.constant 8 : i32
        %mul3A_928 = arith.muli %add3A_188, %mul3A_927 : i32
        %add3A_929 = arith.constant 7 : i32
        %add3A_930 = arith.addi %mul3A_928, %add3A_929 : i32
        %add3A_931 = arith.constant 96 : i32
        %add3A_932 = arith.addi %add3A_931, %add3A : i32
        %dma_start3A_933 = arith.constant 31 : i32
        %dma_start3A_934 = arith.constant 0 : i32
        %dma_start3A_935 = arith.constant 0 : i32
        %dma_start3A_936 = tpu.memref_slice %arg10[%dma_start3A_933, %dma_start3A_934, %dma_start3A_935] : memref<32x8x128xf32, #tpu.memory_space<vmem>> -> memref<1x8x128xf32, #tpu.memory_space<vmem>>
        %dma_start3A_937 = tpu.memref_squeeze %dma_start3A_936 : memref<1x8x128xf32, #tpu.memory_space<vmem>> -> memref<8x128xf32, #tpu.memory_space<vmem>>
        %dma_start3A_938 = arith.constant 0 : i32
        %dma_start3A_939 = arith.constant 0 : i32
        %dma_start3A_940 = tpu.memref_slice %arg4[%add3A_930, %add3A_932, %dma_start3A_938, %dma_start3A_939] : memref<200x128x8x128xf32, #tpu.memory_space<hbm>> -> memref<1x1x8x128xf32, #tpu.memory_space<hbm>>
        %dma_start3A_941 = tpu.memref_squeeze %dma_start3A_940 : memref<1x1x8x128xf32, #tpu.memory_space<hbm>> -> memref<8x128xf32, #tpu.memory_space<hbm>>
        %dma_start3A_942 = arith.constant 0 : i32
        %dma_start3A_943 = arith.constant 0 : i32
        %dma_start3A_944 = tpu.memref_slice %arg4[%add3A_930, %add3A_932, %dma_start3A_942, %dma_start3A_943] : memref<200x128x8x128xf32, #tpu.memory_space<hbm>> -> memref<1x1x8x128xf32, #tpu.memory_space<hbm>>
        %dma_start3A_945 = tpu.memref_squeeze %dma_start3A_944 : memref<1x1x8x128xf32, #tpu.memory_space<hbm>> -> memref<8x128xf32, #tpu.memory_space<hbm>>
        %dma_start3A_946 = arith.constant 0 : i32
        %dma_start3A_947 = arith.constant 0 : i32
        %dma_start3A_948 = tpu.memref_slice %arg10[%dma_start3A_933, %dma_start3A_946, %dma_start3A_947] : memref<32x8x128xf32, #tpu.memory_space<vmem>> -> memref<1x8x128xf32, #tpu.memory_space<vmem>>
        %dma_start3A_949 = tpu.memref_squeeze %dma_start3A_948 : memref<1x8x128xf32, #tpu.memory_space<vmem>> -> memref<8x128xf32, #tpu.memory_space<vmem>>
        tpu.enqueue_dma source(%dma_start3A_949 : memref<8x128xf32, #tpu.memory_space<vmem>>) target(%dma_start3A_945 : memref<8x128xf32, #tpu.memory_space<hbm>>) target_semaphore(%arg13 : memref<!tpu.dma_semaphore, #tpu.memory_space<semaphore_mem>>)
        %add3A_950 = arith.constant 2 : i32
        %add3A_951 = arith.addi %add3A_188, %add3A_950 : i32
        %lt3A_952 = arith.constant 25 : i32
        %lt3A_953 = arith.cmpi slt, %add3A_951, %lt3A_952 : i32
        %convert_element_type3A_954 = arith.extui %lt3A_953 : i1 to i32
        %cond3A_955 = arith.constant 0 : i32
        %cond3A_956 = arith.cmpi ne, %convert_element_type3A_954, %cond3A_955 : i32
        scf.if %cond3A_956 {
          %add3A_957 = arith.constant 2 : i32
          %add3A_958 = arith.addi %add3A_188, %add3A_957 : i32
          %mul3A_959 = arith.constant 8 : i32
          %mul3A_960 = arith.muli %add3A_958, %mul3A_959 : i32
          "tpu.region"() ({
            %run_scoped3A = tpu.sem_alloc : memref<!tpu.dma_semaphore, #tpu.memory_space<semaphore_mem>>
            %dma_start3A_1044 = tpu.memref_slice %arg2[%mul3A_2, %mul3A_960] : memref<4096x200xi32, #tpu.memory_space<hbm>> -> memref<128x8xi32, #tpu.memory_space<hbm>>
            %dma_start3A_1045 = tpu.memref_slice %arg2[%mul3A_2, %mul3A_960] : memref<4096x200xi32, #tpu.memory_space<hbm>> -> memref<128x8xi32, #tpu.memory_space<hbm>>
            tpu.enqueue_dma source(%dma_start3A_1045 : memref<128x8xi32, #tpu.memory_space<hbm>>) target(%arg5 : memref<128x8xi32, #tpu.memory_space<vmem>>) target_semaphore(%run_scoped3A : memref<!tpu.dma_semaphore, #tpu.memory_space<semaphore_mem>>)
            %dma_wait3A_1046 = tpu.memref_slice %arg2[%mul3A_2, %mul3A_960] : memref<4096x200xi32, #tpu.memory_space<hbm>> -> memref<128x8xi32, #tpu.memory_space<hbm>>
            %dma_wait3A_1047 = tpu.memref_slice %arg2[%mul3A_2, %mul3A_960] : memref<4096x200xi32, #tpu.memory_space<hbm>> -> memref<128x8xi32, #tpu.memory_space<hbm>>
            tpu.wait_dma2 semaphore(%run_scoped3A : memref<!tpu.dma_semaphore, #tpu.memory_space<semaphore_mem>>) src(%dma_wait3A_1047 : memref<128x8xi32, #tpu.memory_space<hbm>>) dst(%arg5 : memref<128x8xi32, #tpu.memory_space<vmem>>)
            tpu.yield
          }) : () -> ()
          %parallel_loop3A_961 = arith.constant 0 : i32
          %parallel_loop3A_962 = arith.constant 64 : i32
          %parallel_loop3A_963 = arith.constant 1 : i32
          scf.for %parallel_loop3A_1044 = %parallel_loop3A_961 to %parallel_loop3A_962 step %parallel_loop3A_963  : i32 {
            %parallel_loop3A_1045 = arith.constant 3 : i32
            %parallel_loop3A_1046 = arith.shrsi %parallel_loop3A_1044, %parallel_loop3A_1045 : i32
            %parallel_loop3A_1047 = arith.constant 7 : i32
            %parallel_loop3A_1048 = arith.andi %parallel_loop3A_1044, %parallel_loop3A_1047 : i32
            %parallel_loop3A_1049 = arith.constant 16 : i32
            %parallel_loop3A_1050 = arith.muli %parallel_loop3A_1048, %parallel_loop3A_1049 : i32
            %parallel_loop3A_1051 = vector.broadcast %parallel_loop3A_1050 : i32 to vector<16xi32>
            %parallel_loop3A_1052 = arith.addi %iota3A, %parallel_loop3A_1051 : vector<16xi32>
            %parallel_loop3A_1053 = arith.constant 0 : i32
            %parallel_loop3A_1054 = vector.broadcast %parallel_loop3A_1053 : i32 to vector<16xi32>
            %parallel_loop3A_1055 = vector.broadcast %parallel_loop3A_1046 : i32 to vector<16xi32>
            %parallel_loop3A_1056 = arith.addi %parallel_loop3A_1054, %parallel_loop3A_1055 : vector<16xi32>
            %parallel_loop3A_1057 = tpu.vector_load_idx %arg5[%parallel_loop3A_1052, %parallel_loop3A_1056] : memref<128x8xi32, #tpu.memory_space<vmem>>[vector<16xi32>, vector<16xi32>], vector<16xi32>,
            %parallel_loop3A_1058 = arith.constant 16 : i32
            %parallel_loop3A_1059 = arith.muli %parallel_loop3A_1048, %parallel_loop3A_1058 : i32
            %parallel_loop3A_1060 = arith.index_cast %parallel_loop3A_1046 : i32 to index
            %parallel_loop3A_1061 = arith.index_cast %parallel_loop3A_1059 : i32 to index
            %parallel_loop3A_1062 = tpu.vector_load %arg6[%parallel_loop3A_1060, %parallel_loop3A_1061] {strides = array<i32>} : memref<8x128xi32, #tpu.memory_space<vmem>>, vector<16xi32>,
            tpu.vector_store %arg6[%parallel_loop3A_1060, %parallel_loop3A_1061], %parallel_loop3A_1057 {strides = array<i32>} : memref<8x128xi32, #tpu.memory_space<vmem>>, vector<16xi32>,
          } {sc.loop_unroll_factor = 4 : i64, sc.parallel_access}
          %dma_start3A_964 = arith.constant 0 : i32
          %dma_start3A_965 = arith.constant 0 : i32
          %dma_start3A_966 = arith.constant 0 : i32
          %dma_start3A_967 = tpu.memref_slice %arg8[%dma_start3A_965, %dma_start3A_966] : memref<1024x32xf32, #tpu.memory_space<vmem>> -> memref<128x32xf32, #tpu.memory_space<vmem>>
          %dma_start3A_968 = arith.constant 0 : i32
          %dma_start3A_969 = tpu.memref_slice %arg6[%dma_start3A_964, %dma_start3A_968] : memref<8x128xi32, #tpu.memory_space<vmem>> -> memref<1x128xi32, #tpu.memory_space<vmem>>
          %dma_start3A_970 = tpu.memref_squeeze %dma_start3A_969 : memref<1x128xi32, #tpu.memory_space<vmem>> -> memref<128xi32, #tpu.memory_space<vmem>>
          %dma_start3A_971 = arith.constant 0 : i32
          %dma_start3A_972 = arith.constant 0 : i32
          %dma_start3A_973 = tpu.memref_slice %arg3[%dma_start3A_971, %dma_start3A_972] : memref<1000000x32xf32, #tpu.memory_space<hbm>> -> memref<1000000x32xf32, #tpu.memory_space<hbm>>
          tpu.enqueue_indirect_dma source(%dma_start3A_973 : memref<1000000x32xf32, #tpu.memory_space<hbm>>) target(%dma_start3A_967 : memref<128x32xf32, #tpu.memory_space<vmem>>) offsets(%dma_start3A_970 : memref<128xi32, #tpu.memory_space<vmem>>) semaphore(%arg11 : memref<!tpu.dma_semaphore, #tpu.memory_space<semaphore_mem>>)
          %dma_start3A_974 = arith.constant 1 : i32
          %dma_start3A_975 = arith.constant 128 : i32
          %dma_start3A_976 = arith.constant 0 : i32
          %dma_start3A_977 = tpu.memref_slice %arg8[%dma_start3A_975, %dma_start3A_976] : memref<1024x32xf32, #tpu.memory_space<vmem>> -> memref<128x32xf32, #tpu.memory_space<vmem>>
          %dma_start3A_978 = arith.constant 0 : i32
          %dma_start3A_979 = tpu.memref_slice %arg6[%dma_start3A_974, %dma_start3A_978] : memref<8x128xi32, #tpu.memory_space<vmem>> -> memref<1x128xi32, #tpu.memory_space<vmem>>
          %dma_start3A_980 = tpu.memref_squeeze %dma_start3A_979 : memref<1x128xi32, #tpu.memory_space<vmem>> -> memref<128xi32, #tpu.memory_space<vmem>>
          %dma_start3A_981 = arith.constant 0 : i32
          %dma_start3A_982 = arith.constant 0 : i32
          %dma_start3A_983 = tpu.memref_slice %arg3[%dma_start3A_981, %dma_start3A_982] : memref<1000000x32xf32, #tpu.memory_space<hbm>> -> memref<1000000x32xf32, #tpu.memory_space<hbm>>
          tpu.enqueue_indirect_dma source(%dma_start3A_983 : memref<1000000x32xf32, #tpu.memory_space<hbm>>) target(%dma_start3A_977 : memref<128x32xf32, #tpu.memory_space<vmem>>) offsets(%dma_start3A_980 : memref<128xi32, #tpu.memory_space<vmem>>) semaphore(%arg11 : memref<!tpu.dma_semaphore, #tpu.memory_space<semaphore_mem>>)
          %dma_start3A_984 = arith.constant 2 : i32
          %dma_start3A_985 = arith.constant 256 : i32
          %dma_start3A_986 = arith.constant 0 : i32
          %dma_start3A_987 = tpu.memref_slice %arg8[%dma_start3A_985, %dma_start3A_986] : memref<1024x32xf32, #tpu.memory_space<vmem>> -> memref<128x32xf32, #tpu.memory_space<vmem>>
          %dma_start3A_988 = arith.constant 0 : i32
          %dma_start3A_989 = tpu.memref_slice %arg6[%dma_start3A_984, %dma_start3A_988] : memref<8x128xi32, #tpu.memory_space<vmem>> -> memref<1x128xi32, #tpu.memory_space<vmem>>
          %dma_start3A_990 = tpu.memref_squeeze %dma_start3A_989 : memref<1x128xi32, #tpu.memory_space<vmem>> -> memref<128xi32, #tpu.memory_space<vmem>>
          %dma_start3A_991 = arith.constant 0 : i32
          %dma_start3A_992 = arith.constant 0 : i32
          %dma_start3A_993 = tpu.memref_slice %arg3[%dma_start3A_991, %dma_start3A_992] : memref<1000000x32xf32, #tpu.memory_space<hbm>> -> memref<1000000x32xf32, #tpu.memory_space<hbm>>
          tpu.enqueue_indirect_dma source(%dma_start3A_993 : memref<1000000x32xf32, #tpu.memory_space<hbm>>) target(%dma_start3A_987 : memref<128x32xf32, #tpu.memory_space<vmem>>) offsets(%dma_start3A_990 : memref<128xi32, #tpu.memory_space<vmem>>) semaphore(%arg11 : memref<!tpu.dma_semaphore, #tpu.memory_space<semaphore_mem>>)
          %dma_start3A_994 = arith.constant 3 : i32
          %dma_start3A_995 = arith.constant 384 : i32
          %dma_start3A_996 = arith.constant 0 : i32
          %dma_start3A_997 = tpu.memref_slice %arg8[%dma_start3A_995, %dma_start3A_996] : memref<1024x32xf32, #tpu.memory_space<vmem>> -> memref<128x32xf32, #tpu.memory_space<vmem>>
          %dma_start3A_998 = arith.constant 0 : i32
          %dma_start3A_999 = tpu.memref_slice %arg6[%dma_start3A_994, %dma_start3A_998] : memref<8x128xi32, #tpu.memory_space<vmem>> -> memref<1x128xi32, #tpu.memory_space<vmem>>
          %dma_start3A_1000 = tpu.memref_squeeze %dma_start3A_999 : memref<1x128xi32, #tpu.memory_space<vmem>> -> memref<128xi32, #tpu.memory_space<vmem>>
          %dma_start3A_1001 = arith.constant 0 : i32
          %dma_start3A_1002 = arith.constant 0 : i32
          %dma_start3A_1003 = tpu.memref_slice %arg3[%dma_start3A_1001, %dma_start3A_1002] : memref<1000000x32xf32, #tpu.memory_space<hbm>> -> memref<1000000x32xf32, #tpu.memory_space<hbm>>
          tpu.enqueue_indirect_dma source(%dma_start3A_1003 : memref<1000000x32xf32, #tpu.memory_space<hbm>>) target(%dma_start3A_997 : memref<128x32xf32, #tpu.memory_space<vmem>>) offsets(%dma_start3A_1000 : memref<128xi32, #tpu.memory_space<vmem>>) semaphore(%arg11 : memref<!tpu.dma_semaphore, #tpu.memory_space<semaphore_mem>>)
          %dma_start3A_1004 = arith.constant 4 : i32
          %dma_start3A_1005 = arith.constant 512 : i32
          %dma_start3A_1006 = arith.constant 0 : i32
          %dma_start3A_1007 = tpu.memref_slice %arg8[%dma_start3A_1005, %dma_start3A_1006] : memref<1024x32xf32, #tpu.memory_space<vmem>> -> memref<128x32xf32, #tpu.memory_space<vmem>>
          %dma_start3A_1008 = arith.constant 0 : i32
          %dma_start3A_1009 = tpu.memref_slice %arg6[%dma_start3A_1004, %dma_start3A_1008] : memref<8x128xi32, #tpu.memory_space<vmem>> -> memref<1x128xi32, #tpu.memory_space<vmem>>
          %dma_start3A_1010 = tpu.memref_squeeze %dma_start3A_1009 : memref<1x128xi32, #tpu.memory_space<vmem>> -> memref<128xi32, #tpu.memory_space<vmem>>
          %dma_start3A_1011 = arith.constant 0 : i32
          %dma_start3A_1012 = arith.constant 0 : i32
          %dma_start3A_1013 = tpu.memref_slice %arg3[%dma_start3A_1011, %dma_start3A_1012] : memref<1000000x32xf32, #tpu.memory_space<hbm>> -> memref<1000000x32xf32, #tpu.memory_space<hbm>>
          tpu.enqueue_indirect_dma source(%dma_start3A_1013 : memref<1000000x32xf32, #tpu.memory_space<hbm>>) target(%dma_start3A_1007 : memref<128x32xf32, #tpu.memory_space<vmem>>) offsets(%dma_start3A_1010 : memref<128xi32, #tpu.memory_space<vmem>>) semaphore(%arg11 : memref<!tpu.dma_semaphore, #tpu.memory_space<semaphore_mem>>)
          %dma_start3A_1014 = arith.constant 5 : i32
          %dma_start3A_1015 = arith.constant 640 : i32
          %dma_start3A_1016 = arith.constant 0 : i32
          %dma_start3A_1017 = tpu.memref_slice %arg8[%dma_start3A_1015, %dma_start3A_1016] : memref<1024x32xf32, #tpu.memory_space<vmem>> -> memref<128x32xf32, #tpu.memory_space<vmem>>
          %dma_start3A_1018 = arith.constant 0 : i32
          %dma_start3A_1019 = tpu.memref_slice %arg6[%dma_start3A_1014, %dma_start3A_1018] : memref<8x128xi32, #tpu.memory_space<vmem>> -> memref<1x128xi32, #tpu.memory_space<vmem>>
          %dma_start3A_1020 = tpu.memref_squeeze %dma_start3A_1019 : memref<1x128xi32, #tpu.memory_space<vmem>> -> memref<128xi32, #tpu.memory_space<vmem>>
          %dma_start3A_1021 = arith.constant 0 : i32
          %dma_start3A_1022 = arith.constant 0 : i32
          %dma_start3A_1023 = tpu.memref_slice %arg3[%dma_start3A_1021, %dma_start3A_1022] : memref<1000000x32xf32, #tpu.memory_space<hbm>> -> memref<1000000x32xf32, #tpu.memory_space<hbm>>
          tpu.enqueue_indirect_dma source(%dma_start3A_1023 : memref<1000000x32xf32, #tpu.memory_space<hbm>>) target(%dma_start3A_1017 : memref<128x32xf32, #tpu.memory_space<vmem>>) offsets(%dma_start3A_1020 : memref<128xi32, #tpu.memory_space<vmem>>) semaphore(%arg11 : memref<!tpu.dma_semaphore, #tpu.memory_space<semaphore_mem>>)
          %dma_start3A_1024 = arith.constant 6 : i32
          %dma_start3A_1025 = arith.constant 768 : i32
          %dma_start3A_1026 = arith.constant 0 : i32
          %dma_start3A_1027 = tpu.memref_slice %arg8[%dma_start3A_1025, %dma_start3A_1026] : memref<1024x32xf32, #tpu.memory_space<vmem>> -> memref<128x32xf32, #tpu.memory_space<vmem>>
          %dma_start3A_1028 = arith.constant 0 : i32
          %dma_start3A_1029 = tpu.memref_slice %arg6[%dma_start3A_1024, %dma_start3A_1028] : memref<8x128xi32, #tpu.memory_space<vmem>> -> memref<1x128xi32, #tpu.memory_space<vmem>>
          %dma_start3A_1030 = tpu.memref_squeeze %dma_start3A_1029 : memref<1x128xi32, #tpu.memory_space<vmem>> -> memref<128xi32, #tpu.memory_space<vmem>>
          %dma_start3A_1031 = arith.constant 0 : i32
          %dma_start3A_1032 = arith.constant 0 : i32
          %dma_start3A_1033 = tpu.memref_slice %arg3[%dma_start3A_1031, %dma_start3A_1032] : memref<1000000x32xf32, #tpu.memory_space<hbm>> -> memref<1000000x32xf32, #tpu.memory_space<hbm>>
          tpu.enqueue_indirect_dma source(%dma_start3A_1033 : memref<1000000x32xf32, #tpu.memory_space<hbm>>) target(%dma_start3A_1027 : memref<128x32xf32, #tpu.memory_space<vmem>>) offsets(%dma_start3A_1030 : memref<128xi32, #tpu.memory_space<vmem>>) semaphore(%arg11 : memref<!tpu.dma_semaphore, #tpu.memory_space<semaphore_mem>>)
          %dma_start3A_1034 = arith.constant 7 : i32
          %dma_start3A_1035 = arith.constant 896 : i32
          %dma_start3A_1036 = arith.constant 0 : i32
          %dma_start3A_1037 = tpu.memref_slice %arg8[%dma_start3A_1035, %dma_start3A_1036] : memref<1024x32xf32, #tpu.memory_space<vmem>> -> memref<128x32xf32, #tpu.memory_space<vmem>>
          %dma_start3A_1038 = arith.constant 0 : i32
          %dma_start3A_1039 = tpu.memref_slice %arg6[%dma_start3A_1034, %dma_start3A_1038] : memref<8x128xi32, #tpu.memory_space<vmem>> -> memref<1x128xi32, #tpu.memory_space<vmem>>
          %dma_start3A_1040 = tpu.memref_squeeze %dma_start3A_1039 : memref<1x128xi32, #tpu.memory_space<vmem>> -> memref<128xi32, #tpu.memory_space<vmem>>
          %dma_start3A_1041 = arith.constant 0 : i32
          %dma_start3A_1042 = arith.constant 0 : i32
          %dma_start3A_1043 = tpu.memref_slice %arg3[%dma_start3A_1041, %dma_start3A_1042] : memref<1000000x32xf32, #tpu.memory_space<hbm>> -> memref<1000000x32xf32, #tpu.memory_space<hbm>>
          tpu.enqueue_indirect_dma source(%dma_start3A_1043 : memref<1000000x32xf32, #tpu.memory_space<hbm>>) target(%dma_start3A_1037 : memref<128x32xf32, #tpu.memory_space<vmem>>) offsets(%dma_start3A_1040 : memref<128xi32, #tpu.memory_space<vmem>>) semaphore(%arg11 : memref<!tpu.dma_semaphore, #tpu.memory_space<semaphore_mem>>)
        } else {
        }
      } else {
      }
      %mul3A_191 = arith.constant 2 : i32
      %mul3A_192 = arith.muli %mul3A_191, %scan3A_183 : i32
      %add3A_193 = arith.constant 1 : i32
      %add3A_194 = arith.addi %mul3A_192, %add3A_193 : i32
      %lt3A_195 = arith.constant 25 : i32
      %lt3A_196 = arith.cmpi slt, %add3A_194, %lt3A_195 : i32
      %convert_element_type3A_197 = arith.extui %lt3A_196 : i1 to i32
      %cond3A_198 = arith.constant 0 : i32
      %cond3A_199 = arith.cmpi ne, %convert_element_type3A_197, %cond3A_198 : i32
      scf.if %cond3A_199 {
        %dma_wait3A_201 = arith.constant 0 : i32
        %dma_wait3A_202 = arith.constant 0 : i32
        %dma_wait3A_203 = tpu.memref_slice %arg3[%dma_wait3A_201, %dma_wait3A_202] : memref<1000000x32xf32, #tpu.memory_space<hbm>> -> memref<1024x32xf32, #tpu.memory_space<hbm>>
        %dma_wait3A_204 = arith.constant 0 : i32
        %dma_wait3A_205 = arith.constant 0 : i32
        %dma_wait3A_206 = tpu.memref_slice %arg3[%dma_wait3A_204, %dma_wait3A_205] : memref<1000000x32xf32, #tpu.memory_space<hbm>> -> memref<1024x32xf32, #tpu.memory_space<hbm>>
        tpu.wait_dma2 semaphore(%arg12 : memref<!tpu.dma_semaphore, #tpu.memory_space<semaphore_mem>>) src(%dma_wait3A_206 : memref<1024x32xf32, #tpu.memory_space<hbm>>) dst(%arg9 : memref<1024x32xf32, #tpu.memory_space<vmem>>)
        %ge3A = arith.constant 1 : i32
        %ge3A_207 = arith.cmpi sge, %add3A_194, %ge3A : i32
        %convert_element_type3A_208 = arith.extui %ge3A_207 : i1 to i32
        %cond3A_209 = arith.constant 0 : i32
        %cond3A_210 = arith.cmpi ne, %convert_element_type3A_208, %cond3A_209 : i32
        scf.if %cond3A_210 {
          %dma_wait3A_957 = arith.constant 0 : i32
          %dma_wait3A_958 = arith.constant 0 : i32
          %dma_wait3A_959 = arith.constant 0 : i32
          %dma_wait3A_960 = arith.constant 0 : i32
          %dma_wait3A_961 = tpu.memref_slice %arg4[%dma_wait3A_957, %dma_wait3A_958, %dma_wait3A_959, %dma_wait3A_960] : memref<200x128x8x128xf32, #tpu.memory_space<hbm>> -> memref<1x32x8x128xf32, #tpu.memory_space<hbm>>
          %dma_wait3A_962 = tpu.memref_squeeze %dma_wait3A_961 : memref<1x32x8x128xf32, #tpu.memory_space<hbm>> -> memref<32x8x128xf32, #tpu.memory_space<hbm>>
          %dma_wait3A_963 = arith.constant 0 : i32
          %dma_wait3A_964 = arith.constant 0 : i32
          %dma_wait3A_965 = arith.constant 0 : i32
          %dma_wait3A_966 = tpu.memref_slice %arg4[%dma_wait3A_957, %dma_wait3A_963, %dma_wait3A_964, %dma_wait3A_965] : memref<200x128x8x128xf32, #tpu.memory_space<hbm>> -> memref<1x32x8x128xf32, #tpu.memory_space<hbm>>
          %dma_wait3A_967 = tpu.memref_squeeze %dma_wait3A_966 : memref<1x32x8x128xf32, #tpu.memory_space<hbm>> -> memref<32x8x128xf32, #tpu.memory_space<hbm>>
          tpu.wait_dma2 semaphore(%arg13 : memref<!tpu.dma_semaphore, #tpu.memory_space<semaphore_mem>>) src(%dma_wait3A_967 : memref<32x8x128xf32, #tpu.memory_space<hbm>>) dst(%arg10 : memref<32x8x128xf32, #tpu.memory_space<vmem>>)
        } else {
        }
        %parallel_loop3A_211 = arith.constant 0 : i32
        %parallel_loop3A_212 = arith.constant 256 : i32
        %parallel_loop3A_213 = arith.constant 1 : i32
        scf.for %parallel_loop3A_957 = %parallel_loop3A_211 to %parallel_loop3A_212 step %parallel_loop3A_213  : i32 {
          %parallel_loop3A_958 = arith.constant 5 : i32
          %parallel_loop3A_959 = arith.shrsi %parallel_loop3A_957, %parallel_loop3A_958 : i32
          %parallel_loop3A_960 = arith.constant 31 : i32
          %parallel_loop3A_961 = arith.andi %parallel_loop3A_957, %parallel_loop3A_960 : i32
          %parallel_loop3A_962 = arith.constant 128 : i32
          %parallel_loop3A_963 = arith.muli %parallel_loop3A_959, %parallel_loop3A_962 : i32
          %parallel_loop3A_964 = arith.constant 0 : i32
          %parallel_loop3A_965 = vector.broadcast %parallel_loop3A_964 : i32 to vector<16xi32>
          %parallel_loop3A_966 = vector.broadcast %parallel_loop3A_961 : i32 to vector<16xi32>
          %parallel_loop3A_967 = arith.addi %parallel_loop3A_965, %parallel_loop3A_966 : vector<16xi32>
          %parallel_loop3A_968 = arith.constant 0 : i32
          %parallel_loop3A_969 = arith.addi %parallel_loop3A_963, %parallel_loop3A_968 : i32
          %parallel_loop3A_970 = vector.broadcast %parallel_loop3A_969 : i32 to vector<16xi32>
          %parallel_loop3A_971 = arith.addi %iota3A, %parallel_loop3A_970 : vector<16xi32>
          %parallel_loop3A_972 = tpu.vector_load_idx %arg9[%parallel_loop3A_971, %parallel_loop3A_967] : memref<1024x32xf32, #tpu.memory_space<vmem>>[vector<16xi32>, vector<16xi32>], vector<16xf32>,
          %parallel_loop3A_973 = arith.constant 4 : i32
          %parallel_loop3A_974 = arith.muli %parallel_loop3A_959, %parallel_loop3A_973 : i32
          %parallel_loop3A_975 = arith.constant 3 : i32
          %parallel_loop3A_976 = arith.shrsi %parallel_loop3A_961, %parallel_loop3A_975 : i32
          %parallel_loop3A_977 = arith.addi %parallel_loop3A_974, %parallel_loop3A_976 : i32
          %parallel_loop3A_978 = arith.constant 7 : i32
          %parallel_loop3A_979 = arith.andi %parallel_loop3A_961, %parallel_loop3A_978 : i32
          %parallel_loop3A_980 = arith.index_cast %parallel_loop3A_977 : i32 to index
          %parallel_loop3A_981 = arith.index_cast %parallel_loop3A_979 : i32 to index
          %parallel_loop3A_982 = arith.constant 0 : index
          %parallel_loop3A_983 = tpu.vector_load %arg10[%parallel_loop3A_980, %parallel_loop3A_981, %parallel_loop3A_982] {strides = array<i32>} : memref<32x8x128xf32, #tpu.memory_space<vmem>>, vector<16xf32>,
          tpu.vector_store %arg10[%parallel_loop3A_980, %parallel_loop3A_981, %parallel_loop3A_982], %parallel_loop3A_972 {strides = array<i32>} : memref<32x8x128xf32, #tpu.memory_space<vmem>>, vector<16xf32>,
          %parallel_loop3A_984 = arith.constant 16 : i32
          %parallel_loop3A_985 = arith.addi %parallel_loop3A_963, %parallel_loop3A_984 : i32
          %parallel_loop3A_986 = vector.broadcast %parallel_loop3A_985 : i32 to vector<16xi32>
          %parallel_loop3A_987 = arith.addi %iota3A, %parallel_loop3A_986 : vector<16xi32>
          %parallel_loop3A_988 = tpu.vector_load_idx %arg9[%parallel_loop3A_987, %parallel_loop3A_967] : memref<1024x32xf32, #tpu.memory_space<vmem>>[vector<16xi32>, vector<16xi32>], vector<16xf32>,
          %parallel_loop3A_989 = arith.constant 4 : i32
          %parallel_loop3A_990 = arith.muli %parallel_loop3A_959, %parallel_loop3A_989 : i32
          %parallel_loop3A_991 = arith.constant 3 : i32
          %parallel_loop3A_992 = arith.shrsi %parallel_loop3A_961, %parallel_loop3A_991 : i32
          %parallel_loop3A_993 = arith.addi %parallel_loop3A_990, %parallel_loop3A_992 : i32
          %parallel_loop3A_994 = arith.constant 7 : i32
          %parallel_loop3A_995 = arith.andi %parallel_loop3A_961, %parallel_loop3A_994 : i32
          %parallel_loop3A_996 = arith.index_cast %parallel_loop3A_993 : i32 to index
          %parallel_loop3A_997 = arith.index_cast %parallel_loop3A_995 : i32 to index
          %parallel_loop3A_998 = arith.constant 16 : index
          %parallel_loop3A_999 = tpu.vector_load %arg10[%parallel_loop3A_996, %parallel_loop3A_997, %parallel_loop3A_998] {strides = array<i32>} : memref<32x8x128xf32, #tpu.memory_space<vmem>>, vector<16xf32>,
          tpu.vector_store %arg10[%parallel_loop3A_996, %parallel_loop3A_997, %parallel_loop3A_998], %parallel_loop3A_988 {strides = array<i32>} : memref<32x8x128xf32, #tpu.memory_space<vmem>>, vector<16xf32>,
          %parallel_loop3A_1000 = arith.constant 32 : i32
          %parallel_loop3A_1001 = arith.addi %parallel_loop3A_963, %parallel_loop3A_1000 : i32
          %parallel_loop3A_1002 = vector.broadcast %parallel_loop3A_1001 : i32 to vector<16xi32>
          %parallel_loop3A_1003 = arith.addi %iota3A, %parallel_loop3A_1002 : vector<16xi32>
          %parallel_loop3A_1004 = tpu.vector_load_idx %arg9[%parallel_loop3A_1003, %parallel_loop3A_967] : memref<1024x32xf32, #tpu.memory_space<vmem>>[vector<16xi32>, vector<16xi32>], vector<16xf32>,
          %parallel_loop3A_1005 = arith.constant 4 : i32
          %parallel_loop3A_1006 = arith.muli %parallel_loop3A_959, %parallel_loop3A_1005 : i32
          %parallel_loop3A_1007 = arith.constant 3 : i32
          %parallel_loop3A_1008 = arith.shrsi %parallel_loop3A_961, %parallel_loop3A_1007 : i32
          %parallel_loop3A_1009 = arith.addi %parallel_loop3A_1006, %parallel_loop3A_1008 : i32
          %parallel_loop3A_1010 = arith.constant 7 : i32
          %parallel_loop3A_1011 = arith.andi %parallel_loop3A_961, %parallel_loop3A_1010 : i32
          %parallel_loop3A_1012 = arith.index_cast %parallel_loop3A_1009 : i32 to index
          %parallel_loop3A_1013 = arith.index_cast %parallel_loop3A_1011 : i32 to index
          %parallel_loop3A_1014 = arith.constant 32 : index
          %parallel_loop3A_1015 = tpu.vector_load %arg10[%parallel_loop3A_1012, %parallel_loop3A_1013, %parallel_loop3A_1014] {strides = array<i32>} : memref<32x8x128xf32, #tpu.memory_space<vmem>>, vector<16xf32>,
          tpu.vector_store %arg10[%parallel_loop3A_1012, %parallel_loop3A_1013, %parallel_loop3A_1014], %parallel_loop3A_1004 {strides = array<i32>} : memref<32x8x128xf32, #tpu.memory_space<vmem>>, vector<16xf32>,
          %parallel_loop3A_1016 = arith.constant 48 : i32
          %parallel_loop3A_1017 = arith.addi %parallel_loop3A_963, %parallel_loop3A_1016 : i32
          %parallel_loop3A_1018 = vector.broadcast %parallel_loop3A_1017 : i32 to vector<16xi32>
          %parallel_loop3A_1019 = arith.addi %iota3A, %parallel_loop3A_1018 : vector<16xi32>
          %parallel_loop3A_1020 = tpu.vector_load_idx %arg9[%parallel_loop3A_1019, %parallel_loop3A_967] : memref<1024x32xf32, #tpu.memory_space<vmem>>[vector<16xi32>, vector<16xi32>], vector<16xf32>,
          %parallel_loop3A_1021 = arith.constant 4 : i32
          %parallel_loop3A_1022 = arith.muli %parallel_loop3A_959, %parallel_loop3A_1021 : i32
          %parallel_loop3A_1023 = arith.constant 3 : i32
          %parallel_loop3A_1024 = arith.shrsi %parallel_loop3A_961, %parallel_loop3A_1023 : i32
          %parallel_loop3A_1025 = arith.addi %parallel_loop3A_1022, %parallel_loop3A_1024 : i32
          %parallel_loop3A_1026 = arith.constant 7 : i32
          %parallel_loop3A_1027 = arith.andi %parallel_loop3A_961, %parallel_loop3A_1026 : i32
          %parallel_loop3A_1028 = arith.index_cast %parallel_loop3A_1025 : i32 to index
          %parallel_loop3A_1029 = arith.index_cast %parallel_loop3A_1027 : i32 to index
          %parallel_loop3A_1030 = arith.constant 48 : index
          %parallel_loop3A_1031 = tpu.vector_load %arg10[%parallel_loop3A_1028, %parallel_loop3A_1029, %parallel_loop3A_1030] {strides = array<i32>} : memref<32x8x128xf32, #tpu.memory_space<vmem>>, vector<16xf32>,
          tpu.vector_store %arg10[%parallel_loop3A_1028, %parallel_loop3A_1029, %parallel_loop3A_1030], %parallel_loop3A_1020 {strides = array<i32>} : memref<32x8x128xf32, #tpu.memory_space<vmem>>, vector<16xf32>,
          %parallel_loop3A_1032 = arith.constant 64 : i32
          %parallel_loop3A_1033 = arith.addi %parallel_loop3A_963, %parallel_loop3A_1032 : i32
          %parallel_loop3A_1034 = vector.broadcast %parallel_loop3A_1033 : i32 to vector<16xi32>
          %parallel_loop3A_1035 = arith.addi %iota3A, %parallel_loop3A_1034 : vector<16xi32>
          %parallel_loop3A_1036 = tpu.vector_load_idx %arg9[%parallel_loop3A_1035, %parallel_loop3A_967] : memref<1024x32xf32, #tpu.memory_space<vmem>>[vector<16xi32>, vector<16xi32>], vector<16xf32>,
          %parallel_loop3A_1037 = arith.constant 4 : i32
          %parallel_loop3A_1038 = arith.muli %parallel_loop3A_959, %parallel_loop3A_1037 : i32
          %parallel_loop3A_1039 = arith.constant 3 : i32
          %parallel_loop3A_1040 = arith.shrsi %parallel_loop3A_961, %parallel_loop3A_1039 : i32
          %parallel_loop3A_1041 = arith.addi %parallel_loop3A_1038, %parallel_loop3A_1040 : i32
          %parallel_loop3A_1042 = arith.constant 7 : i32
          %parallel_loop3A_1043 = arith.andi %parallel_loop3A_961, %parallel_loop3A_1042 : i32
          %parallel_loop3A_1044 = arith.index_cast %parallel_loop3A_1041 : i32 to index
          %parallel_loop3A_1045 = arith.index_cast %parallel_loop3A_1043 : i32 to index
          %parallel_loop3A_1046 = arith.constant 64 : index
          %parallel_loop3A_1047 = tpu.vector_load %arg10[%parallel_loop3A_1044, %parallel_loop3A_1045, %parallel_loop3A_1046] {strides = array<i32>} : memref<32x8x128xf32, #tpu.memory_space<vmem>>, vector<16xf32>,
          tpu.vector_store %arg10[%parallel_loop3A_1044, %parallel_loop3A_1045, %parallel_loop3A_1046], %parallel_loop3A_1036 {strides = array<i32>} : memref<32x8x128xf32, #tpu.memory_space<vmem>>, vector<16xf32>,
          %parallel_loop3A_1048 = arith.constant 80 : i32
          %parallel_loop3A_1049 = arith.addi %parallel_loop3A_963, %parallel_loop3A_1048 : i32
          %parallel_loop3A_1050 = vector.broadcast %parallel_loop3A_1049 : i32 to vector<16xi32>
          %parallel_loop3A_1051 = arith.addi %iota3A, %parallel_loop3A_1050 : vector<16xi32>
          %parallel_loop3A_1052 = tpu.vector_load_idx %arg9[%parallel_loop3A_1051, %parallel_loop3A_967] : memref<1024x32xf32, #tpu.memory_space<vmem>>[vector<16xi32>, vector<16xi32>], vector<16xf32>,
          %parallel_loop3A_1053 = arith.constant 4 : i32
          %parallel_loop3A_1054 = arith.muli %parallel_loop3A_959, %parallel_loop3A_1053 : i32
          %parallel_loop3A_1055 = arith.constant 3 : i32
          %parallel_loop3A_1056 = arith.shrsi %parallel_loop3A_961, %parallel_loop3A_1055 : i32
          %parallel_loop3A_1057 = arith.addi %parallel_loop3A_1054, %parallel_loop3A_1056 : i32
          %parallel_loop3A_1058 = arith.constant 7 : i32
          %parallel_loop3A_1059 = arith.andi %parallel_loop3A_961, %parallel_loop3A_1058 : i32
          %parallel_loop3A_1060 = arith.index_cast %parallel_loop3A_1057 : i32 to index
          %parallel_loop3A_1061 = arith.index_cast %parallel_loop3A_1059 : i32 to index
          %parallel_loop3A_1062 = arith.constant 80 : index
          %parallel_loop3A_1063 = tpu.vector_load %arg10[%parallel_loop3A_1060, %parallel_loop3A_1061, %parallel_loop3A_1062] {strides = array<i32>} : memref<32x8x128xf32, #tpu.memory_space<vmem>>, vector<16xf32>,
          tpu.vector_store %arg10[%parallel_loop3A_1060, %parallel_loop3A_1061, %parallel_loop3A_1062], %parallel_loop3A_1052 {strides = array<i32>} : memref<32x8x128xf32, #tpu.memory_space<vmem>>, vector<16xf32>,
          %parallel_loop3A_1064 = arith.constant 96 : i32
          %parallel_loop3A_1065 = arith.addi %parallel_loop3A_963, %parallel_loop3A_1064 : i32
          %parallel_loop3A_1066 = vector.broadcast %parallel_loop3A_1065 : i32 to vector<16xi32>
          %parallel_loop3A_1067 = arith.addi %iota3A, %parallel_loop3A_1066 : vector<16xi32>
          %parallel_loop3A_1068 = tpu.vector_load_idx %arg9[%parallel_loop3A_1067, %parallel_loop3A_967] : memref<1024x32xf32, #tpu.memory_space<vmem>>[vector<16xi32>, vector<16xi32>], vector<16xf32>,
          %parallel_loop3A_1069 = arith.constant 4 : i32
          %parallel_loop3A_1070 = arith.muli %parallel_loop3A_959, %parallel_loop3A_1069 : i32
          %parallel_loop3A_1071 = arith.constant 3 : i32
          %parallel_loop3A_1072 = arith.shrsi %parallel_loop3A_961, %parallel_loop3A_1071 : i32
          %parallel_loop3A_1073 = arith.addi %parallel_loop3A_1070, %parallel_loop3A_1072 : i32
          %parallel_loop3A_1074 = arith.constant 7 : i32
          %parallel_loop3A_1075 = arith.andi %parallel_loop3A_961, %parallel_loop3A_1074 : i32
          %parallel_loop3A_1076 = arith.index_cast %parallel_loop3A_1073 : i32 to index
          %parallel_loop3A_1077 = arith.index_cast %parallel_loop3A_1075 : i32 to index
          %parallel_loop3A_1078 = arith.constant 96 : index
          %parallel_loop3A_1079 = tpu.vector_load %arg10[%parallel_loop3A_1076, %parallel_loop3A_1077, %parallel_loop3A_1078] {strides = array<i32>} : memref<32x8x128xf32, #tpu.memory_space<vmem>>, vector<16xf32>,
          tpu.vector_store %arg10[%parallel_loop3A_1076, %parallel_loop3A_1077, %parallel_loop3A_1078], %parallel_loop3A_1068 {strides = array<i32>} : memref<32x8x128xf32, #tpu.memory_space<vmem>>, vector<16xf32>,
          %parallel_loop3A_1080 = arith.constant 112 : i32
          %parallel_loop3A_1081 = arith.addi %parallel_loop3A_963, %parallel_loop3A_1080 : i32
          %parallel_loop3A_1082 = vector.broadcast %parallel_loop3A_1081 : i32 to vector<16xi32>
          %parallel_loop3A_1083 = arith.addi %iota3A, %parallel_loop3A_1082 : vector<16xi32>
          %parallel_loop3A_1084 = tpu.vector_load_idx %arg9[%parallel_loop3A_1083, %parallel_loop3A_967] : memref<1024x32xf32, #tpu.memory_space<vmem>>[vector<16xi32>, vector<16xi32>], vector<16xf32>,
          %parallel_loop3A_1085 = arith.constant 4 : i32
          %parallel_loop3A_1086 = arith.muli %parallel_loop3A_959, %parallel_loop3A_1085 : i32
          %parallel_loop3A_1087 = arith.constant 3 : i32
          %parallel_loop3A_1088 = arith.shrsi %parallel_loop3A_961, %parallel_loop3A_1087 : i32
          %parallel_loop3A_1089 = arith.addi %parallel_loop3A_1086, %parallel_loop3A_1088 : i32
          %parallel_loop3A_1090 = arith.constant 7 : i32
          %parallel_loop3A_1091 = arith.andi %parallel_loop3A_961, %parallel_loop3A_1090 : i32
          %parallel_loop3A_1092 = arith.index_cast %parallel_loop3A_1089 : i32 to index
          %parallel_loop3A_1093 = arith.index_cast %parallel_loop3A_1091 : i32 to index
          %parallel_loop3A_1094 = arith.constant 112 : index
          %parallel_loop3A_1095 = tpu.vector_load %arg10[%parallel_loop3A_1092, %parallel_loop3A_1093, %parallel_loop3A_1094] {strides = array<i32>} : memref<32x8x128xf32, #tpu.memory_space<vmem>>, vector<16xf32>,
          tpu.vector_store %arg10[%parallel_loop3A_1092, %parallel_loop3A_1093, %parallel_loop3A_1094], %parallel_loop3A_1084 {strides = array<i32>} : memref<32x8x128xf32, #tpu.memory_space<vmem>>, vector<16xf32>,
        } {sc.loop_unroll_factor = 8 : i64, sc.parallel_access}
        %mul3A_214 = arith.constant 8 : i32
        %mul3A_215 = arith.muli %add3A_194, %mul3A_214 : i32
        %add3A_216 = arith.constant 0 : i32
        %add3A_217 = arith.addi %mul3A_215, %add3A_216 : i32
        %add3A_218 = arith.constant 0 : i32
        %add3A_219 = arith.addi %add3A_218, %add3A : i32
        %dma_start3A_220 = arith.constant 0 : i32
        %dma_start3A_221 = arith.constant 0 : i32
        %dma_start3A_222 = arith.constant 0 : i32
        %dma_start3A_223 = tpu.memref_slice %arg10[%dma_start3A_220, %dma_start3A_221, %dma_start3A_222] : memref<32x8x128xf32, #tpu.memory_space<vmem>> -> memref<1x8x128xf32, #tpu.memory_space<vmem>>
        %dma_start3A_224 = tpu.memref_squeeze %dma_start3A_223 : memref<1x8x128xf32, #tpu.memory_space<vmem>> -> memref<8x128xf32, #tpu.memory_space<vmem>>
        %dma_start3A_225 = arith.constant 0 : i32
        %dma_start3A_226 = arith.constant 0 : i32
        %dma_start3A_227 = tpu.memref_slice %arg4[%add3A_217, %add3A_219, %dma_start3A_225, %dma_start3A_226] : memref<200x128x8x128xf32, #tpu.memory_space<hbm>> -> memref<1x1x8x128xf32, #tpu.memory_space<hbm>>
        %dma_start3A_228 = tpu.memref_squeeze %dma_start3A_227 : memref<1x1x8x128xf32, #tpu.memory_space<hbm>> -> memref<8x128xf32, #tpu.memory_space<hbm>>
        %dma_start3A_229 = arith.constant 0 : i32
        %dma_start3A_230 = arith.constant 0 : i32
        %dma_start3A_231 = tpu.memref_slice %arg4[%add3A_217, %add3A_219, %dma_start3A_229, %dma_start3A_230] : memref<200x128x8x128xf32, #tpu.memory_space<hbm>> -> memref<1x1x8x128xf32, #tpu.memory_space<hbm>>
        %dma_start3A_232 = tpu.memref_squeeze %dma_start3A_231 : memref<1x1x8x128xf32, #tpu.memory_space<hbm>> -> memref<8x128xf32, #tpu.memory_space<hbm>>
        %dma_start3A_233 = arith.constant 0 : i32
        %dma_start3A_234 = arith.constant 0 : i32
        %dma_start3A_235 = tpu.memref_slice %arg10[%dma_start3A_220, %dma_start3A_233, %dma_start3A_234] : memref<32x8x128xf32, #tpu.memory_space<vmem>> -> memref<1x8x128xf32, #tpu.memory_space<vmem>>
        %dma_start3A_236 = tpu.memref_squeeze %dma_start3A_235 : memref<1x8x128xf32, #tpu.memory_space<vmem>> -> memref<8x128xf32, #tpu.memory_space<vmem>>
        tpu.enqueue_dma source(%dma_start3A_236 : memref<8x128xf32, #tpu.memory_space<vmem>>) target(%dma_start3A_232 : memref<8x128xf32, #tpu.memory_space<hbm>>) target_semaphore(%arg13 : memref<!tpu.dma_semaphore, #tpu.memory_space<semaphore_mem>>)
        %mul3A_237 = arith.constant 8 : i32
        %mul3A_238 = arith.muli %add3A_194, %mul3A_237 : i32
        %add3A_239 = arith.constant 0 : i32
        %add3A_240 = arith.addi %mul3A_238, %add3A_239 : i32
        %add3A_241 = arith.constant 32 : i32
        %add3A_242 = arith.addi %add3A_241, %add3A : i32
        %dma_start3A_243 = arith.constant 1 : i32
        %dma_start3A_244 = arith.constant 0 : i32
        %dma_start3A_245 = arith.constant 0 : i32
        %dma_start3A_246 = tpu.memref_slice %arg10[%dma_start3A_243, %dma_start3A_244, %dma_start3A_245] : memref<32x8x128xf32, #tpu.memory_space<vmem>> -> memref<1x8x128xf32, #tpu.memory_space<vmem>>
        %dma_start3A_247 = tpu.memref_squeeze %dma_start3A_246 : memref<1x8x128xf32, #tpu.memory_space<vmem>> -> memref<8x128xf32, #tpu.memory_space<vmem>>
        %dma_start3A_248 = arith.constant 0 : i32
        %dma_start3A_249 = arith.constant 0 : i32
        %dma_start3A_250 = tpu.memref_slice %arg4[%add3A_240, %add3A_242, %dma_start3A_248, %dma_start3A_249] : memref<200x128x8x128xf32, #tpu.memory_space<hbm>> -> memref<1x1x8x128xf32, #tpu.memory_space<hbm>>
        %dma_start3A_251 = tpu.memref_squeeze %dma_start3A_250 : memref<1x1x8x128xf32, #tpu.memory_space<hbm>> -> memref<8x128xf32, #tpu.memory_space<hbm>>
        %dma_start3A_252 = arith.constant 0 : i32
        %dma_start3A_253 = arith.constant 0 : i32
        %dma_start3A_254 = tpu.memref_slice %arg4[%add3A_240, %add3A_242, %dma_start3A_252, %dma_start3A_253] : memref<200x128x8x128xf32, #tpu.memory_space<hbm>> -> memref<1x1x8x128xf32, #tpu.memory_space<hbm>>
        %dma_start3A_255 = tpu.memref_squeeze %dma_start3A_254 : memref<1x1x8x128xf32, #tpu.memory_space<hbm>> -> memref<8x128xf32, #tpu.memory_space<hbm>>
        %dma_start3A_256 = arith.constant 0 : i32
        %dma_start3A_257 = arith.constant 0 : i32
        %dma_start3A_258 = tpu.memref_slice %arg10[%dma_start3A_243, %dma_start3A_256, %dma_start3A_257] : memref<32x8x128xf32, #tpu.memory_space<vmem>> -> memref<1x8x128xf32, #tpu.memory_space<vmem>>
        %dma_start3A_259 = tpu.memref_squeeze %dma_start3A_258 : memref<1x8x128xf32, #tpu.memory_space<vmem>> -> memref<8x128xf32, #tpu.memory_space<vmem>>
        tpu.enqueue_dma source(%dma_start3A_259 : memref<8x128xf32, #tpu.memory_space<vmem>>) target(%dma_start3A_255 : memref<8x128xf32, #tpu.memory_space<hbm>>) target_semaphore(%arg13 : memref<!tpu.dma_semaphore, #tpu.memory_space<semaphore_mem>>)
        %mul3A_260 = arith.constant 8 : i32
        %mul3A_261 = arith.muli %add3A_194, %mul3A_260 : i32
        %add3A_262 = arith.constant 0 : i32
        %add3A_263 = arith.addi %mul3A_261, %add3A_262 : i32
        %add3A_264 = arith.constant 64 : i32
        %add3A_265 = arith.addi %add3A_264, %add3A : i32
        %dma_start3A_266 = arith.constant 2 : i32
        %dma_start3A_267 = arith.constant 0 : i32
        %dma_start3A_268 = arith.constant 0 : i32
        %dma_start3A_269 = tpu.memref_slice %arg10[%dma_start3A_266, %dma_start3A_267, %dma_start3A_268] : memref<32x8x128xf32, #tpu.memory_space<vmem>> -> memref<1x8x128xf32, #tpu.memory_space<vmem>>
        %dma_start3A_270 = tpu.memref_squeeze %dma_start3A_269 : memref<1x8x128xf32, #tpu.memory_space<vmem>> -> memref<8x128xf32, #tpu.memory_space<vmem>>
        %dma_start3A_271 = arith.constant 0 : i32
        %dma_start3A_272 = arith.constant 0 : i32
        %dma_start3A_273 = tpu.memref_slice %arg4[%add3A_263, %add3A_265, %dma_start3A_271, %dma_start3A_272] : memref<200x128x8x128xf32, #tpu.memory_space<hbm>> -> memref<1x1x8x128xf32, #tpu.memory_space<hbm>>
        %dma_start3A_274 = tpu.memref_squeeze %dma_start3A_273 : memref<1x1x8x128xf32, #tpu.memory_space<hbm>> -> memref<8x128xf32, #tpu.memory_space<hbm>>
        %dma_start3A_275 = arith.constant 0 : i32
        %dma_start3A_276 = arith.constant 0 : i32
        %dma_start3A_277 = tpu.memref_slice %arg4[%add3A_263, %add3A_265, %dma_start3A_275, %dma_start3A_276] : memref<200x128x8x128xf32, #tpu.memory_space<hbm>> -> memref<1x1x8x128xf32, #tpu.memory_space<hbm>>
        %dma_start3A_278 = tpu.memref_squeeze %dma_start3A_277 : memref<1x1x8x128xf32, #tpu.memory_space<hbm>> -> memref<8x128xf32, #tpu.memory_space<hbm>>
        %dma_start3A_279 = arith.constant 0 : i32
        %dma_start3A_280 = arith.constant 0 : i32
        %dma_start3A_281 = tpu.memref_slice %arg10[%dma_start3A_266, %dma_start3A_279, %dma_start3A_280] : memref<32x8x128xf32, #tpu.memory_space<vmem>> -> memref<1x8x128xf32, #tpu.memory_space<vmem>>
        %dma_start3A_282 = tpu.memref_squeeze %dma_start3A_281 : memref<1x8x128xf32, #tpu.memory_space<vmem>> -> memref<8x128xf32, #tpu.memory_space<vmem>>
        tpu.enqueue_dma source(%dma_start3A_282 : memref<8x128xf32, #tpu.memory_space<vmem>>) target(%dma_start3A_278 : memref<8x128xf32, #tpu.memory_space<hbm>>) target_semaphore(%arg13 : memref<!tpu.dma_semaphore, #tpu.memory_space<semaphore_mem>>)
        %mul3A_283 = arith.constant 8 : i32
        %mul3A_284 = arith.muli %add3A_194, %mul3A_283 : i32
        %add3A_285 = arith.constant 0 : i32
        %add3A_286 = arith.addi %mul3A_284, %add3A_285 : i32
        %add3A_287 = arith.constant 96 : i32
        %add3A_288 = arith.addi %add3A_287, %add3A : i32
        %dma_start3A_289 = arith.constant 3 : i32
        %dma_start3A_290 = arith.constant 0 : i32
        %dma_start3A_291 = arith.constant 0 : i32
        %dma_start3A_292 = tpu.memref_slice %arg10[%dma_start3A_289, %dma_start3A_290, %dma_start3A_291] : memref<32x8x128xf32, #tpu.memory_space<vmem>> -> memref<1x8x128xf32, #tpu.memory_space<vmem>>
        %dma_start3A_293 = tpu.memref_squeeze %dma_start3A_292 : memref<1x8x128xf32, #tpu.memory_space<vmem>> -> memref<8x128xf32, #tpu.memory_space<vmem>>
        %dma_start3A_294 = arith.constant 0 : i32
        %dma_start3A_295 = arith.constant 0 : i32
        %dma_start3A_296 = tpu.memref_slice %arg4[%add3A_286, %add3A_288, %dma_start3A_294, %dma_start3A_295] : memref<200x128x8x128xf32, #tpu.memory_space<hbm>> -> memref<1x1x8x128xf32, #tpu.memory_space<hbm>>
        %dma_start3A_297 = tpu.memref_squeeze %dma_start3A_296 : memref<1x1x8x128xf32, #tpu.memory_space<hbm>> -> memref<8x128xf32, #tpu.memory_space<hbm>>
        %dma_start3A_298 = arith.constant 0 : i32
        %dma_start3A_299 = arith.constant 0 : i32
        %dma_start3A_300 = tpu.memref_slice %arg4[%add3A_286, %add3A_288, %dma_start3A_298, %dma_start3A_299] : memref<200x128x8x128xf32, #tpu.memory_space<hbm>> -> memref<1x1x8x128xf32, #tpu.memory_space<hbm>>
        %dma_start3A_301 = tpu.memref_squeeze %dma_start3A_300 : memref<1x1x8x128xf32, #tpu.memory_space<hbm>> -> memref<8x128xf32, #tpu.memory_space<hbm>>
        %dma_start3A_302 = arith.constant 0 : i32
        %dma_start3A_303 = arith.constant 0 : i32
        %dma_start3A_304 = tpu.memref_slice %arg10[%dma_start3A_289, %dma_start3A_302, %dma_start3A_303] : memref<32x8x128xf32, #tpu.memory_space<vmem>> -> memref<1x8x128xf32, #tpu.memory_space<vmem>>
        %dma_start3A_305 = tpu.memref_squeeze %dma_start3A_304 : memref<1x8x128xf32, #tpu.memory_space<vmem>> -> memref<8x128xf32, #tpu.memory_space<vmem>>
        tpu.enqueue_dma source(%dma_start3A_305 : memref<8x128xf32, #tpu.memory_space<vmem>>) target(%dma_start3A_301 : memref<8x128xf32, #tpu.memory_space<hbm>>) target_semaphore(%arg13 : memref<!tpu.dma_semaphore, #tpu.memory_space<semaphore_mem>>)
        %mul3A_306 = arith.constant 8 : i32
        %mul3A_307 = arith.muli %add3A_194, %mul3A_306 : i32
        %add3A_308 = arith.constant 1 : i32
        %add3A_309 = arith.addi %mul3A_307, %add3A_308 : i32
        %add3A_310 = arith.constant 0 : i32
        %add3A_311 = arith.addi %add3A_310, %add3A : i32
        %dma_start3A_312 = arith.constant 4 : i32
        %dma_start3A_313 = arith.constant 0 : i32
        %dma_start3A_314 = arith.constant 0 : i32
        %dma_start3A_315 = tpu.memref_slice %arg10[%dma_start3A_312, %dma_start3A_313, %dma_start3A_314] : memref<32x8x128xf32, #tpu.memory_space<vmem>> -> memref<1x8x128xf32, #tpu.memory_space<vmem>>
        %dma_start3A_316 = tpu.memref_squeeze %dma_start3A_315 : memref<1x8x128xf32, #tpu.memory_space<vmem>> -> memref<8x128xf32, #tpu.memory_space<vmem>>
        %dma_start3A_317 = arith.constant 0 : i32
        %dma_start3A_318 = arith.constant 0 : i32
        %dma_start3A_319 = tpu.memref_slice %arg4[%add3A_309, %add3A_311, %dma_start3A_317, %dma_start3A_318] : memref<200x128x8x128xf32, #tpu.memory_space<hbm>> -> memref<1x1x8x128xf32, #tpu.memory_space<hbm>>
        %dma_start3A_320 = tpu.memref_squeeze %dma_start3A_319 : memref<1x1x8x128xf32, #tpu.memory_space<hbm>> -> memref<8x128xf32, #tpu.memory_space<hbm>>
        %dma_start3A_321 = arith.constant 0 : i32
        %dma_start3A_322 = arith.constant 0 : i32
        %dma_start3A_323 = tpu.memref_slice %arg4[%add3A_309, %add3A_311, %dma_start3A_321, %dma_start3A_322] : memref<200x128x8x128xf32, #tpu.memory_space<hbm>> -> memref<1x1x8x128xf32, #tpu.memory_space<hbm>>
        %dma_start3A_324 = tpu.memref_squeeze %dma_start3A_323 : memref<1x1x8x128xf32, #tpu.memory_space<hbm>> -> memref<8x128xf32, #tpu.memory_space<hbm>>
        %dma_start3A_325 = arith.constant 0 : i32
        %dma_start3A_326 = arith.constant 0 : i32
        %dma_start3A_327 = tpu.memref_slice %arg10[%dma_start3A_312, %dma_start3A_325, %dma_start3A_326] : memref<32x8x128xf32, #tpu.memory_space<vmem>> -> memref<1x8x128xf32, #tpu.memory_space<vmem>>
        %dma_start3A_328 = tpu.memref_squeeze %dma_start3A_327 : memref<1x8x128xf32, #tpu.memory_space<vmem>> -> memref<8x128xf32, #tpu.memory_space<vmem>>
        tpu.enqueue_dma source(%dma_start3A_328 : memref<8x128xf32, #tpu.memory_space<vmem>>) target(%dma_start3A_324 : memref<8x128xf32, #tpu.memory_space<hbm>>) target_semaphore(%arg13 : memref<!tpu.dma_semaphore, #tpu.memory_space<semaphore_mem>>)
        %mul3A_329 = arith.constant 8 : i32
        %mul3A_330 = arith.muli %add3A_194, %mul3A_329 : i32
        %add3A_331 = arith.constant 1 : i32
        %add3A_332 = arith.addi %mul3A_330, %add3A_331 : i32
        %add3A_333 = arith.constant 32 : i32
        %add3A_334 = arith.addi %add3A_333, %add3A : i32
        %dma_start3A_335 = arith.constant 5 : i32
        %dma_start3A_336 = arith.constant 0 : i32
        %dma_start3A_337 = arith.constant 0 : i32
        %dma_start3A_338 = tpu.memref_slice %arg10[%dma_start3A_335, %dma_start3A_336, %dma_start3A_337] : memref<32x8x128xf32, #tpu.memory_space<vmem>> -> memref<1x8x128xf32, #tpu.memory_space<vmem>>
        %dma_start3A_339 = tpu.memref_squeeze %dma_start3A_338 : memref<1x8x128xf32, #tpu.memory_space<vmem>> -> memref<8x128xf32, #tpu.memory_space<vmem>>
        %dma_start3A_340 = arith.constant 0 : i32
        %dma_start3A_341 = arith.constant 0 : i32
        %dma_start3A_342 = tpu.memref_slice %arg4[%add3A_332, %add3A_334, %dma_start3A_340, %dma_start3A_341] : memref<200x128x8x128xf32, #tpu.memory_space<hbm>> -> memref<1x1x8x128xf32, #tpu.memory_space<hbm>>
        %dma_start3A_343 = tpu.memref_squeeze %dma_start3A_342 : memref<1x1x8x128xf32, #tpu.memory_space<hbm>> -> memref<8x128xf32, #tpu.memory_space<hbm>>
        %dma_start3A_344 = arith.constant 0 : i32
        %dma_start3A_345 = arith.constant 0 : i32
        %dma_start3A_346 = tpu.memref_slice %arg4[%add3A_332, %add3A_334, %dma_start3A_344, %dma_start3A_345] : memref<200x128x8x128xf32, #tpu.memory_space<hbm>> -> memref<1x1x8x128xf32, #tpu.memory_space<hbm>>
        %dma_start3A_347 = tpu.memref_squeeze %dma_start3A_346 : memref<1x1x8x128xf32, #tpu.memory_space<hbm>> -> memref<8x128xf32, #tpu.memory_space<hbm>>
        %dma_start3A_348 = arith.constant 0 : i32
        %dma_start3A_349 = arith.constant 0 : i32
        %dma_start3A_350 = tpu.memref_slice %arg10[%dma_start3A_335, %dma_start3A_348, %dma_start3A_349] : memref<32x8x128xf32, #tpu.memory_space<vmem>> -> memref<1x8x128xf32, #tpu.memory_space<vmem>>
        %dma_start3A_351 = tpu.memref_squeeze %dma_start3A_350 : memref<1x8x128xf32, #tpu.memory_space<vmem>> -> memref<8x128xf32, #tpu.memory_space<vmem>>
        tpu.enqueue_dma source(%dma_start3A_351 : memref<8x128xf32, #tpu.memory_space<vmem>>) target(%dma_start3A_347 : memref<8x128xf32, #tpu.memory_space<hbm>>) target_semaphore(%arg13 : memref<!tpu.dma_semaphore, #tpu.memory_space<semaphore_mem>>)
        %mul3A_352 = arith.constant 8 : i32
        %mul3A_353 = arith.muli %add3A_194, %mul3A_352 : i32
        %add3A_354 = arith.constant 1 : i32
        %add3A_355 = arith.addi %mul3A_353, %add3A_354 : i32
        %add3A_356 = arith.constant 64 : i32
        %add3A_357 = arith.addi %add3A_356, %add3A : i32
        %dma_start3A_358 = arith.constant 6 : i32
        %dma_start3A_359 = arith.constant 0 : i32
        %dma_start3A_360 = arith.constant 0 : i32
        %dma_start3A_361 = tpu.memref_slice %arg10[%dma_start3A_358, %dma_start3A_359, %dma_start3A_360] : memref<32x8x128xf32, #tpu.memory_space<vmem>> -> memref<1x8x128xf32, #tpu.memory_space<vmem>>
        %dma_start3A_362 = tpu.memref_squeeze %dma_start3A_361 : memref<1x8x128xf32, #tpu.memory_space<vmem>> -> memref<8x128xf32, #tpu.memory_space<vmem>>
        %dma_start3A_363 = arith.constant 0 : i32
        %dma_start3A_364 = arith.constant 0 : i32
        %dma_start3A_365 = tpu.memref_slice %arg4[%add3A_355, %add3A_357, %dma_start3A_363, %dma_start3A_364] : memref<200x128x8x128xf32, #tpu.memory_space<hbm>> -> memref<1x1x8x128xf32, #tpu.memory_space<hbm>>
        %dma_start3A_366 = tpu.memref_squeeze %dma_start3A_365 : memref<1x1x8x128xf32, #tpu.memory_space<hbm>> -> memref<8x128xf32, #tpu.memory_space<hbm>>
        %dma_start3A_367 = arith.constant 0 : i32
        %dma_start3A_368 = arith.constant 0 : i32
        %dma_start3A_369 = tpu.memref_slice %arg4[%add3A_355, %add3A_357, %dma_start3A_367, %dma_start3A_368] : memref<200x128x8x128xf32, #tpu.memory_space<hbm>> -> memref<1x1x8x128xf32, #tpu.memory_space<hbm>>
        %dma_start3A_370 = tpu.memref_squeeze %dma_start3A_369 : memref<1x1x8x128xf32, #tpu.memory_space<hbm>> -> memref<8x128xf32, #tpu.memory_space<hbm>>
        %dma_start3A_371 = arith.constant 0 : i32
        %dma_start3A_372 = arith.constant 0 : i32
        %dma_start3A_373 = tpu.memref_slice %arg10[%dma_start3A_358, %dma_start3A_371, %dma_start3A_372] : memref<32x8x128xf32, #tpu.memory_space<vmem>> -> memref<1x8x128xf32, #tpu.memory_space<vmem>>
        %dma_start3A_374 = tpu.memref_squeeze %dma_start3A_373 : memref<1x8x128xf32, #tpu.memory_space<vmem>> -> memref<8x128xf32, #tpu.memory_space<vmem>>
        tpu.enqueue_dma source(%dma_start3A_374 : memref<8x128xf32, #tpu.memory_space<vmem>>) target(%dma_start3A_370 : memref<8x128xf32, #tpu.memory_space<hbm>>) target_semaphore(%arg13 : memref<!tpu.dma_semaphore, #tpu.memory_space<semaphore_mem>>)
        %mul3A_375 = arith.constant 8 : i32
        %mul3A_376 = arith.muli %add3A_194, %mul3A_375 : i32
        %add3A_377 = arith.constant 1 : i32
        %add3A_378 = arith.addi %mul3A_376, %add3A_377 : i32
        %add3A_379 = arith.constant 96 : i32
        %add3A_380 = arith.addi %add3A_379, %add3A : i32
        %dma_start3A_381 = arith.constant 7 : i32
        %dma_start3A_382 = arith.constant 0 : i32
        %dma_start3A_383 = arith.constant 0 : i32
        %dma_start3A_384 = tpu.memref_slice %arg10[%dma_start3A_381, %dma_start3A_382, %dma_start3A_383] : memref<32x8x128xf32, #tpu.memory_space<vmem>> -> memref<1x8x128xf32, #tpu.memory_space<vmem>>
        %dma_start3A_385 = tpu.memref_squeeze %dma_start3A_384 : memref<1x8x128xf32, #tpu.memory_space<vmem>> -> memref<8x128xf32, #tpu.memory_space<vmem>>
        %dma_start3A_386 = arith.constant 0 : i32
        %dma_start3A_387 = arith.constant 0 : i32
        %dma_start3A_388 = tpu.memref_slice %arg4[%add3A_378, %add3A_380, %dma_start3A_386, %dma_start3A_387] : memref<200x128x8x128xf32, #tpu.memory_space<hbm>> -> memref<1x1x8x128xf32, #tpu.memory_space<hbm>>
        %dma_start3A_389 = tpu.memref_squeeze %dma_start3A_388 : memref<1x1x8x128xf32, #tpu.memory_space<hbm>> -> memref<8x128xf32, #tpu.memory_space<hbm>>
        %dma_start3A_390 = arith.constant 0 : i32
        %dma_start3A_391 = arith.constant 0 : i32
        %dma_start3A_392 = tpu.memref_slice %arg4[%add3A_378, %add3A_380, %dma_start3A_390, %dma_start3A_391] : memref<200x128x8x128xf32, #tpu.memory_space<hbm>> -> memref<1x1x8x128xf32, #tpu.memory_space<hbm>>
        %dma_start3A_393 = tpu.memref_squeeze %dma_start3A_392 : memref<1x1x8x128xf32, #tpu.memory_space<hbm>> -> memref<8x128xf32, #tpu.memory_space<hbm>>
        %dma_start3A_394 = arith.constant 0 : i32
        %dma_start3A_395 = arith.constant 0 : i32
        %dma_start3A_396 = tpu.memref_slice %arg10[%dma_start3A_381, %dma_start3A_394, %dma_start3A_395] : memref<32x8x128xf32, #tpu.memory_space<vmem>> -> memref<1x8x128xf32, #tpu.memory_space<vmem>>
        %dma_start3A_397 = tpu.memref_squeeze %dma_start3A_396 : memref<1x8x128xf32, #tpu.memory_space<vmem>> -> memref<8x128xf32, #tpu.memory_space<vmem>>
        tpu.enqueue_dma source(%dma_start3A_397 : memref<8x128xf32, #tpu.memory_space<vmem>>) target(%dma_start3A_393 : memref<8x128xf32, #tpu.memory_space<hbm>>) target_semaphore(%arg13 : memref<!tpu.dma_semaphore, #tpu.memory_space<semaphore_mem>>)
        %mul3A_398 = arith.constant 8 : i32
        %mul3A_399 = arith.muli %add3A_194, %mul3A_398 : i32
        %add3A_400 = arith.constant 2 : i32
        %add3A_401 = arith.addi %mul3A_399, %add3A_400 : i32
        %add3A_402 = arith.constant 0 : i32
        %add3A_403 = arith.addi %add3A_402, %add3A : i32
        %dma_start3A_404 = arith.constant 8 : i32
        %dma_start3A_405 = arith.constant 0 : i32
        %dma_start3A_406 = arith.constant 0 : i32
        %dma_start3A_407 = tpu.memref_slice %arg10[%dma_start3A_404, %dma_start3A_405, %dma_start3A_406] : memref<32x8x128xf32, #tpu.memory_space<vmem>> -> memref<1x8x128xf32, #tpu.memory_space<vmem>>
        %dma_start3A_408 = tpu.memref_squeeze %dma_start3A_407 : memref<1x8x128xf32, #tpu.memory_space<vmem>> -> memref<8x128xf32, #tpu.memory_space<vmem>>
        %dma_start3A_409 = arith.constant 0 : i32
        %dma_start3A_410 = arith.constant 0 : i32
        %dma_start3A_411 = tpu.memref_slice %arg4[%add3A_401, %add3A_403, %dma_start3A_409, %dma_start3A_410] : memref<200x128x8x128xf32, #tpu.memory_space<hbm>> -> memref<1x1x8x128xf32, #tpu.memory_space<hbm>>
        %dma_start3A_412 = tpu.memref_squeeze %dma_start3A_411 : memref<1x1x8x128xf32, #tpu.memory_space<hbm>> -> memref<8x128xf32, #tpu.memory_space<hbm>>
        %dma_start3A_413 = arith.constant 0 : i32
        %dma_start3A_414 = arith.constant 0 : i32
        %dma_start3A_415 = tpu.memref_slice %arg4[%add3A_401, %add3A_403, %dma_start3A_413, %dma_start3A_414] : memref<200x128x8x128xf32, #tpu.memory_space<hbm>> -> memref<1x1x8x128xf32, #tpu.memory_space<hbm>>
        %dma_start3A_416 = tpu.memref_squeeze %dma_start3A_415 : memref<1x1x8x128xf32, #tpu.memory_space<hbm>> -> memref<8x128xf32, #tpu.memory_space<hbm>>
        %dma_start3A_417 = arith.constant 0 : i32
        %dma_start3A_418 = arith.constant 0 : i32
        %dma_start3A_419 = tpu.memref_slice %arg10[%dma_start3A_404, %dma_start3A_417, %dma_start3A_418] : memref<32x8x128xf32, #tpu.memory_space<vmem>> -> memref<1x8x128xf32, #tpu.memory_space<vmem>>
        %dma_start3A_420 = tpu.memref_squeeze %dma_start3A_419 : memref<1x8x128xf32, #tpu.memory_space<vmem>> -> memref<8x128xf32, #tpu.memory_space<vmem>>
        tpu.enqueue_dma source(%dma_start3A_420 : memref<8x128xf32, #tpu.memory_space<vmem>>) target(%dma_start3A_416 : memref<8x128xf32, #tpu.memory_space<hbm>>) target_semaphore(%arg13 : memref<!tpu.dma_semaphore, #tpu.memory_space<semaphore_mem>>)
        %mul3A_421 = arith.constant 8 : i32
        %mul3A_422 = arith.muli %add3A_194, %mul3A_421 : i32
        %add3A_423 = arith.constant 2 : i32
        %add3A_424 = arith.addi %mul3A_422, %add3A_423 : i32
        %add3A_425 = arith.constant 32 : i32
        %add3A_426 = arith.addi %add3A_425, %add3A : i32
        %dma_start3A_427 = arith.constant 9 : i32
        %dma_start3A_428 = arith.constant 0 : i32
        %dma_start3A_429 = arith.constant 0 : i32
        %dma_start3A_430 = tpu.memref_slice %arg10[%dma_start3A_427, %dma_start3A_428, %dma_start3A_429] : memref<32x8x128xf32, #tpu.memory_space<vmem>> -> memref<1x8x128xf32, #tpu.memory_space<vmem>>
        %dma_start3A_431 = tpu.memref_squeeze %dma_start3A_430 : memref<1x8x128xf32, #tpu.memory_space<vmem>> -> memref<8x128xf32, #tpu.memory_space<vmem>>
        %dma_start3A_432 = arith.constant 0 : i32
        %dma_start3A_433 = arith.constant 0 : i32
        %dma_start3A_434 = tpu.memref_slice %arg4[%add3A_424, %add3A_426, %dma_start3A_432, %dma_start3A_433] : memref<200x128x8x128xf32, #tpu.memory_space<hbm>> -> memref<1x1x8x128xf32, #tpu.memory_space<hbm>>
        %dma_start3A_435 = tpu.memref_squeeze %dma_start3A_434 : memref<1x1x8x128xf32, #tpu.memory_space<hbm>> -> memref<8x128xf32, #tpu.memory_space<hbm>>
        %dma_start3A_436 = arith.constant 0 : i32
        %dma_start3A_437 = arith.constant 0 : i32
        %dma_start3A_438 = tpu.memref_slice %arg4[%add3A_424, %add3A_426, %dma_start3A_436, %dma_start3A_437] : memref<200x128x8x128xf32, #tpu.memory_space<hbm>> -> memref<1x1x8x128xf32, #tpu.memory_space<hbm>>
        %dma_start3A_439 = tpu.memref_squeeze %dma_start3A_438 : memref<1x1x8x128xf32, #tpu.memory_space<hbm>> -> memref<8x128xf32, #tpu.memory_space<hbm>>
        %dma_start3A_440 = arith.constant 0 : i32
        %dma_start3A_441 = arith.constant 0 : i32
        %dma_start3A_442 = tpu.memref_slice %arg10[%dma_start3A_427, %dma_start3A_440, %dma_start3A_441] : memref<32x8x128xf32, #tpu.memory_space<vmem>> -> memref<1x8x128xf32, #tpu.memory_space<vmem>>
        %dma_start3A_443 = tpu.memref_squeeze %dma_start3A_442 : memref<1x8x128xf32, #tpu.memory_space<vmem>> -> memref<8x128xf32, #tpu.memory_space<vmem>>
        tpu.enqueue_dma source(%dma_start3A_443 : memref<8x128xf32, #tpu.memory_space<vmem>>) target(%dma_start3A_439 : memref<8x128xf32, #tpu.memory_space<hbm>>) target_semaphore(%arg13 : memref<!tpu.dma_semaphore, #tpu.memory_space<semaphore_mem>>)
        %mul3A_444 = arith.constant 8 : i32
        %mul3A_445 = arith.muli %add3A_194, %mul3A_444 : i32
        %add3A_446 = arith.constant 2 : i32
        %add3A_447 = arith.addi %mul3A_445, %add3A_446 : i32
        %add3A_448 = arith.constant 64 : i32
        %add3A_449 = arith.addi %add3A_448, %add3A : i32
        %dma_start3A_450 = arith.constant 10 : i32
        %dma_start3A_451 = arith.constant 0 : i32
        %dma_start3A_452 = arith.constant 0 : i32
        %dma_start3A_453 = tpu.memref_slice %arg10[%dma_start3A_450, %dma_start3A_451, %dma_start3A_452] : memref<32x8x128xf32, #tpu.memory_space<vmem>> -> memref<1x8x128xf32, #tpu.memory_space<vmem>>
        %dma_start3A_454 = tpu.memref_squeeze %dma_start3A_453 : memref<1x8x128xf32, #tpu.memory_space<vmem>> -> memref<8x128xf32, #tpu.memory_space<vmem>>
        %dma_start3A_455 = arith.constant 0 : i32
        %dma_start3A_456 = arith.constant 0 : i32
        %dma_start3A_457 = tpu.memref_slice %arg4[%add3A_447, %add3A_449, %dma_start3A_455, %dma_start3A_456] : memref<200x128x8x128xf32, #tpu.memory_space<hbm>> -> memref<1x1x8x128xf32, #tpu.memory_space<hbm>>
        %dma_start3A_458 = tpu.memref_squeeze %dma_start3A_457 : memref<1x1x8x128xf32, #tpu.memory_space<hbm>> -> memref<8x128xf32, #tpu.memory_space<hbm>>
        %dma_start3A_459 = arith.constant 0 : i32
        %dma_start3A_460 = arith.constant 0 : i32
        %dma_start3A_461 = tpu.memref_slice %arg4[%add3A_447, %add3A_449, %dma_start3A_459, %dma_start3A_460] : memref<200x128x8x128xf32, #tpu.memory_space<hbm>> -> memref<1x1x8x128xf32, #tpu.memory_space<hbm>>
        %dma_start3A_462 = tpu.memref_squeeze %dma_start3A_461 : memref<1x1x8x128xf32, #tpu.memory_space<hbm>> -> memref<8x128xf32, #tpu.memory_space<hbm>>
        %dma_start3A_463 = arith.constant 0 : i32
        %dma_start3A_464 = arith.constant 0 : i32
        %dma_start3A_465 = tpu.memref_slice %arg10[%dma_start3A_450, %dma_start3A_463, %dma_start3A_464] : memref<32x8x128xf32, #tpu.memory_space<vmem>> -> memref<1x8x128xf32, #tpu.memory_space<vmem>>
        %dma_start3A_466 = tpu.memref_squeeze %dma_start3A_465 : memref<1x8x128xf32, #tpu.memory_space<vmem>> -> memref<8x128xf32, #tpu.memory_space<vmem>>
        tpu.enqueue_dma source(%dma_start3A_466 : memref<8x128xf32, #tpu.memory_space<vmem>>) target(%dma_start3A_462 : memref<8x128xf32, #tpu.memory_space<hbm>>) target_semaphore(%arg13 : memref<!tpu.dma_semaphore, #tpu.memory_space<semaphore_mem>>)
        %mul3A_467 = arith.constant 8 : i32
        %mul3A_468 = arith.muli %add3A_194, %mul3A_467 : i32
        %add3A_469 = arith.constant 2 : i32
        %add3A_470 = arith.addi %mul3A_468, %add3A_469 : i32
        %add3A_471 = arith.constant 96 : i32
        %add3A_472 = arith.addi %add3A_471, %add3A : i32
        %dma_start3A_473 = arith.constant 11 : i32
        %dma_start3A_474 = arith.constant 0 : i32
        %dma_start3A_475 = arith.constant 0 : i32
        %dma_start3A_476 = tpu.memref_slice %arg10[%dma_start3A_473, %dma_start3A_474, %dma_start3A_475] : memref<32x8x128xf32, #tpu.memory_space<vmem>> -> memref<1x8x128xf32, #tpu.memory_space<vmem>>
        %dma_start3A_477 = tpu.memref_squeeze %dma_start3A_476 : memref<1x8x128xf32, #tpu.memory_space<vmem>> -> memref<8x128xf32, #tpu.memory_space<vmem>>
        %dma_start3A_478 = arith.constant 0 : i32
        %dma_start3A_479 = arith.constant 0 : i32
        %dma_start3A_480 = tpu.memref_slice %arg4[%add3A_470, %add3A_472, %dma_start3A_478, %dma_start3A_479] : memref<200x128x8x128xf32, #tpu.memory_space<hbm>> -> memref<1x1x8x128xf32, #tpu.memory_space<hbm>>
        %dma_start3A_481 = tpu.memref_squeeze %dma_start3A_480 : memref<1x1x8x128xf32, #tpu.memory_space<hbm>> -> memref<8x128xf32, #tpu.memory_space<hbm>>
        %dma_start3A_482 = arith.constant 0 : i32
        %dma_start3A_483 = arith.constant 0 : i32
        %dma_start3A_484 = tpu.memref_slice %arg4[%add3A_470, %add3A_472, %dma_start3A_482, %dma_start3A_483] : memref<200x128x8x128xf32, #tpu.memory_space<hbm>> -> memref<1x1x8x128xf32, #tpu.memory_space<hbm>>
        %dma_start3A_485 = tpu.memref_squeeze %dma_start3A_484 : memref<1x1x8x128xf32, #tpu.memory_space<hbm>> -> memref<8x128xf32, #tpu.memory_space<hbm>>
        %dma_start3A_486 = arith.constant 0 : i32
        %dma_start3A_487 = arith.constant 0 : i32
        %dma_start3A_488 = tpu.memref_slice %arg10[%dma_start3A_473, %dma_start3A_486, %dma_start3A_487] : memref<32x8x128xf32, #tpu.memory_space<vmem>> -> memref<1x8x128xf32, #tpu.memory_space<vmem>>
        %dma_start3A_489 = tpu.memref_squeeze %dma_start3A_488 : memref<1x8x128xf32, #tpu.memory_space<vmem>> -> memref<8x128xf32, #tpu.memory_space<vmem>>
        tpu.enqueue_dma source(%dma_start3A_489 : memref<8x128xf32, #tpu.memory_space<vmem>>) target(%dma_start3A_485 : memref<8x128xf32, #tpu.memory_space<hbm>>) target_semaphore(%arg13 : memref<!tpu.dma_semaphore, #tpu.memory_space<semaphore_mem>>)
        %mul3A_490 = arith.constant 8 : i32
        %mul3A_491 = arith.muli %add3A_194, %mul3A_490 : i32
        %add3A_492 = arith.constant 3 : i32
        %add3A_493 = arith.addi %mul3A_491, %add3A_492 : i32
        %add3A_494 = arith.constant 0 : i32
        %add3A_495 = arith.addi %add3A_494, %add3A : i32
        %dma_start3A_496 = arith.constant 12 : i32
        %dma_start3A_497 = arith.constant 0 : i32
        %dma_start3A_498 = arith.constant 0 : i32
        %dma_start3A_499 = tpu.memref_slice %arg10[%dma_start3A_496, %dma_start3A_497, %dma_start3A_498] : memref<32x8x128xf32, #tpu.memory_space<vmem>> -> memref<1x8x128xf32, #tpu.memory_space<vmem>>
        %dma_start3A_500 = tpu.memref_squeeze %dma_start3A_499 : memref<1x8x128xf32, #tpu.memory_space<vmem>> -> memref<8x128xf32, #tpu.memory_space<vmem>>
        %dma_start3A_501 = arith.constant 0 : i32
        %dma_start3A_502 = arith.constant 0 : i32
        %dma_start3A_503 = tpu.memref_slice %arg4[%add3A_493, %add3A_495, %dma_start3A_501, %dma_start3A_502] : memref<200x128x8x128xf32, #tpu.memory_space<hbm>> -> memref<1x1x8x128xf32, #tpu.memory_space<hbm>>
        %dma_start3A_504 = tpu.memref_squeeze %dma_start3A_503 : memref<1x1x8x128xf32, #tpu.memory_space<hbm>> -> memref<8x128xf32, #tpu.memory_space<hbm>>
        %dma_start3A_505 = arith.constant 0 : i32
        %dma_start3A_506 = arith.constant 0 : i32
        %dma_start3A_507 = tpu.memref_slice %arg4[%add3A_493, %add3A_495, %dma_start3A_505, %dma_start3A_506] : memref<200x128x8x128xf32, #tpu.memory_space<hbm>> -> memref<1x1x8x128xf32, #tpu.memory_space<hbm>>
        %dma_start3A_508 = tpu.memref_squeeze %dma_start3A_507 : memref<1x1x8x128xf32, #tpu.memory_space<hbm>> -> memref<8x128xf32, #tpu.memory_space<hbm>>
        %dma_start3A_509 = arith.constant 0 : i32
        %dma_start3A_510 = arith.constant 0 : i32
        %dma_start3A_511 = tpu.memref_slice %arg10[%dma_start3A_496, %dma_start3A_509, %dma_start3A_510] : memref<32x8x128xf32, #tpu.memory_space<vmem>> -> memref<1x8x128xf32, #tpu.memory_space<vmem>>
        %dma_start3A_512 = tpu.memref_squeeze %dma_start3A_511 : memref<1x8x128xf32, #tpu.memory_space<vmem>> -> memref<8x128xf32, #tpu.memory_space<vmem>>
        tpu.enqueue_dma source(%dma_start3A_512 : memref<8x128xf32, #tpu.memory_space<vmem>>) target(%dma_start3A_508 : memref<8x128xf32, #tpu.memory_space<hbm>>) target_semaphore(%arg13 : memref<!tpu.dma_semaphore, #tpu.memory_space<semaphore_mem>>)
        %mul3A_513 = arith.constant 8 : i32
        %mul3A_514 = arith.muli %add3A_194, %mul3A_513 : i32
        %add3A_515 = arith.constant 3 : i32
        %add3A_516 = arith.addi %mul3A_514, %add3A_515 : i32
        %add3A_517 = arith.constant 32 : i32
        %add3A_518 = arith.addi %add3A_517, %add3A : i32
        %dma_start3A_519 = arith.constant 13 : i32
        %dma_start3A_520 = arith.constant 0 : i32
        %dma_start3A_521 = arith.constant 0 : i32
        %dma_start3A_522 = tpu.memref_slice %arg10[%dma_start3A_519, %dma_start3A_520, %dma_start3A_521] : memref<32x8x128xf32, #tpu.memory_space<vmem>> -> memref<1x8x128xf32, #tpu.memory_space<vmem>>
        %dma_start3A_523 = tpu.memref_squeeze %dma_start3A_522 : memref<1x8x128xf32, #tpu.memory_space<vmem>> -> memref<8x128xf32, #tpu.memory_space<vmem>>
        %dma_start3A_524 = arith.constant 0 : i32
        %dma_start3A_525 = arith.constant 0 : i32
        %dma_start3A_526 = tpu.memref_slice %arg4[%add3A_516, %add3A_518, %dma_start3A_524, %dma_start3A_525] : memref<200x128x8x128xf32, #tpu.memory_space<hbm>> -> memref<1x1x8x128xf32, #tpu.memory_space<hbm>>
        %dma_start3A_527 = tpu.memref_squeeze %dma_start3A_526 : memref<1x1x8x128xf32, #tpu.memory_space<hbm>> -> memref<8x128xf32, #tpu.memory_space<hbm>>
        %dma_start3A_528 = arith.constant 0 : i32
        %dma_start3A_529 = arith.constant 0 : i32
        %dma_start3A_530 = tpu.memref_slice %arg4[%add3A_516, %add3A_518, %dma_start3A_528, %dma_start3A_529] : memref<200x128x8x128xf32, #tpu.memory_space<hbm>> -> memref<1x1x8x128xf32, #tpu.memory_space<hbm>>
        %dma_start3A_531 = tpu.memref_squeeze %dma_start3A_530 : memref<1x1x8x128xf32, #tpu.memory_space<hbm>> -> memref<8x128xf32, #tpu.memory_space<hbm>>
        %dma_start3A_532 = arith.constant 0 : i32
        %dma_start3A_533 = arith.constant 0 : i32
        %dma_start3A_534 = tpu.memref_slice %arg10[%dma_start3A_519, %dma_start3A_532, %dma_start3A_533] : memref<32x8x128xf32, #tpu.memory_space<vmem>> -> memref<1x8x128xf32, #tpu.memory_space<vmem>>
        %dma_start3A_535 = tpu.memref_squeeze %dma_start3A_534 : memref<1x8x128xf32, #tpu.memory_space<vmem>> -> memref<8x128xf32, #tpu.memory_space<vmem>>
        tpu.enqueue_dma source(%dma_start3A_535 : memref<8x128xf32, #tpu.memory_space<vmem>>) target(%dma_start3A_531 : memref<8x128xf32, #tpu.memory_space<hbm>>) target_semaphore(%arg13 : memref<!tpu.dma_semaphore, #tpu.memory_space<semaphore_mem>>)
        %mul3A_536 = arith.constant 8 : i32
        %mul3A_537 = arith.muli %add3A_194, %mul3A_536 : i32
        %add3A_538 = arith.constant 3 : i32
        %add3A_539 = arith.addi %mul3A_537, %add3A_538 : i32
        %add3A_540 = arith.constant 64 : i32
        %add3A_541 = arith.addi %add3A_540, %add3A : i32
        %dma_start3A_542 = arith.constant 14 : i32
        %dma_start3A_543 = arith.constant 0 : i32
        %dma_start3A_544 = arith.constant 0 : i32
        %dma_start3A_545 = tpu.memref_slice %arg10[%dma_start3A_542, %dma_start3A_543, %dma_start3A_544] : memref<32x8x128xf32, #tpu.memory_space<vmem>> -> memref<1x8x128xf32, #tpu.memory_space<vmem>>
        %dma_start3A_546 = tpu.memref_squeeze %dma_start3A_545 : memref<1x8x128xf32, #tpu.memory_space<vmem>> -> memref<8x128xf32, #tpu.memory_space<vmem>>
        %dma_start3A_547 = arith.constant 0 : i32
        %dma_start3A_548 = arith.constant 0 : i32
        %dma_start3A_549 = tpu.memref_slice %arg4[%add3A_539, %add3A_541, %dma_start3A_547, %dma_start3A_548] : memref<200x128x8x128xf32, #tpu.memory_space<hbm>> -> memref<1x1x8x128xf32, #tpu.memory_space<hbm>>
        %dma_start3A_550 = tpu.memref_squeeze %dma_start3A_549 : memref<1x1x8x128xf32, #tpu.memory_space<hbm>> -> memref<8x128xf32, #tpu.memory_space<hbm>>
        %dma_start3A_551 = arith.constant 0 : i32
        %dma_start3A_552 = arith.constant 0 : i32
        %dma_start3A_553 = tpu.memref_slice %arg4[%add3A_539, %add3A_541, %dma_start3A_551, %dma_start3A_552] : memref<200x128x8x128xf32, #tpu.memory_space<hbm>> -> memref<1x1x8x128xf32, #tpu.memory_space<hbm>>
        %dma_start3A_554 = tpu.memref_squeeze %dma_start3A_553 : memref<1x1x8x128xf32, #tpu.memory_space<hbm>> -> memref<8x128xf32, #tpu.memory_space<hbm>>
        %dma_start3A_555 = arith.constant 0 : i32
        %dma_start3A_556 = arith.constant 0 : i32
        %dma_start3A_557 = tpu.memref_slice %arg10[%dma_start3A_542, %dma_start3A_555, %dma_start3A_556] : memref<32x8x128xf32, #tpu.memory_space<vmem>> -> memref<1x8x128xf32, #tpu.memory_space<vmem>>
        %dma_start3A_558 = tpu.memref_squeeze %dma_start3A_557 : memref<1x8x128xf32, #tpu.memory_space<vmem>> -> memref<8x128xf32, #tpu.memory_space<vmem>>
        tpu.enqueue_dma source(%dma_start3A_558 : memref<8x128xf32, #tpu.memory_space<vmem>>) target(%dma_start3A_554 : memref<8x128xf32, #tpu.memory_space<hbm>>) target_semaphore(%arg13 : memref<!tpu.dma_semaphore, #tpu.memory_space<semaphore_mem>>)
        %mul3A_559 = arith.constant 8 : i32
        %mul3A_560 = arith.muli %add3A_194, %mul3A_559 : i32
        %add3A_561 = arith.constant 3 : i32
        %add3A_562 = arith.addi %mul3A_560, %add3A_561 : i32
        %add3A_563 = arith.constant 96 : i32
        %add3A_564 = arith.addi %add3A_563, %add3A : i32
        %dma_start3A_565 = arith.constant 15 : i32
        %dma_start3A_566 = arith.constant 0 : i32
        %dma_start3A_567 = arith.constant 0 : i32
        %dma_start3A_568 = tpu.memref_slice %arg10[%dma_start3A_565, %dma_start3A_566, %dma_start3A_567] : memref<32x8x128xf32, #tpu.memory_space<vmem>> -> memref<1x8x128xf32, #tpu.memory_space<vmem>>
        %dma_start3A_569 = tpu.memref_squeeze %dma_start3A_568 : memref<1x8x128xf32, #tpu.memory_space<vmem>> -> memref<8x128xf32, #tpu.memory_space<vmem>>
        %dma_start3A_570 = arith.constant 0 : i32
        %dma_start3A_571 = arith.constant 0 : i32
        %dma_start3A_572 = tpu.memref_slice %arg4[%add3A_562, %add3A_564, %dma_start3A_570, %dma_start3A_571] : memref<200x128x8x128xf32, #tpu.memory_space<hbm>> -> memref<1x1x8x128xf32, #tpu.memory_space<hbm>>
        %dma_start3A_573 = tpu.memref_squeeze %dma_start3A_572 : memref<1x1x8x128xf32, #tpu.memory_space<hbm>> -> memref<8x128xf32, #tpu.memory_space<hbm>>
        %dma_start3A_574 = arith.constant 0 : i32
        %dma_start3A_575 = arith.constant 0 : i32
        %dma_start3A_576 = tpu.memref_slice %arg4[%add3A_562, %add3A_564, %dma_start3A_574, %dma_start3A_575] : memref<200x128x8x128xf32, #tpu.memory_space<hbm>> -> memref<1x1x8x128xf32, #tpu.memory_space<hbm>>
        %dma_start3A_577 = tpu.memref_squeeze %dma_start3A_576 : memref<1x1x8x128xf32, #tpu.memory_space<hbm>> -> memref<8x128xf32, #tpu.memory_space<hbm>>
        %dma_start3A_578 = arith.constant 0 : i32
        %dma_start3A_579 = arith.constant 0 : i32
        %dma_start3A_580 = tpu.memref_slice %arg10[%dma_start3A_565, %dma_start3A_578, %dma_start3A_579] : memref<32x8x128xf32, #tpu.memory_space<vmem>> -> memref<1x8x128xf32, #tpu.memory_space<vmem>>
        %dma_start3A_581 = tpu.memref_squeeze %dma_start3A_580 : memref<1x8x128xf32, #tpu.memory_space<vmem>> -> memref<8x128xf32, #tpu.memory_space<vmem>>
        tpu.enqueue_dma source(%dma_start3A_581 : memref<8x128xf32, #tpu.memory_space<vmem>>) target(%dma_start3A_577 : memref<8x128xf32, #tpu.memory_space<hbm>>) target_semaphore(%arg13 : memref<!tpu.dma_semaphore, #tpu.memory_space<semaphore_mem>>)
        %mul3A_582 = arith.constant 8 : i32
        %mul3A_583 = arith.muli %add3A_194, %mul3A_582 : i32
        %add3A_584 = arith.constant 4 : i32
        %add3A_585 = arith.addi %mul3A_583, %add3A_584 : i32
        %add3A_586 = arith.constant 0 : i32
        %add3A_587 = arith.addi %add3A_586, %add3A : i32
        %dma_start3A_588 = arith.constant 16 : i32
        %dma_start3A_589 = arith.constant 0 : i32
        %dma_start3A_590 = arith.constant 0 : i32
        %dma_start3A_591 = tpu.memref_slice %arg10[%dma_start3A_588, %dma_start3A_589, %dma_start3A_590] : memref<32x8x128xf32, #tpu.memory_space<vmem>> -> memref<1x8x128xf32, #tpu.memory_space<vmem>>
        %dma_start3A_592 = tpu.memref_squeeze %dma_start3A_591 : memref<1x8x128xf32, #tpu.memory_space<vmem>> -> memref<8x128xf32, #tpu.memory_space<vmem>>
        %dma_start3A_593 = arith.constant 0 : i32
        %dma_start3A_594 = arith.constant 0 : i32
        %dma_start3A_595 = tpu.memref_slice %arg4[%add3A_585, %add3A_587, %dma_start3A_593, %dma_start3A_594] : memref<200x128x8x128xf32, #tpu.memory_space<hbm>> -> memref<1x1x8x128xf32, #tpu.memory_space<hbm>>
        %dma_start3A_596 = tpu.memref_squeeze %dma_start3A_595 : memref<1x1x8x128xf32, #tpu.memory_space<hbm>> -> memref<8x128xf32, #tpu.memory_space<hbm>>
        %dma_start3A_597 = arith.constant 0 : i32
        %dma_start3A_598 = arith.constant 0 : i32
        %dma_start3A_599 = tpu.memref_slice %arg4[%add3A_585, %add3A_587, %dma_start3A_597, %dma_start3A_598] : memref<200x128x8x128xf32, #tpu.memory_space<hbm>> -> memref<1x1x8x128xf32, #tpu.memory_space<hbm>>
        %dma_start3A_600 = tpu.memref_squeeze %dma_start3A_599 : memref<1x1x8x128xf32, #tpu.memory_space<hbm>> -> memref<8x128xf32, #tpu.memory_space<hbm>>
        %dma_start3A_601 = arith.constant 0 : i32
        %dma_start3A_602 = arith.constant 0 : i32
        %dma_start3A_603 = tpu.memref_slice %arg10[%dma_start3A_588, %dma_start3A_601, %dma_start3A_602] : memref<32x8x128xf32, #tpu.memory_space<vmem>> -> memref<1x8x128xf32, #tpu.memory_space<vmem>>
        %dma_start3A_604 = tpu.memref_squeeze %dma_start3A_603 : memref<1x8x128xf32, #tpu.memory_space<vmem>> -> memref<8x128xf32, #tpu.memory_space<vmem>>
        tpu.enqueue_dma source(%dma_start3A_604 : memref<8x128xf32, #tpu.memory_space<vmem>>) target(%dma_start3A_600 : memref<8x128xf32, #tpu.memory_space<hbm>>) target_semaphore(%arg13 : memref<!tpu.dma_semaphore, #tpu.memory_space<semaphore_mem>>)
        %mul3A_605 = arith.constant 8 : i32
        %mul3A_606 = arith.muli %add3A_194, %mul3A_605 : i32
        %add3A_607 = arith.constant 4 : i32
        %add3A_608 = arith.addi %mul3A_606, %add3A_607 : i32
        %add3A_609 = arith.constant 32 : i32
        %add3A_610 = arith.addi %add3A_609, %add3A : i32
        %dma_start3A_611 = arith.constant 17 : i32
        %dma_start3A_612 = arith.constant 0 : i32
        %dma_start3A_613 = arith.constant 0 : i32
        %dma_start3A_614 = tpu.memref_slice %arg10[%dma_start3A_611, %dma_start3A_612, %dma_start3A_613] : memref<32x8x128xf32, #tpu.memory_space<vmem>> -> memref<1x8x128xf32, #tpu.memory_space<vmem>>
        %dma_start3A_615 = tpu.memref_squeeze %dma_start3A_614 : memref<1x8x128xf32, #tpu.memory_space<vmem>> -> memref<8x128xf32, #tpu.memory_space<vmem>>
        %dma_start3A_616 = arith.constant 0 : i32
        %dma_start3A_617 = arith.constant 0 : i32
        %dma_start3A_618 = tpu.memref_slice %arg4[%add3A_608, %add3A_610, %dma_start3A_616, %dma_start3A_617] : memref<200x128x8x128xf32, #tpu.memory_space<hbm>> -> memref<1x1x8x128xf32, #tpu.memory_space<hbm>>
        %dma_start3A_619 = tpu.memref_squeeze %dma_start3A_618 : memref<1x1x8x128xf32, #tpu.memory_space<hbm>> -> memref<8x128xf32, #tpu.memory_space<hbm>>
        %dma_start3A_620 = arith.constant 0 : i32
        %dma_start3A_621 = arith.constant 0 : i32
        %dma_start3A_622 = tpu.memref_slice %arg4[%add3A_608, %add3A_610, %dma_start3A_620, %dma_start3A_621] : memref<200x128x8x128xf32, #tpu.memory_space<hbm>> -> memref<1x1x8x128xf32, #tpu.memory_space<hbm>>
        %dma_start3A_623 = tpu.memref_squeeze %dma_start3A_622 : memref<1x1x8x128xf32, #tpu.memory_space<hbm>> -> memref<8x128xf32, #tpu.memory_space<hbm>>
        %dma_start3A_624 = arith.constant 0 : i32
        %dma_start3A_625 = arith.constant 0 : i32
        %dma_start3A_626 = tpu.memref_slice %arg10[%dma_start3A_611, %dma_start3A_624, %dma_start3A_625] : memref<32x8x128xf32, #tpu.memory_space<vmem>> -> memref<1x8x128xf32, #tpu.memory_space<vmem>>
        %dma_start3A_627 = tpu.memref_squeeze %dma_start3A_626 : memref<1x8x128xf32, #tpu.memory_space<vmem>> -> memref<8x128xf32, #tpu.memory_space<vmem>>
        tpu.enqueue_dma source(%dma_start3A_627 : memref<8x128xf32, #tpu.memory_space<vmem>>) target(%dma_start3A_623 : memref<8x128xf32, #tpu.memory_space<hbm>>) target_semaphore(%arg13 : memref<!tpu.dma_semaphore, #tpu.memory_space<semaphore_mem>>)
        %mul3A_628 = arith.constant 8 : i32
        %mul3A_629 = arith.muli %add3A_194, %mul3A_628 : i32
        %add3A_630 = arith.constant 4 : i32
        %add3A_631 = arith.addi %mul3A_629, %add3A_630 : i32
        %add3A_632 = arith.constant 64 : i32
        %add3A_633 = arith.addi %add3A_632, %add3A : i32
        %dma_start3A_634 = arith.constant 18 : i32
        %dma_start3A_635 = arith.constant 0 : i32
        %dma_start3A_636 = arith.constant 0 : i32
        %dma_start3A_637 = tpu.memref_slice %arg10[%dma_start3A_634, %dma_start3A_635, %dma_start3A_636] : memref<32x8x128xf32, #tpu.memory_space<vmem>> -> memref<1x8x128xf32, #tpu.memory_space<vmem>>
        %dma_start3A_638 = tpu.memref_squeeze %dma_start3A_637 : memref<1x8x128xf32, #tpu.memory_space<vmem>> -> memref<8x128xf32, #tpu.memory_space<vmem>>
        %dma_start3A_639 = arith.constant 0 : i32
        %dma_start3A_640 = arith.constant 0 : i32
        %dma_start3A_641 = tpu.memref_slice %arg4[%add3A_631, %add3A_633, %dma_start3A_639, %dma_start3A_640] : memref<200x128x8x128xf32, #tpu.memory_space<hbm>> -> memref<1x1x8x128xf32, #tpu.memory_space<hbm>>
        %dma_start3A_642 = tpu.memref_squeeze %dma_start3A_641 : memref<1x1x8x128xf32, #tpu.memory_space<hbm>> -> memref<8x128xf32, #tpu.memory_space<hbm>>
        %dma_start3A_643 = arith.constant 0 : i32
        %dma_start3A_644 = arith.constant 0 : i32
        %dma_start3A_645 = tpu.memref_slice %arg4[%add3A_631, %add3A_633, %dma_start3A_643, %dma_start3A_644] : memref<200x128x8x128xf32, #tpu.memory_space<hbm>> -> memref<1x1x8x128xf32, #tpu.memory_space<hbm>>
        %dma_start3A_646 = tpu.memref_squeeze %dma_start3A_645 : memref<1x1x8x128xf32, #tpu.memory_space<hbm>> -> memref<8x128xf32, #tpu.memory_space<hbm>>
        %dma_start3A_647 = arith.constant 0 : i32
        %dma_start3A_648 = arith.constant 0 : i32
        %dma_start3A_649 = tpu.memref_slice %arg10[%dma_start3A_634, %dma_start3A_647, %dma_start3A_648] : memref<32x8x128xf32, #tpu.memory_space<vmem>> -> memref<1x8x128xf32, #tpu.memory_space<vmem>>
        %dma_start3A_650 = tpu.memref_squeeze %dma_start3A_649 : memref<1x8x128xf32, #tpu.memory_space<vmem>> -> memref<8x128xf32, #tpu.memory_space<vmem>>
        tpu.enqueue_dma source(%dma_start3A_650 : memref<8x128xf32, #tpu.memory_space<vmem>>) target(%dma_start3A_646 : memref<8x128xf32, #tpu.memory_space<hbm>>) target_semaphore(%arg13 : memref<!tpu.dma_semaphore, #tpu.memory_space<semaphore_mem>>)
        %mul3A_651 = arith.constant 8 : i32
        %mul3A_652 = arith.muli %add3A_194, %mul3A_651 : i32
        %add3A_653 = arith.constant 4 : i32
        %add3A_654 = arith.addi %mul3A_652, %add3A_653 : i32
        %add3A_655 = arith.constant 96 : i32
        %add3A_656 = arith.addi %add3A_655, %add3A : i32
        %dma_start3A_657 = arith.constant 19 : i32
        %dma_start3A_658 = arith.constant 0 : i32
        %dma_start3A_659 = arith.constant 0 : i32
        %dma_start3A_660 = tpu.memref_slice %arg10[%dma_start3A_657, %dma_start3A_658, %dma_start3A_659] : memref<32x8x128xf32, #tpu.memory_space<vmem>> -> memref<1x8x128xf32, #tpu.memory_space<vmem>>
        %dma_start3A_661 = tpu.memref_squeeze %dma_start3A_660 : memref<1x8x128xf32, #tpu.memory_space<vmem>> -> memref<8x128xf32, #tpu.memory_space<vmem>>
        %dma_start3A_662 = arith.constant 0 : i32
        %dma_start3A_663 = arith.constant 0 : i32
        %dma_start3A_664 = tpu.memref_slice %arg4[%add3A_654, %add3A_656, %dma_start3A_662, %dma_start3A_663] : memref<200x128x8x128xf32, #tpu.memory_space<hbm>> -> memref<1x1x8x128xf32, #tpu.memory_space<hbm>>
        %dma_start3A_665 = tpu.memref_squeeze %dma_start3A_664 : memref<1x1x8x128xf32, #tpu.memory_space<hbm>> -> memref<8x128xf32, #tpu.memory_space<hbm>>
        %dma_start3A_666 = arith.constant 0 : i32
        %dma_start3A_667 = arith.constant 0 : i32
        %dma_start3A_668 = tpu.memref_slice %arg4[%add3A_654, %add3A_656, %dma_start3A_666, %dma_start3A_667] : memref<200x128x8x128xf32, #tpu.memory_space<hbm>> -> memref<1x1x8x128xf32, #tpu.memory_space<hbm>>
        %dma_start3A_669 = tpu.memref_squeeze %dma_start3A_668 : memref<1x1x8x128xf32, #tpu.memory_space<hbm>> -> memref<8x128xf32, #tpu.memory_space<hbm>>
        %dma_start3A_670 = arith.constant 0 : i32
        %dma_start3A_671 = arith.constant 0 : i32
        %dma_start3A_672 = tpu.memref_slice %arg10[%dma_start3A_657, %dma_start3A_670, %dma_start3A_671] : memref<32x8x128xf32, #tpu.memory_space<vmem>> -> memref<1x8x128xf32, #tpu.memory_space<vmem>>
        %dma_start3A_673 = tpu.memref_squeeze %dma_start3A_672 : memref<1x8x128xf32, #tpu.memory_space<vmem>> -> memref<8x128xf32, #tpu.memory_space<vmem>>
        tpu.enqueue_dma source(%dma_start3A_673 : memref<8x128xf32, #tpu.memory_space<vmem>>) target(%dma_start3A_669 : memref<8x128xf32, #tpu.memory_space<hbm>>) target_semaphore(%arg13 : memref<!tpu.dma_semaphore, #tpu.memory_space<semaphore_mem>>)
        %mul3A_674 = arith.constant 8 : i32
        %mul3A_675 = arith.muli %add3A_194, %mul3A_674 : i32
        %add3A_676 = arith.constant 5 : i32
        %add3A_677 = arith.addi %mul3A_675, %add3A_676 : i32
        %add3A_678 = arith.constant 0 : i32
        %add3A_679 = arith.addi %add3A_678, %add3A : i32
        %dma_start3A_680 = arith.constant 20 : i32
        %dma_start3A_681 = arith.constant 0 : i32
        %dma_start3A_682 = arith.constant 0 : i32
        %dma_start3A_683 = tpu.memref_slice %arg10[%dma_start3A_680, %dma_start3A_681, %dma_start3A_682] : memref<32x8x128xf32, #tpu.memory_space<vmem>> -> memref<1x8x128xf32, #tpu.memory_space<vmem>>
        %dma_start3A_684 = tpu.memref_squeeze %dma_start3A_683 : memref<1x8x128xf32, #tpu.memory_space<vmem>> -> memref<8x128xf32, #tpu.memory_space<vmem>>
        %dma_start3A_685 = arith.constant 0 : i32
        %dma_start3A_686 = arith.constant 0 : i32
        %dma_start3A_687 = tpu.memref_slice %arg4[%add3A_677, %add3A_679, %dma_start3A_685, %dma_start3A_686] : memref<200x128x8x128xf32, #tpu.memory_space<hbm>> -> memref<1x1x8x128xf32, #tpu.memory_space<hbm>>
        %dma_start3A_688 = tpu.memref_squeeze %dma_start3A_687 : memref<1x1x8x128xf32, #tpu.memory_space<hbm>> -> memref<8x128xf32, #tpu.memory_space<hbm>>
        %dma_start3A_689 = arith.constant 0 : i32
        %dma_start3A_690 = arith.constant 0 : i32
        %dma_start3A_691 = tpu.memref_slice %arg4[%add3A_677, %add3A_679, %dma_start3A_689, %dma_start3A_690] : memref<200x128x8x128xf32, #tpu.memory_space<hbm>> -> memref<1x1x8x128xf32, #tpu.memory_space<hbm>>
        %dma_start3A_692 = tpu.memref_squeeze %dma_start3A_691 : memref<1x1x8x128xf32, #tpu.memory_space<hbm>> -> memref<8x128xf32, #tpu.memory_space<hbm>>
        %dma_start3A_693 = arith.constant 0 : i32
        %dma_start3A_694 = arith.constant 0 : i32
        %dma_start3A_695 = tpu.memref_slice %arg10[%dma_start3A_680, %dma_start3A_693, %dma_start3A_694] : memref<32x8x128xf32, #tpu.memory_space<vmem>> -> memref<1x8x128xf32, #tpu.memory_space<vmem>>
        %dma_start3A_696 = tpu.memref_squeeze %dma_start3A_695 : memref<1x8x128xf32, #tpu.memory_space<vmem>> -> memref<8x128xf32, #tpu.memory_space<vmem>>
        tpu.enqueue_dma source(%dma_start3A_696 : memref<8x128xf32, #tpu.memory_space<vmem>>) target(%dma_start3A_692 : memref<8x128xf32, #tpu.memory_space<hbm>>) target_semaphore(%arg13 : memref<!tpu.dma_semaphore, #tpu.memory_space<semaphore_mem>>)
        %mul3A_697 = arith.constant 8 : i32
        %mul3A_698 = arith.muli %add3A_194, %mul3A_697 : i32
        %add3A_699 = arith.constant 5 : i32
        %add3A_700 = arith.addi %mul3A_698, %add3A_699 : i32
        %add3A_701 = arith.constant 32 : i32
        %add3A_702 = arith.addi %add3A_701, %add3A : i32
        %dma_start3A_703 = arith.constant 21 : i32
        %dma_start3A_704 = arith.constant 0 : i32
        %dma_start3A_705 = arith.constant 0 : i32
        %dma_start3A_706 = tpu.memref_slice %arg10[%dma_start3A_703, %dma_start3A_704, %dma_start3A_705] : memref<32x8x128xf32, #tpu.memory_space<vmem>> -> memref<1x8x128xf32, #tpu.memory_space<vmem>>
        %dma_start3A_707 = tpu.memref_squeeze %dma_start3A_706 : memref<1x8x128xf32, #tpu.memory_space<vmem>> -> memref<8x128xf32, #tpu.memory_space<vmem>>
        %dma_start3A_708 = arith.constant 0 : i32
        %dma_start3A_709 = arith.constant 0 : i32
        %dma_start3A_710 = tpu.memref_slice %arg4[%add3A_700, %add3A_702, %dma_start3A_708, %dma_start3A_709] : memref<200x128x8x128xf32, #tpu.memory_space<hbm>> -> memref<1x1x8x128xf32, #tpu.memory_space<hbm>>
        %dma_start3A_711 = tpu.memref_squeeze %dma_start3A_710 : memref<1x1x8x128xf32, #tpu.memory_space<hbm>> -> memref<8x128xf32, #tpu.memory_space<hbm>>
        %dma_start3A_712 = arith.constant 0 : i32
        %dma_start3A_713 = arith.constant 0 : i32
        %dma_start3A_714 = tpu.memref_slice %arg4[%add3A_700, %add3A_702, %dma_start3A_712, %dma_start3A_713] : memref<200x128x8x128xf32, #tpu.memory_space<hbm>> -> memref<1x1x8x128xf32, #tpu.memory_space<hbm>>
        %dma_start3A_715 = tpu.memref_squeeze %dma_start3A_714 : memref<1x1x8x128xf32, #tpu.memory_space<hbm>> -> memref<8x128xf32, #tpu.memory_space<hbm>>
        %dma_start3A_716 = arith.constant 0 : i32
        %dma_start3A_717 = arith.constant 0 : i32
        %dma_start3A_718 = tpu.memref_slice %arg10[%dma_start3A_703, %dma_start3A_716, %dma_start3A_717] : memref<32x8x128xf32, #tpu.memory_space<vmem>> -> memref<1x8x128xf32, #tpu.memory_space<vmem>>
        %dma_start3A_719 = tpu.memref_squeeze %dma_start3A_718 : memref<1x8x128xf32, #tpu.memory_space<vmem>> -> memref<8x128xf32, #tpu.memory_space<vmem>>
        tpu.enqueue_dma source(%dma_start3A_719 : memref<8x128xf32, #tpu.memory_space<vmem>>) target(%dma_start3A_715 : memref<8x128xf32, #tpu.memory_space<hbm>>) target_semaphore(%arg13 : memref<!tpu.dma_semaphore, #tpu.memory_space<semaphore_mem>>)
        %mul3A_720 = arith.constant 8 : i32
        %mul3A_721 = arith.muli %add3A_194, %mul3A_720 : i32
        %add3A_722 = arith.constant 5 : i32
        %add3A_723 = arith.addi %mul3A_721, %add3A_722 : i32
        %add3A_724 = arith.constant 64 : i32
        %add3A_725 = arith.addi %add3A_724, %add3A : i32
        %dma_start3A_726 = arith.constant 22 : i32
        %dma_start3A_727 = arith.constant 0 : i32
        %dma_start3A_728 = arith.constant 0 : i32
        %dma_start3A_729 = tpu.memref_slice %arg10[%dma_start3A_726, %dma_start3A_727, %dma_start3A_728] : memref<32x8x128xf32, #tpu.memory_space<vmem>> -> memref<1x8x128xf32, #tpu.memory_space<vmem>>
        %dma_start3A_730 = tpu.memref_squeeze %dma_start3A_729 : memref<1x8x128xf32, #tpu.memory_space<vmem>> -> memref<8x128xf32, #tpu.memory_space<vmem>>
        %dma_start3A_731 = arith.constant 0 : i32
        %dma_start3A_732 = arith.constant 0 : i32
        %dma_start3A_733 = tpu.memref_slice %arg4[%add3A_723, %add3A_725, %dma_start3A_731, %dma_start3A_732] : memref<200x128x8x128xf32, #tpu.memory_space<hbm>> -> memref<1x1x8x128xf32, #tpu.memory_space<hbm>>
        %dma_start3A_734 = tpu.memref_squeeze %dma_start3A_733 : memref<1x1x8x128xf32, #tpu.memory_space<hbm>> -> memref<8x128xf32, #tpu.memory_space<hbm>>
        %dma_start3A_735 = arith.constant 0 : i32
        %dma_start3A_736 = arith.constant 0 : i32
        %dma_start3A_737 = tpu.memref_slice %arg4[%add3A_723, %add3A_725, %dma_start3A_735, %dma_start3A_736] : memref<200x128x8x128xf32, #tpu.memory_space<hbm>> -> memref<1x1x8x128xf32, #tpu.memory_space<hbm>>
        %dma_start3A_738 = tpu.memref_squeeze %dma_start3A_737 : memref<1x1x8x128xf32, #tpu.memory_space<hbm>> -> memref<8x128xf32, #tpu.memory_space<hbm>>
        %dma_start3A_739 = arith.constant 0 : i32
        %dma_start3A_740 = arith.constant 0 : i32
        %dma_start3A_741 = tpu.memref_slice %arg10[%dma_start3A_726, %dma_start3A_739, %dma_start3A_740] : memref<32x8x128xf32, #tpu.memory_space<vmem>> -> memref<1x8x128xf32, #tpu.memory_space<vmem>>
        %dma_start3A_742 = tpu.memref_squeeze %dma_start3A_741 : memref<1x8x128xf32, #tpu.memory_space<vmem>> -> memref<8x128xf32, #tpu.memory_space<vmem>>
        tpu.enqueue_dma source(%dma_start3A_742 : memref<8x128xf32, #tpu.memory_space<vmem>>) target(%dma_start3A_738 : memref<8x128xf32, #tpu.memory_space<hbm>>) target_semaphore(%arg13 : memref<!tpu.dma_semaphore, #tpu.memory_space<semaphore_mem>>)
        %mul3A_743 = arith.constant 8 : i32
        %mul3A_744 = arith.muli %add3A_194, %mul3A_743 : i32
        %add3A_745 = arith.constant 5 : i32
        %add3A_746 = arith.addi %mul3A_744, %add3A_745 : i32
        %add3A_747 = arith.constant 96 : i32
        %add3A_748 = arith.addi %add3A_747, %add3A : i32
        %dma_start3A_749 = arith.constant 23 : i32
        %dma_start3A_750 = arith.constant 0 : i32
        %dma_start3A_751 = arith.constant 0 : i32
        %dma_start3A_752 = tpu.memref_slice %arg10[%dma_start3A_749, %dma_start3A_750, %dma_start3A_751] : memref<32x8x128xf32, #tpu.memory_space<vmem>> -> memref<1x8x128xf32, #tpu.memory_space<vmem>>
        %dma_start3A_753 = tpu.memref_squeeze %dma_start3A_752 : memref<1x8x128xf32, #tpu.memory_space<vmem>> -> memref<8x128xf32, #tpu.memory_space<vmem>>
        %dma_start3A_754 = arith.constant 0 : i32
        %dma_start3A_755 = arith.constant 0 : i32
        %dma_start3A_756 = tpu.memref_slice %arg4[%add3A_746, %add3A_748, %dma_start3A_754, %dma_start3A_755] : memref<200x128x8x128xf32, #tpu.memory_space<hbm>> -> memref<1x1x8x128xf32, #tpu.memory_space<hbm>>
        %dma_start3A_757 = tpu.memref_squeeze %dma_start3A_756 : memref<1x1x8x128xf32, #tpu.memory_space<hbm>> -> memref<8x128xf32, #tpu.memory_space<hbm>>
        %dma_start3A_758 = arith.constant 0 : i32
        %dma_start3A_759 = arith.constant 0 : i32
        %dma_start3A_760 = tpu.memref_slice %arg4[%add3A_746, %add3A_748, %dma_start3A_758, %dma_start3A_759] : memref<200x128x8x128xf32, #tpu.memory_space<hbm>> -> memref<1x1x8x128xf32, #tpu.memory_space<hbm>>
        %dma_start3A_761 = tpu.memref_squeeze %dma_start3A_760 : memref<1x1x8x128xf32, #tpu.memory_space<hbm>> -> memref<8x128xf32, #tpu.memory_space<hbm>>
        %dma_start3A_762 = arith.constant 0 : i32
        %dma_start3A_763 = arith.constant 0 : i32
        %dma_start3A_764 = tpu.memref_slice %arg10[%dma_start3A_749, %dma_start3A_762, %dma_start3A_763] : memref<32x8x128xf32, #tpu.memory_space<vmem>> -> memref<1x8x128xf32, #tpu.memory_space<vmem>>
        %dma_start3A_765 = tpu.memref_squeeze %dma_start3A_764 : memref<1x8x128xf32, #tpu.memory_space<vmem>> -> memref<8x128xf32, #tpu.memory_space<vmem>>
        tpu.enqueue_dma source(%dma_start3A_765 : memref<8x128xf32, #tpu.memory_space<vmem>>) target(%dma_start3A_761 : memref<8x128xf32, #tpu.memory_space<hbm>>) target_semaphore(%arg13 : memref<!tpu.dma_semaphore, #tpu.memory_space<semaphore_mem>>)
        %mul3A_766 = arith.constant 8 : i32
        %mul3A_767 = arith.muli %add3A_194, %mul3A_766 : i32
        %add3A_768 = arith.constant 6 : i32
        %add3A_769 = arith.addi %mul3A_767, %add3A_768 : i32
        %add3A_770 = arith.constant 0 : i32
        %add3A_771 = arith.addi %add3A_770, %add3A : i32
        %dma_start3A_772 = arith.constant 24 : i32
        %dma_start3A_773 = arith.constant 0 : i32
        %dma_start3A_774 = arith.constant 0 : i32
        %dma_start3A_775 = tpu.memref_slice %arg10[%dma_start3A_772, %dma_start3A_773, %dma_start3A_774] : memref<32x8x128xf32, #tpu.memory_space<vmem>> -> memref<1x8x128xf32, #tpu.memory_space<vmem>>
        %dma_start3A_776 = tpu.memref_squeeze %dma_start3A_775 : memref<1x8x128xf32, #tpu.memory_space<vmem>> -> memref<8x128xf32, #tpu.memory_space<vmem>>
        %dma_start3A_777 = arith.constant 0 : i32
        %dma_start3A_778 = arith.constant 0 : i32
        %dma_start3A_779 = tpu.memref_slice %arg4[%add3A_769, %add3A_771, %dma_start3A_777, %dma_start3A_778] : memref<200x128x8x128xf32, #tpu.memory_space<hbm>> -> memref<1x1x8x128xf32, #tpu.memory_space<hbm>>
        %dma_start3A_780 = tpu.memref_squeeze %dma_start3A_779 : memref<1x1x8x128xf32, #tpu.memory_space<hbm>> -> memref<8x128xf32, #tpu.memory_space<hbm>>
        %dma_start3A_781 = arith.constant 0 : i32
        %dma_start3A_782 = arith.constant 0 : i32
        %dma_start3A_783 = tpu.memref_slice %arg4[%add3A_769, %add3A_771, %dma_start3A_781, %dma_start3A_782] : memref<200x128x8x128xf32, #tpu.memory_space<hbm>> -> memref<1x1x8x128xf32, #tpu.memory_space<hbm>>
        %dma_start3A_784 = tpu.memref_squeeze %dma_start3A_783 : memref<1x1x8x128xf32, #tpu.memory_space<hbm>> -> memref<8x128xf32, #tpu.memory_space<hbm>>
        %dma_start3A_785 = arith.constant 0 : i32
        %dma_start3A_786 = arith.constant 0 : i32
        %dma_start3A_787 = tpu.memref_slice %arg10[%dma_start3A_772, %dma_start3A_785, %dma_start3A_786] : memref<32x8x128xf32, #tpu.memory_space<vmem>> -> memref<1x8x128xf32, #tpu.memory_space<vmem>>
        %dma_start3A_788 = tpu.memref_squeeze %dma_start3A_787 : memref<1x8x128xf32, #tpu.memory_space<vmem>> -> memref<8x128xf32, #tpu.memory_space<vmem>>
        tpu.enqueue_dma source(%dma_start3A_788 : memref<8x128xf32, #tpu.memory_space<vmem>>) target(%dma_start3A_784 : memref<8x128xf32, #tpu.memory_space<hbm>>) target_semaphore(%arg13 : memref<!tpu.dma_semaphore, #tpu.memory_space<semaphore_mem>>)
        %mul3A_789 = arith.constant 8 : i32
        %mul3A_790 = arith.muli %add3A_194, %mul3A_789 : i32
        %add3A_791 = arith.constant 6 : i32
        %add3A_792 = arith.addi %mul3A_790, %add3A_791 : i32
        %add3A_793 = arith.constant 32 : i32
        %add3A_794 = arith.addi %add3A_793, %add3A : i32
        %dma_start3A_795 = arith.constant 25 : i32
        %dma_start3A_796 = arith.constant 0 : i32
        %dma_start3A_797 = arith.constant 0 : i32
        %dma_start3A_798 = tpu.memref_slice %arg10[%dma_start3A_795, %dma_start3A_796, %dma_start3A_797] : memref<32x8x128xf32, #tpu.memory_space<vmem>> -> memref<1x8x128xf32, #tpu.memory_space<vmem>>
        %dma_start3A_799 = tpu.memref_squeeze %dma_start3A_798 : memref<1x8x128xf32, #tpu.memory_space<vmem>> -> memref<8x128xf32, #tpu.memory_space<vmem>>
        %dma_start3A_800 = arith.constant 0 : i32
        %dma_start3A_801 = arith.constant 0 : i32
        %dma_start3A_802 = tpu.memref_slice %arg4[%add3A_792, %add3A_794, %dma_start3A_800, %dma_start3A_801] : memref<200x128x8x128xf32, #tpu.memory_space<hbm>> -> memref<1x1x8x128xf32, #tpu.memory_space<hbm>>
        %dma_start3A_803 = tpu.memref_squeeze %dma_start3A_802 : memref<1x1x8x128xf32, #tpu.memory_space<hbm>> -> memref<8x128xf32, #tpu.memory_space<hbm>>
        %dma_start3A_804 = arith.constant 0 : i32
        %dma_start3A_805 = arith.constant 0 : i32
        %dma_start3A_806 = tpu.memref_slice %arg4[%add3A_792, %add3A_794, %dma_start3A_804, %dma_start3A_805] : memref<200x128x8x128xf32, #tpu.memory_space<hbm>> -> memref<1x1x8x128xf32, #tpu.memory_space<hbm>>
        %dma_start3A_807 = tpu.memref_squeeze %dma_start3A_806 : memref<1x1x8x128xf32, #tpu.memory_space<hbm>> -> memref<8x128xf32, #tpu.memory_space<hbm>>
        %dma_start3A_808 = arith.constant 0 : i32
        %dma_start3A_809 = arith.constant 0 : i32
        %dma_start3A_810 = tpu.memref_slice %arg10[%dma_start3A_795, %dma_start3A_808, %dma_start3A_809] : memref<32x8x128xf32, #tpu.memory_space<vmem>> -> memref<1x8x128xf32, #tpu.memory_space<vmem>>
        %dma_start3A_811 = tpu.memref_squeeze %dma_start3A_810 : memref<1x8x128xf32, #tpu.memory_space<vmem>> -> memref<8x128xf32, #tpu.memory_space<vmem>>
        tpu.enqueue_dma source(%dma_start3A_811 : memref<8x128xf32, #tpu.memory_space<vmem>>) target(%dma_start3A_807 : memref<8x128xf32, #tpu.memory_space<hbm>>) target_semaphore(%arg13 : memref<!tpu.dma_semaphore, #tpu.memory_space<semaphore_mem>>)
        %mul3A_812 = arith.constant 8 : i32
        %mul3A_813 = arith.muli %add3A_194, %mul3A_812 : i32
        %add3A_814 = arith.constant 6 : i32
        %add3A_815 = arith.addi %mul3A_813, %add3A_814 : i32
        %add3A_816 = arith.constant 64 : i32
        %add3A_817 = arith.addi %add3A_816, %add3A : i32
        %dma_start3A_818 = arith.constant 26 : i32
        %dma_start3A_819 = arith.constant 0 : i32
        %dma_start3A_820 = arith.constant 0 : i32
        %dma_start3A_821 = tpu.memref_slice %arg10[%dma_start3A_818, %dma_start3A_819, %dma_start3A_820] : memref<32x8x128xf32, #tpu.memory_space<vmem>> -> memref<1x8x128xf32, #tpu.memory_space<vmem>>
        %dma_start3A_822 = tpu.memref_squeeze %dma_start3A_821 : memref<1x8x128xf32, #tpu.memory_space<vmem>> -> memref<8x128xf32, #tpu.memory_space<vmem>>
        %dma_start3A_823 = arith.constant 0 : i32
        %dma_start3A_824 = arith.constant 0 : i32
        %dma_start3A_825 = tpu.memref_slice %arg4[%add3A_815, %add3A_817, %dma_start3A_823, %dma_start3A_824] : memref<200x128x8x128xf32, #tpu.memory_space<hbm>> -> memref<1x1x8x128xf32, #tpu.memory_space<hbm>>
        %dma_start3A_826 = tpu.memref_squeeze %dma_start3A_825 : memref<1x1x8x128xf32, #tpu.memory_space<hbm>> -> memref<8x128xf32, #tpu.memory_space<hbm>>
        %dma_start3A_827 = arith.constant 0 : i32
        %dma_start3A_828 = arith.constant 0 : i32
        %dma_start3A_829 = tpu.memref_slice %arg4[%add3A_815, %add3A_817, %dma_start3A_827, %dma_start3A_828] : memref<200x128x8x128xf32, #tpu.memory_space<hbm>> -> memref<1x1x8x128xf32, #tpu.memory_space<hbm>>
        %dma_start3A_830 = tpu.memref_squeeze %dma_start3A_829 : memref<1x1x8x128xf32, #tpu.memory_space<hbm>> -> memref<8x128xf32, #tpu.memory_space<hbm>>
        %dma_start3A_831 = arith.constant 0 : i32
        %dma_start3A_832 = arith.constant 0 : i32
        %dma_start3A_833 = tpu.memref_slice %arg10[%dma_start3A_818, %dma_start3A_831, %dma_start3A_832] : memref<32x8x128xf32, #tpu.memory_space<vmem>> -> memref<1x8x128xf32, #tpu.memory_space<vmem>>
        %dma_start3A_834 = tpu.memref_squeeze %dma_start3A_833 : memref<1x8x128xf32, #tpu.memory_space<vmem>> -> memref<8x128xf32, #tpu.memory_space<vmem>>
        tpu.enqueue_dma source(%dma_start3A_834 : memref<8x128xf32, #tpu.memory_space<vmem>>) target(%dma_start3A_830 : memref<8x128xf32, #tpu.memory_space<hbm>>) target_semaphore(%arg13 : memref<!tpu.dma_semaphore, #tpu.memory_space<semaphore_mem>>)
        %mul3A_835 = arith.constant 8 : i32
        %mul3A_836 = arith.muli %add3A_194, %mul3A_835 : i32
        %add3A_837 = arith.constant 6 : i32
        %add3A_838 = arith.addi %mul3A_836, %add3A_837 : i32
        %add3A_839 = arith.constant 96 : i32
        %add3A_840 = arith.addi %add3A_839, %add3A : i32
        %dma_start3A_841 = arith.constant 27 : i32
        %dma_start3A_842 = arith.constant 0 : i32
        %dma_start3A_843 = arith.constant 0 : i32
        %dma_start3A_844 = tpu.memref_slice %arg10[%dma_start3A_841, %dma_start3A_842, %dma_start3A_843] : memref<32x8x128xf32, #tpu.memory_space<vmem>> -> memref<1x8x128xf32, #tpu.memory_space<vmem>>
        %dma_start3A_845 = tpu.memref_squeeze %dma_start3A_844 : memref<1x8x128xf32, #tpu.memory_space<vmem>> -> memref<8x128xf32, #tpu.memory_space<vmem>>
        %dma_start3A_846 = arith.constant 0 : i32
        %dma_start3A_847 = arith.constant 0 : i32
        %dma_start3A_848 = tpu.memref_slice %arg4[%add3A_838, %add3A_840, %dma_start3A_846, %dma_start3A_847] : memref<200x128x8x128xf32, #tpu.memory_space<hbm>> -> memref<1x1x8x128xf32, #tpu.memory_space<hbm>>
        %dma_start3A_849 = tpu.memref_squeeze %dma_start3A_848 : memref<1x1x8x128xf32, #tpu.memory_space<hbm>> -> memref<8x128xf32, #tpu.memory_space<hbm>>
        %dma_start3A_850 = arith.constant 0 : i32
        %dma_start3A_851 = arith.constant 0 : i32
        %dma_start3A_852 = tpu.memref_slice %arg4[%add3A_838, %add3A_840, %dma_start3A_850, %dma_start3A_851] : memref<200x128x8x128xf32, #tpu.memory_space<hbm>> -> memref<1x1x8x128xf32, #tpu.memory_space<hbm>>
        %dma_start3A_853 = tpu.memref_squeeze %dma_start3A_852 : memref<1x1x8x128xf32, #tpu.memory_space<hbm>> -> memref<8x128xf32, #tpu.memory_space<hbm>>
        %dma_start3A_854 = arith.constant 0 : i32
        %dma_start3A_855 = arith.constant 0 : i32
        %dma_start3A_856 = tpu.memref_slice %arg10[%dma_start3A_841, %dma_start3A_854, %dma_start3A_855] : memref<32x8x128xf32, #tpu.memory_space<vmem>> -> memref<1x8x128xf32, #tpu.memory_space<vmem>>
        %dma_start3A_857 = tpu.memref_squeeze %dma_start3A_856 : memref<1x8x128xf32, #tpu.memory_space<vmem>> -> memref<8x128xf32, #tpu.memory_space<vmem>>
        tpu.enqueue_dma source(%dma_start3A_857 : memref<8x128xf32, #tpu.memory_space<vmem>>) target(%dma_start3A_853 : memref<8x128xf32, #tpu.memory_space<hbm>>) target_semaphore(%arg13 : memref<!tpu.dma_semaphore, #tpu.memory_space<semaphore_mem>>)
        %mul3A_858 = arith.constant 8 : i32
        %mul3A_859 = arith.muli %add3A_194, %mul3A_858 : i32
        %add3A_860 = arith.constant 7 : i32
        %add3A_861 = arith.addi %mul3A_859, %add3A_860 : i32
        %add3A_862 = arith.constant 0 : i32
        %add3A_863 = arith.addi %add3A_862, %add3A : i32
        %dma_start3A_864 = arith.constant 28 : i32
        %dma_start3A_865 = arith.constant 0 : i32
        %dma_start3A_866 = arith.constant 0 : i32
        %dma_start3A_867 = tpu.memref_slice %arg10[%dma_start3A_864, %dma_start3A_865, %dma_start3A_866] : memref<32x8x128xf32, #tpu.memory_space<vmem>> -> memref<1x8x128xf32, #tpu.memory_space<vmem>>
        %dma_start3A_868 = tpu.memref_squeeze %dma_start3A_867 : memref<1x8x128xf32, #tpu.memory_space<vmem>> -> memref<8x128xf32, #tpu.memory_space<vmem>>
        %dma_start3A_869 = arith.constant 0 : i32
        %dma_start3A_870 = arith.constant 0 : i32
        %dma_start3A_871 = tpu.memref_slice %arg4[%add3A_861, %add3A_863, %dma_start3A_869, %dma_start3A_870] : memref<200x128x8x128xf32, #tpu.memory_space<hbm>> -> memref<1x1x8x128xf32, #tpu.memory_space<hbm>>
        %dma_start3A_872 = tpu.memref_squeeze %dma_start3A_871 : memref<1x1x8x128xf32, #tpu.memory_space<hbm>> -> memref<8x128xf32, #tpu.memory_space<hbm>>
        %dma_start3A_873 = arith.constant 0 : i32
        %dma_start3A_874 = arith.constant 0 : i32
        %dma_start3A_875 = tpu.memref_slice %arg4[%add3A_861, %add3A_863, %dma_start3A_873, %dma_start3A_874] : memref<200x128x8x128xf32, #tpu.memory_space<hbm>> -> memref<1x1x8x128xf32, #tpu.memory_space<hbm>>
        %dma_start3A_876 = tpu.memref_squeeze %dma_start3A_875 : memref<1x1x8x128xf32, #tpu.memory_space<hbm>> -> memref<8x128xf32, #tpu.memory_space<hbm>>
        %dma_start3A_877 = arith.constant 0 : i32
        %dma_start3A_878 = arith.constant 0 : i32
        %dma_start3A_879 = tpu.memref_slice %arg10[%dma_start3A_864, %dma_start3A_877, %dma_start3A_878] : memref<32x8x128xf32, #tpu.memory_space<vmem>> -> memref<1x8x128xf32, #tpu.memory_space<vmem>>
        %dma_start3A_880 = tpu.memref_squeeze %dma_start3A_879 : memref<1x8x128xf32, #tpu.memory_space<vmem>> -> memref<8x128xf32, #tpu.memory_space<vmem>>
        tpu.enqueue_dma source(%dma_start3A_880 : memref<8x128xf32, #tpu.memory_space<vmem>>) target(%dma_start3A_876 : memref<8x128xf32, #tpu.memory_space<hbm>>) target_semaphore(%arg13 : memref<!tpu.dma_semaphore, #tpu.memory_space<semaphore_mem>>)
        %mul3A_881 = arith.constant 8 : i32
        %mul3A_882 = arith.muli %add3A_194, %mul3A_881 : i32
        %add3A_883 = arith.constant 7 : i32
        %add3A_884 = arith.addi %mul3A_882, %add3A_883 : i32
        %add3A_885 = arith.constant 32 : i32
        %add3A_886 = arith.addi %add3A_885, %add3A : i32
        %dma_start3A_887 = arith.constant 29 : i32
        %dma_start3A_888 = arith.constant 0 : i32
        %dma_start3A_889 = arith.constant 0 : i32
        %dma_start3A_890 = tpu.memref_slice %arg10[%dma_start3A_887, %dma_start3A_888, %dma_start3A_889] : memref<32x8x128xf32, #tpu.memory_space<vmem>> -> memref<1x8x128xf32, #tpu.memory_space<vmem>>
        %dma_start3A_891 = tpu.memref_squeeze %dma_start3A_890 : memref<1x8x128xf32, #tpu.memory_space<vmem>> -> memref<8x128xf32, #tpu.memory_space<vmem>>
        %dma_start3A_892 = arith.constant 0 : i32
        %dma_start3A_893 = arith.constant 0 : i32
        %dma_start3A_894 = tpu.memref_slice %arg4[%add3A_884, %add3A_886, %dma_start3A_892, %dma_start3A_893] : memref<200x128x8x128xf32, #tpu.memory_space<hbm>> -> memref<1x1x8x128xf32, #tpu.memory_space<hbm>>
        %dma_start3A_895 = tpu.memref_squeeze %dma_start3A_894 : memref<1x1x8x128xf32, #tpu.memory_space<hbm>> -> memref<8x128xf32, #tpu.memory_space<hbm>>
        %dma_start3A_896 = arith.constant 0 : i32
        %dma_start3A_897 = arith.constant 0 : i32
        %dma_start3A_898 = tpu.memref_slice %arg4[%add3A_884, %add3A_886, %dma_start3A_896, %dma_start3A_897] : memref<200x128x8x128xf32, #tpu.memory_space<hbm>> -> memref<1x1x8x128xf32, #tpu.memory_space<hbm>>
        %dma_start3A_899 = tpu.memref_squeeze %dma_start3A_898 : memref<1x1x8x128xf32, #tpu.memory_space<hbm>> -> memref<8x128xf32, #tpu.memory_space<hbm>>
        %dma_start3A_900 = arith.constant 0 : i32
        %dma_start3A_901 = arith.constant 0 : i32
        %dma_start3A_902 = tpu.memref_slice %arg10[%dma_start3A_887, %dma_start3A_900, %dma_start3A_901] : memref<32x8x128xf32, #tpu.memory_space<vmem>> -> memref<1x8x128xf32, #tpu.memory_space<vmem>>
        %dma_start3A_903 = tpu.memref_squeeze %dma_start3A_902 : memref<1x8x128xf32, #tpu.memory_space<vmem>> -> memref<8x128xf32, #tpu.memory_space<vmem>>
        tpu.enqueue_dma source(%dma_start3A_903 : memref<8x128xf32, #tpu.memory_space<vmem>>) target(%dma_start3A_899 : memref<8x128xf32, #tpu.memory_space<hbm>>) target_semaphore(%arg13 : memref<!tpu.dma_semaphore, #tpu.memory_space<semaphore_mem>>)
        %mul3A_904 = arith.constant 8 : i32
        %mul3A_905 = arith.muli %add3A_194, %mul3A_904 : i32
        %add3A_906 = arith.constant 7 : i32
        %add3A_907 = arith.addi %mul3A_905, %add3A_906 : i32
        %add3A_908 = arith.constant 64 : i32
        %add3A_909 = arith.addi %add3A_908, %add3A : i32
        %dma_start3A_910 = arith.constant 30 : i32
        %dma_start3A_911 = arith.constant 0 : i32
        %dma_start3A_912 = arith.constant 0 : i32
        %dma_start3A_913 = tpu.memref_slice %arg10[%dma_start3A_910, %dma_start3A_911, %dma_start3A_912] : memref<32x8x128xf32, #tpu.memory_space<vmem>> -> memref<1x8x128xf32, #tpu.memory_space<vmem>>
        %dma_start3A_914 = tpu.memref_squeeze %dma_start3A_913 : memref<1x8x128xf32, #tpu.memory_space<vmem>> -> memref<8x128xf32, #tpu.memory_space<vmem>>
        %dma_start3A_915 = arith.constant 0 : i32
        %dma_start3A_916 = arith.constant 0 : i32
        %dma_start3A_917 = tpu.memref_slice %arg4[%add3A_907, %add3A_909, %dma_start3A_915, %dma_start3A_916] : memref<200x128x8x128xf32, #tpu.memory_space<hbm>> -> memref<1x1x8x128xf32, #tpu.memory_space<hbm>>
        %dma_start3A_918 = tpu.memref_squeeze %dma_start3A_917 : memref<1x1x8x128xf32, #tpu.memory_space<hbm>> -> memref<8x128xf32, #tpu.memory_space<hbm>>
        %dma_start3A_919 = arith.constant 0 : i32
        %dma_start3A_920 = arith.constant 0 : i32
        %dma_start3A_921 = tpu.memref_slice %arg4[%add3A_907, %add3A_909, %dma_start3A_919, %dma_start3A_920] : memref<200x128x8x128xf32, #tpu.memory_space<hbm>> -> memref<1x1x8x128xf32, #tpu.memory_space<hbm>>
        %dma_start3A_922 = tpu.memref_squeeze %dma_start3A_921 : memref<1x1x8x128xf32, #tpu.memory_space<hbm>> -> memref<8x128xf32, #tpu.memory_space<hbm>>
        %dma_start3A_923 = arith.constant 0 : i32
        %dma_start3A_924 = arith.constant 0 : i32
        %dma_start3A_925 = tpu.memref_slice %arg10[%dma_start3A_910, %dma_start3A_923, %dma_start3A_924] : memref<32x8x128xf32, #tpu.memory_space<vmem>> -> memref<1x8x128xf32, #tpu.memory_space<vmem>>
        %dma_start3A_926 = tpu.memref_squeeze %dma_start3A_925 : memref<1x8x128xf32, #tpu.memory_space<vmem>> -> memref<8x128xf32, #tpu.memory_space<vmem>>
        tpu.enqueue_dma source(%dma_start3A_926 : memref<8x128xf32, #tpu.memory_space<vmem>>) target(%dma_start3A_922 : memref<8x128xf32, #tpu.memory_space<hbm>>) target_semaphore(%arg13 : memref<!tpu.dma_semaphore, #tpu.memory_space<semaphore_mem>>)
        %mul3A_927 = arith.constant 8 : i32
        %mul3A_928 = arith.muli %add3A_194, %mul3A_927 : i32
        %add3A_929 = arith.constant 7 : i32
        %add3A_930 = arith.addi %mul3A_928, %add3A_929 : i32
        %add3A_931 = arith.constant 96 : i32
        %add3A_932 = arith.addi %add3A_931, %add3A : i32
        %dma_start3A_933 = arith.constant 31 : i32
        %dma_start3A_934 = arith.constant 0 : i32
        %dma_start3A_935 = arith.constant 0 : i32
        %dma_start3A_936 = tpu.memref_slice %arg10[%dma_start3A_933, %dma_start3A_934, %dma_start3A_935] : memref<32x8x128xf32, #tpu.memory_space<vmem>> -> memref<1x8x128xf32, #tpu.memory_space<vmem>>
        %dma_start3A_937 = tpu.memref_squeeze %dma_start3A_936 : memref<1x8x128xf32, #tpu.memory_space<vmem>> -> memref<8x128xf32, #tpu.memory_space<vmem>>
        %dma_start3A_938 = arith.constant 0 : i32
        %dma_start3A_939 = arith.constant 0 : i32
        %dma_start3A_940 = tpu.memref_slice %arg4[%add3A_930, %add3A_932, %dma_start3A_938, %dma_start3A_939] : memref<200x128x8x128xf32, #tpu.memory_space<hbm>> -> memref<1x1x8x128xf32, #tpu.memory_space<hbm>>
        %dma_start3A_941 = tpu.memref_squeeze %dma_start3A_940 : memref<1x1x8x128xf32, #tpu.memory_space<hbm>> -> memref<8x128xf32, #tpu.memory_space<hbm>>
        %dma_start3A_942 = arith.constant 0 : i32
        %dma_start3A_943 = arith.constant 0 : i32
        %dma_start3A_944 = tpu.memref_slice %arg4[%add3A_930, %add3A_932, %dma_start3A_942, %dma_start3A_943] : memref<200x128x8x128xf32, #tpu.memory_space<hbm>> -> memref<1x1x8x128xf32, #tpu.memory_space<hbm>>
        %dma_start3A_945 = tpu.memref_squeeze %dma_start3A_944 : memref<1x1x8x128xf32, #tpu.memory_space<hbm>> -> memref<8x128xf32, #tpu.memory_space<hbm>>
        %dma_start3A_946 = arith.constant 0 : i32
        %dma_start3A_947 = arith.constant 0 : i32
        %dma_start3A_948 = tpu.memref_slice %arg10[%dma_start3A_933, %dma_start3A_946, %dma_start3A_947] : memref<32x8x128xf32, #tpu.memory_space<vmem>> -> memref<1x8x128xf32, #tpu.memory_space<vmem>>
        %dma_start3A_949 = tpu.memref_squeeze %dma_start3A_948 : memref<1x8x128xf32, #tpu.memory_space<vmem>> -> memref<8x128xf32, #tpu.memory_space<vmem>>
        tpu.enqueue_dma source(%dma_start3A_949 : memref<8x128xf32, #tpu.memory_space<vmem>>) target(%dma_start3A_945 : memref<8x128xf32, #tpu.memory_space<hbm>>) target_semaphore(%arg13 : memref<!tpu.dma_semaphore, #tpu.memory_space<semaphore_mem>>)
        %add3A_950 = arith.constant 2 : i32
        %add3A_951 = arith.addi %add3A_194, %add3A_950 : i32
        %lt3A_952 = arith.constant 25 : i32
        %lt3A_953 = arith.cmpi slt, %add3A_951, %lt3A_952 : i32
        %convert_element_type3A_954 = arith.extui %lt3A_953 : i1 to i32
        %cond3A_955 = arith.constant 0 : i32
        %cond3A_956 = arith.cmpi ne, %convert_element_type3A_954, %cond3A_955 : i32
        scf.if %cond3A_956 {
          %add3A_957 = arith.constant 2 : i32
          %add3A_958 = arith.addi %add3A_194, %add3A_957 : i32
          %mul3A_959 = arith.constant 8 : i32
          %mul3A_960 = arith.muli %add3A_958, %mul3A_959 : i32
          "tpu.region"() ({
            %run_scoped3A = tpu.sem_alloc : memref<!tpu.dma_semaphore, #tpu.memory_space<semaphore_mem>>
            %dma_start3A_1044 = tpu.memref_slice %arg2[%mul3A_2, %mul3A_960] : memref<4096x200xi32, #tpu.memory_space<hbm>> -> memref<128x8xi32, #tpu.memory_space<hbm>>
            %dma_start3A_1045 = tpu.memref_slice %arg2[%mul3A_2, %mul3A_960] : memref<4096x200xi32, #tpu.memory_space<hbm>> -> memref<128x8xi32, #tpu.memory_space<hbm>>
            tpu.enqueue_dma source(%dma_start3A_1045 : memref<128x8xi32, #tpu.memory_space<hbm>>) target(%arg5 : memref<128x8xi32, #tpu.memory_space<vmem>>) target_semaphore(%run_scoped3A : memref<!tpu.dma_semaphore, #tpu.memory_space<semaphore_mem>>)
            %dma_wait3A_1046 = tpu.memref_slice %arg2[%mul3A_2, %mul3A_960] : memref<4096x200xi32, #tpu.memory_space<hbm>> -> memref<128x8xi32, #tpu.memory_space<hbm>>
            %dma_wait3A_1047 = tpu.memref_slice %arg2[%mul3A_2, %mul3A_960] : memref<4096x200xi32, #tpu.memory_space<hbm>> -> memref<128x8xi32, #tpu.memory_space<hbm>>
            tpu.wait_dma2 semaphore(%run_scoped3A : memref<!tpu.dma_semaphore, #tpu.memory_space<semaphore_mem>>) src(%dma_wait3A_1047 : memref<128x8xi32, #tpu.memory_space<hbm>>) dst(%arg5 : memref<128x8xi32, #tpu.memory_space<vmem>>)
            tpu.yield
          }) : () -> ()
          %parallel_loop3A_961 = arith.constant 0 : i32
          %parallel_loop3A_962 = arith.constant 64 : i32
          %parallel_loop3A_963 = arith.constant 1 : i32
          scf.for %parallel_loop3A_1044 = %parallel_loop3A_961 to %parallel_loop3A_962 step %parallel_loop3A_963  : i32 {
            %parallel_loop3A_1045 = arith.constant 3 : i32
            %parallel_loop3A_1046 = arith.shrsi %parallel_loop3A_1044, %parallel_loop3A_1045 : i32
            %parallel_loop3A_1047 = arith.constant 7 : i32
            %parallel_loop3A_1048 = arith.andi %parallel_loop3A_1044, %parallel_loop3A_1047 : i32
            %parallel_loop3A_1049 = arith.constant 16 : i32
            %parallel_loop3A_1050 = arith.muli %parallel_loop3A_1048, %parallel_loop3A_1049 : i32
            %parallel_loop3A_1051 = vector.broadcast %parallel_loop3A_1050 : i32 to vector<16xi32>
            %parallel_loop3A_1052 = arith.addi %iota3A, %parallel_loop3A_1051 : vector<16xi32>
            %parallel_loop3A_1053 = arith.constant 0 : i32
            %parallel_loop3A_1054 = vector.broadcast %parallel_loop3A_1053 : i32 to vector<16xi32>
            %parallel_loop3A_1055 = vector.broadcast %parallel_loop3A_1046 : i32 to vector<16xi32>
            %parallel_loop3A_1056 = arith.addi %parallel_loop3A_1054, %parallel_loop3A_1055 : vector<16xi32>
            %parallel_loop3A_1057 = tpu.vector_load_idx %arg5[%parallel_loop3A_1052, %parallel_loop3A_1056] : memref<128x8xi32, #tpu.memory_space<vmem>>[vector<16xi32>, vector<16xi32>], vector<16xi32>,
            %parallel_loop3A_1058 = arith.constant 16 : i32
            %parallel_loop3A_1059 = arith.muli %parallel_loop3A_1048, %parallel_loop3A_1058 : i32
            %parallel_loop3A_1060 = arith.index_cast %parallel_loop3A_1046 : i32 to index
            %parallel_loop3A_1061 = arith.index_cast %parallel_loop3A_1059 : i32 to index
            %parallel_loop3A_1062 = tpu.vector_load %arg7[%parallel_loop3A_1060, %parallel_loop3A_1061] {strides = array<i32>} : memref<8x128xi32, #tpu.memory_space<vmem>>, vector<16xi32>,
            tpu.vector_store %arg7[%parallel_loop3A_1060, %parallel_loop3A_1061], %parallel_loop3A_1057 {strides = array<i32>} : memref<8x128xi32, #tpu.memory_space<vmem>>, vector<16xi32>,
          } {sc.loop_unroll_factor = 4 : i64, sc.parallel_access}
          %dma_start3A_964 = arith.constant 0 : i32
          %dma_start3A_965 = arith.constant 0 : i32
          %dma_start3A_966 = arith.constant 0 : i32
          %dma_start3A_967 = tpu.memref_slice %arg9[%dma_start3A_965, %dma_start3A_966] : memref<1024x32xf32, #tpu.memory_space<vmem>> -> memref<128x32xf32, #tpu.memory_space<vmem>>
          %dma_start3A_968 = arith.constant 0 : i32
          %dma_start3A_969 = tpu.memref_slice %arg7[%dma_start3A_964, %dma_start3A_968] : memref<8x128xi32, #tpu.memory_space<vmem>> -> memref<1x128xi32, #tpu.memory_space<vmem>>
          %dma_start3A_970 = tpu.memref_squeeze %dma_start3A_969 : memref<1x128xi32, #tpu.memory_space<vmem>> -> memref<128xi32, #tpu.memory_space<vmem>>
          %dma_start3A_971 = arith.constant 0 : i32
          %dma_start3A_972 = arith.constant 0 : i32
          %dma_start3A_973 = tpu.memref_slice %arg3[%dma_start3A_971, %dma_start3A_972] : memref<1000000x32xf32, #tpu.memory_space<hbm>> -> memref<1000000x32xf32, #tpu.memory_space<hbm>>
          tpu.enqueue_indirect_dma source(%dma_start3A_973 : memref<1000000x32xf32, #tpu.memory_space<hbm>>) target(%dma_start3A_967 : memref<128x32xf32, #tpu.memory_space<vmem>>) offsets(%dma_start3A_970 : memref<128xi32, #tpu.memory_space<vmem>>) semaphore(%arg12 : memref<!tpu.dma_semaphore, #tpu.memory_space<semaphore_mem>>)
          %dma_start3A_974 = arith.constant 1 : i32
          %dma_start3A_975 = arith.constant 128 : i32
          %dma_start3A_976 = arith.constant 0 : i32
          %dma_start3A_977 = tpu.memref_slice %arg9[%dma_start3A_975, %dma_start3A_976] : memref<1024x32xf32, #tpu.memory_space<vmem>> -> memref<128x32xf32, #tpu.memory_space<vmem>>
          %dma_start3A_978 = arith.constant 0 : i32
          %dma_start3A_979 = tpu.memref_slice %arg7[%dma_start3A_974, %dma_start3A_978] : memref<8x128xi32, #tpu.memory_space<vmem>> -> memref<1x128xi32, #tpu.memory_space<vmem>>
          %dma_start3A_980 = tpu.memref_squeeze %dma_start3A_979 : memref<1x128xi32, #tpu.memory_space<vmem>> -> memref<128xi32, #tpu.memory_space<vmem>>
          %dma_start3A_981 = arith.constant 0 : i32
          %dma_start3A_982 = arith.constant 0 : i32
          %dma_start3A_983 = tpu.memref_slice %arg3[%dma_start3A_981, %dma_start3A_982] : memref<1000000x32xf32, #tpu.memory_space<hbm>> -> memref<1000000x32xf32, #tpu.memory_space<hbm>>
          tpu.enqueue_indirect_dma source(%dma_start3A_983 : memref<1000000x32xf32, #tpu.memory_space<hbm>>) target(%dma_start3A_977 : memref<128x32xf32, #tpu.memory_space<vmem>>) offsets(%dma_start3A_980 : memref<128xi32, #tpu.memory_space<vmem>>) semaphore(%arg12 : memref<!tpu.dma_semaphore, #tpu.memory_space<semaphore_mem>>)
          %dma_start3A_984 = arith.constant 2 : i32
          %dma_start3A_985 = arith.constant 256 : i32
          %dma_start3A_986 = arith.constant 0 : i32
          %dma_start3A_987 = tpu.memref_slice %arg9[%dma_start3A_985, %dma_start3A_986] : memref<1024x32xf32, #tpu.memory_space<vmem>> -> memref<128x32xf32, #tpu.memory_space<vmem>>
          %dma_start3A_988 = arith.constant 0 : i32
          %dma_start3A_989 = tpu.memref_slice %arg7[%dma_start3A_984, %dma_start3A_988] : memref<8x128xi32, #tpu.memory_space<vmem>> -> memref<1x128xi32, #tpu.memory_space<vmem>>
          %dma_start3A_990 = tpu.memref_squeeze %dma_start3A_989 : memref<1x128xi32, #tpu.memory_space<vmem>> -> memref<128xi32, #tpu.memory_space<vmem>>
          %dma_start3A_991 = arith.constant 0 : i32
          %dma_start3A_992 = arith.constant 0 : i32
          %dma_start3A_993 = tpu.memref_slice %arg3[%dma_start3A_991, %dma_start3A_992] : memref<1000000x32xf32, #tpu.memory_space<hbm>> -> memref<1000000x32xf32, #tpu.memory_space<hbm>>
          tpu.enqueue_indirect_dma source(%dma_start3A_993 : memref<1000000x32xf32, #tpu.memory_space<hbm>>) target(%dma_start3A_987 : memref<128x32xf32, #tpu.memory_space<vmem>>) offsets(%dma_start3A_990 : memref<128xi32, #tpu.memory_space<vmem>>) semaphore(%arg12 : memref<!tpu.dma_semaphore, #tpu.memory_space<semaphore_mem>>)
          %dma_start3A_994 = arith.constant 3 : i32
          %dma_start3A_995 = arith.constant 384 : i32
          %dma_start3A_996 = arith.constant 0 : i32
          %dma_start3A_997 = tpu.memref_slice %arg9[%dma_start3A_995, %dma_start3A_996] : memref<1024x32xf32, #tpu.memory_space<vmem>> -> memref<128x32xf32, #tpu.memory_space<vmem>>
          %dma_start3A_998 = arith.constant 0 : i32
          %dma_start3A_999 = tpu.memref_slice %arg7[%dma_start3A_994, %dma_start3A_998] : memref<8x128xi32, #tpu.memory_space<vmem>> -> memref<1x128xi32, #tpu.memory_space<vmem>>
          %dma_start3A_1000 = tpu.memref_squeeze %dma_start3A_999 : memref<1x128xi32, #tpu.memory_space<vmem>> -> memref<128xi32, #tpu.memory_space<vmem>>
          %dma_start3A_1001 = arith.constant 0 : i32
          %dma_start3A_1002 = arith.constant 0 : i32
          %dma_start3A_1003 = tpu.memref_slice %arg3[%dma_start3A_1001, %dma_start3A_1002] : memref<1000000x32xf32, #tpu.memory_space<hbm>> -> memref<1000000x32xf32, #tpu.memory_space<hbm>>
          tpu.enqueue_indirect_dma source(%dma_start3A_1003 : memref<1000000x32xf32, #tpu.memory_space<hbm>>) target(%dma_start3A_997 : memref<128x32xf32, #tpu.memory_space<vmem>>) offsets(%dma_start3A_1000 : memref<128xi32, #tpu.memory_space<vmem>>) semaphore(%arg12 : memref<!tpu.dma_semaphore, #tpu.memory_space<semaphore_mem>>)
          %dma_start3A_1004 = arith.constant 4 : i32
          %dma_start3A_1005 = arith.constant 512 : i32
          %dma_start3A_1006 = arith.constant 0 : i32
          %dma_start3A_1007 = tpu.memref_slice %arg9[%dma_start3A_1005, %dma_start3A_1006] : memref<1024x32xf32, #tpu.memory_space<vmem>> -> memref<128x32xf32, #tpu.memory_space<vmem>>
          %dma_start3A_1008 = arith.constant 0 : i32
          %dma_start3A_1009 = tpu.memref_slice %arg7[%dma_start3A_1004, %dma_start3A_1008] : memref<8x128xi32, #tpu.memory_space<vmem>> -> memref<1x128xi32, #tpu.memory_space<vmem>>
          %dma_start3A_1010 = tpu.memref_squeeze %dma_start3A_1009 : memref<1x128xi32, #tpu.memory_space<vmem>> -> memref<128xi32, #tpu.memory_space<vmem>>
          %dma_start3A_1011 = arith.constant 0 : i32
          %dma_start3A_1012 = arith.constant 0 : i32
          %dma_start3A_1013 = tpu.memref_slice %arg3[%dma_start3A_1011, %dma_start3A_1012] : memref<1000000x32xf32, #tpu.memory_space<hbm>> -> memref<1000000x32xf32, #tpu.memory_space<hbm>>
          tpu.enqueue_indirect_dma source(%dma_start3A_1013 : memref<1000000x32xf32, #tpu.memory_space<hbm>>) target(%dma_start3A_1007 : memref<128x32xf32, #tpu.memory_space<vmem>>) offsets(%dma_start3A_1010 : memref<128xi32, #tpu.memory_space<vmem>>) semaphore(%arg12 : memref<!tpu.dma_semaphore, #tpu.memory_space<semaphore_mem>>)
          %dma_start3A_1014 = arith.constant 5 : i32
          %dma_start3A_1015 = arith.constant 640 : i32
          %dma_start3A_1016 = arith.constant 0 : i32
          %dma_start3A_1017 = tpu.memref_slice %arg9[%dma_start3A_1015, %dma_start3A_1016] : memref<1024x32xf32, #tpu.memory_space<vmem>> -> memref<128x32xf32, #tpu.memory_space<vmem>>
          %dma_start3A_1018 = arith.constant 0 : i32
          %dma_start3A_1019 = tpu.memref_slice %arg7[%dma_start3A_1014, %dma_start3A_1018] : memref<8x128xi32, #tpu.memory_space<vmem>> -> memref<1x128xi32, #tpu.memory_space<vmem>>
          %dma_start3A_1020 = tpu.memref_squeeze %dma_start3A_1019 : memref<1x128xi32, #tpu.memory_space<vmem>> -> memref<128xi32, #tpu.memory_space<vmem>>
          %dma_start3A_1021 = arith.constant 0 : i32
          %dma_start3A_1022 = arith.constant 0 : i32
          %dma_start3A_1023 = tpu.memref_slice %arg3[%dma_start3A_1021, %dma_start3A_1022] : memref<1000000x32xf32, #tpu.memory_space<hbm>> -> memref<1000000x32xf32, #tpu.memory_space<hbm>>
          tpu.enqueue_indirect_dma source(%dma_start3A_1023 : memref<1000000x32xf32, #tpu.memory_space<hbm>>) target(%dma_start3A_1017 : memref<128x32xf32, #tpu.memory_space<vmem>>) offsets(%dma_start3A_1020 : memref<128xi32, #tpu.memory_space<vmem>>) semaphore(%arg12 : memref<!tpu.dma_semaphore, #tpu.memory_space<semaphore_mem>>)
          %dma_start3A_1024 = arith.constant 6 : i32
          %dma_start3A_1025 = arith.constant 768 : i32
          %dma_start3A_1026 = arith.constant 0 : i32
          %dma_start3A_1027 = tpu.memref_slice %arg9[%dma_start3A_1025, %dma_start3A_1026] : memref<1024x32xf32, #tpu.memory_space<vmem>> -> memref<128x32xf32, #tpu.memory_space<vmem>>
          %dma_start3A_1028 = arith.constant 0 : i32
          %dma_start3A_1029 = tpu.memref_slice %arg7[%dma_start3A_1024, %dma_start3A_1028] : memref<8x128xi32, #tpu.memory_space<vmem>> -> memref<1x128xi32, #tpu.memory_space<vmem>>
          %dma_start3A_1030 = tpu.memref_squeeze %dma_start3A_1029 : memref<1x128xi32, #tpu.memory_space<vmem>> -> memref<128xi32, #tpu.memory_space<vmem>>
          %dma_start3A_1031 = arith.constant 0 : i32
          %dma_start3A_1032 = arith.constant 0 : i32
          %dma_start3A_1033 = tpu.memref_slice %arg3[%dma_start3A_1031, %dma_start3A_1032] : memref<1000000x32xf32, #tpu.memory_space<hbm>> -> memref<1000000x32xf32, #tpu.memory_space<hbm>>
          tpu.enqueue_indirect_dma source(%dma_start3A_1033 : memref<1000000x32xf32, #tpu.memory_space<hbm>>) target(%dma_start3A_1027 : memref<128x32xf32, #tpu.memory_space<vmem>>) offsets(%dma_start3A_1030 : memref<128xi32, #tpu.memory_space<vmem>>) semaphore(%arg12 : memref<!tpu.dma_semaphore, #tpu.memory_space<semaphore_mem>>)
          %dma_start3A_1034 = arith.constant 7 : i32
          %dma_start3A_1035 = arith.constant 896 : i32
          %dma_start3A_1036 = arith.constant 0 : i32
          %dma_start3A_1037 = tpu.memref_slice %arg9[%dma_start3A_1035, %dma_start3A_1036] : memref<1024x32xf32, #tpu.memory_space<vmem>> -> memref<128x32xf32, #tpu.memory_space<vmem>>
          %dma_start3A_1038 = arith.constant 0 : i32
          %dma_start3A_1039 = tpu.memref_slice %arg7[%dma_start3A_1034, %dma_start3A_1038] : memref<8x128xi32, #tpu.memory_space<vmem>> -> memref<1x128xi32, #tpu.memory_space<vmem>>
          %dma_start3A_1040 = tpu.memref_squeeze %dma_start3A_1039 : memref<1x128xi32, #tpu.memory_space<vmem>> -> memref<128xi32, #tpu.memory_space<vmem>>
          %dma_start3A_1041 = arith.constant 0 : i32
          %dma_start3A_1042 = arith.constant 0 : i32
          %dma_start3A_1043 = tpu.memref_slice %arg3[%dma_start3A_1041, %dma_start3A_1042] : memref<1000000x32xf32, #tpu.memory_space<hbm>> -> memref<1000000x32xf32, #tpu.memory_space<hbm>>
          tpu.enqueue_indirect_dma source(%dma_start3A_1043 : memref<1000000x32xf32, #tpu.memory_space<hbm>>) target(%dma_start3A_1037 : memref<128x32xf32, #tpu.memory_space<vmem>>) offsets(%dma_start3A_1040 : memref<128xi32, #tpu.memory_space<vmem>>) semaphore(%arg12 : memref<!tpu.dma_semaphore, #tpu.memory_space<semaphore_mem>>)
        } else {
        }
      } else {
      }
      %scan3A_200 = arith.constant 0 : i32
      scf.yield %scan3A_200 : i32
    }
    %scan3A_172 = arith.constant 13 : i32
    %dma_wait3A = arith.constant 0 : i32
    %dma_wait3A_173 = arith.constant 0 : i32
    %dma_wait3A_174 = arith.constant 0 : i32
    %dma_wait3A_175 = arith.constant 0 : i32
    %dma_wait3A_176 = tpu.memref_slice %arg4[%dma_wait3A, %dma_wait3A_173, %dma_wait3A_174, %dma_wait3A_175] : memref<200x128x8x128xf32, #tpu.memory_space<hbm>> -> memref<1x32x8x128xf32, #tpu.memory_space<hbm>>
    %dma_wait3A_177 = tpu.memref_squeeze %dma_wait3A_176 : memref<1x32x8x128xf32, #tpu.memory_space<hbm>> -> memref<32x8x128xf32, #tpu.memory_space<hbm>>
    %dma_wait3A_178 = arith.constant 0 : i32
    %dma_wait3A_179 = arith.constant 0 : i32
    %dma_wait3A_180 = arith.constant 0 : i32
    %dma_wait3A_181 = tpu.memref_slice %arg4[%dma_wait3A, %dma_wait3A_178, %dma_wait3A_179, %dma_wait3A_180] : memref<200x128x8x128xf32, #tpu.memory_space<hbm>> -> memref<1x32x8x128xf32, #tpu.memory_space<hbm>>
    %dma_wait3A_182 = tpu.memref_squeeze %dma_wait3A_181 : memref<1x32x8x128xf32, #tpu.memory_space<hbm>> -> memref<32x8x128xf32, #tpu.memory_space<hbm>>
    tpu.wait_dma2 semaphore(%arg13 : memref<!tpu.dma_semaphore, #tpu.memory_space<semaphore_mem>>) src(%dma_wait3A_182 : memref<32x8x128xf32, #tpu.memory_space<hbm>>) dst(%arg10 : memref<32x8x128xf32, #tpu.memory_space<vmem>>)
    return
  }
}

</mosaic_0001>

<sc_bundles>
// kernel: kernel.3.cloned.1.call-start
scs
__scs_entry_jumppad:
0x0: {  	(pc) =	sbr.rel $0x88, $3  }
0x1: {  	(tag) =	ssettag $0x0;
	lr =	simm.s32 $0x1  }
0x2: {  	[smem:$0x3F9F] =	sst lr;
	_ =	strace $0xD0000000  }
0x3: {  	_ = 	snop  }
0x4: {  	_ = 	snop  }
0x5: {  	_ = 	snop  }
0x6: {  	_ = 	snop  }
0x7: {  	_ = 	snop  }
__scs_overlays_trampoline_lowered:
0x8: {  	[smem:$0x3FAE] =	sst s0  }
0x9: {  	[smem:$0x3FAF] =	sst s1  }
0xa: {  	[smem:$0x3FB0] =	sst s2  }
0xb: {  	[smem:$0x3FB1] =	sst s3  }
0xc: {  	[smem:$0x3FB2] =	sst s4  }
0xd: {  	[smem:$0x3FB3] =	sst s5  }
0xe: {  	[smem:$0x3FB4] =	sst s6  }
0xf: {  	[smem:$0x3FB5] =	sst s7  }
0x10: {  	[smem:$0x3FB6] =	sst s8  }
0x11: {  	[smem:$0x3FB7] =	sst s9;
	s0 =	simm.s32 @!p0 $0x0  }
0x12: {  	s1 =	sld [smem:$0x3F9D];
	s0 =	simm.s32 @p0 $0x1  }
0x13: {  	[smem:$0x3FB8] =	sst s0;
	s0 =	simm.s32 @!p1 $0x0  }
0x14: {  	s2 =	sld [smem:$0x3F9C];
	s0 =	simm.s32 @p1 $0x1  }
0x15: {  	[smem:$0x3FB9] =	sst s0;
	s0 =	simm.s32 @!p2 $0x0  }
0x16: {  	s3 =	sld [smem:$0x3FDB];
	s0 =	simm.s32 @p2 $0x1  }
0x17: {  	s4 =	simm.s32 $0x1BF5;
	[smem:$0x3FBB] =	sst s0  }
0x18: {  	s0 =	sld [smem:$0x3F9E];
	_ =	swait.ge [sflag:s4], $0x0  }
0x19: {  	s7 =	sld [smem:$0x3F9F]  }
0x1a: {  	s8 =	sadd.s32 $0xFFFFE003, lr  }
0x1b: {  	s9 =	sadd.s32 $0xFFFFFEF7, lr;
	s5 =	simm.s32 $0xFFFFFFFF;
	p2 =	slt.u32 s8, $0xFFFFF086  }
0x1c: {  	p1 =	slt.u32 s9, $0xF7A;
	s5 =	simm.s32 @!p2 $0x0  }
0x1d: {  	s5 =	simm.s32 @p1 $0x1;
	p0 =	seq.s32 s7, s2  }
0x1e: {  	s7 =	smul.u32 @!p0 $0xF7A, s2;
	p2 =	seq.s32 @!p0 s5, $0x0  }
0x1f: {  	s9 =	smul.u32 $0xF7A, s1;
	s8 =	simm.s32 @!p0 $0x1BF5;
	p2 =	por !p2, p0  }
0x20: {  	[sflag:s8] =	ssyncset.s32 @!p0 $0xFFFFF086;
	s6 =	sadd.s32 @!p0 s3, s7;
	s7 =	simm.s32 @!p0 $0x108  }
0x21: {  	s3 =	sadd.s32 s3, s9;
	s6 =	sadd.s32 @!p0 $0x88, s6;
	s7 =	simm.s32 @p2 $0x1082  }
0x22: {  	[simem:s7], [sflag:s8] =	dma.local @!p0 [hbm:s6], $0xF7A  }
0x23: {  	s9 =	sor.u32 $0xD0000000, s2;
	s6 =	simm.s32 $0x108;
	_ =	swait.ge @!p0 [sflag:s8], $0x0  }
0x24: {  	s3 =	sadd.s32 $0x88, s3;
	s6 =	simm.s32 @!p1 $0x1082;
	[sflag:s4] =	ssyncset.s32 $0xFFFFF086  }
0x25: {  	[simem:s6], [sflag:s4] =	dma.local [hbm:s3], $0xF7A  }
0x26: {  	[smem:$0x3F9F] =	sst s1;
	(tag) =	ssettag s2;
	_ =	strace s9  }
0x27: {  	s1 =	sld [smem:$0x3FAF]  }
0x28: {  	s2 =	sld [smem:$0x3FB0]  }
0x29: {  	s4 =	sld [smem:$0x3FB2]  }
0x2a: {  	p0 =	seq.s32 s5, $0x0;
	s5 =	sld [smem:$0x3FB3]  }
0x2b: {  	s6 =	sld [smem:$0x3FB4]  }
0x2c: {  	s7 =	sld [smem:$0x3FB5]  }
0x2d: {  	s3 =	simm.s32 $0x108;
	s8 =	sld [smem:$0x3FB6]  }
0x2e: {  	s3 =	simm.s32 @!p0 $0x1082;
	s9 =	sld [smem:$0x3FB7]  }
0x2f: {  	lr =	sadd.s32 s0, s3;
	s0 =	sld [smem:$0x3FAE]  }
0x30: {  	s3 =	sld [smem:$0x3FB1]  }
0x31: {  	[smem:$0x3FBA] =	sst s10  }
0x32: {  	s10 =	sld [smem:$0x3FB8];
	_ =	sdelay $0x3  }
0x33: {  	p0 =	seq.s32 s10, $0x1;
	s10 =	sld [smem:$0x3FBA];
	_ =	sdelay $0x3  }
0x34: {  	[smem:$0x3FBA] =	sst s10  }
0x35: {  	s10 =	sld [smem:$0x3FB9];
	_ =	sdelay $0x3  }
0x36: {  	p1 =	seq.s32 s10, $0x1;
	s10 =	sld [smem:$0x3FBA];
	_ =	sdelay $0x3  }
0x37: {  	[smem:$0x3FBA] =	sst s10  }
0x38: {  	s10 =	sld [smem:$0x3FBB]  }
0x39: {  	_ = 	snop;
	(pc) =	sbr.ind lr, $3  }
0x3a: {  	_ = 	snop  }
0x3b: {  	_ = 	snop  }
0x3c: {  	p2 =	seq.s32 s10, $0x1;
	s10 =	sld [smem:$0x3FBA]  }
0x3d: {  	_ =	shalt  }
0x3e: {  	_ =	shalt  }
0x3f: {  	_ =	shalt  }
0x40: {  	_ =	shalt  }
0x41: {  	_ =	shalt  }
0x42: {  	_ =	shalt  }
0x43: {  	_ =	shalt  }
0x44: {  	_ =	shalt  }
0x45: {  	_ =	shalt  }
0x46: {  	_ =	shalt  }
0x47: {  	_ =	shalt  }
0x48: {  	_ =	shalt  }
0x49: {  	_ =	shalt  }
0x4a: {  	_ =	shalt  }
0x4b: {  	_ =	shalt  }
0x4c: {  	_ =	shalt  }
0x4d: {  	_ =	shalt  }
0x4e: {  	_ =	shalt  }
0x4f: {  	_ =	shalt  }
0x50: {  	_ =	shalt  }
0x51: {  	_ =	shalt  }
0x52: {  	_ =	shalt  }
0x53: {  	_ =	shalt  }
0x54: {  	_ =	shalt  }
0x55: {  	_ =	shalt  }
0x56: {  	_ =	shalt  }
0x57: {  	_ =	shalt  }
0x58: {  	_ =	shalt  }
0x59: {  	_ =	shalt  }
0x5a: {  	_ =	shalt  }
0x5b: {  	_ =	shalt  }
0x5c: {  	_ =	shalt  }
0x5d: {  	_ =	shalt  }
0x5e: {  	_ =	shalt  }
0x5f: {  	_ =	shalt  }
0x60: {  	_ =	shalt  }
0x61: {  	_ =	shalt  }
0x62: {  	_ =	shalt  }
0x63: {  	_ =	shalt  }
0x64: {  	_ =	shalt  }
0x65: {  	_ =	shalt  }
0x66: {  	_ =	shalt  }
0x67: {  	_ =	shalt  }
0x68: {  	_ =	shalt  }
0x69: {  	_ =	shalt  }
0x6a: {  	_ =	shalt  }
0x6b: {  	_ =	shalt  }
0x6c: {  	_ =	shalt  }
0x6d: {  	_ =	shalt  }
0x6e: {  	_ =	shalt  }
0x6f: {  	_ =	shalt  }
0x70: {  	_ =	shalt  }
0x71: {  	_ =	shalt  }
0x72: {  	_ =	shalt  }
0x73: {  	_ =	shalt  }
0x74: {  	_ =	shalt  }
0x75: {  	_ =	shalt  }
0x76: {  	_ =	shalt  }
0x77: {  	_ =	shalt  }
0x78: {  	_ =	shalt  }
0x79: {  	_ =	shalt  }
0x7a: {  	_ =	shalt  }
0x7b: {  	_ =	shalt  }
0x7c: {  	_ =	shalt  }
0x7d: {  	_ =	shalt  }
0x7e: {  	_ =	shalt  }
0x7f: {  	_ =	shalt  }
0x80: {  	_ =	shalt  }
0x81: {  	_ =	shalt  }
0x82: {  	_ =	shalt  }
0x83: {  	_ =	shalt  }
0x84: {  	_ =	shalt  }
0x85: {  	_ =	shalt  }
0x86: {  	_ =	shalt  }
0x87: {  	_ =	shalt  }
.Lfunc_end0:
.L_simem_size_0:
called_computation_lowered:
.L_overlay_start_0:
0x88: {  	s2 =	sld [smem:$0x3FD9]  }
0x89: {  	s3 =	sld [smem:$0x3FFE];
	_ =	sdelay $0x1  }
0x8a: {  	s1 =	srdreg.scid  }
0x8b: {  	s0 =	sand.u32 $0x1, s1  }
0x8c: {  	s17 =	sshll.u32 s0, $0xA;
	s2 =	sadd.s32 s3, s2  }
0x8d: {  	s2 =	sadd.s32 s2, s17  }
0x8e: {  	[smem:$0x3FC6] =	sst s2  }
0x8f: {  	_ = 	snop  }
0x90: {  	s2 =	sld [smem:$0x3FD0];
	(tm) =	ssettm $0x1  }
0x91: {  	s18 =	sld [smem:$0x3FFB];
	_ =	sdelay $0x3  }
0x92: {  	_ =	strace s18  }
0x93: {  	s3 =	sld [smem:$0x3FFC];
	_ =	sdelay $0x3  }
0x94: {  	_ =	strace s3  }
0x95: {  	s3 =	sld [smem:$0x3FFD];
	_ =	sdelay $0x3  }
0x96: {  	_ =	strace s3  }
0x97: {  	_ =	strace $0x8FFFFFFF  }
0x98: {  	s19 =	sld [smem:$0x3FDB];
	_ =	sdelay $0x1  }
0x99: {  	s4 =	simm.s32 $_scs_section_size  }
0x9a: {  	s5 =	simm.s32 $_size__tile_overlayer_lowered;
	s6 =	simm.s32 $_tile_overlayer_lowered  }
0x9b: {  	s22 =	simm.s32 $0x1BFF;
	s21 =	sshll.u32 s6, $0x1;
	s3 =	sadd.s32 s4, s19  }
0x9c: {  	s7 =	simm.s32 $0x0;
	s20 =	sshll.u32 s5, $0x1;
	s5 =	sadd.s32 s21, s3  }
0x9d: {  	[timem:s7], [sflag:s22] =	dma.local [hbm:s5], s20  }
0x9e: {  	_ =	swait.ge [sflag:s22], s20  }
0x9f: {  	s4 =	ssub.s32 $0x0, s20;
	[sflag:s22] =	ssyncset.done $0x0  }
0xa0: {  	[sflag:s22] =	ssyncadd.s32 s4;
	_ =	sdelay $0x1  }
0xa1: {  	s23 =	simm.s32 $0x1B8B  }
0xa2: {  	_ =	swait.ge [sflag:s23], $0x1  }
0xa3: {  	[sflag:s23] =	ssyncset.done $0x0  }
0xa4: {  	s25 =	simm.s32 $0x1B8E;
	s24 =	sld [smem:$0x3FFE];
	[sflag:s23] =	ssyncadd.s32 $0xFFFFFFFF  }
0xa5: {  	s26 =	simm.s32 $execute0_lowered;
	[smem:$0x3FD2] =	sst s25  }
0xa6: {  	s5 =	sshll.u32 s26, $0x1;
	_ =	strace $0x80000046;
	[dreg:$0x1] =	wrdreg $0xFFFFFFFF  }
0xa7: {  	s28 =	simm.s32 $_size_execute0_lowered;
	s3 =	sadd.s32 s3, s5;
	[dreg:$0x0] =	wrdreg $0x0  }
0xa8: {  	s5 =	sshll.u32 s28, $0x1;
	[dreg:$0x2] =	wrdreg s3  }
0xa9: {  	[dreg:$0x3] =	wrdreg s5  }
0xaa: {  	[dreg:$0x4] =	wrdreg $0xC0  }
0xab: {  	_ =	task [dreg:s7], $0x5FFFF  }
0xac: {  	[dreg:$0x1] =	wrdreg $0xFFFFFFFF  }
0xad: {  	[dreg:$0x0] =	wrdreg $0x60  }
0xae: {  	[dreg:$0x2] =	wrdreg s24  }
0xaf: {  	[dreg:$0x3] =	wrdreg s2  }
0xb0: {  	[dreg:$0x4] =	wrdreg $0x9  }
0xb1: {  	_ =	task.clear_ibuf [dreg:s7], $0x5FFFF;
	_ =	strace $0x90000046  }
0xb2: {  	s29 =	simm.s32 $0x9;
	_ =	strace $0x80000048  }
0xb3: {  	_ =	swait.ge [sflag:s29], $0x1  }
0xb4: {  	[sflag:s29] =	ssyncadd.s32 $0xFFFFFFFF  }
0xb5: {  	_ =	strace $0x90000048  }
0xb6: {  	_ =	sfence  }
0xb7: {  	s30 =	sld [smem:$0x0];
	_ =	sdelay $0x2  }
0xb8: {  	s31 =	sshll.u32 s1, $0xD;
	s1 =	sshrl.u32 s1, $0x2  }
0xb9: {  	s3 =	sand.u32 $0x4000, s31;
	s1 =	sadd.s32 s1, s30  }
0xba: {  	s0 =	sor.u32 s3, s0;
	s1 =	sshll.u32 s1, $0x11  }
0xbb: {  	s0 =	sor.u32 s1, s0  }
0xbc: {  	s0 =	sadd.s32 $0x8F2B, s0  }
0xbd: {  	[sflag:s0] =	ssyncadd.remote.s32 $0x1  }
0xbe: {  	_ =	sfence.sel $0xFFFF  }
0xbf: {  	[dreg:$0x0] =	wrdreg $0xFFFFFFFF;
	(pc) =	sbr.abs _section_cstart, $3  }
0xc0: {  	[dreg:$0x1] =	wrdreg $0xFFFFFFFF  }
0xc1: {  	_ =	task.clear_ibuf [dreg:s7], $0x2FFFF;
	_ =	strace $0x9FFFFFFF  }
0xc2: {  	(tm) =	ssettm $0x7FFFFFFF  }
0xc3: {  	_ =	shalt  }
tec
execute0_lowered:
.L_overlay_start_1:
0x0: {  	(tag) =	ssettag $0x1  }
0x1: {  	s0 =	rddreg [dreg:$0x0]  }
0x2: {  	s1 =	srdreg.scid;
	s3 =	stileid.u32  }
0x3: {  	s2 =	rddreg [dreg:$0x1];
	s16 =	simm.s32 $0x4;
	s17 =	simm.s32 $0x80  }
0x4: {  	s19 =	simm.s32 $0xC00;
	s1 =	sand.u32 $0x1, s1;
	s4 =	sshll.u32 s3, $0x1  }
0x5: {  	s13 =	simm.s32 $0x8C00;
	s3 =	simm.s32 $0x0;
	s5 =	sor.u32 s1, s4  }
0x6: {  	[smem:$0x7FF] =	sst s3;
	s1 =	ssub.s32 $0x2, s1;
	s4 =	smul.u32 $0xC80, s5  }
0x7: {  	_ =	strace $0x80000047;
	s6 =	sshrl.u32 s1, $0x1;
	s7 =	sshll.u32 s5, $0xA  }
0x8: {  	s5 =	simm.s32 $0x0;
	s28 =	ssub.s32 s1, s6;
	s12 =	sadd.s32 s4, s0  }
.Ltmp0:
0x9: {  	s4 =	sadd.s32 $0xF42A00, s0;
	s0 =	smax.u32 s28, $0x1;
	(pc) =	sbr.rel .LBB2_1-.Ltmp0, $4  }
0xa: {  	s8 =	sor.u32 $0x8000, s7;
	s29 =	sadd.s32 $0x600, s12;
	[dreg:$0x6] =	wrdreg s0  }
0xb: {  	s9 =	sor.u32 $0x10000, s7;
	s30 =	sadd.s32 $0x601, s12;
	[dreg:$0x3] =	wrdreg s29  }
0xc: {  	v1 =	vlaneseq.u32;
	v2 =	vimm.s32 $0x0;
	vm0 =	vcmask $0x300;
	s10 =	sor.u32 $0x18000, s7;
	s31 =	sadd.s32 $0x603, s12;
	[dreg:$0x4] =	wrdreg s30  }
0xd: {  	v0 =	vmul.u32 $0x8, v1;
	v1 =	vmul.u32 $0x20, v1;
	v2 =	vsel vm0, $0x3, v2;
	s6 =	simm.s32 $0x1;
	s11 =	sadd.s32 $0x602, s12;
	[dreg:$0x5] =	wrdreg s31  }
.LBB2_19:
0xe: {  	s1 =	simm.s32 $0x3  }
0xf: {  	_ =	swait.ge [sflag:s1], $0x8000  }
0x10: {  	s5 =	rddreg [dreg:$0x7]  }
0x11: {  	s0 =	rddreg [dreg:$0x6];
	s5 =	sadd.s32 $0x1, s5  }
0x12: {  	p0 =	sne.s32 s5, s0  }
.Ltmp1:
0x13: {  	_ = 	snop;
	(pc) =	sbr.rel @!p0 .LBB2_20-.Ltmp1, $3  }
0x14: {  	_ =	sdelay $0x1  }
0x15: {  	[sflag:s1] =	ssyncset.done $0x0  }
0x16: {  	[sflag:s1] =	ssyncadd.s32 $0xFFFF8000  }
.LBB2_1:
0x17: {  	s30 =	sand.u32 $0x40, s3;
	s12 =	simm.s32 $0x0;
	s0 =	rddreg [dreg:$0x3]  }
0x18: {  	s1 =	simm.s32 $0x8;
	s18 =	simm.s32 $0xC8;
	s14 =	sor.u32 $0x10, s30  }
0x19: {  	s28 =	simm.s32 $0x40;
	v3 =	vmov s30;
	s15 =	sor.u32 $0x20, s30;
	v4 =	vmov s12;
	s31 =	sor.u32 $0x30, s30;
	v5 =	vmov s14  }
0x1a: {  	[tilespmem:s3], [sflag:$0x4] =	stream.strided.gather [hbm4b:s0+s1], $0x400, s18, s1, $0x38;
	v6 =	vmov s15;
	v4 =	vand.u32 $0x7, v4;
	v7 =	vmov s31;
	[tilespmem:$0x18C00] =	vst v63  }
0x1b: {  	s18 =	sand.u32 $0x40, s28;
	v3 =	vshll.u32 v3, $0x3;
	v5 =	vshll.u32 v5, $0x3;
	v4 =	vbroadcast v4, $0x0  }
0x1c: {  	v8 =	vmov s18;
	v6 =	vshll.u32 v6, $0x3;
	v5 =	vor.u32 v0, v5  }
0x1d: {  	v7 =	vshll.u32 v7, $0x3;
	v6 =	vor.u32 v0, v6;
	v5 =	vor.u32 v4, v5  }
0x1e: {  	[dreg:$0x7] =	wrdreg s5;
	s20 =	simm.s32 $0x0;
	s21 =	simm.s32 $0x0;
	v3 =	vor.u32 v0, v3;
	v7 =	vor.u32 v0, v7;
	v6 =	vor.u32 v4, v6  }
0x1f: {  	_ =	swait.ge [sflag:s16], $0x400;
	s22 =	sor.u32 $0x10, s18;
	s23 =	sor.u32 $0x20, s18;
	v3 =	vor.u32 v4, v3;
	v7 =	vor.u32 v4, v7;
	v4 =	vmov s20  }
0x20: {  	s29 =	sand.u32 $0x3FFFFF80, s21;
	s21 =	sor.u32 $0x30, s18;
	[sflag:s16] =	ssyncset.done $0x0;
	v9 =	vmov s22;
	v10 =	vmov s23;
	v4 =	vand.u32 $0x7, v4  }
0x21: {  	v11 =	vmov s21;
	[sflag:s16] =	ssyncadd.s32 $0xFFFFFC00;
	v9 =	vshll.u32 v9, $0x3;
	s20 =	sadd.s32 $0x400, s29;
	v4 =	vbroadcast v4, $0x0  }
0x22: {  	s26 =	simm.s32 $0x80;
	v8 =	vshll.u32 v8, $0x3;
	v10 =	vshll.u32 v10, $0x3;
	v9 =	vor.u32 v0, v9;
	s25 =	sor.u32 s30, s20;
	s14 =	sor.u32 s14, s20;
	v5 =	vld.idx.msk [tilespmem:v5+s3+$0x0], $0xffff  }
0x23: {  	v11 =	vshll.u32 v11, $0x3;
	v10 =	vor.u32 v0, v10;
	s24 =	sor.u32 s15, s20;
	s5 =	sor.u32 s31, s20;
	s20 =	sand.u32 $0x40, s26;
	v9 =	vor.u32 v4, v9;
	v6 =	vld.idx.msk [tilespmem:v6+s3+$0x0], $0xffff  }
0x24: {  	v8 =	vor.u32 v0, v8;
	s30 =	simm.s32 $0x40;
	v13 =	vmov s20;
	s28 =	sor.u32 $0x20, s20;
	v10 =	vor.u32 v4, v10;
	v12 =	vld.idx.msk [tilespmem:v3+s3+$0x0], $0xffff  }
0x25: {  	s0 =	simm.s32 $0x1;
	s31 =	sand.u32 $0x3FFFFF80, s30;
	s26 =	sor.u32 $0x10, s20;
	v15 =	vmov s28;
	v14 =	vor.u32 v4, v8;
	v3 =	vor.u32 v0, v11  }
0x26: {  	s30 =	simm.s32 $0x80;
	s29 =	sadd.s32 $0x400, s31;
	s31 =	sor.u32 $0x30, s20;
	v8 =	vmov s0;
	v11 =	vmov s26;
	v4 =	vor.u32 v4, v3  }
0x27: {  	s1 =	sand.u32 $0x3FFFFF80, s30;
	s15 =	sor.u32 s18, s29;
	s12 =	sor.u32 s22, s29;
	v3 =	vld.idx.msk [tilespmem:v7+s3+$0x0], $0xffff;
	v7 =	vand.u32 $0x7, v8;
	v8 =	vshll.u32 v11, $0x3;
	v11 =	vmov s31;
	[tilespmem:s14+$0x0] =	vst v5  }
0x28: {  	s18 =	sor.u32 s23, s29;
	s30 =	sadd.s32 $0x400, s1;
	v15 =	vshll.u32 v15, $0x3;
	s23 =	simm.s32 $0xC0;
	v7 =	vbroadcast v7, $0x0;
	v11 =	vshll.u32 v11, $0x3;
	v5 =	vld.idx.msk [tilespmem:v9+s3+$0x0], $0xffff;
	[tilespmem:s24+$0x0] =	vst v6  }
0x29: {  	s22 =	sor.u32 s26, s30;
	v8 =	vor.u32 v0, v8;
	s14 =	sor.u32 s21, s29;
	s21 =	simm.s32 $0x8;
	v9 =	vshll.u32 v13, $0x3;
	v13 =	vor.u32 v0, v15;
	v6 =	vld.idx.msk [tilespmem:v10+s3+$0x0], $0xffff;
	[tilespmem:s25+$0x0] =	vst v12  }
0x2a: {  	s24 =	sor.u32 s20, s30;
	s20 =	sor.u32 s28, s30;
	v10 =	vor.u32 v7, v8;
	s25 =	sor.u32 s31, s30;
	v12 =	vor.u32 v0, v9;
	v8 =	vor.u32 v7, v13;
	v9 =	vld.idx.msk [tilespmem:v14+s3+$0x0], $0xffff  }
.LBB2_2:
0x2b: {  	s21 =	sadd.s32 $0x4, s21;
	s26 =	sand.u32 $0x40, s23;
	s28 =	smov.u32 s24  }
0x2c: {  	v11 =	vor.u32 v0, v11;
	[tilespmem:s5+$0x0] =	vst v3;
	v3 =	vld.idx.msk [tilespmem:v4+s3+$0x0], $0xffff;
	s5 =	smov.u32 s14;
	s14 =	smov.u32 s25;
	s24 =	sshrl.u32 s21, $0x3  }
0x2d: {  	v14 =	vor.u32 v7, v12;
	v13 =	vmov s26;
	s25 =	sor.u32 $0x10, s26;
	s29 =	sor.u32 $0x20, s26;
	v4 =	vor.u32 v7, v11;
	p0 =	slt.u32 s21, $0x3C  }
.Ltmp2:
0x2e: {  	s30 =	sor.u32 $0x30, s26;
	v7 =	vmov s24;
	s24 =	sshll.u32 s21, $0x4;
	v11 =	vmov s25;
	v12 =	vmov s29;
	(pc) =	sbr.rel @p0 .LBB2_2-.Ltmp2, $4  }
0x2f: {  	v7 =	vand.u32 $0x7, v7;
	s24 =	sand.u32 $0x3FFFFF80, s24;
	v15 =	vshll.u32 v11, $0x3;
	v11 =	vmov s30;
	[tilespmem:s12+$0x0] =	vst v5;
	s12 =	smov.u32 s22  }
0x30: {  	v12 =	vshll.u32 v12, $0x3;
	v7 =	vbroadcast v7, $0x0;
	s31 =	sadd.s32 $0x400, s24;
	v11 =	vshll.u32 v11, $0x3;
	v5 =	vld.idx.msk [tilespmem:v10+s3+$0x0], $0xffff;
	[tilespmem:s18+$0x0] =	vst v6;
	s18 =	smov.u32 s20  }
0x31: {  	v10 =	vshll.u32 v13, $0x3;
	v13 =	vor.u32 v0, v15;
	v15 =	vor.u32 v0, v12;
	s24 =	sor.u32 s26, s31;
	s22 =	sor.u32 s25, s31;
	s20 =	sor.u32 s29, s31;
	v6 =	vld.idx.msk [tilespmem:v8+s3+$0x0], $0xffff;
	[tilespmem:s15+$0x0] =	vst v9  }
0x32: {  	s23 =	sadd.s32 $0x40, s23;
	v12 =	vor.u32 v0, v10;
	s25 =	sor.u32 s30, s31;
	s15 =	smov.u32 s28;
	v10 =	vor.u32 v7, v13;
	v8 =	vor.u32 v7, v15;
	v9 =	vld.idx.msk [tilespmem:v14+s3+$0x0], $0xffff  }
0x33: {  	_ =	sdelay $0x1  }
0x34: {  	v11 =	vor.u32 v0, v11;
	v12 =	vor.u32 v7, v12  }
0x35: {  	v7 =	vor.u32 v7, v11  }
0x36: {  	v4 =	vld.idx.msk [tilespmem:v4+s3+$0x0], $0xffff  }
0x37: {  	[tilespmem:s5+$0x0] =	vst v3;
	v3 =	vld.idx.msk [tilespmem:v10+s3+$0x0], $0xffff  }
0x38: {  	[tilespmem:s12+$0x0] =	vst v5;
	v5 =	vld.idx.msk [tilespmem:v8+s3+$0x0], $0xffff  }
0x39: {  	[tilespmem:s18+$0x0] =	vst v6;
	v6 =	vld.idx.msk [tilespmem:v12+s3+$0x0], $0xffff  }
0x3a: {  	[tilespmem:s15+$0x0] =	vst v9;
	v7 =	vld.idx.msk [tilespmem:v7+s3+$0x0], $0xffff  }
0x3b: {  	[tilespmem:s14+$0x0] =	vst v4  }
0x3c: {  	[tilespmem:s22+$0x0] =	vst v3  }
0x3d: {  	[tilespmem:s20+$0x0] =	vst v5  }
0x3e: {  	[tilespmem:s24+$0x0] =	vst v6  }
0x3f: {  	s0 =	simm.s32 $0x400;
	s1 =	simm.s32 $0x1C00;
	s23 =	simm.s32 $0x500;
	[tilespmem:s25+$0x0] =	vst v7  }
0x40: {  	[tilespmem:s19], [sflag:$0x1] =	stream.indirect.gather [hbm4b:s4+s17], $0x20, s0, s17, $0xb8;
	[tilespmem:$0x18C00] =	vst v63  }
0x41: {  	s26 =	simm.s32 $0x3C00;
	s28 =	simm.s32 $0x600;
	s22 =	simm.s32 $0x480  }
0x42: {  	[tilespmem:s1], [sflag:$0x1] =	stream.indirect.gather [hbm4b:s4+s17], $0x20, s22, s17, $0xb8;
	[tilespmem:$0x18C00] =	vst v63  }
0x43: {  	s29 =	simm.s32 $0x4C00;
	s30 =	simm.s32 $0x680;
	s24 =	simm.s32 $0x2C00  }
0x44: {  	[tilespmem:s24], [sflag:$0x1] =	stream.indirect.gather [hbm4b:s4+s17], $0x20, s23, s17, $0xb8;
	[tilespmem:$0x18C00] =	vst v63  }
0x45: {  	s31 =	simm.s32 $0x5C00;
	s5 =	simm.s32 $0x6C00;
	s25 =	simm.s32 $0x580  }
0x46: {  	[tilespmem:s26], [sflag:$0x1] =	stream.indirect.gather [hbm4b:s4+s17], $0x20, s25, s17, $0xb8;
	[tilespmem:$0x18C00] =	vst v63  }
0x47: {  	s12 =	simm.s32 $0x780;
	s15 =	simm.s32 $0x0;
	s14 =	simm.s32 $0x7C00  }
0x48: {  	[tilespmem:s29], [sflag:$0x1] =	stream.indirect.gather [hbm4b:s4+s17], $0x20, s28, s17, $0xb8;
	[tilespmem:$0x18C00] =	vst v63  }
0x49: {  	s18 =	sand.u32 $0x40, s15;
	s1 =	simm.s32 $0x700;
	s28 =	simm.s32 $0x0  }
0x4a: {  	v3 =	vmov s18;
	[tilespmem:s31], [sflag:$0x1] =	stream.indirect.gather [hbm4b:s4+s17], $0x20, s30, s17, $0xb8;
	[tilespmem:$0x18C00] =	vst v63  }
0x4b: {  	v3 =	vshll.u32 v3, $0x3;
	s22 =	rddreg [dreg:$0x4];
	s29 =	sor.u32 $0x10, s18;
	v4 =	vmov s28;
	s30 =	sor.u32 $0x20, s18  }
0x4c: {  	v3 =	vor.u32 v0, v3;
	v5 =	vmov s29;
	v4 =	vand.u32 $0x7, v4;
	[tilespmem:s5], [sflag:$0x1] =	stream.indirect.gather [hbm4b:s4+s17], $0x20, s1, s17, $0xb8;
	[tilespmem:$0x18C00] =	vst v63  }
0x4d: {  	s23 =	simm.s32 $0x8;
	s25 =	simm.s32 $0x40;
	s31 =	sor.u32 $0x30, s18;
	v5 =	vshll.u32 v5, $0x3;
	v6 =	vmov s30;
	v4 =	vbroadcast v4, $0x0  }
0x4e: {  	v7 =	vmov s31;
	v5 =	vor.u32 v0, v5;
	v6 =	vshll.u32 v6, $0x3;
	[tilespmem:s14], [sflag:$0x1] =	stream.indirect.gather [hbm4b:s4+s17], $0x20, s12, s17, $0xb8;
	[tilespmem:$0x18C00] =	vst v63  }
0x4f: {  	s24 =	simm.s32 $0xC8;
	s26 =	simm.s32 $0x0;
	s20 =	sand.u32 $0x40, s25;
	v7 =	vshll.u32 v7, $0x3;
	v6 =	vor.u32 v0, v6;
	v5 =	vor.u32 v4, v5  }
0x50: {  	v8 =	vmov s20;
	v7 =	vor.u32 v0, v7;
	v6 =	vor.u32 v4, v6;
	[tilespmem:s15], [sflag:$0x4] =	stream.strided.gather [hbm4b:s22+s23], $0x400, s24, s23, $0x38;
	[tilespmem:$0x18C00] =	vst v63  }
0x51: {  	s21 =	simm.s32 $0x0;
	v3 =	vor.u32 v4, v3;
	v4 =	vor.u32 v4, v7;
	v7 =	vmov s26;
	s22 =	sor.u32 $0x10, s20;
	_ =	swait.ge [sflag:s16], $0x400  }
0x52: {  	s28 =	sand.u32 $0x3FFFFF80, s21;
	v8 =	vshll.u32 v8, $0x3;
	v7 =	vand.u32 $0x7, v7;
	s23 =	sor.u32 $0x20, s20;
	v9 =	vmov s22;
	[sflag:s16] =	ssyncset.done $0x0  }
0x53: {  	s21 =	sor.u32 $0x30, s20;
	s5 =	sadd.s32 $0x800, s28;
	v7 =	vbroadcast v7, $0x0;
	v10 =	vmov s23;
	v9 =	vshll.u32 v9, $0x3;
	[sflag:s16] =	ssyncadd.s32 $0xFFFFFC00  }
0x54: {  	v11 =	vmov s21;
	s25 =	sor.u32 s30, s5;
	s30 =	simm.s32 $0x80;
	v10 =	vshll.u32 v10, $0x3;
	v9 =	vor.u32 v0, v9;
	v5 =	vld.idx.msk [tilespmem:v5+s3+$0x0], $0xffff  }
0x55: {  	s0 =	simm.s32 $0x1;
	v8 =	vor.u32 v0, v8;
	s12 =	sor.u32 s29, s5;
	s26 =	sand.u32 $0x40, s30;
	v10 =	vor.u32 v0, v10;
	v6 =	vld.idx.msk [tilespmem:v6+s3+$0x0], $0xffff;
	v9 =	vor.u32 v7, v9  }
0x56: {  	v11 =	vshll.u32 v11, $0x3;
	s29 =	simm.s32 $0x40;
	v13 =	vmov s26;
	s28 =	sor.u32 $0x10, s26;
	s30 =	sor.u32 $0x30, s26;
	v10 =	vor.u32 v7, v10;
	v12 =	vld.idx.msk [tilespmem:v3+s3+$0x0], $0xffff  }
0x57: {  	s24 =	sor.u32 s18, s5;
	s5 =	sor.u32 s31, s5;
	s31 =	sand.u32 $0x3FFFFF80, s29;
	v15 =	vmov s30;
	v14 =	vor.u32 v7, v8;
	v3 =	vor.u32 v0, v11  }
0x58: {  	s1 =	simm.s32 $0x80;
	s29 =	sor.u32 $0x20, s26;
	s14 =	sadd.s32 $0x800, s31;
	v8 =	vmov s28;
	v3 =	vor.u32 v7, v3;
	v7 =	vmov s0  }
0x59: {  	s15 =	sor.u32 s20, s14;
	v8 =	vshll.u32 v8, $0x3;
	v11 =	vmov s29;
	v4 =	vld.idx.msk [tilespmem:v4+s3+$0x0], $0xffff;
	[tilespmem:s12+$0x0] =	vst v5;
	s12 =	sor.u32 s22, s14;
	v5 =	vand.u32 $0x7, v7;
	s22 =	sand.u32 $0x3FFFFF80, s1  }
0x5a: {  	s18 =	sor.u32 s23, s14;
	s23 =	simm.s32 $0xC0;
	v8 =	vor.u32 v0, v8;
	[tilespmem:s25+$0x0] =	vst v6;
	v6 =	vshll.u32 v11, $0x3;
	v7 =	vbroadcast v5, $0x0;
	s31 =	sadd.s32 $0x800, s22;
	v5 =	vld.idx.msk [tilespmem:v9+s3+$0x0], $0xffff  }
0x5b: {  	s14 =	sor.u32 s21, s14;
	v11 =	vshll.u32 v15, $0x3;
	[tilespmem:s24+$0x0] =	vst v12;
	s21 =	simm.s32 $0x8;
	v9 =	vshll.u32 v13, $0x3;
	v13 =	vor.u32 v0, v6;
	v6 =	vld.idx.msk [tilespmem:v10+s3+$0x0], $0xffff;
	s24 =	sor.u32 s26, s31  }
0x5c: {  	s22 =	sor.u32 s28, s31;
	s20 =	sor.u32 s29, s31;
	v12 =	vor.u32 v0, v9;
	s25 =	sor.u32 s30, s31;
	v9 =	vld.idx.msk [tilespmem:v14+s3+$0x0], $0xffff;
	v10 =	vor.u32 v7, v8;
	v8 =	vor.u32 v7, v13  }
.LBB2_4:
0x5d: {  	s21 =	sadd.s32 $0x4, s21;
	s26 =	sand.u32 $0x40, s23;
	s28 =	smov.u32 s24  }
0x5e: {  	v11 =	vor.u32 v0, v11;
	[tilespmem:s5+$0x0] =	vst v4;
	v4 =	vld.idx.msk [tilespmem:v3+s3+$0x0], $0xffff;
	s5 =	smov.u32 s14;
	s14 =	smov.u32 s25;
	s24 =	sshrl.u32 s21, $0x3  }
0x5f: {  	v14 =	vor.u32 v7, v12;
	v13 =	vmov s26;
	s25 =	sor.u32 $0x10, s26;
	s29 =	sor.u32 $0x20, s26;
	v3 =	vor.u32 v7, v11;
	p0 =	slt.u32 s21, $0x3C  }
.Ltmp3:
0x60: {  	s30 =	sor.u32 $0x30, s26;
	v7 =	vmov s24;
	s24 =	sshll.u32 s21, $0x4;
	v11 =	vmov s25;
	v12 =	vmov s29;
	(pc) =	sbr.rel @p0 .LBB2_4-.Ltmp3, $4  }
0x61: {  	v7 =	vand.u32 $0x7, v7;
	s24 =	sand.u32 $0x3FFFFF80, s24;
	v15 =	vshll.u32 v11, $0x3;
	v11 =	vmov s30;
	[tilespmem:s12+$0x0] =	vst v5;
	s12 =	smov.u32 s22  }
0x62: {  	v12 =	vshll.u32 v12, $0x3;
	v7 =	vbroadcast v7, $0x0;
	s31 =	sadd.s32 $0x800, s24;
	v11 =	vshll.u32 v11, $0x3;
	v5 =	vld.idx.msk [tilespmem:v10+s3+$0x0], $0xffff;
	[tilespmem:s18+$0x0] =	vst v6;
	s18 =	smov.u32 s20  }
0x63: {  	v10 =	vshll.u32 v13, $0x3;
	v13 =	vor.u32 v0, v15;
	v15 =	vor.u32 v0, v12;
	s24 =	sor.u32 s26, s31;
	s22 =	sor.u32 s25, s31;
	s20 =	sor.u32 s29, s31;
	v6 =	vld.idx.msk [tilespmem:v8+s3+$0x0], $0xffff;
	[tilespmem:s15+$0x0] =	vst v9  }
0x64: {  	s23 =	sadd.s32 $0x40, s23;
	v12 =	vor.u32 v0, v10;
	s25 =	sor.u32 s30, s31;
	s15 =	smov.u32 s28;
	v10 =	vor.u32 v7, v13;
	v8 =	vor.u32 v7, v15;
	v9 =	vld.idx.msk [tilespmem:v14+s3+$0x0], $0xffff  }
0x65: {  	_ =	sdelay $0x1  }
0x66: {  	v11 =	vor.u32 v0, v11;
	v12 =	vor.u32 v7, v12  }
0x67: {  	v60 =	vor.u32 v7, v11  }
0x68: {  	v3 =	vld.idx.msk [tilespmem:v3+s3+$0x0], $0xffff  }
0x69: {  	[tilespmem:s5+$0x0] =	vst v4;
	v61 =	vld.idx.msk [tilespmem:v10+s3+$0x0], $0xffff  }
0x6a: {  	v62 =	vld.idx.msk [tilespmem:v8+s3+$0x0], $0xffff;
	[tilespmem:s12+$0x0] =	vst v5  }
0x6b: {  	[tilespmem:s18+$0x0] =	vst v6;
	v63 =	vld.idx.msk [tilespmem:v12+s3+$0x0], $0xffff  }
0x6c: {  	[tilespmem:s15+$0x0] =	vst v9;
	v7 =	vld.idx.msk [tilespmem:v60+s3+$0x0], $0xffff  }
0x6d: {  	[tilespmem:s14+$0x0] =	vst v3  }
0x6e: {  	[tilespmem:s22+$0x0] =	vst v61  }
0x6f: {  	[tilespmem:s20+$0x0] =	vst v62  }
0x70: {  	[tilespmem:s24+$0x0] =	vst v63  }
0x71: {  	s0 =	simm.s32 $0x800;
	[tilespmem:s25+$0x0] =	vst v7  }
0x72: {  	[tilespmem:s13], [sflag:$0x2] =	stream.indirect.gather [hbm4b:s4+s17], $0x20, s0, s17, $0xb8;
	[tilespmem:$0x18C00] =	vst v63  }
0x73: {  	s1 =	simm.s32 $0x9C00;
	s15 =	simm.s32 $0x880  }
0x74: {  	[tilespmem:s1], [sflag:$0x2] =	stream.indirect.gather [hbm4b:s4+s17], $0x20, s15, s17, $0xb8;
	[tilespmem:$0x18C00] =	vst v63  }
0x75: {  	s18 =	simm.s32 $0x900;
	s20 =	simm.s32 $0xAC00  }
0x76: {  	[tilespmem:s20], [sflag:$0x2] =	stream.indirect.gather [hbm4b:s4+s17], $0x20, s18, s17, $0xb8;
	[tilespmem:$0x18C00] =	vst v63  }
0x77: {  	s21 =	simm.s32 $0x980;
	s22 =	simm.s32 $0xBC00  }
0x78: {  	[tilespmem:s22], [sflag:$0x2] =	stream.indirect.gather [hbm4b:s4+s17], $0x20, s21, s17, $0xb8;
	[tilespmem:$0x18C00] =	vst v63  }
0x79: {  	s23 =	simm.s32 $0xA00;
	s24 =	simm.s32 $0xCC00  }
0x7a: {  	[tilespmem:s24], [sflag:$0x2] =	stream.indirect.gather [hbm4b:s4+s17], $0x20, s23, s17, $0xb8;
	[tilespmem:$0x18C00] =	vst v63  }
0x7b: {  	s26 =	simm.s32 $0xDC00;
	s25 =	simm.s32 $0xA80  }
0x7c: {  	[tilespmem:s26], [sflag:$0x2] =	stream.indirect.gather [hbm4b:s4+s17], $0x20, s25, s17, $0xb8;
	[tilespmem:$0x18C00] =	vst v63  }
.Ltmp4:
0x7d: {  	_ = 	snop;
	(pc) =	sbr.rel .LBB2_6-.Ltmp4, $4  }
0x7e: {  	s28 =	simm.s32 $0xB00;
	s29 =	simm.s32 $0xEC00  }
0x7f: {  	[tilespmem:s29], [sflag:$0x2] =	stream.indirect.gather [hbm4b:s4+s17], $0x20, s28, s17, $0xb8;
	[tilespmem:$0x18C00] =	vst v63  }
0x80: {  	s30 =	simm.s32 $0xB80;
	s31 =	simm.s32 $0xFC00;
	s5 =	simm.s32 $0x0  }
0x81: {  	[tilespmem:s31], [sflag:$0x2] =	stream.indirect.gather [hbm4b:s4+s17], $0x20, s30, s17, $0xb8;
	[tilespmem:$0x18C00] =	vst v63  }
.LBB2_18:
0x82: {  	s5 =	sadd.s32 $0x1, s5  }
0x83: {  	p0 =	sne.s32 s5, $0xD  }
.Ltmp5:
0x84: {  	_ = 	snop;
	(pc) =	sbr.rel @!p0 .LBB2_19-.Ltmp5, $1  }
0x85: {  	_ =	sdelay $0x3  }
.LBB2_6:
0x86: {  	s15 =	simm.s32 $0x0  }
0x87: {  	s12 =	sand.u32 $0x18, s15  }
0x88: {  	s14 =	simm.s32 $0x0;
	v3 =	vmov s12  }
0x89: {  	s14 =	sand.u32 $0xFFFFFF80, s14;
	v3 =	vshrl.u32 v3, $0x3  }
0x8a: {  	v10 =	vshll.u32 v3, v2;
	v3 =	vmov s14  }
0x8b: {  	v4 =	vor.u32 $0x7, v10;
	v3 =	vshll.u32 v3, $0x5  }
0x8c: {  	v5 =	vor.u32 $0x2, v10;
	v7 =	vbroadcast v4, $0x0;
	v4 =	vor.u32 $0x1, v10  }
0x8d: {  	_ =	swait.ge [sflag:s6], $0x8000;
	v6 =	vor.u32 $0x3, v10;
	v11 =	vor.u32 v1, v3;
	v3 =	vbroadcast v4, $0x0  }
0x8e: {  	p0 =	seq.s32 s5, $0x0;
	[sflag:s6] =	ssyncset.done $0x0;
	v9 =	vor.u32 $0x4, v10;
	v4 =	vbroadcast v5, $0x0;
	v8 =	vor.u32 v11, v7  }
0x8f: {  	s18 =	simm.s32 @!p0 $0x3;
	[sflag:s6] =	ssyncadd.s32 $0xFFFF8000;
	s20 =	sor.u32 $0x10, s14;
	v12 =	vor.u32 $0x5, v10;
	v5 =	vbroadcast v6, $0x0;
	v13 =	vor.u32 v11, v3  }
0x90: {  	_ =	swait.ge @!p0 [sflag:s18], $0x8000;
	v6 =	vbroadcast v9, $0x0;
	v9 =	vmov s20;
	v14 =	vor.u32 v11, v4  }
0x91: {  	[sflag:s18] =	ssyncset.done @!p0 $0x0;
	v16 =	vshll.u32 v9, $0x5;
	v9 =	vbroadcast v12, $0x0;
	v17 =	vor.u32 v11, v5  }
0x92: {  	[sflag:s18] =	ssyncadd.s32 @!p0 $0xFFFF8000;
	v15 =	vor.u32 $0x6, v10;
	v12 =	vor.u32 v11, v6  }
0x93: {  	v16 =	vor.u32 v1, v16;
	v19 =	vor.u32 v11, v9;
	v18 =	vld.idx.msk [tilespmem:v8+s19+$0x0], $0xffff;
	v8 =	vbroadcast v15, $0x0  }
0x94: {  	s25 =	simm.s32 $0x0;
	v10 =	vbroadcast v10, $0x0;
	v15 =	vor.u32 v16, v7;
	v13 =	vld.idx.msk [tilespmem:v13+s19+$0x0], $0xffff  }
0x95: {  	s12 =	sshll.u32 s12, $0x7;
	s18 =	sand.u32 $0x3FFFF000, s25;
	v14 =	vld.idx.msk [tilespmem:v14+s19+$0x0], $0xffff;
	v20 =	vor.u32 v11, v8  }
0x96: {  	s18 =	sor.u32 s12, s18;
	v17 =	vld.idx.msk [tilespmem:v17+s19+$0x0], $0xffff;
	v11 =	vor.u32 v10, v11  }
0x97: {  	s26 =	sor.u32 $0x20, s14;
	s12 =	sadd.s32 $0x10C00, s18;
	v21 =	vor.u32 v16, v3;
	v12 =	vld.idx.msk [tilespmem:v12+s19+$0x0], $0xffff  }
0x98: {  	v22 =	vmov s26;
	v23 =	vor.u32 v16, v5;
	v19 =	vld.idx.msk [tilespmem:v19+s19+$0x0], $0xffff;
	[tilespmem:s12+$0x380] =	vst v18  }
0x99: {  	v22 =	vshll.u32 v22, $0x5;
	v24 =	vor.u32 v16, v6;
	v15 =	vld.idx.msk [tilespmem:v15+s19+$0x0], $0xffff  }
0x9a: {  	v22 =	vor.u32 v1, v22;
	v18 =	vor.u32 v16, v4;
	[tilespmem:s12+$0x80] =	vst v13;
	v13 =	vld.idx.msk [tilespmem:v20+s19+$0x0], $0xffff  }
0x9b: {  	[tilespmem:s12+$0x100] =	vst v14;
	v20 =	vor.u32 v22, v7;
	v11 =	vld.idx.msk [tilespmem:v11+s19+$0x0], $0xffff  }
0x9c: {  	v14 =	vor.u32 v16, v9;
	[tilespmem:s12+$0x180] =	vst v17;
	v21 =	vld.idx.msk [tilespmem:v21+s19+$0x0], $0xffff  }
0x9d: {  	v17 =	vor.u32 v16, v8;
	[tilespmem:s12+$0x200] =	vst v12;
	v23 =	vld.idx.msk [tilespmem:v23+s19+$0x0], $0xffff  }
0x9e: {  	v12 =	vor.u32 v10, v16;
	[tilespmem:s12+$0x280] =	vst v19;
	v24 =	vld.idx.msk [tilespmem:v24+s19+$0x0], $0xffff  }
0x9f: {  	s28 =	sor.u32 $0x30, s14;
	v18 =	vld.idx.msk [tilespmem:v18+s19+$0x0], $0xffff;
	[tilespmem:s12+$0x390] =	vst v15;
	v15 =	vor.u32 v22, v3  }
0xa0: {  	v16 =	vmov s28;
	v19 =	vld.idx.msk [tilespmem:v20+s19+$0x0], $0xffff;
	v20 =	vor.u32 v22, v4;
	[tilespmem:s12+$0x300] =	vst v13  }
0xa1: {  	v16 =	vshll.u32 v16, $0x5;
	[tilespmem:s18+$0x10C00] =	vst v11;
	v11 =	vld.idx.msk [tilespmem:v14+s19+$0x0], $0xffff;
	v14 =	vor.u32 v22, v5  }
0xa2: {  	v16 =	vor.u32 v1, v16;
	[tilespmem:s12+$0x90] =	vst v21;
	v21 =	vor.u32 v22, v6;
	v17 =	vld.idx.msk [tilespmem:v17+s19+$0x0], $0xffff  }
0xa3: {  	v13 =	vor.u32 v16, v7;
	[tilespmem:s12+$0x190] =	vst v23;
	v12 =	vld.idx.msk [tilespmem:v12+s19+$0x0], $0xffff  }
0xa4: {  	[tilespmem:s12+$0x110] =	vst v18;
	v18 =	vor.u32 v22, v9;
	v15 =	vld.idx.msk [tilespmem:v15+s19+$0x0], $0xffff  }
0xa5: {  	s29 =	sor.u32 $0x40, s14;
	v23 =	vor.u32 v22, v8;
	[tilespmem:s12+$0x210] =	vst v24;
	v20 =	vld.idx.msk [tilespmem:v20+s19+$0x0], $0xffff  }
0xa6: {  	v25 =	vmov s29;
	[tilespmem:s12+$0x3A0] =	vst v19;
	v19 =	vor.u32 v10, v22;
	v14 =	vld.idx.msk [tilespmem:v14+s19+$0x0], $0xffff  }
0xa7: {  	v59 =	vor.u32 v16, v3;
	v22 =	vshll.u32 v25, $0x5;
	[tilespmem:s12+$0x290] =	vst v11;
	v11 =	vld.idx.msk [tilespmem:v21+s19+$0x0], $0xffff  }
0xa8: {  	v21 =	vor.u32 v16, v4;
	v13 =	vld.idx.msk [tilespmem:v13+s19+$0x0], $0xffff;
	v22 =	vor.u32 v1, v22;
	[tilespmem:s12+$0x310] =	vst v17  }
0xa9: {  	[tilespmem:s12+$0x10] =	vst v12;
	v17 =	vor.u32 v22, v7;
	v12 =	vld.idx.msk [tilespmem:v18+s19+$0x0], $0xffff  }
0xaa: {  	v18 =	vor.u32 v16, v5;
	[tilespmem:s12+$0xA0] =	vst v15;
	v15 =	vld.idx.msk [tilespmem:v23+s19+$0x0], $0xffff  }
0xab: {  	s30 =	sor.u32 $0x50, s14;
	v23 =	vor.u32 v16, v6;
	v19 =	vld.idx.msk [tilespmem:v19+s19+$0x0], $0xffff;
	[tilespmem:s12+$0x120] =	vst v20  }
0xac: {  	v60 =	vmov s30;
	v20 =	vor.u32 v16, v9;
	v24 =	vld.idx.msk [tilespmem:v59+s19+$0x0], $0xffff;
	[tilespmem:s12+$0x1A0] =	vst v14  }
0xad: {  	v25 =	vshll.u32 v60, $0x5;
	[tilespmem:s12+$0x3B0] =	vst v13;
	v13 =	vor.u32 v16, v8;
	v21 =	vld.idx.msk [tilespmem:v21+s19+$0x0], $0xffff  }
0xae: {  	[tilespmem:s12+$0x220] =	vst v11;
	v16 =	vor.u32 v10, v16;
	v14 =	vld.idx.msk [tilespmem:v17+s19+$0x0], $0xffff;
	v17 =	vor.u32 v1, v25  }
0xaf: {  	v11 =	vld.idx.msk [tilespmem:v18+s19+$0x0], $0xffff;
	[tilespmem:s12+$0x2A0] =	vst v12;
	v12 =	vor.u32 v17, v7  }
0xb0: {  	v18 =	vor.u32 v22, v3;
	v23 =	vld.idx.msk [tilespmem:v23+s19+$0x0], $0xffff;
	[tilespmem:s12+$0x320] =	vst v15  }
0xb1: {  	v15 =	vor.u32 v22, v4;
	[tilespmem:s12+$0x20] =	vst v19;
	v19 =	vld.idx.msk [tilespmem:v20+s19+$0x0], $0xffff  }
0xb2: {  	v20 =	vor.u32 v22, v5;
	[tilespmem:s12+$0xB0] =	vst v24;
	v13 =	vld.idx.msk [tilespmem:v13+s19+$0x0], $0xffff  }
0xb3: {  	s31 =	sor.u32 $0x60, s14;
	v61 =	vor.u32 v22, v6;
	v16 =	vld.idx.msk [tilespmem:v16+s19+$0x0], $0xffff;
	[tilespmem:s12+$0x3C0] =	vst v14  }
0xb4: {  	v62 =	vmov s31;
	[tilespmem:s12+$0x130] =	vst v21;
	v14 =	vor.u32 v22, v9;
	v12 =	vld.idx.msk [tilespmem:v12+s19+$0x0], $0xffff  }
0xb5: {  	v25 =	vshll.u32 v62, $0x5;
	v21 =	vor.u32 v22, v8;
	v18 =	vld.idx.msk [tilespmem:v18+s19+$0x0], $0xffff;
	[tilespmem:s12+$0x1B0] =	vst v11  }
0xb6: {  	v25 =	vor.u32 v1, v25;
	v22 =	vor.u32 v10, v22;
	v11 =	vld.idx.msk [tilespmem:v15+s19+$0x0], $0xffff;
	[tilespmem:s12+$0x230] =	vst v23  }
0xb7: {  	v15 =	vor.u32 v25, v7;
	v20 =	vld.idx.msk [tilespmem:v20+s19+$0x0], $0xffff;
	[tilespmem:s12+$0x2B0] =	vst v19  }
0xb8: {  	v19 =	vor.u32 v17, v3;
	v23 =	vld.idx.msk [tilespmem:v61+s19+$0x0], $0xffff;
	[tilespmem:s12+$0x330] =	vst v13  }
0xb9: {  	v13 =	vor.u32 v17, v4;
	[tilespmem:s12+$0x30] =	vst v16;
	v14 =	vld.idx.msk [tilespmem:v14+s19+$0x0], $0xffff  }
0xba: {  	s14 =	sor.u32 $0x70, s14;
	v16 =	vor.u32 v17, v5;
	v21 =	vld.idx.msk [tilespmem:v21+s19+$0x0], $0xffff;
	[tilespmem:s12+$0x3D0] =	vst v12  }
0xbb: {  	v63 =	vmov s14;
	v22 =	vld.idx.msk [tilespmem:v22+s19+$0x0], $0xffff;
	v12 =	vor.u32 v17, v6;
	[tilespmem:s12+$0xC0] =	vst v18  }
0xbc: {  	v24 =	vshll.u32 v63, $0x5;
	v18 =	vor.u32 v17, v9;
	v15 =	vld.idx.msk [tilespmem:v15+s19+$0x0], $0xffff;
	[tilespmem:s12+$0x140] =	vst v11  }
0xbd: {  	v28 =	vor.u32 v17, v8;
	v24 =	vor.u32 v1, v24;
	v11 =	vld.idx.msk [tilespmem:v19+s19+$0x0], $0xffff;
	[tilespmem:s12+$0x1C0] =	vst v20  }
0xbe: {  	v27 =	vor.u32 v10, v17;
	v26 =	vor.u32 v24, v7;
	[tilespmem:s12+$0x240] =	vst v23;
	v29 =	vld.idx.msk [tilespmem:v13+s19+$0x0], $0xffff  }
0xbf: {  	v17 =	vor.u32 v24, v3;
	v23 =	vor.u32 v25, v3;
	v30 =	vld.idx.msk [tilespmem:v16+s19+$0x0], $0xffff;
	[tilespmem:s12+$0x2C0] =	vst v14  }
0xc0: {  	v19 =	vor.u32 v25, v4;
	v16 =	vor.u32 v25, v5;
	[tilespmem:s12+$0x340] =	vst v21;
	v7 =	vld.idx.msk [tilespmem:v12+s19+$0x0], $0xffff  }
0xc1: {  	v13 =	vor.u32 v25, v9;
	v9 =	vor.u32 v24, v9;
	[tilespmem:s12+$0x40] =	vst v22;
	v20 =	vld.idx.msk [tilespmem:v18+s19+$0x0], $0xffff  }
0xc2: {  	v14 =	vor.u32 v25, v6;
	v12 =	vor.u32 v10, v25;
	v22 =	vld.idx.msk [tilespmem:v28+s19+$0x0], $0xffff;
	[tilespmem:s12+$0x3E0] =	vst v15  }
0xc3: {  	v18 =	vor.u32 v24, v4;
	v4 =	vor.u32 v24, v5;
	v21 =	vld.idx.msk [tilespmem:v26+s19+$0x0], $0xffff;
	[tilespmem:s12+$0xD0] =	vst v11  }
0xc4: {  	v5 =	vor.u32 v24, v6;
	v6 =	vld.idx.msk [tilespmem:v27+s19+$0x0], $0xffff;
	v15 =	vor.u32 v25, v8;
	[tilespmem:s12+$0x150] =	vst v29  }
0xc5: {  	s14 =	sshll.u32 s5, $0x1;
	v11 =	vor.u32 v10, v24;
	v10 =	vor.u32 v24, v8;
	v3 =	vld.idx.msk [tilespmem:v23+s19+$0x0], $0xffff;
	[tilespmem:s12+$0x1D0] =	vst v30  }
.LBB2_7:
0xc6: {  	s15 =	sadd.s32 $0x8, s15;
	v8 =	vld.idx.msk [tilespmem:v19+s19+$0x0], $0xffff;
	[tilespmem:s12+$0x250] =	vst v7  }
0xc7: {  	s20 =	sand.u32 $0x18, s15;
	p0 =	slt.u32 s15, $0xF8;
	v7 =	vld.idx.msk [tilespmem:v16+s19+$0x0], $0xffff;
	[tilespmem:s12+$0x2D0] =	vst v20  }
0xc8: {  	v16 =	vmov s20;
	v14 =	vld.idx.msk [tilespmem:v14+s19+$0x0], $0xffff;
	[tilespmem:s12+$0x3F0] =	vst v21  }
0xc9: {  	s18 =	sshll.u32 s15, $0x2;
	v16 =	vshrl.u32 v16, $0x3;
	v13 =	vld.idx.msk [tilespmem:v13+s19+$0x0], $0xffff;
	[tilespmem:s12+$0x350] =	vst v22  }
0xca: {  	s18 =	sand.u32 $0xFFFFFF80, s18;
	v16 =	vshll.u32 v16, v2;
	[tilespmem:s12+$0x50] =	vst v6;
	v6 =	vld.idx.msk [tilespmem:v15+s19+$0x0], $0xffff  }
0xcb: {  	v15 =	vmov s18;
	v19 =	vor.u32 $0x1, v16;
	v20 =	vor.u32 $0x7, v16;
	v12 =	vld.idx.msk [tilespmem:v12+s19+$0x0], $0xffff;
	[tilespmem:s12+$0xE0] =	vst v3  }
0xcc: {  	v15 =	vshll.u32 v15, $0x5;
	v21 =	vor.u32 $0x2, v16;
	v3 =	vbroadcast v20, $0x0;
	v17 =	vld.idx.msk [tilespmem:v17+s19+$0x0], $0xffff;
	[tilespmem:s12+$0x160] =	vst v8  }
0xcd: {  	v22 =	vor.u32 $0x4, v16;
	v15 =	vor.u32 v1, v15;
	v20 =	vor.u32 $0x3, v16;
	v18 =	vld.idx.msk [tilespmem:v18+s19+$0x0], $0xffff;
	[tilespmem:s12+$0x1E0] =	vst v7  }
0xce: {  	v23 =	vor.u32 $0x5, v16;
	v24 =	vor.u32 $0x6, v16;
	v25 =	vor.u32 v15, v3;
	v26 =	vld.idx.msk [tilespmem:v4+s19+$0x0], $0xffff;
	[tilespmem:s12+$0x260] =	vst v14  }
0xcf: {  	v8 =	vbroadcast v19, $0x0;
	v4 =	vbroadcast v21, $0x0;
	v14 =	vld.idx.msk [tilespmem:v5+s19+$0x0], $0xffff;
	[tilespmem:s12+$0x2E0] =	vst v13  }
0xd0: {  	v7 =	vbroadcast v20, $0x0;
	v5 =	vbroadcast v22, $0x0;
	v13 =	vld.idx.msk [tilespmem:v9+s19+$0x0], $0xffff;
	[tilespmem:s12+$0x360] =	vst v6  }
0xd1: {  	s21 =	sor.u32 $0x10, s18;
	v19 =	vor.u32 v15, v8;
	v9 =	vbroadcast v23, $0x0;
	v6 =	vbroadcast v24, $0x0;
	[tilespmem:s12+$0x60] =	vst v12;
	v12 =	vld.idx.msk [tilespmem:v10+s19+$0x0], $0xffff  }
0xd2: {  	v20 =	vor.u32 v15, v4;
	v10 =	vbroadcast v16, $0x0;
	v16 =	vmov s21;
	v11 =	vld.idx.msk [tilespmem:v11+s19+$0x0], $0xffff;
	[tilespmem:s12+$0xF0] =	vst v17  }
0xd3: {  	v21 =	vor.u32 v15, v5;
	v16 =	vshll.u32 v16, $0x5;
	v17 =	vor.u32 v15, v7;
	v22 =	vld.idx.msk [tilespmem:v25+s19+$0x0], $0xffff;
	[tilespmem:s12+$0x170] =	vst v18  }
0xd4: {  	v23 =	vor.u32 v15, v6;
	v16 =	vor.u32 v1, v16;
	v18 =	vor.u32 v15, v9;
	[tilespmem:s12+$0x1F0] =	vst v26  }
0xd5: {  	s21 =	sshll.u32 s15, $0x7;
	v15 =	vor.u32 v10, v15;
	v24 =	vor.u32 v16, v8;
	v25 =	vor.u32 v16, v3;
	[tilespmem:s12+$0x270] =	vst v14  }
0xd6: {  	s20 =	sshll.u32 s20, $0x7;
	s21 =	sand.u32 $0x3FFFF000, s21;
	v26 =	vor.u32 v16, v7;
	v27 =	vor.u32 v16, v5;
	v14 =	vld.idx.msk [tilespmem:v19+s19+$0x0], $0xffff;
	v19 =	vor.u32 v16, v4  }
0xd7: {  	s20 =	sor.u32 s20, s21;
	v28 =	vor.u32 v10, v16;
	v29 =	vor.u32 v16, v9;
	v16 =	vor.u32 v16, v6;
	v20 =	vld.idx.msk [tilespmem:v20+s19+$0x0], $0xffff  }
0xd8: {  	s22 =	sor.u32 $0x20, s18;
	s21 =	sadd.s32 $0x10C00, s20;
	v17 =	vld.idx.msk [tilespmem:v17+s19+$0x0], $0xffff;
	[tilespmem:s12+$0x2F0] =	vst v13  }
0xd9: {  	v13 =	vmov s22;
	v21 =	vld.idx.msk [tilespmem:v21+s19+$0x0], $0xffff;
	[tilespmem:s21+$0x380] =	vst v22  }
0xda: {  	v13 =	vshll.u32 v13, $0x5;
	v22 =	vld.idx.msk [tilespmem:v25+s19+$0x0], $0xffff;
	[tilespmem:s12+$0x370] =	vst v12  }
0xdb: {  	v12 =	vor.u32 v1, v13;
	v13 =	vld.idx.msk [tilespmem:v18+s19+$0x0], $0xffff;
	[tilespmem:s12+$0x70] =	vst v11;
	s12 =	smov.u32 s21  }
0xdc: {  	v11 =	vor.u32 v12, v8;
	v18 =	vor.u32 v12, v3;
	[tilespmem:s12+$0x80] =	vst v14;
	v14 =	vld.idx.msk [tilespmem:v23+s19+$0x0], $0xffff  }
0xdd: {  	v23 =	vor.u32 v12, v7;
	v15 =	vld.idx.msk [tilespmem:v15+s19+$0x0], $0xffff;
	[tilespmem:s12+$0x100] =	vst v20;
	v20 =	vor.u32 v12, v4  }
0xde: {  	v25 =	vor.u32 v12, v9;
	v24 =	vld.idx.msk [tilespmem:v24+s19+$0x0], $0xffff;
	[tilespmem:s12+$0x180] =	vst v17;
	v17 =	vor.u32 v12, v5  }
0xdf: {  	v30 =	vor.u32 v10, v12;
	s21 =	sor.u32 $0x30, s18;
	v12 =	vor.u32 v12, v6;
	v19 =	vld.idx.msk [tilespmem:v19+s19+$0x0], $0xffff;
	[tilespmem:s12+$0x200] =	vst v21  }
0xe0: {  	v21 =	vmov s21;
	v26 =	vld.idx.msk [tilespmem:v26+s19+$0x0], $0xffff;
	[tilespmem:s12+$0x390] =	vst v22  }
0xe1: {  	v21 =	vshll.u32 v21, $0x5;
	[tilespmem:s12+$0x280] =	vst v13;
	v13 =	vld.idx.msk [tilespmem:v18+s19+$0x0], $0xffff  }
0xe2: {  	v18 =	vor.u32 v1, v21;
	v21 =	vld.idx.msk [tilespmem:v27+s19+$0x0], $0xffff;
	[tilespmem:s12+$0x300] =	vst v14  }
0xe3: {  	v14 =	vor.u32 v18, v8;
	v22 =	vor.u32 v18, v3;
	[tilespmem:s20+$0x10C00] =	vst v15;
	v15 =	vld.idx.msk [tilespmem:v29+s19+$0x0], $0xffff  }
0xe4: {  	v27 =	vor.u32 v18, v7;
	[tilespmem:s12+$0x90] =	vst v24;
	v24 =	vor.u32 v18, v4;
	v16 =	vld.idx.msk [tilespmem:v16+s19+$0x0], $0xffff  }
0xe5: {  	v29 =	vor.u32 v18, v9;
	v28 =	vld.idx.msk [tilespmem:v28+s19+$0x0], $0xffff;
	[tilespmem:s12+$0x110] =	vst v19;
	v19 =	vor.u32 v18, v5  }
0xe6: {  	v31 =	vor.u32 v10, v18;
	s20 =	sor.u32 $0x40, s18;
	v18 =	vor.u32 v18, v6;
	v11 =	vld.idx.msk [tilespmem:v11+s19+$0x0], $0xffff;
	[tilespmem:s12+$0x190] =	vst v26  }
0xe7: {  	v26 =	vmov s20;
	v20 =	vld.idx.msk [tilespmem:v20+s19+$0x0], $0xffff;
	[tilespmem:s12+$0x3A0] =	vst v13  }
0xe8: {  	v13 =	vshll.u32 v26, $0x5;
	[tilespmem:s12+$0x210] =	vst v21;
	v21 =	vld.idx.msk [tilespmem:v22+s19+$0x0], $0xffff  }
0xe9: {  	v13 =	vor.u32 v1, v13;
	v22 =	vld.idx.msk [tilespmem:v23+s19+$0x0], $0xffff;
	[tilespmem:s12+$0x290] =	vst v15  }
0xea: {  	v15 =	vor.u32 v13, v8;
	v17 =	vld.idx.msk [tilespmem:v17+s19+$0x0], $0xffff;
	[tilespmem:s12+$0x310] =	vst v16;
	v16 =	vor.u32 v13, v3  }
0xeb: {  	v23 =	vor.u32 v13, v4;
	v26 =	vor.u32 v13, v7;
	[tilespmem:s12+$0x10] =	vst v28;
	v25 =	vld.idx.msk [tilespmem:v25+s19+$0x0], $0xffff  }
0xec: {  	v28 =	vor.u32 v13, v9;
	[tilespmem:s12+$0xA0] =	vst v11;
	v11 =	vor.u32 v13, v5;
	v12 =	vld.idx.msk [tilespmem:v12+s19+$0x0], $0xffff  }
0xed: {  	s20 =	sor.u32 $0x50, s18;
	v32 =	vor.u32 v10, v13;
	v30 =	vld.idx.msk [tilespmem:v30+s19+$0x0], $0xffff;
	[tilespmem:s12+$0x120] =	vst v20;
	v20 =	vor.u32 v13, v6  }
0xee: {  	v13 =	vmov s20;
	v14 =	vld.idx.msk [tilespmem:v14+s19+$0x0], $0xffff;
	[tilespmem:s12+$0x3B0] =	vst v21  }
0xef: {  	v13 =	vshll.u32 v13, $0x5;
	[tilespmem:s12+$0x1A0] =	vst v22;
	v16 =	vld.idx.msk [tilespmem:v16+s19+$0x0], $0xffff  }
0xf0: {  	v13 =	vor.u32 v1, v13;
	v21 =	vld.idx.msk [tilespmem:v24+s19+$0x0], $0xffff;
	[tilespmem:s12+$0x220] =	vst v17  }
0xf1: {  	v17 =	vor.u32 v13, v8;
	v24 =	vor.u32 v13, v3;
	v22 =	vld.idx.msk [tilespmem:v27+s19+$0x0], $0xffff;
	[tilespmem:s12+$0x2A0] =	vst v25  }
0xf2: {  	v25 =	vor.u32 v13, v4;
	v27 =	vor.u32 v13, v7;
	v19 =	vld.idx.msk [tilespmem:v19+s19+$0x0], $0xffff;
	[tilespmem:s12+$0x320] =	vst v12  }
0xf3: {  	[tilespmem:s12+$0x20] =	vst v30;
	v30 =	vor.u32 v13, v5;
	v12 =	vld.idx.msk [tilespmem:v29+s19+$0x0], $0xffff;
	v29 =	vor.u32 v13, v9  }
0xf4: {  	s20 =	sor.u32 $0x60, s18;
	v33 =	vor.u32 v10, v13;
	v34 =	vor.u32 v13, v6;
	[tilespmem:s12+$0xB0] =	vst v14;
	v18 =	vld.idx.msk [tilespmem:v18+s19+$0x0], $0xffff  }
0xf5: {  	v13 =	vmov s20;
	v31 =	vld.idx.msk [tilespmem:v31+s19+$0x0], $0xffff;
	[tilespmem:s12+$0x3C0] =	vst v16  }
0xf6: {  	v13 =	vshll.u32 v13, $0x5;
	[tilespmem:s12+$0x130] =	vst v21;
	v21 =	vld.idx.msk [tilespmem:v24+s19+$0x0], $0xffff  }
0xf7: {  	v24 =	vor.u32 v1, v13;
	v35 =	vld.idx.msk [tilespmem:v15+s19+$0x0], $0xffff;
	[tilespmem:s12+$0x1B0] =	vst v22  }
0xf8: {  	v36 =	vor.u32 v24, v8;
	v22 =	vld.idx.msk [tilespmem:v23+s19+$0x0], $0xffff;
	[tilespmem:s12+$0x230] =	vst v19;
	v23 =	vor.u32 v24, v3  }
0xf9: {  	v16 =	vor.u32 v24, v7;
	v19 =	vor.u32 v24, v4;
	v26 =	vld.idx.msk [tilespmem:v26+s19+$0x0], $0xffff;
	[tilespmem:s12+$0x2B0] =	vst v12  }
0xfa: {  	v14 =	vor.u32 v24, v5;
	v13 =	vor.u32 v24, v9;
	v11 =	vld.idx.msk [tilespmem:v11+s19+$0x0], $0xffff;
	[tilespmem:s12+$0x330] =	vst v18  }
0xfb: {  	s18 =	sor.u32 $0x70, s18;
	v15 =	vor.u32 v24, v6;
	v12 =	vor.u32 v10, v24;
	[tilespmem:s12+$0x30] =	vst v31;
	v28 =	vld.idx.msk [tilespmem:v28+s19+$0x0], $0xffff  }
0xfc: {  	v18 =	vmov s18;
	v20 =	vld.idx.msk [tilespmem:v20+s19+$0x0], $0xffff;
	[tilespmem:s12+$0x3D0] =	vst v21  }
0xfd: {  	v18 =	vshll.u32 v18, $0x5;
	[tilespmem:s12+$0xC0] =	vst v35;
	v21 =	vld.idx.msk [tilespmem:v23+s19+$0x0], $0xffff  }
0xfe: {  	v24 =	vor.u32 v1, v18;
	v23 =	vld.idx.msk [tilespmem:v32+s19+$0x0], $0xffff;
	[tilespmem:s12+$0x140] =	vst v22  }
0xff: {  	v3 =	vor.u32 v24, v3;
	v22 =	vld.idx.msk [tilespmem:v17+s19+$0x0], $0xffff;
	v17 =	vor.u32 v24, v8;
	[tilespmem:s12+$0x1C0] =	vst v26  }
0x100: {  	v18 =	vor.u32 v24, v4;
	v4 =	vor.u32 v24, v7;
	v8 =	vld.idx.msk [tilespmem:v25+s19+$0x0], $0xffff;
	[tilespmem:s12+$0x240] =	vst v11  }
0x101: {  	v5 =	vor.u32 v24, v5;
	v9 =	vor.u32 v24, v9;
	v25 =	vld.idx.msk [tilespmem:v27+s19+$0x0], $0xffff;
	[tilespmem:s12+$0x2C0] =	vst v28  }
0x102: {  	v11 =	vor.u32 v10, v24;
	v10 =	vor.u32 v24, v6;
	v7 =	vld.idx.msk [tilespmem:v30+s19+$0x0], $0xffff;
	[tilespmem:s12+$0x340] =	vst v20  }
.Ltmp6:
0x103: {  	v20 =	vld.idx.msk [tilespmem:v29+s19+$0x0], $0xffff;
	[tilespmem:s12+$0x3E0] =	vst v21;
	(pc) =	sbr.rel @p0 .LBB2_7-.Ltmp6, $4  }
0x104: {  	[tilespmem:s12+$0x40] =	vst v23;
	v21 =	vld.idx.msk [tilespmem:v3+s19+$0x0], $0xffff  }
0x105: {  	[tilespmem:s12+$0xD0] =	vst v22;
	v22 =	vld.idx.msk [tilespmem:v34+s19+$0x0], $0xffff  }
0x106: {  	v6 =	vld.idx.msk [tilespmem:v33+s19+$0x0], $0xffff;
	[tilespmem:s12+$0x150] =	vst v8  }
0x107: {  	v3 =	vld.idx.msk [tilespmem:v36+s19+$0x0], $0xffff;
	[tilespmem:s12+$0x1D0] =	vst v25  }
0x108: {  	_ =	sdelay $0x2  }
0x109: {  	[tilespmem:s12+$0x250] =	vst v7  }
0x10a: {  	v58 =	vld.idx.msk [tilespmem:v19+s19+$0x0], $0xffff;
	[tilespmem:s12+$0x2D0] =	vst v20  }
0x10b: {  	v8 =	vld.idx.msk [tilespmem:v16+s19+$0x0], $0xffff;
	[tilespmem:s12+$0x3F0] =	vst v21  }
0x10c: {  	v14 =	vld.idx.msk [tilespmem:v14+s19+$0x0], $0xffff;
	[tilespmem:s12+$0x350] =	vst v22  }
0x10d: {  	v13 =	vld.idx.msk [tilespmem:v13+s19+$0x0], $0xffff;
	[tilespmem:s12+$0x50] =	vst v6  }
0x10e: {  	v59 =	vld.idx.msk [tilespmem:v15+s19+$0x0], $0xffff;
	[tilespmem:s12+$0xE0] =	vst v3  }
0x10f: {  	v3 =	vld.idx.msk [tilespmem:v12+s19+$0x0], $0xffff;
	[tilespmem:s12+$0x160] =	vst v58  }
0x110: {  	v60 =	vld.idx.msk [tilespmem:v17+s19+$0x0], $0xffff;
	[tilespmem:s12+$0x1E0] =	vst v8  }
0x111: {  	v61 =	vld.idx.msk [tilespmem:v18+s19+$0x0], $0xffff;
	[tilespmem:s12+$0x260] =	vst v14  }
0x112: {  	v4 =	vld.idx.msk [tilespmem:v4+s19+$0x0], $0xffff;
	[tilespmem:s12+$0x2E0] =	vst v13  }
0x113: {  	v5 =	vld.idx.msk [tilespmem:v5+s19+$0x0], $0xffff;
	[tilespmem:s12+$0x360] =	vst v59  }
0x114: {  	v62 =	vld.idx.msk [tilespmem:v9+s19+$0x0], $0xffff;
	[tilespmem:s12+$0x60] =	vst v3  }
0x115: {  	v3 =	vld.idx.msk [tilespmem:v10+s19+$0x0], $0xffff;
	[tilespmem:s12+$0xF0] =	vst v60  }
0x116: {  	v63 =	vld.idx.msk [tilespmem:v11+s19+$0x0], $0xffff;
	[tilespmem:s12+$0x170] =	vst v61  }
0x117: {  	[tilespmem:s12+$0x1F0] =	vst v4  }
0x118: {  	s15 =	sshll.u32 s5, $0x15;
	[tilespmem:s12+$0x270] =	vst v5  }
0x119: {  	s18 =	sor.u32 s7, s15;
	[tilespmem:s12+$0x2F0] =	vst v62  }
0x11a: {  	s20 =	sor.u32 s8, s15;
	s18 =	sshrl.u32 s18, $0x3;
	[tilespmem:s12+$0x370] =	vst v3  }
0x11b: {  	s0 =	simm.s32 $0x10C00;
	s18 =	sadd.s32 s2, s18;
	[tilespmem:s12+$0x70] =	vst v63;
	s12 =	sshrl.u32 s20, $0x3  }
0x11c: {  	[hbm4b:s18+s3] =	stream.linear.scatter [tilespmem:s0], [sflag:$0x3], $0x400, $0x38;
	[tilespmem:$0x18C00] =	vst v63  }
0x11d: {  	s21 =	simm.s32 $0x11000;
	s22 =	sor.u32 s9, s15;
	s12 =	sadd.s32 s2, s12  }
0x11e: {  	[hbm4b:s12+s3] =	stream.linear.scatter [tilespmem:s21], [sflag:$0x3], $0x400, $0x38;
	[tilespmem:$0x18C00] =	vst v63  }
0x11f: {  	s23 =	simm.s32 $0x11400;
	s12 =	sshrl.u32 s22, $0x3  }
0x120: {  	s24 =	sor.u32 s10, s15;
	s26 =	sor.u32 $0x20000, s15;
	s12 =	sadd.s32 s2, s12  }
0x121: {  	[hbm4b:s12+s3] =	stream.linear.scatter [tilespmem:s23], [sflag:$0x3], $0x400, $0x38;
	[tilespmem:$0x18C00] =	vst v63  }
0x122: {  	s28 =	sor.u32 s7, s26;
	s12 =	sshrl.u32 s24, $0x3  }
0x123: {  	s25 =	simm.s32 $0x11800;
	s18 =	sshrl.u32 s28, $0x3;
	s12 =	sadd.s32 s2, s12  }
0x124: {  	[hbm4b:s12+s3] =	stream.linear.scatter [tilespmem:s25], [sflag:$0x3], $0x400, $0x38;
	[tilespmem:$0x18C00] =	vst v63  }
0x125: {  	s29 =	simm.s32 $0x11C00;
	s30 =	sor.u32 s8, s26;
	s18 =	sadd.s32 s2, s18  }
0x126: {  	[hbm4b:s18+s3] =	stream.linear.scatter [tilespmem:s29], [sflag:$0x3], $0x400, $0x38;
	[tilespmem:$0x18C00] =	vst v63  }
0x127: {  	s31 =	simm.s32 $0x12000;
	s18 =	sshrl.u32 s30, $0x3  }
0x128: {  	s1 =	sor.u32 s9, s26;
	s20 =	simm.s32 $0x12400;
	s18 =	sadd.s32 s2, s18  }
0x129: {  	[hbm4b:s18+s3] =	stream.linear.scatter [tilespmem:s31], [sflag:$0x3], $0x400, $0x38;
	[tilespmem:$0x18C00] =	vst v63  }
0x12a: {  	s22 =	sor.u32 $0x40000, s15;
	s12 =	sor.u32 s10, s26;
	s18 =	sshrl.u32 s1, $0x3  }
0x12b: {  	s23 =	sor.u32 s7, s22;
	s12 =	sshrl.u32 s12, $0x3;
	s18 =	sadd.s32 s2, s18  }
0x12c: {  	[hbm4b:s18+s3] =	stream.linear.scatter [tilespmem:s20], [sflag:$0x3], $0x400, $0x38;
	[tilespmem:$0x18C00] =	vst v63  }
0x12d: {  	s21 =	simm.s32 $0x12800;
	s12 =	sadd.s32 s2, s12;
	s18 =	sshrl.u32 s23, $0x3  }
0x12e: {  	[hbm4b:s12+s3] =	stream.linear.scatter [tilespmem:s21], [sflag:$0x3], $0x400, $0x38;
	[tilespmem:$0x18C00] =	vst v63  }
0x12f: {  	s24 =	simm.s32 $0x12C00;
	s25 =	sor.u32 s8, s22;
	s18 =	sadd.s32 s2, s18  }
0x130: {  	[hbm4b:s18+s3] =	stream.linear.scatter [tilespmem:s24], [sflag:$0x3], $0x400, $0x38;
	[tilespmem:$0x18C00] =	vst v63  }
0x131: {  	s28 =	sor.u32 s9, s22;
	s18 =	sshrl.u32 s25, $0x3  }
0x132: {  	s26 =	simm.s32 $0x13000;
	s29 =	simm.s32 $0x13400;
	s18 =	sadd.s32 s2, s18  }
0x133: {  	[hbm4b:s18+s3] =	stream.linear.scatter [tilespmem:s26], [sflag:$0x3], $0x400, $0x38;
	[tilespmem:$0x18C00] =	vst v63  }
0x134: {  	s31 =	sor.u32 $0x60000, s15;
	s12 =	sor.u32 s10, s22;
	s18 =	sshrl.u32 s28, $0x3  }
0x135: {  	s1 =	sor.u32 s7, s31;
	s12 =	sshrl.u32 s12, $0x3;
	s18 =	sadd.s32 s2, s18  }
0x136: {  	[hbm4b:s18+s3] =	stream.linear.scatter [tilespmem:s29], [sflag:$0x3], $0x400, $0x38;
	[tilespmem:$0x18C00] =	vst v63  }
0x137: {  	s30 =	simm.s32 $0x13800;
	s12 =	sadd.s32 s2, s12;
	s18 =	sshrl.u32 s1, $0x3  }
0x138: {  	[hbm4b:s12+s3] =	stream.linear.scatter [tilespmem:s30], [sflag:$0x3], $0x400, $0x38;
	[tilespmem:$0x18C00] =	vst v63  }
0x139: {  	s20 =	simm.s32 $0x13C00;
	s21 =	sor.u32 s8, s31;
	s18 =	sadd.s32 s2, s18  }
0x13a: {  	[hbm4b:s18+s3] =	stream.linear.scatter [tilespmem:s20], [sflag:$0x3], $0x400, $0x38;
	[tilespmem:$0x18C00] =	vst v63  }
0x13b: {  	s23 =	sor.u32 s9, s31;
	s18 =	sshrl.u32 s21, $0x3  }
0x13c: {  	s22 =	simm.s32 $0x14000;
	s24 =	simm.s32 $0x14400;
	s18 =	sadd.s32 s2, s18  }
0x13d: {  	[hbm4b:s18+s3] =	stream.linear.scatter [tilespmem:s22], [sflag:$0x3], $0x400, $0x38;
	[tilespmem:$0x18C00] =	vst v63  }
0x13e: {  	s26 =	sor.u32 $0x80000, s15;
	s12 =	sor.u32 s10, s31;
	s18 =	sshrl.u32 s23, $0x3  }
0x13f: {  	s28 =	sor.u32 s7, s26;
	s12 =	sshrl.u32 s12, $0x3;
	s18 =	sadd.s32 s2, s18  }
0x140: {  	[hbm4b:s18+s3] =	stream.linear.scatter [tilespmem:s24], [sflag:$0x3], $0x400, $0x38;
	[tilespmem:$0x18C00] =	vst v63  }
0x141: {  	s25 =	simm.s32 $0x14800;
	s12 =	sadd.s32 s2, s12;
	s18 =	sshrl.u32 s28, $0x3  }
0x142: {  	[hbm4b:s12+s3] =	stream.linear.scatter [tilespmem:s25], [sflag:$0x3], $0x400, $0x38;
	[tilespmem:$0x18C00] =	vst v63  }
0x143: {  	s29 =	simm.s32 $0x14C00;
	s30 =	sor.u32 s8, s26;
	s18 =	sadd.s32 s2, s18  }
0x144: {  	[hbm4b:s18+s3] =	stream.linear.scatter [tilespmem:s29], [sflag:$0x3], $0x400, $0x38;
	[tilespmem:$0x18C00] =	vst v63  }
0x145: {  	s18 =	sshrl.u32 s30, $0x3  }
0x146: {  	s0 =	sor.u32 s9, s26;
	s31 =	simm.s32 $0x15000;
	s18 =	sadd.s32 s2, s18  }
0x147: {  	[hbm4b:s18+s3] =	stream.linear.scatter [tilespmem:s31], [sflag:$0x3], $0x400, $0x38;
	[tilespmem:$0x18C00] =	vst v63  }
0x148: {  	s1 =	simm.s32 $0x15400;
	s12 =	sor.u32 s10, s26;
	s18 =	sshrl.u32 s0, $0x3  }
0x149: {  	s20 =	sor.u32 $0xA0000, s15;
	s12 =	sshrl.u32 s12, $0x3;
	s18 =	sadd.s32 s2, s18  }
0x14a: {  	[hbm4b:s18+s3] =	stream.linear.scatter [tilespmem:s1], [sflag:$0x3], $0x400, $0x38;
	[tilespmem:$0x18C00] =	vst v63  }
0x14b: {  	s21 =	sor.u32 s7, s20;
	s12 =	sadd.s32 s2, s12;
	s18 =	simm.s32 $0x15800  }
0x14c: {  	[hbm4b:s12+s3] =	stream.linear.scatter [tilespmem:s18], [sflag:$0x3], $0x400, $0x38;
	[tilespmem:$0x18C00] =	vst v63  }
0x14d: {  	s18 =	sshrl.u32 s21, $0x3  }
0x14e: {  	s22 =	simm.s32 $0x15C00;
	s23 =	sor.u32 s8, s20;
	s18 =	sadd.s32 s2, s18  }
0x14f: {  	[hbm4b:s18+s3] =	stream.linear.scatter [tilespmem:s22], [sflag:$0x3], $0x400, $0x38;
	[tilespmem:$0x18C00] =	vst v63  }
0x150: {  	s24 =	simm.s32 $0x16000;
	s18 =	sshrl.u32 s23, $0x3  }
0x151: {  	s25 =	sor.u32 s9, s20;
	s26 =	simm.s32 $0x16400;
	s18 =	sadd.s32 s2, s18  }
0x152: {  	[hbm4b:s18+s3] =	stream.linear.scatter [tilespmem:s24], [sflag:$0x3], $0x400, $0x38;
	[tilespmem:$0x18C00] =	vst v63  }
0x153: {  	s29 =	sor.u32 $0xC0000, s15;
	s12 =	sor.u32 s10, s20;
	s18 =	sshrl.u32 s25, $0x3  }
0x154: {  	s30 =	sor.u32 s7, s29;
	s12 =	sshrl.u32 s12, $0x3;
	s18 =	sadd.s32 s2, s18  }
0x155: {  	[hbm4b:s18+s3] =	stream.linear.scatter [tilespmem:s26], [sflag:$0x3], $0x400, $0x38;
	[tilespmem:$0x18C00] =	vst v63  }
0x156: {  	s28 =	simm.s32 $0x16800;
	s12 =	sadd.s32 s2, s12;
	s18 =	sshrl.u32 s30, $0x3  }
0x157: {  	[hbm4b:s12+s3] =	stream.linear.scatter [tilespmem:s28], [sflag:$0x3], $0x400, $0x38;
	[tilespmem:$0x18C00] =	vst v63  }
0x158: {  	s31 =	simm.s32 $0x16C00;
	s1 =	sor.u32 s8, s29;
	s18 =	sadd.s32 s2, s18  }
0x159: {  	[hbm4b:s18+s3] =	stream.linear.scatter [tilespmem:s31], [sflag:$0x3], $0x400, $0x38;
	[tilespmem:$0x18C00] =	vst v63  }
0x15a: {  	s20 =	simm.s32 $0x17000;
	s18 =	sshrl.u32 s1, $0x3  }
0x15b: {  	s21 =	sor.u32 s9, s29;
	s22 =	simm.s32 $0x17400;
	s18 =	sadd.s32 s2, s18  }
0x15c: {  	[hbm4b:s18+s3] =	stream.linear.scatter [tilespmem:s20], [sflag:$0x3], $0x400, $0x38;
	[tilespmem:$0x18C00] =	vst v63  }
0x15d: {  	s24 =	sor.u32 $0xE0000, s15;
	s12 =	sor.u32 s10, s29;
	s18 =	sshrl.u32 s21, $0x3  }
0x15e: {  	s15 =	sor.u32 s7, s24;
	s12 =	sshrl.u32 s12, $0x3;
	s18 =	sadd.s32 s2, s18  }
0x15f: {  	[hbm4b:s18+s3] =	stream.linear.scatter [tilespmem:s22], [sflag:$0x3], $0x400, $0x38;
	[tilespmem:$0x18C00] =	vst v63  }
0x160: {  	s23 =	simm.s32 $0x17800;
	s15 =	sshrl.u32 s15, $0x3;
	s12 =	sadd.s32 s2, s12  }
0x161: {  	[hbm4b:s12+s3] =	stream.linear.scatter [tilespmem:s23], [sflag:$0x3], $0x400, $0x38;
	[tilespmem:$0x18C00] =	vst v63  }
0x162: {  	s25 =	simm.s32 $0x17C00;
	s26 =	sor.u32 s8, s24;
	s15 =	sadd.s32 s2, s15  }
0x163: {  	[hbm4b:s15+s3] =	stream.linear.scatter [tilespmem:s25], [sflag:$0x3], $0x400, $0x38;
	[tilespmem:$0x18C00] =	vst v63  }
0x164: {  	p0 =	seq.s32 s5, $0xC;
	s15 =	sshrl.u32 s26, $0x3  }
0x165: {  	s28 =	simm.s32 $0x18000;
	s29 =	sor.u32 s9, s24;
	s15 =	sadd.s32 s2, s15  }
0x166: {  	[hbm4b:s15+s3] =	stream.linear.scatter [tilespmem:s28], [sflag:$0x3], $0x400, $0x38;
	[tilespmem:$0x18C00] =	vst v63  }
.Ltmp7:
0x167: {  	s12 =	sor.u32 s10, s24;
	s15 =	sshrl.u32 s29, $0x3;
	(pc) =	sbr.rel @p0 .LBB2_19-.Ltmp7, $4  }
0x168: {  	s30 =	simm.s32 $0x18400;
	s12 =	sshrl.u32 s12, $0x3;
	s15 =	sadd.s32 s2, s15  }
0x169: {  	[hbm4b:s15+s3] =	stream.linear.scatter [tilespmem:s30], [sflag:$0x3], $0x400, $0x38;
	[tilespmem:$0x18C00] =	vst v63  }
0x16a: {  	s31 =	simm.s32 $0x18800;
	s12 =	sadd.s32 s2, s12  }
0x16b: {  	[hbm4b:s12+s3] =	stream.linear.scatter [tilespmem:s31], [sflag:$0x3], $0x400, $0x38;
	[tilespmem:$0x18C00] =	vst v63  }
0x16c: {  	s12 =	simm.s32 $0x0;
	s18 =	simm.s32 $0x0  }
0x16d: {  	s29 =	simm.s32 $0x40;
	s15 =	sand.u32 $0x40, s12;
	v4 =	vmov s18  }
0x16e: {  	s18 =	sand.u32 $0x40, s29;
	s20 =	sor.u32 $0x10, s15;
	v3 =	vmov s15;
	s21 =	sor.u32 $0x20, s15;
	v4 =	vand.u32 $0x7, v4  }
0x16f: {  	s22 =	sor.u32 $0x30, s15;
	v8 =	vmov s18;
	v5 =	vmov s20;
	v6 =	vmov s21  }
0x170: {  	v7 =	vmov s22;
	v4 =	vbroadcast v4, $0x0;
	v3 =	vshll.u32 v3, $0x3  }
0x171: {  	s26 =	sadd.s32 s14, s11;
	s0 =	simm.s32 $0x8;
	v5 =	vshll.u32 v5, $0x3;
	v6 =	vshll.u32 v6, $0x3;
	v3 =	vor.u32 v0, v3  }
0x172: {  	s1 =	simm.s32 $0xC8;
	s30 =	simm.s32 $0x0;
	s23 =	simm.s32 $0x0;
	v7 =	vshll.u32 v7, $0x3;
	v5 =	vor.u32 v0, v5;
	v3 =	vor.u32 v4, v3  }
0x173: {  	[tilespmem:s12], [sflag:$0x4] =	stream.strided.gather [hbm4b:s26+s0], $0x400, s1, s0, $0x38;
	v6 =	vor.u32 v0, v6;
	v7 =	vor.u32 v0, v7;
	v5 =	vor.u32 v4, v5;
	[tilespmem:$0x18C00] =	vst v63  }
0x174: {  	_ =	swait.ge [sflag:s16], $0x400;
	s24 =	sor.u32 $0x10, s18;
	s25 =	sor.u32 $0x20, s18;
	v6 =	vor.u32 v4, v6;
	v7 =	vor.u32 v4, v7;
	v4 =	vmov s30  }
0x175: {  	s31 =	sand.u32 $0x3FFFFF80, s23;
	s23 =	sor.u32 $0x30, s18;
	[sflag:s16] =	ssyncset.done $0x0;
	v9 =	vmov s24;
	v10 =	vmov s25;
	v4 =	vand.u32 $0x7, v4  }
0x176: {  	s12 =	sadd.s32 $0x400, s31;
	v11 =	vmov s23;
	[sflag:s16] =	ssyncadd.s32 $0xFFFFFC00;
	v9 =	vshll.u32 v9, $0x3;
	v4 =	vbroadcast v4, $0x0  }
0x177: {  	s1 =	simm.s32 $0x80;
	s28 =	sor.u32 s15, s12;
	s26 =	sor.u32 s20, s12;
	v8 =	vshll.u32 v8, $0x3;
	v10 =	vshll.u32 v10, $0x3;
	v9 =	vor.u32 v0, v9;
	v12 =	vld.idx.msk [tilespmem:v3+s3+$0x0], $0xffff  }
0x178: {  	s29 =	sor.u32 s21, s12;
	s12 =	sor.u32 s22, s12;
	s22 =	sand.u32 $0x40, s1;
	v11 =	vshll.u32 v11, $0x3;
	v10 =	vor.u32 v0, v10;
	v9 =	vor.u32 v4, v9;
	v5 =	vld.idx.msk [tilespmem:v5+s3+$0x0], $0xffff  }
0x179: {  	s0 =	simm.s32 $0x40;
	v8 =	vor.u32 v0, v8;
	v13 =	vmov s22;
	s31 =	sor.u32 $0x20, s22;
	v10 =	vor.u32 v4, v10;
	v6 =	vld.idx.msk [tilespmem:v6+s3+$0x0], $0xffff  }
0x17a: {  	s15 =	sand.u32 $0x3FFFFF80, s0;
	s21 =	simm.s32 $0x1;
	v15 =	vmov s31;
	s30 =	sor.u32 $0x10, s22;
	v3 =	vor.u32 v0, v11;
	v14 =	vor.u32 v4, v8  }
0x17b: {  	s1 =	sadd.s32 $0x400, s15;
	s0 =	sor.u32 $0x30, s22;
	v8 =	vmov s21;
	s21 =	simm.s32 $0x80;
	v11 =	vmov s30;
	v4 =	vor.u32 v4, v3  }
0x17c: {  	s20 =	sor.u32 s18, s1;
	s15 =	sor.u32 s24, s1;
	v3 =	vld.idx.msk [tilespmem:v7+s3+$0x0], $0xffff;
	v7 =	vand.u32 $0x7, v8;
	s24 =	sand.u32 $0x3FFFFF80, s21;
	v8 =	vshll.u32 v11, $0x3;
	v11 =	vmov s0;
	[tilespmem:s28+$0x0] =	vst v12  }
0x17d: {  	s18 =	sor.u32 s23, s1;
	v15 =	vshll.u32 v15, $0x3;
	s21 =	sor.u32 s25, s1;
	v7 =	vbroadcast v7, $0x0;
	s25 =	sadd.s32 $0x400, s24;
	v11 =	vshll.u32 v11, $0x3;
	[tilespmem:s26+$0x0] =	vst v5;
	v5 =	vld.idx.msk [tilespmem:v9+s3+$0x0], $0xffff  }
0x17e: {  	s23 =	simm.s32 $0x8;
	v8 =	vor.u32 v0, v8;
	s24 =	sor.u32 s30, s25;
	s28 =	sor.u32 s0, s25;
	[tilespmem:s29+$0x0] =	vst v6;
	v9 =	vshll.u32 v13, $0x3;
	v13 =	vor.u32 v0, v15;
	v6 =	vld.idx.msk [tilespmem:v10+s3+$0x0], $0xffff  }
0x17f: {  	s26 =	sor.u32 s22, s25;
	s22 =	sor.u32 s31, s25;
	v10 =	vor.u32 v7, v8;
	s25 =	simm.s32 $0xC0;
	v12 =	vor.u32 v0, v9;
	v8 =	vor.u32 v7, v13;
	v9 =	vld.idx.msk [tilespmem:v14+s3+$0x0], $0xffff  }
.LBB2_10:
0x180: {  	s23 =	sadd.s32 $0x4, s23;
	s0 =	sand.u32 $0x40, s25;
	s1 =	smov.u32 s26  }
0x181: {  	v11 =	vor.u32 v0, v11;
	[tilespmem:s12+$0x0] =	vst v3;
	v3 =	vld.idx.msk [tilespmem:v4+s3+$0x0], $0xffff;
	s12 =	smov.u32 s18;
	s18 =	smov.u32 s28;
	s26 =	sshrl.u32 s23, $0x3  }
0x182: {  	v14 =	vor.u32 v7, v12;
	v13 =	vmov s0;
	s28 =	sor.u32 $0x10, s0;
	s29 =	sor.u32 $0x20, s0;
	v4 =	vor.u32 v7, v11;
	p0 =	slt.u32 s23, $0x3C  }
.Ltmp8:
0x183: {  	s30 =	sor.u32 $0x30, s0;
	v7 =	vmov s26;
	s26 =	sshll.u32 s23, $0x4;
	v11 =	vmov s28;
	v12 =	vmov s29;
	(pc) =	sbr.rel @p0 .LBB2_10-.Ltmp8, $4  }
0x184: {  	v7 =	vand.u32 $0x7, v7;
	s26 =	sand.u32 $0x3FFFFF80, s26;
	v15 =	vshll.u32 v11, $0x3;
	v11 =	vmov s30;
	[tilespmem:s15+$0x0] =	vst v5;
	s15 =	smov.u32 s24  }
0x185: {  	v12 =	vshll.u32 v12, $0x3;
	v7 =	vbroadcast v7, $0x0;
	s31 =	sadd.s32 $0x400, s26;
	v11 =	vshll.u32 v11, $0x3;
	v5 =	vld.idx.msk [tilespmem:v10+s3+$0x0], $0xffff;
	[tilespmem:s21+$0x0] =	vst v6;
	s21 =	smov.u32 s22  }
0x186: {  	v10 =	vshll.u32 v13, $0x3;
	v13 =	vor.u32 v0, v15;
	v15 =	vor.u32 v0, v12;
	s26 =	sor.u32 s0, s31;
	s24 =	sor.u32 s28, s31;
	s22 =	sor.u32 s29, s31;
	v6 =	vld.idx.msk [tilespmem:v8+s3+$0x0], $0xffff;
	[tilespmem:s20+$0x0] =	vst v9  }
0x187: {  	s25 =	sadd.s32 $0x40, s25;
	v12 =	vor.u32 v0, v10;
	s28 =	sor.u32 s30, s31;
	s20 =	smov.u32 s1;
	v10 =	vor.u32 v7, v13;
	v8 =	vor.u32 v7, v15;
	v9 =	vld.idx.msk [tilespmem:v14+s3+$0x0], $0xffff  }
0x188: {  	_ =	sdelay $0x1  }
0x189: {  	v11 =	vor.u32 v0, v11;
	v12 =	vor.u32 v7, v12  }
0x18a: {  	v61 =	vor.u32 v7, v11  }
0x18b: {  	v4 =	vld.idx.msk [tilespmem:v4+s3+$0x0], $0xffff  }
0x18c: {  	[tilespmem:s12+$0x0] =	vst v3;
	v3 =	vld.idx.msk [tilespmem:v10+s3+$0x0], $0xffff  }
0x18d: {  	v62 =	vld.idx.msk [tilespmem:v8+s3+$0x0], $0xffff;
	[tilespmem:s15+$0x0] =	vst v5  }
0x18e: {  	[tilespmem:s21+$0x0] =	vst v6;
	v63 =	vld.idx.msk [tilespmem:v12+s3+$0x0], $0xffff  }
0x18f: {  	[tilespmem:s20+$0x0] =	vst v9;
	v7 =	vld.idx.msk [tilespmem:v61+s3+$0x0], $0xffff  }
0x190: {  	[tilespmem:s18+$0x0] =	vst v4  }
0x191: {  	[tilespmem:s24+$0x0] =	vst v3  }
0x192: {  	[tilespmem:s22+$0x0] =	vst v62  }
0x193: {  	[tilespmem:s26+$0x0] =	vst v63  }
0x194: {  	s0 =	simm.s32 $0x400;
	[tilespmem:s28+$0x0] =	vst v7  }
0x195: {  	[tilespmem:s19], [sflag:$0x1] =	stream.indirect.gather [hbm4b:s4+s17], $0x20, s0, s17, $0xb8;
	[tilespmem:$0x18C00] =	vst v63  }
0x196: {  	s1 =	simm.s32 $0x1C00;
	s15 =	simm.s32 $0x480  }
0x197: {  	[tilespmem:s1], [sflag:$0x1] =	stream.indirect.gather [hbm4b:s4+s17], $0x20, s15, s17, $0xb8;
	[tilespmem:$0x18C00] =	vst v63  }
0x198: {  	s20 =	simm.s32 $0x2C00;
	s18 =	simm.s32 $0x500  }
0x199: {  	[tilespmem:s20], [sflag:$0x1] =	stream.indirect.gather [hbm4b:s4+s17], $0x20, s18, s17, $0xb8;
	[tilespmem:$0x18C00] =	vst v63  }
0x19a: {  	s21 =	simm.s32 $0x580;
	s22 =	simm.s32 $0x3C00  }
0x19b: {  	[tilespmem:s22], [sflag:$0x1] =	stream.indirect.gather [hbm4b:s4+s17], $0x20, s21, s17, $0xb8;
	[tilespmem:$0x18C00] =	vst v63  }
0x19c: {  	s23 =	simm.s32 $0x600;
	s24 =	simm.s32 $0x4C00;
	s15 =	sor.u32 $0x1, s14  }
0x19d: {  	[tilespmem:s24], [sflag:$0x1] =	stream.indirect.gather [hbm4b:s4+s17], $0x20, s23, s17, $0xb8;
	[tilespmem:$0x18C00] =	vst v63  }
0x19e: {  	s25 =	simm.s32 $0x680;
	s26 =	simm.s32 $0x5C00;
	p0 =	sgt.u32 s15, $0x18  }
0x19f: {  	[tilespmem:s26], [sflag:$0x1] =	stream.indirect.gather [hbm4b:s4+s17], $0x20, s25, s17, $0xb8;
	[tilespmem:$0x18C00] =	vst v63  }
.Ltmp9:
0x1a0: {  	_ = 	snop;
	(pc) =	sbr.rel @p0 .LBB2_18-.Ltmp9, $4  }
0x1a1: {  	s29 =	simm.s32 $0x6C00;
	s28 =	simm.s32 $0x700  }
0x1a2: {  	[tilespmem:s29], [sflag:$0x1] =	stream.indirect.gather [hbm4b:s4+s17], $0x20, s28, s17, $0xb8;
	[tilespmem:$0x18C00] =	vst v63  }
0x1a3: {  	s30 =	simm.s32 $0x780;
	s31 =	simm.s32 $0x7C00  }
0x1a4: {  	[tilespmem:s31], [sflag:$0x1] =	stream.indirect.gather [hbm4b:s4+s17], $0x20, s30, s17, $0xb8;
	[tilespmem:$0x18C00] =	vst v63  }
0x1a5: {  	s12 =	simm.s32 $0x0  }
0x1a6: {  	s0 =	sand.u32 $0x18, s12  }
0x1a7: {  	s1 =	simm.s32 $0x0;
	v3 =	vmov s0  }
0x1a8: {  	s20 =	sand.u32 $0xFFFFFF80, s1;
	v3 =	vshrl.u32 v3, $0x3  }
0x1a9: {  	v10 =	vshll.u32 v3, v2;
	v3 =	vmov s20  }
0x1aa: {  	v4 =	vor.u32 $0x7, v10;
	v3 =	vshll.u32 v3, $0x5  }
0x1ab: {  	s22 =	simm.s32 $0x2;
	v5 =	vor.u32 $0x2, v10;
	v9 =	vbroadcast v4, $0x0;
	v4 =	vor.u32 $0x1, v10  }
0x1ac: {  	_ =	swait.ge [sflag:s22], $0x8000;
	v6 =	vor.u32 $0x3, v10;
	v11 =	vor.u32 v1, v3;
	v3 =	vbroadcast v4, $0x0  }
0x1ad: {  	[sflag:s22] =	ssyncset.done $0x0;
	v7 =	vor.u32 $0x4, v10;
	v4 =	vbroadcast v5, $0x0;
	v8 =	vor.u32 v11, v9  }
0x1ae: {  	s18 =	simm.s32 $0x3;
	s23 =	sor.u32 $0x10, s20;
	[sflag:s22] =	ssyncadd.s32 $0xFFFF8000;
	v12 =	vor.u32 $0x5, v10;
	v5 =	vbroadcast v6, $0x0;
	v13 =	vor.u32 v11, v3  }
0x1af: {  	_ =	swait.ge [sflag:s18], $0x8000;
	v6 =	vbroadcast v7, $0x0;
	v7 =	vmov s23;
	v14 =	vor.u32 v11, v4  }
0x1b0: {  	[sflag:s18] =	ssyncset.done $0x0;
	v16 =	vshll.u32 v7, $0x5;
	v7 =	vbroadcast v12, $0x0;
	v17 =	vor.u32 v11, v5  }
0x1b1: {  	v15 =	vor.u32 $0x6, v10;
	[sflag:s18] =	ssyncadd.s32 $0xFFFF8000;
	v12 =	vor.u32 v11, v6  }
0x1b2: {  	v16 =	vor.u32 v1, v16;
	v19 =	vor.u32 v11, v7;
	v18 =	vld.idx.msk [tilespmem:v8+s13+$0x0], $0xffff;
	v8 =	vbroadcast v15, $0x0  }
0x1b3: {  	s24 =	simm.s32 $0x0;
	v10 =	vbroadcast v10, $0x0;
	v15 =	vor.u32 v16, v9;
	v13 =	vld.idx.msk [tilespmem:v13+s13+$0x0], $0xffff  }
0x1b4: {  	s1 =	sand.u32 $0x3FFFF000, s24;
	s0 =	sshll.u32 s0, $0x7;
	v14 =	vld.idx.msk [tilespmem:v14+s13+$0x0], $0xffff;
	v20 =	vor.u32 v11, v8  }
0x1b5: {  	s0 =	sor.u32 s0, s1;
	v17 =	vld.idx.msk [tilespmem:v17+s13+$0x0], $0xffff;
	v11 =	vor.u32 v10, v11  }
0x1b6: {  	s25 =	sor.u32 $0x20, s20;
	s18 =	sadd.s32 $0x10C00, s0;
	v21 =	vor.u32 v16, v3;
	v12 =	vld.idx.msk [tilespmem:v12+s13+$0x0], $0xffff  }
0x1b7: {  	v22 =	vmov s25;
	v23 =	vor.u32 v16, v5;
	v19 =	vld.idx.msk [tilespmem:v19+s13+$0x0], $0xffff;
	[tilespmem:s18+$0x380] =	vst v18  }
0x1b8: {  	v22 =	vshll.u32 v22, $0x5;
	v24 =	vor.u32 v16, v6;
	v15 =	vld.idx.msk [tilespmem:v15+s13+$0x0], $0xffff  }
0x1b9: {  	v22 =	vor.u32 v1, v22;
	v18 =	vor.u32 v16, v4;
	[tilespmem:s18+$0x80] =	vst v13;
	v13 =	vld.idx.msk [tilespmem:v20+s13+$0x0], $0xffff  }
0x1ba: {  	[tilespmem:s18+$0x100] =	vst v14;
	v20 =	vor.u32 v22, v9;
	v11 =	vld.idx.msk [tilespmem:v11+s13+$0x0], $0xffff  }
0x1bb: {  	v14 =	vor.u32 v16, v7;
	[tilespmem:s18+$0x180] =	vst v17;
	v21 =	vld.idx.msk [tilespmem:v21+s13+$0x0], $0xffff  }
0x1bc: {  	v17 =	vor.u32 v16, v8;
	[tilespmem:s18+$0x200] =	vst v12;
	v23 =	vld.idx.msk [tilespmem:v23+s13+$0x0], $0xffff  }
0x1bd: {  	v12 =	vor.u32 v10, v16;
	[tilespmem:s18+$0x280] =	vst v19;
	v24 =	vld.idx.msk [tilespmem:v24+s13+$0x0], $0xffff  }
0x1be: {  	s26 =	sor.u32 $0x30, s20;
	v18 =	vld.idx.msk [tilespmem:v18+s13+$0x0], $0xffff;
	[tilespmem:s18+$0x390] =	vst v15;
	v15 =	vor.u32 v22, v3  }
0x1bf: {  	v16 =	vmov s26;
	v19 =	vld.idx.msk [tilespmem:v20+s13+$0x0], $0xffff;
	v20 =	vor.u32 v22, v4;
	[tilespmem:s18+$0x300] =	vst v13  }
0x1c0: {  	v16 =	vshll.u32 v16, $0x5;
	[tilespmem:s0+$0x10C00] =	vst v11;
	v11 =	vld.idx.msk [tilespmem:v14+s13+$0x0], $0xffff;
	v14 =	vor.u32 v22, v5  }
0x1c1: {  	v16 =	vor.u32 v1, v16;
	[tilespmem:s18+$0x90] =	vst v21;
	v21 =	vor.u32 v22, v6;
	v17 =	vld.idx.msk [tilespmem:v17+s13+$0x0], $0xffff  }
0x1c2: {  	v13 =	vor.u32 v16, v9;
	[tilespmem:s18+$0x190] =	vst v23;
	v12 =	vld.idx.msk [tilespmem:v12+s13+$0x0], $0xffff  }
0x1c3: {  	[tilespmem:s18+$0x110] =	vst v18;
	v18 =	vor.u32 v22, v7;
	v15 =	vld.idx.msk [tilespmem:v15+s13+$0x0], $0xffff  }
0x1c4: {  	s28 =	sor.u32 $0x40, s20;
	v23 =	vor.u32 v22, v8;
	[tilespmem:s18+$0x210] =	vst v24;
	v20 =	vld.idx.msk [tilespmem:v20+s13+$0x0], $0xffff  }
0x1c5: {  	v25 =	vmov s28;
	[tilespmem:s18+$0x3A0] =	vst v19;
	v19 =	vor.u32 v10, v22;
	v14 =	vld.idx.msk [tilespmem:v14+s13+$0x0], $0xffff  }
0x1c6: {  	v59 =	vor.u32 v16, v3;
	v22 =	vshll.u32 v25, $0x5;
	[tilespmem:s18+$0x290] =	vst v11;
	v11 =	vld.idx.msk [tilespmem:v21+s13+$0x0], $0xffff  }
0x1c7: {  	v21 =	vor.u32 v16, v4;
	v13 =	vld.idx.msk [tilespmem:v13+s13+$0x0], $0xffff;
	v22 =	vor.u32 v1, v22;
	[tilespmem:s18+$0x310] =	vst v17  }
0x1c8: {  	[tilespmem:s18+$0x10] =	vst v12;
	v17 =	vor.u32 v22, v9;
	v12 =	vld.idx.msk [tilespmem:v18+s13+$0x0], $0xffff  }
0x1c9: {  	v18 =	vor.u32 v16, v5;
	[tilespmem:s18+$0xA0] =	vst v15;
	v15 =	vld.idx.msk [tilespmem:v23+s13+$0x0], $0xffff  }
0x1ca: {  	s29 =	sor.u32 $0x50, s20;
	v23 =	vor.u32 v16, v6;
	v19 =	vld.idx.msk [tilespmem:v19+s13+$0x0], $0xffff;
	[tilespmem:s18+$0x120] =	vst v20  }
0x1cb: {  	v60 =	vmov s29;
	v20 =	vor.u32 v16, v7;
	v24 =	vld.idx.msk [tilespmem:v59+s13+$0x0], $0xffff;
	[tilespmem:s18+$0x1A0] =	vst v14  }
0x1cc: {  	v25 =	vshll.u32 v60, $0x5;
	[tilespmem:s18+$0x3B0] =	vst v13;
	v13 =	vor.u32 v16, v8;
	v21 =	vld.idx.msk [tilespmem:v21+s13+$0x0], $0xffff  }
0x1cd: {  	[tilespmem:s18+$0x220] =	vst v11;
	v16 =	vor.u32 v10, v16;
	v14 =	vld.idx.msk [tilespmem:v17+s13+$0x0], $0xffff;
	v17 =	vor.u32 v1, v25  }
0x1ce: {  	v11 =	vld.idx.msk [tilespmem:v18+s13+$0x0], $0xffff;
	[tilespmem:s18+$0x2A0] =	vst v12;
	v12 =	vor.u32 v17, v9  }
0x1cf: {  	v18 =	vor.u32 v22, v3;
	v23 =	vld.idx.msk [tilespmem:v23+s13+$0x0], $0xffff;
	[tilespmem:s18+$0x320] =	vst v15  }
0x1d0: {  	v15 =	vor.u32 v22, v4;
	[tilespmem:s18+$0x20] =	vst v19;
	v19 =	vld.idx.msk [tilespmem:v20+s13+$0x0], $0xffff  }
0x1d1: {  	v20 =	vor.u32 v22, v5;
	[tilespmem:s18+$0xB0] =	vst v24;
	v13 =	vld.idx.msk [tilespmem:v13+s13+$0x0], $0xffff  }
0x1d2: {  	s30 =	sor.u32 $0x60, s20;
	v61 =	vor.u32 v22, v6;
	v16 =	vld.idx.msk [tilespmem:v16+s13+$0x0], $0xffff;
	[tilespmem:s18+$0x3C0] =	vst v14  }
0x1d3: {  	v62 =	vmov s30;
	[tilespmem:s18+$0x130] =	vst v21;
	v14 =	vor.u32 v22, v7;
	v12 =	vld.idx.msk [tilespmem:v12+s13+$0x0], $0xffff  }
0x1d4: {  	v25 =	vshll.u32 v62, $0x5;
	v21 =	vor.u32 v22, v8;
	v18 =	vld.idx.msk [tilespmem:v18+s13+$0x0], $0xffff;
	[tilespmem:s18+$0x1B0] =	vst v11  }
0x1d5: {  	v25 =	vor.u32 v1, v25;
	v22 =	vor.u32 v10, v22;
	v11 =	vld.idx.msk [tilespmem:v15+s13+$0x0], $0xffff;
	[tilespmem:s18+$0x230] =	vst v23  }
0x1d6: {  	v15 =	vor.u32 v25, v9;
	v20 =	vld.idx.msk [tilespmem:v20+s13+$0x0], $0xffff;
	[tilespmem:s18+$0x2B0] =	vst v19  }
0x1d7: {  	v19 =	vor.u32 v17, v3;
	v23 =	vld.idx.msk [tilespmem:v61+s13+$0x0], $0xffff;
	[tilespmem:s18+$0x330] =	vst v13  }
0x1d8: {  	v13 =	vor.u32 v17, v4;
	[tilespmem:s18+$0x30] =	vst v16;
	v14 =	vld.idx.msk [tilespmem:v14+s13+$0x0], $0xffff  }
0x1d9: {  	s31 =	sor.u32 $0x70, s20;
	v16 =	vor.u32 v17, v5;
	v21 =	vld.idx.msk [tilespmem:v21+s13+$0x0], $0xffff;
	[tilespmem:s18+$0x3D0] =	vst v12  }
0x1da: {  	v63 =	vmov s31;
	v22 =	vld.idx.msk [tilespmem:v22+s13+$0x0], $0xffff;
	v12 =	vor.u32 v17, v6;
	[tilespmem:s18+$0xC0] =	vst v18  }
0x1db: {  	v24 =	vshll.u32 v63, $0x5;
	v18 =	vor.u32 v17, v7;
	v15 =	vld.idx.msk [tilespmem:v15+s13+$0x0], $0xffff;
	[tilespmem:s18+$0x140] =	vst v11  }
0x1dc: {  	v27 =	vor.u32 v17, v8;
	v24 =	vor.u32 v1, v24;
	v11 =	vld.idx.msk [tilespmem:v19+s13+$0x0], $0xffff;
	[tilespmem:s18+$0x1C0] =	vst v20  }
0x1dd: {  	v26 =	vor.u32 v10, v17;
	v9 =	vor.u32 v24, v9;
	[tilespmem:s18+$0x240] =	vst v23;
	v28 =	vld.idx.msk [tilespmem:v13+s13+$0x0], $0xffff  }
0x1de: {  	v29 =	vor.u32 v25, v3;
	v17 =	vor.u32 v24, v3;
	v30 =	vld.idx.msk [tilespmem:v16+s13+$0x0], $0xffff;
	[tilespmem:s18+$0x2C0] =	vst v14  }
0x1df: {  	v19 =	vor.u32 v25, v4;
	v16 =	vor.u32 v25, v5;
	[tilespmem:s18+$0x340] =	vst v21;
	v20 =	vld.idx.msk [tilespmem:v12+s13+$0x0], $0xffff  }
0x1e0: {  	v13 =	vor.u32 v25, v7;
	v14 =	vor.u32 v25, v6;
	[tilespmem:s18+$0x40] =	vst v22;
	v21 =	vld.idx.msk [tilespmem:v18+s13+$0x0], $0xffff  }
0x1e1: {  	v12 =	vor.u32 v10, v25;
	v18 =	vor.u32 v24, v4;
	v23 =	vld.idx.msk [tilespmem:v27+s13+$0x0], $0xffff;
	[tilespmem:s18+$0x3E0] =	vst v15  }
0x1e2: {  	v4 =	vor.u32 v24, v5;
	v5 =	vor.u32 v24, v6;
	v22 =	vld.idx.msk [tilespmem:v9+s13+$0x0], $0xffff;
	[tilespmem:s18+$0xD0] =	vst v11  }
0x1e3: {  	v6 =	vld.idx.msk [tilespmem:v26+s13+$0x0], $0xffff;
	v15 =	vor.u32 v25, v8;
	v9 =	vor.u32 v24, v7;
	[tilespmem:s18+$0x150] =	vst v28  }
0x1e4: {  	v11 =	vor.u32 v10, v24;
	v10 =	vor.u32 v24, v8;
	v3 =	vld.idx.msk [tilespmem:v29+s13+$0x0], $0xffff;
	[tilespmem:s18+$0x1D0] =	vst v30  }
.LBB2_13:
0x1e5: {  	s12 =	sadd.s32 $0x8, s12;
	v7 =	vld.idx.msk [tilespmem:v19+s13+$0x0], $0xffff;
	[tilespmem:s18+$0x250] =	vst v20  }
0x1e6: {  	s21 =	sand.u32 $0x18, s12;
	p0 =	slt.u32 s12, $0xF8;
	v8 =	vld.idx.msk [tilespmem:v16+s13+$0x0], $0xffff;
	[tilespmem:s18+$0x2D0] =	vst v21  }
0x1e7: {  	v16 =	vmov s21;
	v14 =	vld.idx.msk [tilespmem:v14+s13+$0x0], $0xffff;
	[tilespmem:s18+$0x3F0] =	vst v22  }
0x1e8: {  	s0 =	sshll.u32 s12, $0x2;
	v16 =	vshrl.u32 v16, $0x3;
	v13 =	vld.idx.msk [tilespmem:v13+s13+$0x0], $0xffff;
	[tilespmem:s18+$0x350] =	vst v23  }
0x1e9: {  	s20 =	sand.u32 $0xFFFFFF80, s0;
	v16 =	vshll.u32 v16, v2;
	[tilespmem:s18+$0x50] =	vst v6;
	v6 =	vld.idx.msk [tilespmem:v15+s13+$0x0], $0xffff  }
0x1ea: {  	v15 =	vmov s20;
	v19 =	vor.u32 $0x1, v16;
	v20 =	vor.u32 $0x7, v16;
	v12 =	vld.idx.msk [tilespmem:v12+s13+$0x0], $0xffff;
	[tilespmem:s18+$0xE0] =	vst v3  }
0x1eb: {  	v15 =	vshll.u32 v15, $0x5;
	v21 =	vor.u32 $0x2, v16;
	v3 =	vbroadcast v20, $0x0;
	v17 =	vld.idx.msk [tilespmem:v17+s13+$0x0], $0xffff;
	[tilespmem:s18+$0x160] =	vst v7  }
0x1ec: {  	v15 =	vor.u32 v1, v15;
	v7 =	vor.u32 $0x3, v16;
	v20 =	vor.u32 $0x4, v16;
	v18 =	vld.idx.msk [tilespmem:v18+s13+$0x0], $0xffff;
	[tilespmem:s18+$0x1E0] =	vst v8  }
0x1ed: {  	v22 =	vor.u32 $0x5, v16;
	v23 =	vor.u32 $0x6, v16;
	v24 =	vor.u32 v15, v3;
	v25 =	vld.idx.msk [tilespmem:v4+s13+$0x0], $0xffff;
	[tilespmem:s18+$0x260] =	vst v14  }
0x1ee: {  	v8 =	vbroadcast v19, $0x0;
	v4 =	vbroadcast v21, $0x0;
	v14 =	vld.idx.msk [tilespmem:v5+s13+$0x0], $0xffff;
	[tilespmem:s18+$0x2E0] =	vst v13  }
0x1ef: {  	v7 =	vbroadcast v7, $0x0;
	v5 =	vbroadcast v20, $0x0;
	v13 =	vld.idx.msk [tilespmem:v9+s13+$0x0], $0xffff;
	[tilespmem:s18+$0x360] =	vst v6  }
0x1f0: {  	s0 =	sor.u32 $0x10, s20;
	v19 =	vor.u32 v15, v8;
	v9 =	vbroadcast v22, $0x0;
	v6 =	vbroadcast v23, $0x0;
	[tilespmem:s18+$0x60] =	vst v12;
	v12 =	vld.idx.msk [tilespmem:v10+s13+$0x0], $0xffff  }
0x1f1: {  	v20 =	vor.u32 v15, v4;
	v10 =	vbroadcast v16, $0x0;
	v16 =	vmov s0;
	v11 =	vld.idx.msk [tilespmem:v11+s13+$0x0], $0xffff;
	[tilespmem:s18+$0xF0] =	vst v17  }
0x1f2: {  	v21 =	vor.u32 v15, v5;
	v16 =	vshll.u32 v16, $0x5;
	v17 =	vor.u32 v15, v7;
	v22 =	vld.idx.msk [tilespmem:v24+s13+$0x0], $0xffff;
	[tilespmem:s18+$0x170] =	vst v18  }
0x1f3: {  	v23 =	vor.u32 v15, v6;
	v16 =	vor.u32 v1, v16;
	v18 =	vor.u32 v15, v9;
	[tilespmem:s18+$0x1F0] =	vst v25  }
0x1f4: {  	s0 =	sshll.u32 s12, $0x7;
	v15 =	vor.u32 v10, v15;
	v24 =	vor.u32 v16, v8;
	v25 =	vor.u32 v16, v3;
	[tilespmem:s18+$0x270] =	vst v14  }
0x1f5: {  	s1 =	sshll.u32 s21, $0x7;
	s0 =	sand.u32 $0x3FFFF000, s0;
	v26 =	vor.u32 v16, v7;
	v27 =	vor.u32 v16, v5;
	v14 =	vld.idx.msk [tilespmem:v19+s13+$0x0], $0xffff;
	v19 =	vor.u32 v16, v4  }
0x1f6: {  	s0 =	sor.u32 s1, s0;
	v28 =	vor.u32 v10, v16;
	v29 =	vor.u32 v16, v9;
	v16 =	vor.u32 v16, v6;
	v20 =	vld.idx.msk [tilespmem:v20+s13+$0x0], $0xffff  }
0x1f7: {  	s21 =	sor.u32 $0x20, s20;
	s1 =	sadd.s32 $0x10C00, s0;
	v17 =	vld.idx.msk [tilespmem:v17+s13+$0x0], $0xffff;
	[tilespmem:s18+$0x2F0] =	vst v13  }
0x1f8: {  	v13 =	vmov s21;
	v21 =	vld.idx.msk [tilespmem:v21+s13+$0x0], $0xffff;
	[tilespmem:s1+$0x380] =	vst v22  }
0x1f9: {  	v13 =	vshll.u32 v13, $0x5;
	v22 =	vld.idx.msk [tilespmem:v25+s13+$0x0], $0xffff;
	[tilespmem:s18+$0x370] =	vst v12  }
0x1fa: {  	v12 =	vor.u32 v1, v13;
	v13 =	vld.idx.msk [tilespmem:v18+s13+$0x0], $0xffff;
	[tilespmem:s18+$0x70] =	vst v11;
	s18 =	smov.u32 s1  }
0x1fb: {  	v11 =	vor.u32 v12, v8;
	v18 =	vor.u32 v12, v3;
	[tilespmem:s18+$0x80] =	vst v14;
	v14 =	vld.idx.msk [tilespmem:v23+s13+$0x0], $0xffff  }
0x1fc: {  	v23 =	vor.u32 v12, v7;
	v15 =	vld.idx.msk [tilespmem:v15+s13+$0x0], $0xffff;
	[tilespmem:s18+$0x100] =	vst v20;
	v20 =	vor.u32 v12, v4  }
0x1fd: {  	v25 =	vor.u32 v12, v9;
	v24 =	vld.idx.msk [tilespmem:v24+s13+$0x0], $0xffff;
	[tilespmem:s18+$0x180] =	vst v17;
	v17 =	vor.u32 v12, v5  }
0x1fe: {  	v30 =	vor.u32 v10, v12;
	s1 =	sor.u32 $0x30, s20;
	v12 =	vor.u32 v12, v6;
	v19 =	vld.idx.msk [tilespmem:v19+s13+$0x0], $0xffff;
	[tilespmem:s18+$0x200] =	vst v21  }
0x1ff: {  	v21 =	vmov s1;
	v26 =	vld.idx.msk [tilespmem:v26+s13+$0x0], $0xffff;
	[tilespmem:s18+$0x390] =	vst v22  }
0x200: {  	v21 =	vshll.u32 v21, $0x5;
	[tilespmem:s18+$0x280] =	vst v13;
	v13 =	vld.idx.msk [tilespmem:v18+s13+$0x0], $0xffff  }
0x201: {  	v18 =	vor.u32 v1, v21;
	v21 =	vld.idx.msk [tilespmem:v27+s13+$0x0], $0xffff;
	[tilespmem:s18+$0x300] =	vst v14  }
0x202: {  	v14 =	vor.u32 v18, v8;
	v22 =	vor.u32 v18, v3;
	[tilespmem:s0+$0x10C00] =	vst v15;
	v15 =	vld.idx.msk [tilespmem:v29+s13+$0x0], $0xffff  }
0x203: {  	v27 =	vor.u32 v18, v7;
	[tilespmem:s18+$0x90] =	vst v24;
	v24 =	vor.u32 v18, v4;
	v16 =	vld.idx.msk [tilespmem:v16+s13+$0x0], $0xffff  }
0x204: {  	v29 =	vor.u32 v18, v9;
	v28 =	vld.idx.msk [tilespmem:v28+s13+$0x0], $0xffff;
	[tilespmem:s18+$0x110] =	vst v19;
	v19 =	vor.u32 v18, v5  }
0x205: {  	v31 =	vor.u32 v10, v18;
	s0 =	sor.u32 $0x40, s20;
	v18 =	vor.u32 v18, v6;
	v11 =	vld.idx.msk [tilespmem:v11+s13+$0x0], $0xffff;
	[tilespmem:s18+$0x190] =	vst v26  }
0x206: {  	v26 =	vmov s0;
	v20 =	vld.idx.msk [tilespmem:v20+s13+$0x0], $0xffff;
	[tilespmem:s18+$0x3A0] =	vst v13  }
0x207: {  	v13 =	vshll.u32 v26, $0x5;
	[tilespmem:s18+$0x210] =	vst v21;
	v21 =	vld.idx.msk [tilespmem:v22+s13+$0x0], $0xffff  }
0x208: {  	v13 =	vor.u32 v1, v13;
	v22 =	vld.idx.msk [tilespmem:v23+s13+$0x0], $0xffff;
	[tilespmem:s18+$0x290] =	vst v15  }
0x209: {  	v15 =	vor.u32 v13, v8;
	v17 =	vld.idx.msk [tilespmem:v17+s13+$0x0], $0xffff;
	[tilespmem:s18+$0x310] =	vst v16;
	v16 =	vor.u32 v13, v3  }
0x20a: {  	v23 =	vor.u32 v13, v4;
	v26 =	vor.u32 v13, v7;
	[tilespmem:s18+$0x10] =	vst v28;
	v25 =	vld.idx.msk [tilespmem:v25+s13+$0x0], $0xffff  }
0x20b: {  	v28 =	vor.u32 v13, v9;
	[tilespmem:s18+$0xA0] =	vst v11;
	v11 =	vor.u32 v13, v5;
	v12 =	vld.idx.msk [tilespmem:v12+s13+$0x0], $0xffff  }
0x20c: {  	s0 =	sor.u32 $0x50, s20;
	v32 =	vor.u32 v10, v13;
	v30 =	vld.idx.msk [tilespmem:v30+s13+$0x0], $0xffff;
	[tilespmem:s18+$0x120] =	vst v20;
	v20 =	vor.u32 v13, v6  }
0x20d: {  	v13 =	vmov s0;
	v14 =	vld.idx.msk [tilespmem:v14+s13+$0x0], $0xffff;
	[tilespmem:s18+$0x3B0] =	vst v21  }
0x20e: {  	v13 =	vshll.u32 v13, $0x5;
	[tilespmem:s18+$0x1A0] =	vst v22;
	v16 =	vld.idx.msk [tilespmem:v16+s13+$0x0], $0xffff  }
0x20f: {  	v13 =	vor.u32 v1, v13;
	v21 =	vld.idx.msk [tilespmem:v24+s13+$0x0], $0xffff;
	[tilespmem:s18+$0x220] =	vst v17  }
0x210: {  	v17 =	vor.u32 v13, v8;
	v24 =	vor.u32 v13, v3;
	v22 =	vld.idx.msk [tilespmem:v27+s13+$0x0], $0xffff;
	[tilespmem:s18+$0x2A0] =	vst v25  }
0x211: {  	v25 =	vor.u32 v13, v4;
	v27 =	vor.u32 v13, v7;
	v19 =	vld.idx.msk [tilespmem:v19+s13+$0x0], $0xffff;
	[tilespmem:s18+$0x320] =	vst v12  }
0x212: {  	[tilespmem:s18+$0x20] =	vst v30;
	v30 =	vor.u32 v13, v5;
	v12 =	vld.idx.msk [tilespmem:v29+s13+$0x0], $0xffff;
	v29 =	vor.u32 v13, v9  }
0x213: {  	s0 =	sor.u32 $0x60, s20;
	v33 =	vor.u32 v10, v13;
	v34 =	vor.u32 v13, v6;
	[tilespmem:s18+$0xB0] =	vst v14;
	v18 =	vld.idx.msk [tilespmem:v18+s13+$0x0], $0xffff  }
0x214: {  	v13 =	vmov s0;
	v31 =	vld.idx.msk [tilespmem:v31+s13+$0x0], $0xffff;
	[tilespmem:s18+$0x3C0] =	vst v16  }
0x215: {  	v13 =	vshll.u32 v13, $0x5;
	[tilespmem:s18+$0x130] =	vst v21;
	v21 =	vld.idx.msk [tilespmem:v24+s13+$0x0], $0xffff  }
0x216: {  	v24 =	vor.u32 v1, v13;
	v35 =	vld.idx.msk [tilespmem:v15+s13+$0x0], $0xffff;
	[tilespmem:s18+$0x1B0] =	vst v22  }
0x217: {  	v36 =	vor.u32 v24, v8;
	v22 =	vld.idx.msk [tilespmem:v23+s13+$0x0], $0xffff;
	[tilespmem:s18+$0x230] =	vst v19;
	v23 =	vor.u32 v24, v3  }
0x218: {  	v16 =	vor.u32 v24, v7;
	v19 =	vor.u32 v24, v4;
	v26 =	vld.idx.msk [tilespmem:v26+s13+$0x0], $0xffff;
	[tilespmem:s18+$0x2B0] =	vst v12  }
0x219: {  	v14 =	vor.u32 v24, v5;
	v13 =	vor.u32 v24, v9;
	v11 =	vld.idx.msk [tilespmem:v11+s13+$0x0], $0xffff;
	[tilespmem:s18+$0x330] =	vst v18  }
0x21a: {  	s0 =	sor.u32 $0x70, s20;
	v15 =	vor.u32 v24, v6;
	v12 =	vor.u32 v10, v24;
	[tilespmem:s18+$0x30] =	vst v31;
	v28 =	vld.idx.msk [tilespmem:v28+s13+$0x0], $0xffff  }
0x21b: {  	v18 =	vmov s0;
	v24 =	vld.idx.msk [tilespmem:v20+s13+$0x0], $0xffff;
	[tilespmem:s18+$0x3D0] =	vst v21  }
0x21c: {  	v18 =	vshll.u32 v18, $0x5;
	[tilespmem:s18+$0xC0] =	vst v35;
	v23 =	vld.idx.msk [tilespmem:v23+s13+$0x0], $0xffff  }
0x21d: {  	v21 =	vor.u32 v1, v18;
	v31 =	vld.idx.msk [tilespmem:v32+s13+$0x0], $0xffff;
	[tilespmem:s18+$0x140] =	vst v22  }
0x21e: {  	v3 =	vor.u32 v21, v3;
	v32 =	vld.idx.msk [tilespmem:v17+s13+$0x0], $0xffff;
	v17 =	vor.u32 v21, v8;
	[tilespmem:s18+$0x1C0] =	vst v26  }
0x21f: {  	v18 =	vor.u32 v21, v4;
	v4 =	vor.u32 v21, v7;
	v8 =	vld.idx.msk [tilespmem:v25+s13+$0x0], $0xffff;
	[tilespmem:s18+$0x240] =	vst v11  }
0x220: {  	v5 =	vor.u32 v21, v5;
	v9 =	vor.u32 v21, v9;
	v7 =	vld.idx.msk [tilespmem:v27+s13+$0x0], $0xffff;
	[tilespmem:s18+$0x2C0] =	vst v28  }
0x221: {  	v11 =	vor.u32 v10, v21;
	v10 =	vor.u32 v21, v6;
	v20 =	vld.idx.msk [tilespmem:v30+s13+$0x0], $0xffff;
	[tilespmem:s18+$0x340] =	vst v24  }
.Ltmp10:
0x222: {  	v21 =	vld.idx.msk [tilespmem:v29+s13+$0x0], $0xffff;
	[tilespmem:s18+$0x3E0] =	vst v23;
	(pc) =	sbr.rel @p0 .LBB2_13-.Ltmp10, $4  }
0x223: {  	[tilespmem:s18+$0x40] =	vst v31;
	v22 =	vld.idx.msk [tilespmem:v3+s13+$0x0], $0xffff  }
0x224: {  	[tilespmem:s18+$0xD0] =	vst v32;
	v23 =	vld.idx.msk [tilespmem:v34+s13+$0x0], $0xffff  }
0x225: {  	v6 =	vld.idx.msk [tilespmem:v33+s13+$0x0], $0xffff;
	[tilespmem:s18+$0x150] =	vst v8  }
0x226: {  	v3 =	vld.idx.msk [tilespmem:v36+s13+$0x0], $0xffff;
	[tilespmem:s18+$0x1D0] =	vst v7  }
0x227: {  	_ =	sdelay $0x2  }
0x228: {  	[tilespmem:s18+$0x250] =	vst v20  }
0x229: {  	v7 =	vld.idx.msk [tilespmem:v19+s13+$0x0], $0xffff;
	[tilespmem:s18+$0x2D0] =	vst v21  }
0x22a: {  	v8 =	vld.idx.msk [tilespmem:v16+s13+$0x0], $0xffff;
	[tilespmem:s18+$0x3F0] =	vst v22  }
0x22b: {  	v14 =	vld.idx.msk [tilespmem:v14+s13+$0x0], $0xffff;
	[tilespmem:s18+$0x350] =	vst v23  }
0x22c: {  	v13 =	vld.idx.msk [tilespmem:v13+s13+$0x0], $0xffff;
	[tilespmem:s18+$0x50] =	vst v6  }
0x22d: {  	v59 =	vld.idx.msk [tilespmem:v15+s13+$0x0], $0xffff;
	[tilespmem:s18+$0xE0] =	vst v3  }
0x22e: {  	v3 =	vld.idx.msk [tilespmem:v12+s13+$0x0], $0xffff;
	[tilespmem:s18+$0x160] =	vst v7  }
0x22f: {  	v60 =	vld.idx.msk [tilespmem:v17+s13+$0x0], $0xffff;
	[tilespmem:s18+$0x1E0] =	vst v8  }
0x230: {  	v61 =	vld.idx.msk [tilespmem:v18+s13+$0x0], $0xffff;
	[tilespmem:s18+$0x260] =	vst v14  }
0x231: {  	v4 =	vld.idx.msk [tilespmem:v4+s13+$0x0], $0xffff;
	[tilespmem:s18+$0x2E0] =	vst v13  }
0x232: {  	v5 =	vld.idx.msk [tilespmem:v5+s13+$0x0], $0xffff;
	[tilespmem:s18+$0x360] =	vst v59  }
0x233: {  	v62 =	vld.idx.msk [tilespmem:v9+s13+$0x0], $0xffff;
	[tilespmem:s18+$0x60] =	vst v3  }
0x234: {  	v3 =	vld.idx.msk [tilespmem:v10+s13+$0x0], $0xffff;
	[tilespmem:s18+$0xF0] =	vst v60  }
0x235: {  	v63 =	vld.idx.msk [tilespmem:v11+s13+$0x0], $0xffff;
	[tilespmem:s18+$0x170] =	vst v61  }
0x236: {  	[tilespmem:s18+$0x1F0] =	vst v4  }
0x237: {  	s12 =	sshll.u32 s15, $0x14;
	[tilespmem:s18+$0x270] =	vst v5  }
0x238: {  	s0 =	sor.u32 s7, s12;
	[tilespmem:s18+$0x2F0] =	vst v62  }
0x239: {  	s0 =	sshrl.u32 s0, $0x3;
	[tilespmem:s18+$0x370] =	vst v3  }
0x23a: {  	s1 =	simm.s32 $0x10C00;
	s15 =	sor.u32 s8, s12;
	s0 =	sadd.s32 s2, s0;
	[tilespmem:s18+$0x70] =	vst v63  }
0x23b: {  	[hbm4b:s0+s3] =	stream.linear.scatter [tilespmem:s1], [sflag:$0x3], $0x400, $0x38;
	[tilespmem:$0x18C00] =	vst v63  }
0x23c: {  	s0 =	sshrl.u32 s15, $0x3  }
0x23d: {  	s20 =	sor.u32 s9, s12;
	s18 =	simm.s32 $0x11000;
	s0 =	sadd.s32 s2, s0  }
0x23e: {  	[hbm4b:s0+s3] =	stream.linear.scatter [tilespmem:s18], [sflag:$0x3], $0x400, $0x38;
	[tilespmem:$0x18C00] =	vst v63  }
0x23f: {  	s21 =	simm.s32 $0x11400;
	s0 =	sshrl.u32 s20, $0x3  }
0x240: {  	s22 =	sor.u32 s10, s12;
	s24 =	sor.u32 $0x20000, s12;
	s0 =	sadd.s32 s2, s0  }
0x241: {  	[hbm4b:s0+s3] =	stream.linear.scatter [tilespmem:s21], [sflag:$0x3], $0x400, $0x38;
	[tilespmem:$0x18C00] =	vst v63  }
0x242: {  	s25 =	sor.u32 s7, s24;
	s0 =	sshrl.u32 s22, $0x3  }
0x243: {  	s23 =	simm.s32 $0x11800;
	s1 =	sshrl.u32 s25, $0x3;
	s0 =	sadd.s32 s2, s0  }
0x244: {  	[hbm4b:s0+s3] =	stream.linear.scatter [tilespmem:s23], [sflag:$0x3], $0x400, $0x38;
	[tilespmem:$0x18C00] =	vst v63  }
0x245: {  	s26 =	simm.s32 $0x11C00;
	s28 =	sor.u32 s8, s24;
	s1 =	sadd.s32 s2, s1  }
0x246: {  	[hbm4b:s1+s3] =	stream.linear.scatter [tilespmem:s26], [sflag:$0x3], $0x400, $0x38;
	[tilespmem:$0x18C00] =	vst v63  }
0x247: {  	s29 =	simm.s32 $0x12000;
	s1 =	sshrl.u32 s28, $0x3  }
0x248: {  	s31 =	simm.s32 $0x12400;
	s30 =	sor.u32 s9, s24;
	s1 =	sadd.s32 s2, s1  }
0x249: {  	[hbm4b:s1+s3] =	stream.linear.scatter [tilespmem:s29], [sflag:$0x3], $0x400, $0x38;
	[tilespmem:$0x18C00] =	vst v63  }
0x24a: {  	s20 =	sor.u32 $0x40000, s12;
	s0 =	sor.u32 s10, s24;
	s1 =	sshrl.u32 s30, $0x3  }
0x24b: {  	s21 =	sor.u32 s7, s20;
	s0 =	sshrl.u32 s0, $0x3;
	s1 =	sadd.s32 s2, s1  }
0x24c: {  	[hbm4b:s1+s3] =	stream.linear.scatter [tilespmem:s31], [sflag:$0x3], $0x400, $0x38;
	[tilespmem:$0x18C00] =	vst v63  }
0x24d: {  	s18 =	simm.s32 $0x12800;
	s0 =	sadd.s32 s2, s0;
	s1 =	sshrl.u32 s21, $0x3  }
0x24e: {  	[hbm4b:s0+s3] =	stream.linear.scatter [tilespmem:s18], [sflag:$0x3], $0x400, $0x38;
	[tilespmem:$0x18C00] =	vst v63  }
0x24f: {  	s22 =	simm.s32 $0x12C00;
	s23 =	sor.u32 s8, s20;
	s1 =	sadd.s32 s2, s1  }
0x250: {  	[hbm4b:s1+s3] =	stream.linear.scatter [tilespmem:s22], [sflag:$0x3], $0x400, $0x38;
	[tilespmem:$0x18C00] =	vst v63  }
0x251: {  	s25 =	sor.u32 s9, s20;
	s1 =	sshrl.u32 s23, $0x3  }
0x252: {  	s24 =	simm.s32 $0x13000;
	s26 =	simm.s32 $0x13400;
	s1 =	sadd.s32 s2, s1  }
0x253: {  	[hbm4b:s1+s3] =	stream.linear.scatter [tilespmem:s24], [sflag:$0x3], $0x400, $0x38;
	[tilespmem:$0x18C00] =	vst v63  }
0x254: {  	s29 =	sor.u32 $0x60000, s12;
	s0 =	sor.u32 s10, s20;
	s1 =	sshrl.u32 s25, $0x3  }
0x255: {  	s30 =	sor.u32 s7, s29;
	s0 =	sshrl.u32 s0, $0x3;
	s1 =	sadd.s32 s2, s1  }
0x256: {  	[hbm4b:s1+s3] =	stream.linear.scatter [tilespmem:s26], [sflag:$0x3], $0x400, $0x38;
	[tilespmem:$0x18C00] =	vst v63  }
0x257: {  	s28 =	simm.s32 $0x13800;
	s0 =	sadd.s32 s2, s0;
	s1 =	sshrl.u32 s30, $0x3  }
0x258: {  	[hbm4b:s0+s3] =	stream.linear.scatter [tilespmem:s28], [sflag:$0x3], $0x400, $0x38;
	[tilespmem:$0x18C00] =	vst v63  }
0x259: {  	s31 =	simm.s32 $0x13C00;
	s18 =	sor.u32 s8, s29;
	s1 =	sadd.s32 s2, s1  }
0x25a: {  	[hbm4b:s1+s3] =	stream.linear.scatter [tilespmem:s31], [sflag:$0x3], $0x400, $0x38;
	[tilespmem:$0x18C00] =	vst v63  }
0x25b: {  	s21 =	sor.u32 s9, s29;
	s1 =	sshrl.u32 s18, $0x3  }
0x25c: {  	s20 =	simm.s32 $0x14000;
	s22 =	simm.s32 $0x14400;
	s1 =	sadd.s32 s2, s1  }
0x25d: {  	[hbm4b:s1+s3] =	stream.linear.scatter [tilespmem:s20], [sflag:$0x3], $0x400, $0x38;
	[tilespmem:$0x18C00] =	vst v63  }
0x25e: {  	s24 =	sor.u32 $0x80000, s12;
	s0 =	sor.u32 s10, s29;
	s1 =	sshrl.u32 s21, $0x3  }
0x25f: {  	s25 =	sor.u32 s7, s24;
	s0 =	sshrl.u32 s0, $0x3;
	s1 =	sadd.s32 s2, s1  }
0x260: {  	[hbm4b:s1+s3] =	stream.linear.scatter [tilespmem:s22], [sflag:$0x3], $0x400, $0x38;
	[tilespmem:$0x18C00] =	vst v63  }
0x261: {  	s23 =	simm.s32 $0x14800;
	s0 =	sadd.s32 s2, s0;
	s1 =	sshrl.u32 s25, $0x3  }
0x262: {  	[hbm4b:s0+s3] =	stream.linear.scatter [tilespmem:s23], [sflag:$0x3], $0x400, $0x38;
	[tilespmem:$0x18C00] =	vst v63  }
0x263: {  	s26 =	simm.s32 $0x14C00;
	s28 =	sor.u32 s8, s24;
	s1 =	sadd.s32 s2, s1  }
0x264: {  	[hbm4b:s1+s3] =	stream.linear.scatter [tilespmem:s26], [sflag:$0x3], $0x400, $0x38;
	[tilespmem:$0x18C00] =	vst v63  }
0x265: {  	s30 =	sor.u32 s9, s24;
	s1 =	sshrl.u32 s28, $0x3  }
0x266: {  	s29 =	simm.s32 $0x15000;
	s31 =	simm.s32 $0x15400;
	s1 =	sadd.s32 s2, s1  }
0x267: {  	[hbm4b:s1+s3] =	stream.linear.scatter [tilespmem:s29], [sflag:$0x3], $0x400, $0x38;
	[tilespmem:$0x18C00] =	vst v63  }
0x268: {  	s20 =	sor.u32 $0xA0000, s12;
	s0 =	sor.u32 s10, s24;
	s1 =	sshrl.u32 s30, $0x3  }
0x269: {  	s21 =	sor.u32 s7, s20;
	s0 =	sshrl.u32 s0, $0x3;
	s1 =	sadd.s32 s2, s1  }
0x26a: {  	[hbm4b:s1+s3] =	stream.linear.scatter [tilespmem:s31], [sflag:$0x3], $0x400, $0x38;
	[tilespmem:$0x18C00] =	vst v63  }
0x26b: {  	s18 =	simm.s32 $0x15800;
	s0 =	sadd.s32 s2, s0;
	s1 =	sshrl.u32 s21, $0x3  }
0x26c: {  	[hbm4b:s0+s3] =	stream.linear.scatter [tilespmem:s18], [sflag:$0x3], $0x400, $0x38;
	[tilespmem:$0x18C00] =	vst v63  }
0x26d: {  	s22 =	simm.s32 $0x15C00;
	s23 =	sor.u32 s8, s20;
	s1 =	sadd.s32 s2, s1  }
0x26e: {  	[hbm4b:s1+s3] =	stream.linear.scatter [tilespmem:s22], [sflag:$0x3], $0x400, $0x38;
	[tilespmem:$0x18C00] =	vst v63  }
0x26f: {  	s25 =	sor.u32 s9, s20;
	s1 =	sshrl.u32 s23, $0x3  }
0x270: {  	s24 =	simm.s32 $0x16000;
	s26 =	simm.s32 $0x16400;
	s1 =	sadd.s32 s2, s1  }
0x271: {  	[hbm4b:s1+s3] =	stream.linear.scatter [tilespmem:s24], [sflag:$0x3], $0x400, $0x38;
	[tilespmem:$0x18C00] =	vst v63  }
0x272: {  	s29 =	sor.u32 $0xC0000, s12;
	s0 =	sor.u32 s10, s20;
	s1 =	sshrl.u32 s25, $0x3  }
0x273: {  	s30 =	sor.u32 s7, s29;
	s0 =	sshrl.u32 s0, $0x3;
	s1 =	sadd.s32 s2, s1  }
0x274: {  	[hbm4b:s1+s3] =	stream.linear.scatter [tilespmem:s26], [sflag:$0x3], $0x400, $0x38;
	[tilespmem:$0x18C00] =	vst v63  }
0x275: {  	s28 =	simm.s32 $0x16800;
	s0 =	sadd.s32 s2, s0;
	s1 =	sshrl.u32 s30, $0x3  }
0x276: {  	[hbm4b:s0+s3] =	stream.linear.scatter [tilespmem:s28], [sflag:$0x3], $0x400, $0x38;
	[tilespmem:$0x18C00] =	vst v63  }
0x277: {  	s15 =	sor.u32 s8, s29;
	s31 =	simm.s32 $0x16C00;
	s1 =	sadd.s32 s2, s1  }
0x278: {  	[hbm4b:s1+s3] =	stream.linear.scatter [tilespmem:s31], [sflag:$0x3], $0x400, $0x38;
	[tilespmem:$0x18C00] =	vst v63  }
0x279: {  	s21 =	simm.s32 $0x17400;
	s1 =	sshrl.u32 s15, $0x3  }
0x27a: {  	s18 =	simm.s32 $0x17000;
	s20 =	sor.u32 s9, s29;
	s1 =	sadd.s32 s2, s1  }
0x27b: {  	[hbm4b:s1+s3] =	stream.linear.scatter [tilespmem:s18], [sflag:$0x3], $0x400, $0x38;
	[tilespmem:$0x18C00] =	vst v63  }
0x27c: {  	s23 =	sor.u32 $0xE0000, s12;
	s0 =	sor.u32 s10, s29;
	s1 =	sshrl.u32 s20, $0x3  }
0x27d: {  	s24 =	sor.u32 s7, s23;
	s0 =	sshrl.u32 s0, $0x3;
	s1 =	sadd.s32 s2, s1  }
0x27e: {  	[hbm4b:s1+s3] =	stream.linear.scatter [tilespmem:s21], [sflag:$0x3], $0x400, $0x38;
	[tilespmem:$0x18C00] =	vst v63  }
0x27f: {  	s22 =	simm.s32 $0x17800;
	s0 =	sadd.s32 s2, s0;
	s1 =	sshrl.u32 s24, $0x3  }
0x280: {  	[hbm4b:s0+s3] =	stream.linear.scatter [tilespmem:s22], [sflag:$0x3], $0x400, $0x38;
	[tilespmem:$0x18C00] =	vst v63  }
0x281: {  	s25 =	simm.s32 $0x17C00;
	s26 =	sor.u32 s8, s23;
	s1 =	sadd.s32 s2, s1  }
0x282: {  	[hbm4b:s1+s3] =	stream.linear.scatter [tilespmem:s25], [sflag:$0x3], $0x400, $0x38;
	[tilespmem:$0x18C00] =	vst v63  }
0x283: {  	p0 =	sgt.u32 s5, $0xA;
	s1 =	sshrl.u32 s26, $0x3  }
0x284: {  	s28 =	simm.s32 $0x18000;
	s29 =	sor.u32 s9, s23;
	s1 =	sadd.s32 s2, s1  }
0x285: {  	[hbm4b:s1+s3] =	stream.linear.scatter [tilespmem:s28], [sflag:$0x3], $0x400, $0x38;
	[tilespmem:$0x18C00] =	vst v63  }
.Ltmp11:
0x286: {  	s0 =	sor.u32 s10, s23;
	s1 =	sshrl.u32 s29, $0x3;
	(pc) =	sbr.rel @p0 .LBB2_18-.Ltmp11, $4  }
0x287: {  	s30 =	simm.s32 $0x18400;
	s0 =	sshrl.u32 s0, $0x3;
	s1 =	sadd.s32 s2, s1  }
0x288: {  	[hbm4b:s1+s3] =	stream.linear.scatter [tilespmem:s30], [sflag:$0x3], $0x400, $0x38;
	[tilespmem:$0x18C00] =	vst v63  }
0x289: {  	s31 =	simm.s32 $0x18800;
	s0 =	sadd.s32 s2, s0  }
0x28a: {  	[hbm4b:s0+s3] =	stream.linear.scatter [tilespmem:s31], [sflag:$0x3], $0x400, $0x38;
	[tilespmem:$0x18C00] =	vst v63  }
0x28b: {  	s0 =	simm.s32 $0x0;
	s12 =	simm.s32 $0x0  }
0x28c: {  	s30 =	rddreg [dreg:$0x5];
	s20 =	simm.s32 $0x8;
	s21 =	simm.s32 $0xC8  }
0x28d: {  	s22 =	simm.s32 $0x40;
	s1 =	sand.u32 $0x40, s0;
	v4 =	vmov s12;
	s12 =	sadd.s32 s14, s30  }
0x28e: {  	s15 =	sor.u32 $0x10, s1;
	s18 =	sor.u32 $0x20, s1;
	s31 =	sor.u32 $0x30, s1  }
0x28f: {  	v3 =	vmov s1;
	v4 =	vand.u32 $0x7, v4;
	[tilespmem:s0], [sflag:$0x4] =	stream.strided.gather [hbm4b:s12+s20], $0x400, s21, s20, $0x38;
	[tilespmem:$0x18C00] =	vst v63  }
0x290: {  	s0 =	sand.u32 $0x40, s22;
	v5 =	vmov s15;
	v6 =	vmov s18;
	v7 =	vmov s31  }
0x291: {  	v4 =	vbroadcast v4, $0x0;
	v3 =	vshll.u32 v3, $0x3;
	v8 =	vmov s0  }
0x292: {  	s24 =	simm.s32 $0x0;
	v5 =	vshll.u32 v5, $0x3;
	v6 =	vshll.u32 v6, $0x3;
	v3 =	vor.u32 v0, v3  }
0x293: {  	s25 =	sand.u32 $0x3FFFFF80, s24;
	v7 =	vshll.u32 v7, $0x3;
	v5 =	vor.u32 v0, v5;
	v3 =	vor.u32 v4, v3  }
0x294: {  	s23 =	simm.s32 $0x0;
	s28 =	simm.s32 $0x80;
	s12 =	sadd.s32 $0x800, s25;
	v6 =	vor.u32 v0, v6;
	v7 =	vor.u32 v0, v7;
	v5 =	vor.u32 v4, v5  }
0x295: {  	s25 =	sand.u32 $0x40, s28;
	_ =	swait.ge [sflag:s16], $0x400;
	s21 =	sor.u32 $0x10, s0;
	v6 =	vor.u32 v4, v6;
	v7 =	vor.u32 v4, v7;
	v4 =	vmov s23  }
0x296: {  	s22 =	sor.u32 $0x20, s0;
	v13 =	vmov s25;
	[sflag:s16] =	ssyncset.done $0x0;
	v9 =	vmov s21;
	v4 =	vand.u32 $0x7, v4  }
0x297: {  	v10 =	vmov s22;
	[sflag:s16] =	ssyncadd.s32 $0xFFFFFC00;
	v9 =	vshll.u32 v9, $0x3;
	v4 =	vbroadcast v4, $0x0  }
0x298: {  	s26 =	simm.s32 $0x40;
	v8 =	vshll.u32 v8, $0x3;
	v10 =	vshll.u32 v10, $0x3;
	s23 =	sor.u32 $0x30, s0;
	v9 =	vor.u32 v0, v9;
	v12 =	vld.idx.msk [tilespmem:v3+s3+$0x0], $0xffff  }
0x299: {  	s29 =	sand.u32 $0x3FFFFF80, s26;
	s30 =	simm.s32 $0x1;
	v10 =	vor.u32 v0, v10;
	v11 =	vmov s23;
	v9 =	vor.u32 v4, v9;
	v5 =	vld.idx.msk [tilespmem:v5+s3+$0x0], $0xffff  }
0x29a: {  	s29 =	sadd.s32 $0x800, s29;
	s1 =	sor.u32 s1, s12;
	s28 =	sor.u32 $0x20, s25;
	v8 =	vor.u32 v0, v8;
	v11 =	vshll.u32 v11, $0x3;
	v10 =	vor.u32 v4, v10;
	v6 =	vld.idx.msk [tilespmem:v6+s3+$0x0], $0xffff  }
0x29b: {  	s15 =	sor.u32 s15, s12;
	s24 =	sor.u32 s18, s12;
	s26 =	sor.u32 $0x10, s25;
	v15 =	vmov s28;
	v3 =	vor.u32 v0, v11;
	v14 =	vor.u32 v4, v8  }
0x29c: {  	s12 =	sor.u32 s31, s12;
	s31 =	simm.s32 $0x80;
	v8 =	vmov s30;
	v11 =	vmov s26;
	s30 =	sor.u32 $0x30, s25;
	v4 =	vor.u32 v4, v3  }
0x29d: {  	s18 =	sor.u32 s0, s29;
	s14 =	sor.u32 s21, s29;
	s31 =	sand.u32 $0x3FFFFF80, s31;
	v3 =	vld.idx.msk [tilespmem:v7+s3+$0x0], $0xffff;
	v7 =	vand.u32 $0x7, v8;
	v8 =	vshll.u32 v11, $0x3;
	v11 =	vmov s30;
	[tilespmem:s1+$0x0] =	vst v12  }
0x29e: {  	s20 =	sor.u32 s22, s29;
	s22 =	simm.s32 $0x8;
	v15 =	vshll.u32 v15, $0x3;
	s0 =	sadd.s32 $0x800, s31;
	v7 =	vbroadcast v7, $0x0;
	v11 =	vshll.u32 v11, $0x3;
	[tilespmem:s15+$0x0] =	vst v5;
	v5 =	vld.idx.msk [tilespmem:v9+s3+$0x0], $0xffff  }
0x29f: {  	s21 =	sor.u32 s28, s0;
	s25 =	sor.u32 s25, s0;
	v8 =	vor.u32 v0, v8;
	s15 =	sor.u32 s23, s29;
	[tilespmem:s24+$0x0] =	vst v6;
	v9 =	vshll.u32 v13, $0x3;
	v13 =	vor.u32 v0, v15;
	v6 =	vld.idx.msk [tilespmem:v10+s3+$0x0], $0xffff  }
0x2a0: {  	s23 =	sor.u32 s26, s0;
	v10 =	vor.u32 v7, v8;
	s26 =	sor.u32 s30, s0;
	s24 =	simm.s32 $0xC0;
	v12 =	vor.u32 v0, v9;
	v8 =	vor.u32 v7, v13;
	v9 =	vld.idx.msk [tilespmem:v14+s3+$0x0], $0xffff  }
.LBB2_16:
0x2a1: {  	s22 =	sadd.s32 $0x4, s22;
	s0 =	sand.u32 $0x40, s24;
	s1 =	smov.u32 s25  }
0x2a2: {  	v11 =	vor.u32 v0, v11;
	[tilespmem:s12+$0x0] =	vst v3;
	v3 =	vld.idx.msk [tilespmem:v4+s3+$0x0], $0xffff;
	s12 =	smov.u32 s15;
	s15 =	smov.u32 s26;
	s25 =	sshrl.u32 s22, $0x3  }
0x2a3: {  	v14 =	vor.u32 v7, v12;
	v13 =	vmov s0;
	s26 =	sor.u32 $0x10, s0;
	s28 =	sor.u32 $0x20, s0;
	v4 =	vor.u32 v7, v11;
	p0 =	slt.u32 s22, $0x3C  }
.Ltmp12:
0x2a4: {  	s29 =	sor.u32 $0x30, s0;
	v7 =	vmov s25;
	s25 =	sshll.u32 s22, $0x4;
	v11 =	vmov s26;
	v12 =	vmov s28;
	(pc) =	sbr.rel @p0 .LBB2_16-.Ltmp12, $4  }
0x2a5: {  	v7 =	vand.u32 $0x7, v7;
	s25 =	sand.u32 $0x3FFFFF80, s25;
	v15 =	vshll.u32 v11, $0x3;
	v11 =	vmov s29;
	[tilespmem:s14+$0x0] =	vst v5;
	s14 =	smov.u32 s23  }
0x2a6: {  	v12 =	vshll.u32 v12, $0x3;
	v7 =	vbroadcast v7, $0x0;
	s30 =	sadd.s32 $0x800, s25;
	v11 =	vshll.u32 v11, $0x3;
	v5 =	vld.idx.msk [tilespmem:v10+s3+$0x0], $0xffff;
	[tilespmem:s20+$0x0] =	vst v6;
	s20 =	smov.u32 s21  }
0x2a7: {  	v10 =	vshll.u32 v13, $0x3;
	v13 =	vor.u32 v0, v15;
	v15 =	vor.u32 v0, v12;
	s25 =	sor.u32 s0, s30;
	s23 =	sor.u32 s26, s30;
	s21 =	sor.u32 s28, s30;
	v6 =	vld.idx.msk [tilespmem:v8+s3+$0x0], $0xffff;
	[tilespmem:s18+$0x0] =	vst v9  }
0x2a8: {  	s24 =	sadd.s32 $0x40, s24;
	v12 =	vor.u32 v0, v10;
	s26 =	sor.u32 s29, s30;
	s18 =	smov.u32 s1;
	v10 =	vor.u32 v7, v13;
	v8 =	vor.u32 v7, v15;
	v9 =	vld.idx.msk [tilespmem:v14+s3+$0x0], $0xffff  }
0x2a9: {  	_ =	sdelay $0x1  }
0x2aa: {  	v11 =	vor.u32 v0, v11;
	v12 =	vor.u32 v7, v12  }
0x2ab: {  	v61 =	vor.u32 v7, v11  }
0x2ac: {  	v4 =	vld.idx.msk [tilespmem:v4+s3+$0x0], $0xffff  }
0x2ad: {  	[tilespmem:s12+$0x0] =	vst v3;
	v3 =	vld.idx.msk [tilespmem:v10+s3+$0x0], $0xffff  }
0x2ae: {  	v62 =	vld.idx.msk [tilespmem:v8+s3+$0x0], $0xffff;
	[tilespmem:s14+$0x0] =	vst v5  }
0x2af: {  	[tilespmem:s20+$0x0] =	vst v6;
	v63 =	vld.idx.msk [tilespmem:v12+s3+$0x0], $0xffff  }
0x2b0: {  	[tilespmem:s18+$0x0] =	vst v9;
	v7 =	vld.idx.msk [tilespmem:v61+s3+$0x0], $0xffff  }
0x2b1: {  	[tilespmem:s15+$0x0] =	vst v4  }
0x2b2: {  	[tilespmem:s23+$0x0] =	vst v3  }
0x2b3: {  	[tilespmem:s21+$0x0] =	vst v62  }
0x2b4: {  	[tilespmem:s25+$0x0] =	vst v63  }
0x2b5: {  	s0 =	simm.s32 $0x800;
	[tilespmem:s26+$0x0] =	vst v7  }
0x2b6: {  	[tilespmem:s13], [sflag:$0x2] =	stream.indirect.gather [hbm4b:s4+s17], $0x20, s0, s17, $0xb8;
	[tilespmem:$0x18C00] =	vst v63  }
0x2b7: {  	s1 =	simm.s32 $0x9C00;
	s15 =	simm.s32 $0x880  }
0x2b8: {  	[tilespmem:s1], [sflag:$0x2] =	stream.indirect.gather [hbm4b:s4+s17], $0x20, s15, s17, $0xb8;
	[tilespmem:$0x18C00] =	vst v63  }
0x2b9: {  	s20 =	simm.s32 $0xAC00;
	s18 =	simm.s32 $0x900  }
0x2ba: {  	[tilespmem:s20], [sflag:$0x2] =	stream.indirect.gather [hbm4b:s4+s17], $0x20, s18, s17, $0xb8;
	[tilespmem:$0x18C00] =	vst v63  }
0x2bb: {  	s22 =	simm.s32 $0xBC00;
	s21 =	simm.s32 $0x980  }
0x2bc: {  	[tilespmem:s22], [sflag:$0x2] =	stream.indirect.gather [hbm4b:s4+s17], $0x20, s21, s17, $0xb8;
	[tilespmem:$0x18C00] =	vst v63  }
0x2bd: {  	s24 =	simm.s32 $0xCC00;
	s23 =	simm.s32 $0xA00  }
0x2be: {  	[tilespmem:s24], [sflag:$0x2] =	stream.indirect.gather [hbm4b:s4+s17], $0x20, s23, s17, $0xb8;
	[tilespmem:$0x18C00] =	vst v63  }
0x2bf: {  	s25 =	simm.s32 $0xA80;
	s26 =	simm.s32 $0xDC00  }
0x2c0: {  	[tilespmem:s26], [sflag:$0x2] =	stream.indirect.gather [hbm4b:s4+s17], $0x20, s25, s17, $0xb8;
	[tilespmem:$0x18C00] =	vst v63  }
.Ltmp13:
0x2c1: {  	_ = 	snop;
	(pc) =	sbr.rel .LBB2_18-.Ltmp13, $4  }
0x2c2: {  	s28 =	simm.s32 $0xB00;
	s29 =	simm.s32 $0xEC00  }
0x2c3: {  	[tilespmem:s29], [sflag:$0x2] =	stream.indirect.gather [hbm4b:s4+s17], $0x20, s28, s17, $0xb8;
	[tilespmem:$0x18C00] =	vst v63  }
0x2c4: {  	s30 =	simm.s32 $0xB80;
	s31 =	simm.s32 $0xFC00  }
0x2c5: {  	[tilespmem:s31], [sflag:$0x2] =	stream.indirect.gather [hbm4b:s4+s17], $0x20, s30, s17, $0xb8;
	[tilespmem:$0x18C00] =	vst v63  }
.LBB2_20:
0x2c6: {  	_ =	sfence.sel $0x180000  }
0x2c7: {  	[bflag:$0x0] =	sbarrier.arrive $0xFFFF  }
0x2c8: {  	_ =	strace $0x90000047  }
0x2c9: {  	s0 =	stileid.u32;
	[bflag:$0x2] =	sbarrier.arrive $0xFFFF  }
0x2ca: {  	p0 =	sne.s32 s0, $0x0;
	s0 =	rddreg [dreg:$0x2]  }
0x2cb: {  	s0 =	sadd.s32 @!p0 $0x100000, s0  }
0x2cc: {  	[sflag:s0] =	ssyncadd.tile.s32 @!p0 $0x1;
	_ =	shalt  }
.Lfunc_end2:
_tile_overlayer_lowered:
.L_overlay_start_2:
0x2cd: {  	(tag) =	ssettag $0x2  }
0x2ce: {  	s0 =	rddreg [dreg:$0x0];
	s2 =	stileid.u32  }
0x2cf: {  	s1 =	rddreg [dreg:$0x1];
	p0 =	sne.s32 s2, $0x0  }
0x2d0: {  	s3 =	rddreg [dreg:$0x2];
	[bflag:$0x3] =	sbarrier.arrive $0xFFFF;
	s2 =	simm.s32 @!p0 $0x1C04  }
0x2d1: {  	[timem:s3], [sflag:s2] =	dma.local @!p0 [hbm:s0], s1  }
0x2d2: {  	s0 =	simm.s32 @!p0 $0x4  }
0x2d3: {  	_ =	swait.ge @!p0 [sflag:s0], s1  }
0x2d4: {  	s1 =	ssub.s32 @!p0 $0x0, s1;
	[sflag:s0] =	ssyncset.done @!p0 $0x0  }
0x2d5: {  	[sflag:s0] =	ssyncadd.s32 @!p0 s1  }
0x2d6: {  	[bflag:$0x3] =	sbarrier.arrive $0xFFFF  }
0x2d7: {  	_ =	shalt  }

</sc_bundles>
